<compile_context>
chip_gen: v7x
topology: tpu7x:2x2x1
jax: 0.10.2.dev20260603
libtpu: 0.0.44.dev20260713+nightly
codegen_flags: <defaults>
</compile_context>

<pallas_src>
import functools

import jax
import jax.numpy as jnp
from jax import lax
from jax.experimental import pallas as pl
from jax.experimental.pallas import tpu as pltpu
from jax.experimental.pallas import tpu_sc as plsc

L = 2048
NH = 12
H = 64
NR = 64

_NC = 2
_NS = 16
_NW = _NC * _NS
_ROWS_PER_W = L // _NW
_HALF = 32
_LANES = 16

QBS = 512


def _sc_count_body(idx_hbm, c_hbm, sem, idx_v, rows_v):
    wid = lax.axis_index("s") * _NC + lax.axis_index("c")
    row0 = wid * _ROWS_PER_W
    idx_cp = pltpu.make_async_copy(
        idx_hbm.at[pl.ds(row0, _ROWS_PER_W)], idx_v, sem)
    idx_cp.start()
    zeros16 = jnp.zeros((_LANES,), jnp.float32)
    ones16 = jnp.full((_LANES,), 1.0, jnp.float32)

    def _zero(i, _):
        b = i * (8 * _LANES)
        for j in range(8):
            rows_v[pl.ds(b + j * _LANES, _LANES)] = zeros16
        return 0
    lax.fori_loop(0, (_HALF * L) // (8 * _LANES), _zero, 0)
    idx_cp.wait()

    for half in range(_ROWS_PER_W // _HALF):
        for r in range(_HALF):
            qrow = half * _HALF + r
            base = r * L
            for j in range(NR // _LANES):
                iv = idx_v[qrow, pl.ds(j * _LANES, _LANES)]
                plsc.addupdate_scatter(rows_v, [iv + base], ones16)
        off = (row0 + half * _HALF) * L
        pltpu.sync_copy(rows_v, c_hbm.at[pl.ds(off, _HALF * L)])
        if half + 1 < _ROWS_PER_W // _HALF:
            for r in range(_HALF):
                qrow = half * _HALF + r
                base = r * L
                for j in range(NR // _LANES):
                    iv = idx_v[qrow, pl.ds(j * _LANES, _LANES)]
                    plsc.store_scatter(rows_v, [iv + base], zeros16)


_VW = 2 * H


def _attn_body(q_ref, k_ref, v_ref, c_ref, o_ref):
    c = c_ref[...]
    for h in range(NH):
        sl = slice(h * H, (h + 1) * H)
        s = lax.dot_general(q_ref[:, sl], k_ref[:, sl],
                            (((1,), (1,)), ((), ())),
                            preferred_element_type=jnp.float32)
        e = (c * jnp.exp2(s)).astype(jnp.bfloat16)
        znd = lax.dot_general(e, v_ref[:, h * _VW:(h + 1) * _VW],
                              (((1,), (0,)), ((), ())),
                              preferred_element_type=jnp.float32)
        o_ref[:, sl] = znd[:, :H] / znd[:, H:H + 1]


@functools.cache
def _sc_count_call():
    return pl.kernel(
        _sc_count_body,
        out_type=jax.ShapeDtypeStruct((L * L,), jnp.float32),
        mesh=plsc.VectorSubcoreMesh(
            core_axis_name="c", subcore_axis_name="s",
            num_cores=_NC, num_subcores=_NS),
        scratch_types=[
            pltpu.SemaphoreType.DMA,
            pltpu.VMEM((_ROWS_PER_W, NR), jnp.int32),
            pltpu.VMEM((_HALF * L,), jnp.float32),
        ],
        compiler_params=pltpu.CompilerParams(needs_layout_passes=False),
    )


@functools.cache
def _attn_call():
    w = NH * H
    return pl.pallas_call(
        _attn_body,
        grid=(L // QBS,),
        in_specs=[
            pl.BlockSpec((QBS, w), lambda i: (i, 0)),
            pl.BlockSpec((L, w), lambda i: (0, 0)),
            pl.BlockSpec((L, NH * _VW), lambda i: (0, 0)),
            pl.BlockSpec((QBS, L), lambda i: (i, 0)),
        ],
        out_specs=pl.BlockSpec((QBS, w), lambda i: (i, 0)),
        out_shape=jax.ShapeDtypeStruct((L, NH * H), jnp.float32),
    )


def kernel(q, k, v, indices_select):
    q2 = (q.reshape(L, NH * H) * (H ** -0.5 * 1.4426950408889634)
          ).astype(jnp.bfloat16)
    k2 = k.reshape(L, NH * H).astype(jnp.bfloat16)
    v3 = v.reshape(L, NH, H).astype(jnp.bfloat16)
    v2 = jnp.concatenate(
        [v3, jnp.ones((L, NH, 1), jnp.bfloat16),
         jnp.zeros((L, NH, _VW - H - 1), jnp.bfloat16)],
        axis=2).reshape(L, NH * _VW)
    idx2d = indices_select.reshape(L, NR).astype(jnp.int32)
    c2d = _sc_count_call()(idx2d).reshape(L, L)
    o2 = _attn_call()(q2, k2, v2, c2d)
    return o2.reshape(q.shape)

# --- scband reference (transcript-rebuilt; emitter-appended) ---
"""Pipeline reference for scband-random-attention-20830591386186 (READ-ONLY COPY).

The authoritative reference and input builder live on the scoring server;
editing this copy changes nothing except your own understanding.
"""

import jax, jax.numpy as jnp
import numpy as np

B, L, NH, H = 1, 2048, 12, 64
N_RAND = 64

def setup_inputs(seed: int = 0) -> dict:
    key = jax.random.key(seed)
    k1, k2, k3, k4 = jax.random.split(key, 4)
    q = jax.random.normal(k1, (B, L, NH, H), dtype=jnp.float32)
    k = jax.random.normal(k2, (B, L, NH, H), dtype=jnp.float32)
    v = jax.random.normal(k3, (B, L, NH, H), dtype=jnp.float32)
    # replicates torch.randint(0, s1, (b, s2, n)) generated inside forward
    indices_select = jax.random.randint(k4, (B, L, N_RAND), 0, L)
    return {"q": q, "k": k, "v": v, "indices_select": indices_select}

def reference(q, k, v, indices_select):
    # q, k, v: (B, L, NH, H); indices_select: (B, L, N) int in [0, L)
    b, s2, nh, h = k.shape
    q_shape = q.shape
    qs = q * (h ** -0.5)
    bidx = jnp.arange(b)[:, None, None]
    # gather random keys/values per query position: (b, s2, n, nh, h)
    kg = k[bidx, indices_select]
    vg = v[bidx, indices_select]
    # A: (b, q, k_rand, nh)
    A = jnp.einsum('bqnh,bqknh->bqkn', qs, kg)
    # nn.Softmax(dim=-2) -> softmax over the random-key axis
    A = jax.nn.softmax(A, axis=-2)
    # dropout is identity in eval / p=0.0
    z = jnp.einsum('bqkn,bqknh->bqnh', A, vg)
    return z.reshape(q_shape)

if __name__ == "__main__":
    import jax
    _d = setup_inputs()
    print(jax.jit(kernel)(*tuple(_d.values())))

</pallas_src>

<mosaic_0001>
#map = affine_map<(d0, d1) -> (0, 0)>
#map1 = affine_map<(d0, d1) -> (0)>
module attributes {stable_mosaic.version = 14 : i64} {
  func.func @_sc_count_body(%arg0: i32, %arg1: i32, %arg2: memref<2048x64xi32, #tpu.memory_space<hbm>>, %arg3: memref<4194304xf32, #tpu.memory_space<hbm>>, %arg4: memref<!tpu.dma_semaphore, #tpu.memory_space<semaphore_mem>>, %arg5: memref<64x64xi32, #tpu.memory_space<vmem>>, %arg6: memref<65536xf32, #tpu.memory_space<vmem>>) attributes {dimension_semantics = [#tpu.dimension_semantics<core_parallel>, #tpu.dimension_semantics<subcore_parallel>], iteration_bounds = array<i64: 2, 16>, scalar_prefetch = 0 : i64, scratch_operands = 3 : i64, tpu.core_type = #tpu.core_type<sc_vector_subcore>, window_params = [{transform_indices = #map}, {transform_indices = #map1}]} {
    %mul3A = arith.constant 2 : i32
    %mul3A_0 = arith.muli %arg1, %mul3A : i32
    %add3A = arith.addi %mul3A_0, %arg0 : i32
    %mul3A_1 = arith.constant 64 : i32
    %mul3A_2 = arith.muli %add3A, %mul3A_1 : i32
    %dma_start3A = arith.constant 0 : i32
    %dma_start3A_3 = tpu.memref_slice %arg2[%mul3A_2, %dma_start3A] : memref<2048x64xi32, #tpu.memory_space<hbm>> -> memref<64x64xi32, #tpu.memory_space<hbm>>
    %dma_start3A_4 = arith.constant 0 : i32
    %dma_start3A_5 = tpu.memref_slice %arg2[%mul3A_2, %dma_start3A_4] : memref<2048x64xi32, #tpu.memory_space<hbm>> -> memref<64x64xi32, #tpu.memory_space<hbm>>
    tpu.enqueue_dma source(%dma_start3A_5 : memref<64x64xi32, #tpu.memory_space<hbm>>) target(%arg5 : memref<64x64xi32, #tpu.memory_space<vmem>>) target_semaphore(%arg4 : memref<!tpu.dma_semaphore, #tpu.memory_space<semaphore_mem>>)
    %broadcast_in_dim3A = arith.constant 0.000000e+00 : f32
    %broadcast_in_dim3A_6 = vector.broadcast %broadcast_in_dim3A : f32 to vector<16xf32>
    %broadcast_in_dim3A_7 = arith.constant 1.000000e+00 : f32
    %broadcast_in_dim3A_8 = vector.broadcast %broadcast_in_dim3A_7 : f32 to vector<16xf32>
    %scan3A = arith.constant 0 : i32
    %scan3A_9 = arith.constant 0 : i32
    %scan3A_10 = arith.constant 512 : i32
    %scan3A_11 = arith.addi %scan3A_9, %scan3A_10 : i32
    %scan3A_12 = arith.constant 1 : i32
    %scan3A_13 = scf.for %scan3A_2713 = %scan3A_9 to %scan3A_11 step %scan3A_12 iter_args(%scan3A_2714 = %scan3A) -> (i32)  : i32 {
      %mul3A_2715 = arith.constant 128 : i32
      %mul3A_2716 = arith.muli %scan3A_2713, %mul3A_2715 : i32
      %add3A_2717 = arith.constant 0 : i32
      %add3A_2718 = arith.addi %mul3A_2716, %add3A_2717 : i32
      %swap3A = arith.index_cast %add3A_2718 : i32 to index
      %swap3A_2719 = tpu.vector_load %arg6[%swap3A] {strides = array<i32>} : memref<65536xf32, #tpu.memory_space<vmem>>, vector<16xf32>,
      tpu.vector_store %arg6[%swap3A], %broadcast_in_dim3A_6 {strides = array<i32>} : memref<65536xf32, #tpu.memory_space<vmem>>, vector<16xf32>,
      %add3A_2720 = arith.constant 16 : i32
      %add3A_2721 = arith.addi %mul3A_2716, %add3A_2720 : i32
      %swap3A_2722 = arith.index_cast %add3A_2721 : i32 to index
      %swap3A_2723 = tpu.vector_load %arg6[%swap3A_2722] {strides = array<i32>} : memref<65536xf32, #tpu.memory_space<vmem>>, vector<16xf32>,
      tpu.vector_store %arg6[%swap3A_2722], %broadcast_in_dim3A_6 {strides = array<i32>} : memref<65536xf32, #tpu.memory_space<vmem>>, vector<16xf32>,
      %add3A_2724 = arith.constant 32 : i32
      %add3A_2725 = arith.addi %mul3A_2716, %add3A_2724 : i32
      %swap3A_2726 = arith.index_cast %add3A_2725 : i32 to index
      %swap3A_2727 = tpu.vector_load %arg6[%swap3A_2726] {strides = array<i32>} : memref<65536xf32, #tpu.memory_space<vmem>>, vector<16xf32>,
      tpu.vector_store %arg6[%swap3A_2726], %broadcast_in_dim3A_6 {strides = array<i32>} : memref<65536xf32, #tpu.memory_space<vmem>>, vector<16xf32>,
      %add3A_2728 = arith.constant 48 : i32
      %add3A_2729 = arith.addi %mul3A_2716, %add3A_2728 : i32
      %swap3A_2730 = arith.index_cast %add3A_2729 : i32 to index
      %swap3A_2731 = tpu.vector_load %arg6[%swap3A_2730] {strides = array<i32>} : memref<65536xf32, #tpu.memory_space<vmem>>, vector<16xf32>,
      tpu.vector_store %arg6[%swap3A_2730], %broadcast_in_dim3A_6 {strides = array<i32>} : memref<65536xf32, #tpu.memory_space<vmem>>, vector<16xf32>,
      %add3A_2732 = arith.constant 64 : i32
      %add3A_2733 = arith.addi %mul3A_2716, %add3A_2732 : i32
      %swap3A_2734 = arith.index_cast %add3A_2733 : i32 to index
      %swap3A_2735 = tpu.vector_load %arg6[%swap3A_2734] {strides = array<i32>} : memref<65536xf32, #tpu.memory_space<vmem>>, vector<16xf32>,
      tpu.vector_store %arg6[%swap3A_2734], %broadcast_in_dim3A_6 {strides = array<i32>} : memref<65536xf32, #tpu.memory_space<vmem>>, vector<16xf32>,
      %add3A_2736 = arith.constant 80 : i32
      %add3A_2737 = arith.addi %mul3A_2716, %add3A_2736 : i32
      %swap3A_2738 = arith.index_cast %add3A_2737 : i32 to index
      %swap3A_2739 = tpu.vector_load %arg6[%swap3A_2738] {strides = array<i32>} : memref<65536xf32, #tpu.memory_space<vmem>>, vector<16xf32>,
      tpu.vector_store %arg6[%swap3A_2738], %broadcast_in_dim3A_6 {strides = array<i32>} : memref<65536xf32, #tpu.memory_space<vmem>>, vector<16xf32>,
      %add3A_2740 = arith.constant 96 : i32
      %add3A_2741 = arith.addi %mul3A_2716, %add3A_2740 : i32
      %swap3A_2742 = arith.index_cast %add3A_2741 : i32 to index
      %swap3A_2743 = tpu.vector_load %arg6[%swap3A_2742] {strides = array<i32>} : memref<65536xf32, #tpu.memory_space<vmem>>, vector<16xf32>,
      tpu.vector_store %arg6[%swap3A_2742], %broadcast_in_dim3A_6 {strides = array<i32>} : memref<65536xf32, #tpu.memory_space<vmem>>, vector<16xf32>,
      %add3A_2744 = arith.constant 112 : i32
      %add3A_2745 = arith.addi %mul3A_2716, %add3A_2744 : i32
      %swap3A_2746 = arith.index_cast %add3A_2745 : i32 to index
      %swap3A_2747 = tpu.vector_load %arg6[%swap3A_2746] {strides = array<i32>} : memref<65536xf32, #tpu.memory_space<vmem>>, vector<16xf32>,
      tpu.vector_store %arg6[%swap3A_2746], %broadcast_in_dim3A_6 {strides = array<i32>} : memref<65536xf32, #tpu.memory_space<vmem>>, vector<16xf32>,
      %scan3A_2748 = arith.constant 0 : i32
      scf.yield %scan3A_2748 : i32
    }
    %scan3A_14 = arith.constant 512 : i32
    %dma_wait3A = arith.constant 0 : i32
    %dma_wait3A_15 = tpu.memref_slice %arg2[%mul3A_2, %dma_wait3A] : memref<2048x64xi32, #tpu.memory_space<hbm>> -> memref<64x64xi32, #tpu.memory_space<hbm>>
    %dma_wait3A_16 = arith.constant 0 : i32
    %dma_wait3A_17 = tpu.memref_slice %arg2[%mul3A_2, %dma_wait3A_16] : memref<2048x64xi32, #tpu.memory_space<hbm>> -> memref<64x64xi32, #tpu.memory_space<hbm>>
    tpu.wait_dma2 semaphore(%arg4 : memref<!tpu.dma_semaphore, #tpu.memory_space<semaphore_mem>>) src(%dma_wait3A_17 : memref<64x64xi32, #tpu.memory_space<hbm>>) dst(%arg5 : memref<64x64xi32, #tpu.memory_space<vmem>>)
    %get3A = arith.constant 0 : i32
    %get3A_18 = arith.index_cast %get3A : i32 to index
    %get3A_19 = arith.constant 0 : index
    %get3A_20 = tpu.vector_load %arg5[%get3A_18, %get3A_19] {strides = array<i32>} : memref<64x64xi32, #tpu.memory_space<vmem>>, vector<16xi32>,
    %add3A_21 = arith.constant 0 : i32
    %add3A_22 = vector.broadcast %add3A_21 : i32 to vector<16xi32>
    %add3A_23 = arith.addi %get3A_20, %add3A_22 : vector<16xi32>
    tpu.vector_store_idx %arg6[%add3A_23], %broadcast_in_dim3A_8 {add = true} : memref<65536xf32, #tpu.memory_space<vmem>>[vector<16xi32>], vector<16xf32>,
    %get3A_24 = arith.constant 0 : i32
    %get3A_25 = arith.index_cast %get3A_24 : i32 to index
    %get3A_26 = arith.constant 16 : index
    %get3A_27 = tpu.vector_load %arg5[%get3A_25, %get3A_26] {strides = array<i32>} : memref<64x64xi32, #tpu.memory_space<vmem>>, vector<16xi32>,
    %add3A_28 = arith.constant 0 : i32
    %add3A_29 = vector.broadcast %add3A_28 : i32 to vector<16xi32>
    %add3A_30 = arith.addi %get3A_27, %add3A_29 : vector<16xi32>
    tpu.vector_store_idx %arg6[%add3A_30], %broadcast_in_dim3A_8 {add = true} : memref<65536xf32, #tpu.memory_space<vmem>>[vector<16xi32>], vector<16xf32>,
    %get3A_31 = arith.constant 0 : i32
    %get3A_32 = arith.index_cast %get3A_31 : i32 to index
    %get3A_33 = arith.constant 32 : index
    %get3A_34 = tpu.vector_load %arg5[%get3A_32, %get3A_33] {strides = array<i32>} : memref<64x64xi32, #tpu.memory_space<vmem>>, vector<16xi32>,
    %add3A_35 = arith.constant 0 : i32
    %add3A_36 = vector.broadcast %add3A_35 : i32 to vector<16xi32>
    %add3A_37 = arith.addi %get3A_34, %add3A_36 : vector<16xi32>
    tpu.vector_store_idx %arg6[%add3A_37], %broadcast_in_dim3A_8 {add = true} : memref<65536xf32, #tpu.memory_space<vmem>>[vector<16xi32>], vector<16xf32>,
    %get3A_38 = arith.constant 0 : i32
    %get3A_39 = arith.index_cast %get3A_38 : i32 to index
    %get3A_40 = arith.constant 48 : index
    %get3A_41 = tpu.vector_load %arg5[%get3A_39, %get3A_40] {strides = array<i32>} : memref<64x64xi32, #tpu.memory_space<vmem>>, vector<16xi32>,
    %add3A_42 = arith.constant 0 : i32
    %add3A_43 = vector.broadcast %add3A_42 : i32 to vector<16xi32>
    %add3A_44 = arith.addi %get3A_41, %add3A_43 : vector<16xi32>
    tpu.vector_store_idx %arg6[%add3A_44], %broadcast_in_dim3A_8 {add = true} : memref<65536xf32, #tpu.memory_space<vmem>>[vector<16xi32>], vector<16xf32>,
    %get3A_45 = arith.constant 1 : i32
    %get3A_46 = arith.index_cast %get3A_45 : i32 to index
    %get3A_47 = arith.constant 0 : index
    %get3A_48 = tpu.vector_load %arg5[%get3A_46, %get3A_47] {strides = array<i32>} : memref<64x64xi32, #tpu.memory_space<vmem>>, vector<16xi32>,
    %add3A_49 = arith.constant 2048 : i32
    %add3A_50 = vector.broadcast %add3A_49 : i32 to vector<16xi32>
    %add3A_51 = arith.addi %get3A_48, %add3A_50 : vector<16xi32>
    tpu.vector_store_idx %arg6[%add3A_51], %broadcast_in_dim3A_8 {add = true} : memref<65536xf32, #tpu.memory_space<vmem>>[vector<16xi32>], vector<16xf32>,
    %get3A_52 = arith.constant 1 : i32
    %get3A_53 = arith.index_cast %get3A_52 : i32 to index
    %get3A_54 = arith.constant 16 : index
    %get3A_55 = tpu.vector_load %arg5[%get3A_53, %get3A_54] {strides = array<i32>} : memref<64x64xi32, #tpu.memory_space<vmem>>, vector<16xi32>,
    %add3A_56 = arith.constant 2048 : i32
    %add3A_57 = vector.broadcast %add3A_56 : i32 to vector<16xi32>
    %add3A_58 = arith.addi %get3A_55, %add3A_57 : vector<16xi32>
    tpu.vector_store_idx %arg6[%add3A_58], %broadcast_in_dim3A_8 {add = true} : memref<65536xf32, #tpu.memory_space<vmem>>[vector<16xi32>], vector<16xf32>,
    %get3A_59 = arith.constant 1 : i32
    %get3A_60 = arith.index_cast %get3A_59 : i32 to index
    %get3A_61 = arith.constant 32 : index
    %get3A_62 = tpu.vector_load %arg5[%get3A_60, %get3A_61] {strides = array<i32>} : memref<64x64xi32, #tpu.memory_space<vmem>>, vector<16xi32>,
    %add3A_63 = arith.constant 2048 : i32
    %add3A_64 = vector.broadcast %add3A_63 : i32 to vector<16xi32>
    %add3A_65 = arith.addi %get3A_62, %add3A_64 : vector<16xi32>
    tpu.vector_store_idx %arg6[%add3A_65], %broadcast_in_dim3A_8 {add = true} : memref<65536xf32, #tpu.memory_space<vmem>>[vector<16xi32>], vector<16xf32>,
    %get3A_66 = arith.constant 1 : i32
    %get3A_67 = arith.index_cast %get3A_66 : i32 to index
    %get3A_68 = arith.constant 48 : index
    %get3A_69 = tpu.vector_load %arg5[%get3A_67, %get3A_68] {strides = array<i32>} : memref<64x64xi32, #tpu.memory_space<vmem>>, vector<16xi32>,
    %add3A_70 = arith.constant 2048 : i32
    %add3A_71 = vector.broadcast %add3A_70 : i32 to vector<16xi32>
    %add3A_72 = arith.addi %get3A_69, %add3A_71 : vector<16xi32>
    tpu.vector_store_idx %arg6[%add3A_72], %broadcast_in_dim3A_8 {add = true} : memref<65536xf32, #tpu.memory_space<vmem>>[vector<16xi32>], vector<16xf32>,
    %get3A_73 = arith.constant 2 : i32
    %get3A_74 = arith.index_cast %get3A_73 : i32 to index
    %get3A_75 = arith.constant 0 : index
    %get3A_76 = tpu.vector_load %arg5[%get3A_74, %get3A_75] {strides = array<i32>} : memref<64x64xi32, #tpu.memory_space<vmem>>, vector<16xi32>,
    %add3A_77 = arith.constant 4096 : i32
    %add3A_78 = vector.broadcast %add3A_77 : i32 to vector<16xi32>
    %add3A_79 = arith.addi %get3A_76, %add3A_78 : vector<16xi32>
    tpu.vector_store_idx %arg6[%add3A_79], %broadcast_in_dim3A_8 {add = true} : memref<65536xf32, #tpu.memory_space<vmem>>[vector<16xi32>], vector<16xf32>,
    %get3A_80 = arith.constant 2 : i32
    %get3A_81 = arith.index_cast %get3A_80 : i32 to index
    %get3A_82 = arith.constant 16 : index
    %get3A_83 = tpu.vector_load %arg5[%get3A_81, %get3A_82] {strides = array<i32>} : memref<64x64xi32, #tpu.memory_space<vmem>>, vector<16xi32>,
    %add3A_84 = arith.constant 4096 : i32
    %add3A_85 = vector.broadcast %add3A_84 : i32 to vector<16xi32>
    %add3A_86 = arith.addi %get3A_83, %add3A_85 : vector<16xi32>
    tpu.vector_store_idx %arg6[%add3A_86], %broadcast_in_dim3A_8 {add = true} : memref<65536xf32, #tpu.memory_space<vmem>>[vector<16xi32>], vector<16xf32>,
    %get3A_87 = arith.constant 2 : i32
    %get3A_88 = arith.index_cast %get3A_87 : i32 to index
    %get3A_89 = arith.constant 32 : index
    %get3A_90 = tpu.vector_load %arg5[%get3A_88, %get3A_89] {strides = array<i32>} : memref<64x64xi32, #tpu.memory_space<vmem>>, vector<16xi32>,
    %add3A_91 = arith.constant 4096 : i32
    %add3A_92 = vector.broadcast %add3A_91 : i32 to vector<16xi32>
    %add3A_93 = arith.addi %get3A_90, %add3A_92 : vector<16xi32>
    tpu.vector_store_idx %arg6[%add3A_93], %broadcast_in_dim3A_8 {add = true} : memref<65536xf32, #tpu.memory_space<vmem>>[vector<16xi32>], vector<16xf32>,
    %get3A_94 = arith.constant 2 : i32
    %get3A_95 = arith.index_cast %get3A_94 : i32 to index
    %get3A_96 = arith.constant 48 : index
    %get3A_97 = tpu.vector_load %arg5[%get3A_95, %get3A_96] {strides = array<i32>} : memref<64x64xi32, #tpu.memory_space<vmem>>, vector<16xi32>,
    %add3A_98 = arith.constant 4096 : i32
    %add3A_99 = vector.broadcast %add3A_98 : i32 to vector<16xi32>
    %add3A_100 = arith.addi %get3A_97, %add3A_99 : vector<16xi32>
    tpu.vector_store_idx %arg6[%add3A_100], %broadcast_in_dim3A_8 {add = true} : memref<65536xf32, #tpu.memory_space<vmem>>[vector<16xi32>], vector<16xf32>,
    %get3A_101 = arith.constant 3 : i32
    %get3A_102 = arith.index_cast %get3A_101 : i32 to index
    %get3A_103 = arith.constant 0 : index
    %get3A_104 = tpu.vector_load %arg5[%get3A_102, %get3A_103] {strides = array<i32>} : memref<64x64xi32, #tpu.memory_space<vmem>>, vector<16xi32>,
    %add3A_105 = arith.constant 6144 : i32
    %add3A_106 = vector.broadcast %add3A_105 : i32 to vector<16xi32>
    %add3A_107 = arith.addi %get3A_104, %add3A_106 : vector<16xi32>
    tpu.vector_store_idx %arg6[%add3A_107], %broadcast_in_dim3A_8 {add = true} : memref<65536xf32, #tpu.memory_space<vmem>>[vector<16xi32>], vector<16xf32>,
    %get3A_108 = arith.constant 3 : i32
    %get3A_109 = arith.index_cast %get3A_108 : i32 to index
    %get3A_110 = arith.constant 16 : index
    %get3A_111 = tpu.vector_load %arg5[%get3A_109, %get3A_110] {strides = array<i32>} : memref<64x64xi32, #tpu.memory_space<vmem>>, vector<16xi32>,
    %add3A_112 = arith.constant 6144 : i32
    %add3A_113 = vector.broadcast %add3A_112 : i32 to vector<16xi32>
    %add3A_114 = arith.addi %get3A_111, %add3A_113 : vector<16xi32>
    tpu.vector_store_idx %arg6[%add3A_114], %broadcast_in_dim3A_8 {add = true} : memref<65536xf32, #tpu.memory_space<vmem>>[vector<16xi32>], vector<16xf32>,
    %get3A_115 = arith.constant 3 : i32
    %get3A_116 = arith.index_cast %get3A_115 : i32 to index
    %get3A_117 = arith.constant 32 : index
    %get3A_118 = tpu.vector_load %arg5[%get3A_116, %get3A_117] {strides = array<i32>} : memref<64x64xi32, #tpu.memory_space<vmem>>, vector<16xi32>,
    %add3A_119 = arith.constant 6144 : i32
    %add3A_120 = vector.broadcast %add3A_119 : i32 to vector<16xi32>
    %add3A_121 = arith.addi %get3A_118, %add3A_120 : vector<16xi32>
    tpu.vector_store_idx %arg6[%add3A_121], %broadcast_in_dim3A_8 {add = true} : memref<65536xf32, #tpu.memory_space<vmem>>[vector<16xi32>], vector<16xf32>,
    %get3A_122 = arith.constant 3 : i32
    %get3A_123 = arith.index_cast %get3A_122 : i32 to index
    %get3A_124 = arith.constant 48 : index
    %get3A_125 = tpu.vector_load %arg5[%get3A_123, %get3A_124] {strides = array<i32>} : memref<64x64xi32, #tpu.memory_space<vmem>>, vector<16xi32>,
    %add3A_126 = arith.constant 6144 : i32
    %add3A_127 = vector.broadcast %add3A_126 : i32 to vector<16xi32>
    %add3A_128 = arith.addi %get3A_125, %add3A_127 : vector<16xi32>
    tpu.vector_store_idx %arg6[%add3A_128], %broadcast_in_dim3A_8 {add = true} : memref<65536xf32, #tpu.memory_space<vmem>>[vector<16xi32>], vector<16xf32>,
    %get3A_129 = arith.constant 4 : i32
    %get3A_130 = arith.index_cast %get3A_129 : i32 to index
    %get3A_131 = arith.constant 0 : index
    %get3A_132 = tpu.vector_load %arg5[%get3A_130, %get3A_131] {strides = array<i32>} : memref<64x64xi32, #tpu.memory_space<vmem>>, vector<16xi32>,
    %add3A_133 = arith.constant 8192 : i32
    %add3A_134 = vector.broadcast %add3A_133 : i32 to vector<16xi32>
    %add3A_135 = arith.addi %get3A_132, %add3A_134 : vector<16xi32>
    tpu.vector_store_idx %arg6[%add3A_135], %broadcast_in_dim3A_8 {add = true} : memref<65536xf32, #tpu.memory_space<vmem>>[vector<16xi32>], vector<16xf32>,
    %get3A_136 = arith.constant 4 : i32
    %get3A_137 = arith.index_cast %get3A_136 : i32 to index
    %get3A_138 = arith.constant 16 : index
    %get3A_139 = tpu.vector_load %arg5[%get3A_137, %get3A_138] {strides = array<i32>} : memref<64x64xi32, #tpu.memory_space<vmem>>, vector<16xi32>,
    %add3A_140 = arith.constant 8192 : i32
    %add3A_141 = vector.broadcast %add3A_140 : i32 to vector<16xi32>
    %add3A_142 = arith.addi %get3A_139, %add3A_141 : vector<16xi32>
    tpu.vector_store_idx %arg6[%add3A_142], %broadcast_in_dim3A_8 {add = true} : memref<65536xf32, #tpu.memory_space<vmem>>[vector<16xi32>], vector<16xf32>,
    %get3A_143 = arith.constant 4 : i32
    %get3A_144 = arith.index_cast %get3A_143 : i32 to index
    %get3A_145 = arith.constant 32 : index
    %get3A_146 = tpu.vector_load %arg5[%get3A_144, %get3A_145] {strides = array<i32>} : memref<64x64xi32, #tpu.memory_space<vmem>>, vector<16xi32>,
    %add3A_147 = arith.constant 8192 : i32
    %add3A_148 = vector.broadcast %add3A_147 : i32 to vector<16xi32>
    %add3A_149 = arith.addi %get3A_146, %add3A_148 : vector<16xi32>
    tpu.vector_store_idx %arg6[%add3A_149], %broadcast_in_dim3A_8 {add = true} : memref<65536xf32, #tpu.memory_space<vmem>>[vector<16xi32>], vector<16xf32>,
    %get3A_150 = arith.constant 4 : i32
    %get3A_151 = arith.index_cast %get3A_150 : i32 to index
    %get3A_152 = arith.constant 48 : index
    %get3A_153 = tpu.vector_load %arg5[%get3A_151, %get3A_152] {strides = array<i32>} : memref<64x64xi32, #tpu.memory_space<vmem>>, vector<16xi32>,
    %add3A_154 = arith.constant 8192 : i32
    %add3A_155 = vector.broadcast %add3A_154 : i32 to vector<16xi32>
    %add3A_156 = arith.addi %get3A_153, %add3A_155 : vector<16xi32>
    tpu.vector_store_idx %arg6[%add3A_156], %broadcast_in_dim3A_8 {add = true} : memref<65536xf32, #tpu.memory_space<vmem>>[vector<16xi32>], vector<16xf32>,
    %get3A_157 = arith.constant 5 : i32
    %get3A_158 = arith.index_cast %get3A_157 : i32 to index
    %get3A_159 = arith.constant 0 : index
    %get3A_160 = tpu.vector_load %arg5[%get3A_158, %get3A_159] {strides = array<i32>} : memref<64x64xi32, #tpu.memory_space<vmem>>, vector<16xi32>,
    %add3A_161 = arith.constant 10240 : i32
    %add3A_162 = vector.broadcast %add3A_161 : i32 to vector<16xi32>
    %add3A_163 = arith.addi %get3A_160, %add3A_162 : vector<16xi32>
    tpu.vector_store_idx %arg6[%add3A_163], %broadcast_in_dim3A_8 {add = true} : memref<65536xf32, #tpu.memory_space<vmem>>[vector<16xi32>], vector<16xf32>,
    %get3A_164 = arith.constant 5 : i32
    %get3A_165 = arith.index_cast %get3A_164 : i32 to index
    %get3A_166 = arith.constant 16 : index
    %get3A_167 = tpu.vector_load %arg5[%get3A_165, %get3A_166] {strides = array<i32>} : memref<64x64xi32, #tpu.memory_space<vmem>>, vector<16xi32>,
    %add3A_168 = arith.constant 10240 : i32
    %add3A_169 = vector.broadcast %add3A_168 : i32 to vector<16xi32>
    %add3A_170 = arith.addi %get3A_167, %add3A_169 : vector<16xi32>
    tpu.vector_store_idx %arg6[%add3A_170], %broadcast_in_dim3A_8 {add = true} : memref<65536xf32, #tpu.memory_space<vmem>>[vector<16xi32>], vector<16xf32>,
    %get3A_171 = arith.constant 5 : i32
    %get3A_172 = arith.index_cast %get3A_171 : i32 to index
    %get3A_173 = arith.constant 32 : index
    %get3A_174 = tpu.vector_load %arg5[%get3A_172, %get3A_173] {strides = array<i32>} : memref<64x64xi32, #tpu.memory_space<vmem>>, vector<16xi32>,
    %add3A_175 = arith.constant 10240 : i32
    %add3A_176 = vector.broadcast %add3A_175 : i32 to vector<16xi32>
    %add3A_177 = arith.addi %get3A_174, %add3A_176 : vector<16xi32>
    tpu.vector_store_idx %arg6[%add3A_177], %broadcast_in_dim3A_8 {add = true} : memref<65536xf32, #tpu.memory_space<vmem>>[vector<16xi32>], vector<16xf32>,
    %get3A_178 = arith.constant 5 : i32
    %get3A_179 = arith.index_cast %get3A_178 : i32 to index
    %get3A_180 = arith.constant 48 : index
    %get3A_181 = tpu.vector_load %arg5[%get3A_179, %get3A_180] {strides = array<i32>} : memref<64x64xi32, #tpu.memory_space<vmem>>, vector<16xi32>,
    %add3A_182 = arith.constant 10240 : i32
    %add3A_183 = vector.broadcast %add3A_182 : i32 to vector<16xi32>
    %add3A_184 = arith.addi %get3A_181, %add3A_183 : vector<16xi32>
    tpu.vector_store_idx %arg6[%add3A_184], %broadcast_in_dim3A_8 {add = true} : memref<65536xf32, #tpu.memory_space<vmem>>[vector<16xi32>], vector<16xf32>,
    %get3A_185 = arith.constant 6 : i32
    %get3A_186 = arith.index_cast %get3A_185 : i32 to index
    %get3A_187 = arith.constant 0 : index
    %get3A_188 = tpu.vector_load %arg5[%get3A_186, %get3A_187] {strides = array<i32>} : memref<64x64xi32, #tpu.memory_space<vmem>>, vector<16xi32>,
    %add3A_189 = arith.constant 12288 : i32
    %add3A_190 = vector.broadcast %add3A_189 : i32 to vector<16xi32>
    %add3A_191 = arith.addi %get3A_188, %add3A_190 : vector<16xi32>
    tpu.vector_store_idx %arg6[%add3A_191], %broadcast_in_dim3A_8 {add = true} : memref<65536xf32, #tpu.memory_space<vmem>>[vector<16xi32>], vector<16xf32>,
    %get3A_192 = arith.constant 6 : i32
    %get3A_193 = arith.index_cast %get3A_192 : i32 to index
    %get3A_194 = arith.constant 16 : index
    %get3A_195 = tpu.vector_load %arg5[%get3A_193, %get3A_194] {strides = array<i32>} : memref<64x64xi32, #tpu.memory_space<vmem>>, vector<16xi32>,
    %add3A_196 = arith.constant 12288 : i32
    %add3A_197 = vector.broadcast %add3A_196 : i32 to vector<16xi32>
    %add3A_198 = arith.addi %get3A_195, %add3A_197 : vector<16xi32>
    tpu.vector_store_idx %arg6[%add3A_198], %broadcast_in_dim3A_8 {add = true} : memref<65536xf32, #tpu.memory_space<vmem>>[vector<16xi32>], vector<16xf32>,
    %get3A_199 = arith.constant 6 : i32
    %get3A_200 = arith.index_cast %get3A_199 : i32 to index
    %get3A_201 = arith.constant 32 : index
    %get3A_202 = tpu.vector_load %arg5[%get3A_200, %get3A_201] {strides = array<i32>} : memref<64x64xi32, #tpu.memory_space<vmem>>, vector<16xi32>,
    %add3A_203 = arith.constant 12288 : i32
    %add3A_204 = vector.broadcast %add3A_203 : i32 to vector<16xi32>
    %add3A_205 = arith.addi %get3A_202, %add3A_204 : vector<16xi32>
    tpu.vector_store_idx %arg6[%add3A_205], %broadcast_in_dim3A_8 {add = true} : memref<65536xf32, #tpu.memory_space<vmem>>[vector<16xi32>], vector<16xf32>,
    %get3A_206 = arith.constant 6 : i32
    %get3A_207 = arith.index_cast %get3A_206 : i32 to index
    %get3A_208 = arith.constant 48 : index
    %get3A_209 = tpu.vector_load %arg5[%get3A_207, %get3A_208] {strides = array<i32>} : memref<64x64xi32, #tpu.memory_space<vmem>>, vector<16xi32>,
    %add3A_210 = arith.constant 12288 : i32
    %add3A_211 = vector.broadcast %add3A_210 : i32 to vector<16xi32>
    %add3A_212 = arith.addi %get3A_209, %add3A_211 : vector<16xi32>
    tpu.vector_store_idx %arg6[%add3A_212], %broadcast_in_dim3A_8 {add = true} : memref<65536xf32, #tpu.memory_space<vmem>>[vector<16xi32>], vector<16xf32>,
    %get3A_213 = arith.constant 7 : i32
    %get3A_214 = arith.index_cast %get3A_213 : i32 to index
    %get3A_215 = arith.constant 0 : index
    %get3A_216 = tpu.vector_load %arg5[%get3A_214, %get3A_215] {strides = array<i32>} : memref<64x64xi32, #tpu.memory_space<vmem>>, vector<16xi32>,
    %add3A_217 = arith.constant 14336 : i32
    %add3A_218 = vector.broadcast %add3A_217 : i32 to vector<16xi32>
    %add3A_219 = arith.addi %get3A_216, %add3A_218 : vector<16xi32>
    tpu.vector_store_idx %arg6[%add3A_219], %broadcast_in_dim3A_8 {add = true} : memref<65536xf32, #tpu.memory_space<vmem>>[vector<16xi32>], vector<16xf32>,
    %get3A_220 = arith.constant 7 : i32
    %get3A_221 = arith.index_cast %get3A_220 : i32 to index
    %get3A_222 = arith.constant 16 : index
    %get3A_223 = tpu.vector_load %arg5[%get3A_221, %get3A_222] {strides = array<i32>} : memref<64x64xi32, #tpu.memory_space<vmem>>, vector<16xi32>,
    %add3A_224 = arith.constant 14336 : i32
    %add3A_225 = vector.broadcast %add3A_224 : i32 to vector<16xi32>
    %add3A_226 = arith.addi %get3A_223, %add3A_225 : vector<16xi32>
    tpu.vector_store_idx %arg6[%add3A_226], %broadcast_in_dim3A_8 {add = true} : memref<65536xf32, #tpu.memory_space<vmem>>[vector<16xi32>], vector<16xf32>,
    %get3A_227 = arith.constant 7 : i32
    %get3A_228 = arith.index_cast %get3A_227 : i32 to index
    %get3A_229 = arith.constant 32 : index
    %get3A_230 = tpu.vector_load %arg5[%get3A_228, %get3A_229] {strides = array<i32>} : memref<64x64xi32, #tpu.memory_space<vmem>>, vector<16xi32>,
    %add3A_231 = arith.constant 14336 : i32
    %add3A_232 = vector.broadcast %add3A_231 : i32 to vector<16xi32>
    %add3A_233 = arith.addi %get3A_230, %add3A_232 : vector<16xi32>
    tpu.vector_store_idx %arg6[%add3A_233], %broadcast_in_dim3A_8 {add = true} : memref<65536xf32, #tpu.memory_space<vmem>>[vector<16xi32>], vector<16xf32>,
    %get3A_234 = arith.constant 7 : i32
    %get3A_235 = arith.index_cast %get3A_234 : i32 to index
    %get3A_236 = arith.constant 48 : index
    %get3A_237 = tpu.vector_load %arg5[%get3A_235, %get3A_236] {strides = array<i32>} : memref<64x64xi32, #tpu.memory_space<vmem>>, vector<16xi32>,
    %add3A_238 = arith.constant 14336 : i32
    %add3A_239 = vector.broadcast %add3A_238 : i32 to vector<16xi32>
    %add3A_240 = arith.addi %get3A_237, %add3A_239 : vector<16xi32>
    tpu.vector_store_idx %arg6[%add3A_240], %broadcast_in_dim3A_8 {add = true} : memref<65536xf32, #tpu.memory_space<vmem>>[vector<16xi32>], vector<16xf32>,
    %get3A_241 = arith.constant 8 : i32
    %get3A_242 = arith.index_cast %get3A_241 : i32 to index
    %get3A_243 = arith.constant 0 : index
    %get3A_244 = tpu.vector_load %arg5[%get3A_242, %get3A_243] {strides = array<i32>} : memref<64x64xi32, #tpu.memory_space<vmem>>, vector<16xi32>,
    %add3A_245 = arith.constant 16384 : i32
    %add3A_246 = vector.broadcast %add3A_245 : i32 to vector<16xi32>
    %add3A_247 = arith.addi %get3A_244, %add3A_246 : vector<16xi32>
    tpu.vector_store_idx %arg6[%add3A_247], %broadcast_in_dim3A_8 {add = true} : memref<65536xf32, #tpu.memory_space<vmem>>[vector<16xi32>], vector<16xf32>,
    %get3A_248 = arith.constant 8 : i32
    %get3A_249 = arith.index_cast %get3A_248 : i32 to index
    %get3A_250 = arith.constant 16 : index
    %get3A_251 = tpu.vector_load %arg5[%get3A_249, %get3A_250] {strides = array<i32>} : memref<64x64xi32, #tpu.memory_space<vmem>>, vector<16xi32>,
    %add3A_252 = arith.constant 16384 : i32
    %add3A_253 = vector.broadcast %add3A_252 : i32 to vector<16xi32>
    %add3A_254 = arith.addi %get3A_251, %add3A_253 : vector<16xi32>
    tpu.vector_store_idx %arg6[%add3A_254], %broadcast_in_dim3A_8 {add = true} : memref<65536xf32, #tpu.memory_space<vmem>>[vector<16xi32>], vector<16xf32>,
    %get3A_255 = arith.constant 8 : i32
    %get3A_256 = arith.index_cast %get3A_255 : i32 to index
    %get3A_257 = arith.constant 32 : index
    %get3A_258 = tpu.vector_load %arg5[%get3A_256, %get3A_257] {strides = array<i32>} : memref<64x64xi32, #tpu.memory_space<vmem>>, vector<16xi32>,
    %add3A_259 = arith.constant 16384 : i32
    %add3A_260 = vector.broadcast %add3A_259 : i32 to vector<16xi32>
    %add3A_261 = arith.addi %get3A_258, %add3A_260 : vector<16xi32>
    tpu.vector_store_idx %arg6[%add3A_261], %broadcast_in_dim3A_8 {add = true} : memref<65536xf32, #tpu.memory_space<vmem>>[vector<16xi32>], vector<16xf32>,
    %get3A_262 = arith.constant 8 : i32
    %get3A_263 = arith.index_cast %get3A_262 : i32 to index
    %get3A_264 = arith.constant 48 : index
    %get3A_265 = tpu.vector_load %arg5[%get3A_263, %get3A_264] {strides = array<i32>} : memref<64x64xi32, #tpu.memory_space<vmem>>, vector<16xi32>,
    %add3A_266 = arith.constant 16384 : i32
    %add3A_267 = vector.broadcast %add3A_266 : i32 to vector<16xi32>
    %add3A_268 = arith.addi %get3A_265, %add3A_267 : vector<16xi32>
    tpu.vector_store_idx %arg6[%add3A_268], %broadcast_in_dim3A_8 {add = true} : memref<65536xf32, #tpu.memory_space<vmem>>[vector<16xi32>], vector<16xf32>,
    %get3A_269 = arith.constant 9 : i32
    %get3A_270 = arith.index_cast %get3A_269 : i32 to index
    %get3A_271 = arith.constant 0 : index
    %get3A_272 = tpu.vector_load %arg5[%get3A_270, %get3A_271] {strides = array<i32>} : memref<64x64xi32, #tpu.memory_space<vmem>>, vector<16xi32>,
    %add3A_273 = arith.constant 18432 : i32
    %add3A_274 = vector.broadcast %add3A_273 : i32 to vector<16xi32>
    %add3A_275 = arith.addi %get3A_272, %add3A_274 : vector<16xi32>
    tpu.vector_store_idx %arg6[%add3A_275], %broadcast_in_dim3A_8 {add = true} : memref<65536xf32, #tpu.memory_space<vmem>>[vector<16xi32>], vector<16xf32>,
    %get3A_276 = arith.constant 9 : i32
    %get3A_277 = arith.index_cast %get3A_276 : i32 to index
    %get3A_278 = arith.constant 16 : index
    %get3A_279 = tpu.vector_load %arg5[%get3A_277, %get3A_278] {strides = array<i32>} : memref<64x64xi32, #tpu.memory_space<vmem>>, vector<16xi32>,
    %add3A_280 = arith.constant 18432 : i32
    %add3A_281 = vector.broadcast %add3A_280 : i32 to vector<16xi32>
    %add3A_282 = arith.addi %get3A_279, %add3A_281 : vector<16xi32>
    tpu.vector_store_idx %arg6[%add3A_282], %broadcast_in_dim3A_8 {add = true} : memref<65536xf32, #tpu.memory_space<vmem>>[vector<16xi32>], vector<16xf32>,
    %get3A_283 = arith.constant 9 : i32
    %get3A_284 = arith.index_cast %get3A_283 : i32 to index
    %get3A_285 = arith.constant 32 : index
    %get3A_286 = tpu.vector_load %arg5[%get3A_284, %get3A_285] {strides = array<i32>} : memref<64x64xi32, #tpu.memory_space<vmem>>, vector<16xi32>,
    %add3A_287 = arith.constant 18432 : i32
    %add3A_288 = vector.broadcast %add3A_287 : i32 to vector<16xi32>
    %add3A_289 = arith.addi %get3A_286, %add3A_288 : vector<16xi32>
    tpu.vector_store_idx %arg6[%add3A_289], %broadcast_in_dim3A_8 {add = true} : memref<65536xf32, #tpu.memory_space<vmem>>[vector<16xi32>], vector<16xf32>,
    %get3A_290 = arith.constant 9 : i32
    %get3A_291 = arith.index_cast %get3A_290 : i32 to index
    %get3A_292 = arith.constant 48 : index
    %get3A_293 = tpu.vector_load %arg5[%get3A_291, %get3A_292] {strides = array<i32>} : memref<64x64xi32, #tpu.memory_space<vmem>>, vector<16xi32>,
    %add3A_294 = arith.constant 18432 : i32
    %add3A_295 = vector.broadcast %add3A_294 : i32 to vector<16xi32>
    %add3A_296 = arith.addi %get3A_293, %add3A_295 : vector<16xi32>
    tpu.vector_store_idx %arg6[%add3A_296], %broadcast_in_dim3A_8 {add = true} : memref<65536xf32, #tpu.memory_space<vmem>>[vector<16xi32>], vector<16xf32>,
    %get3A_297 = arith.constant 10 : i32
    %get3A_298 = arith.index_cast %get3A_297 : i32 to index
    %get3A_299 = arith.constant 0 : index
    %get3A_300 = tpu.vector_load %arg5[%get3A_298, %get3A_299] {strides = array<i32>} : memref<64x64xi32, #tpu.memory_space<vmem>>, vector<16xi32>,
    %add3A_301 = arith.constant 20480 : i32
    %add3A_302 = vector.broadcast %add3A_301 : i32 to vector<16xi32>
    %add3A_303 = arith.addi %get3A_300, %add3A_302 : vector<16xi32>
    tpu.vector_store_idx %arg6[%add3A_303], %broadcast_in_dim3A_8 {add = true} : memref<65536xf32, #tpu.memory_space<vmem>>[vector<16xi32>], vector<16xf32>,
    %get3A_304 = arith.constant 10 : i32
    %get3A_305 = arith.index_cast %get3A_304 : i32 to index
    %get3A_306 = arith.constant 16 : index
    %get3A_307 = tpu.vector_load %arg5[%get3A_305, %get3A_306] {strides = array<i32>} : memref<64x64xi32, #tpu.memory_space<vmem>>, vector<16xi32>,
    %add3A_308 = arith.constant 20480 : i32
    %add3A_309 = vector.broadcast %add3A_308 : i32 to vector<16xi32>
    %add3A_310 = arith.addi %get3A_307, %add3A_309 : vector<16xi32>
    tpu.vector_store_idx %arg6[%add3A_310], %broadcast_in_dim3A_8 {add = true} : memref<65536xf32, #tpu.memory_space<vmem>>[vector<16xi32>], vector<16xf32>,
    %get3A_311 = arith.constant 10 : i32
    %get3A_312 = arith.index_cast %get3A_311 : i32 to index
    %get3A_313 = arith.constant 32 : index
    %get3A_314 = tpu.vector_load %arg5[%get3A_312, %get3A_313] {strides = array<i32>} : memref<64x64xi32, #tpu.memory_space<vmem>>, vector<16xi32>,
    %add3A_315 = arith.constant 20480 : i32
    %add3A_316 = vector.broadcast %add3A_315 : i32 to vector<16xi32>
    %add3A_317 = arith.addi %get3A_314, %add3A_316 : vector<16xi32>
    tpu.vector_store_idx %arg6[%add3A_317], %broadcast_in_dim3A_8 {add = true} : memref<65536xf32, #tpu.memory_space<vmem>>[vector<16xi32>], vector<16xf32>,
    %get3A_318 = arith.constant 10 : i32
    %get3A_319 = arith.index_cast %get3A_318 : i32 to index
    %get3A_320 = arith.constant 48 : index
    %get3A_321 = tpu.vector_load %arg5[%get3A_319, %get3A_320] {strides = array<i32>} : memref<64x64xi32, #tpu.memory_space<vmem>>, vector<16xi32>,
    %add3A_322 = arith.constant 20480 : i32
    %add3A_323 = vector.broadcast %add3A_322 : i32 to vector<16xi32>
    %add3A_324 = arith.addi %get3A_321, %add3A_323 : vector<16xi32>
    tpu.vector_store_idx %arg6[%add3A_324], %broadcast_in_dim3A_8 {add = true} : memref<65536xf32, #tpu.memory_space<vmem>>[vector<16xi32>], vector<16xf32>,
    %get3A_325 = arith.constant 11 : i32
    %get3A_326 = arith.index_cast %get3A_325 : i32 to index
    %get3A_327 = arith.constant 0 : index
    %get3A_328 = tpu.vector_load %arg5[%get3A_326, %get3A_327] {strides = array<i32>} : memref<64x64xi32, #tpu.memory_space<vmem>>, vector<16xi32>,
    %add3A_329 = arith.constant 22528 : i32
    %add3A_330 = vector.broadcast %add3A_329 : i32 to vector<16xi32>
    %add3A_331 = arith.addi %get3A_328, %add3A_330 : vector<16xi32>
    tpu.vector_store_idx %arg6[%add3A_331], %broadcast_in_dim3A_8 {add = true} : memref<65536xf32, #tpu.memory_space<vmem>>[vector<16xi32>], vector<16xf32>,
    %get3A_332 = arith.constant 11 : i32
    %get3A_333 = arith.index_cast %get3A_332 : i32 to index
    %get3A_334 = arith.constant 16 : index
    %get3A_335 = tpu.vector_load %arg5[%get3A_333, %get3A_334] {strides = array<i32>} : memref<64x64xi32, #tpu.memory_space<vmem>>, vector<16xi32>,
    %add3A_336 = arith.constant 22528 : i32
    %add3A_337 = vector.broadcast %add3A_336 : i32 to vector<16xi32>
    %add3A_338 = arith.addi %get3A_335, %add3A_337 : vector<16xi32>
    tpu.vector_store_idx %arg6[%add3A_338], %broadcast_in_dim3A_8 {add = true} : memref<65536xf32, #tpu.memory_space<vmem>>[vector<16xi32>], vector<16xf32>,
    %get3A_339 = arith.constant 11 : i32
    %get3A_340 = arith.index_cast %get3A_339 : i32 to index
    %get3A_341 = arith.constant 32 : index
    %get3A_342 = tpu.vector_load %arg5[%get3A_340, %get3A_341] {strides = array<i32>} : memref<64x64xi32, #tpu.memory_space<vmem>>, vector<16xi32>,
    %add3A_343 = arith.constant 22528 : i32
    %add3A_344 = vector.broadcast %add3A_343 : i32 to vector<16xi32>
    %add3A_345 = arith.addi %get3A_342, %add3A_344 : vector<16xi32>
    tpu.vector_store_idx %arg6[%add3A_345], %broadcast_in_dim3A_8 {add = true} : memref<65536xf32, #tpu.memory_space<vmem>>[vector<16xi32>], vector<16xf32>,
    %get3A_346 = arith.constant 11 : i32
    %get3A_347 = arith.index_cast %get3A_346 : i32 to index
    %get3A_348 = arith.constant 48 : index
    %get3A_349 = tpu.vector_load %arg5[%get3A_347, %get3A_348] {strides = array<i32>} : memref<64x64xi32, #tpu.memory_space<vmem>>, vector<16xi32>,
    %add3A_350 = arith.constant 22528 : i32
    %add3A_351 = vector.broadcast %add3A_350 : i32 to vector<16xi32>
    %add3A_352 = arith.addi %get3A_349, %add3A_351 : vector<16xi32>
    tpu.vector_store_idx %arg6[%add3A_352], %broadcast_in_dim3A_8 {add = true} : memref<65536xf32, #tpu.memory_space<vmem>>[vector<16xi32>], vector<16xf32>,
    %get3A_353 = arith.constant 12 : i32
    %get3A_354 = arith.index_cast %get3A_353 : i32 to index
    %get3A_355 = arith.constant 0 : index
    %get3A_356 = tpu.vector_load %arg5[%get3A_354, %get3A_355] {strides = array<i32>} : memref<64x64xi32, #tpu.memory_space<vmem>>, vector<16xi32>,
    %add3A_357 = arith.constant 24576 : i32
    %add3A_358 = vector.broadcast %add3A_357 : i32 to vector<16xi32>
    %add3A_359 = arith.addi %get3A_356, %add3A_358 : vector<16xi32>
    tpu.vector_store_idx %arg6[%add3A_359], %broadcast_in_dim3A_8 {add = true} : memref<65536xf32, #tpu.memory_space<vmem>>[vector<16xi32>], vector<16xf32>,
    %get3A_360 = arith.constant 12 : i32
    %get3A_361 = arith.index_cast %get3A_360 : i32 to index
    %get3A_362 = arith.constant 16 : index
    %get3A_363 = tpu.vector_load %arg5[%get3A_361, %get3A_362] {strides = array<i32>} : memref<64x64xi32, #tpu.memory_space<vmem>>, vector<16xi32>,
    %add3A_364 = arith.constant 24576 : i32
    %add3A_365 = vector.broadcast %add3A_364 : i32 to vector<16xi32>
    %add3A_366 = arith.addi %get3A_363, %add3A_365 : vector<16xi32>
    tpu.vector_store_idx %arg6[%add3A_366], %broadcast_in_dim3A_8 {add = true} : memref<65536xf32, #tpu.memory_space<vmem>>[vector<16xi32>], vector<16xf32>,
    %get3A_367 = arith.constant 12 : i32
    %get3A_368 = arith.index_cast %get3A_367 : i32 to index
    %get3A_369 = arith.constant 32 : index
    %get3A_370 = tpu.vector_load %arg5[%get3A_368, %get3A_369] {strides = array<i32>} : memref<64x64xi32, #tpu.memory_space<vmem>>, vector<16xi32>,
    %add3A_371 = arith.constant 24576 : i32
    %add3A_372 = vector.broadcast %add3A_371 : i32 to vector<16xi32>
    %add3A_373 = arith.addi %get3A_370, %add3A_372 : vector<16xi32>
    tpu.vector_store_idx %arg6[%add3A_373], %broadcast_in_dim3A_8 {add = true} : memref<65536xf32, #tpu.memory_space<vmem>>[vector<16xi32>], vector<16xf32>,
    %get3A_374 = arith.constant 12 : i32
    %get3A_375 = arith.index_cast %get3A_374 : i32 to index
    %get3A_376 = arith.constant 48 : index
    %get3A_377 = tpu.vector_load %arg5[%get3A_375, %get3A_376] {strides = array<i32>} : memref<64x64xi32, #tpu.memory_space<vmem>>, vector<16xi32>,
    %add3A_378 = arith.constant 24576 : i32
    %add3A_379 = vector.broadcast %add3A_378 : i32 to vector<16xi32>
    %add3A_380 = arith.addi %get3A_377, %add3A_379 : vector<16xi32>
    tpu.vector_store_idx %arg6[%add3A_380], %broadcast_in_dim3A_8 {add = true} : memref<65536xf32, #tpu.memory_space<vmem>>[vector<16xi32>], vector<16xf32>,
    %get3A_381 = arith.constant 13 : i32
    %get3A_382 = arith.index_cast %get3A_381 : i32 to index
    %get3A_383 = arith.constant 0 : index
    %get3A_384 = tpu.vector_load %arg5[%get3A_382, %get3A_383] {strides = array<i32>} : memref<64x64xi32, #tpu.memory_space<vmem>>, vector<16xi32>,
    %add3A_385 = arith.constant 26624 : i32
    %add3A_386 = vector.broadcast %add3A_385 : i32 to vector<16xi32>
    %add3A_387 = arith.addi %get3A_384, %add3A_386 : vector<16xi32>
    tpu.vector_store_idx %arg6[%add3A_387], %broadcast_in_dim3A_8 {add = true} : memref<65536xf32, #tpu.memory_space<vmem>>[vector<16xi32>], vector<16xf32>,
    %get3A_388 = arith.constant 13 : i32
    %get3A_389 = arith.index_cast %get3A_388 : i32 to index
    %get3A_390 = arith.constant 16 : index
    %get3A_391 = tpu.vector_load %arg5[%get3A_389, %get3A_390] {strides = array<i32>} : memref<64x64xi32, #tpu.memory_space<vmem>>, vector<16xi32>,
    %add3A_392 = arith.constant 26624 : i32
    %add3A_393 = vector.broadcast %add3A_392 : i32 to vector<16xi32>
    %add3A_394 = arith.addi %get3A_391, %add3A_393 : vector<16xi32>
    tpu.vector_store_idx %arg6[%add3A_394], %broadcast_in_dim3A_8 {add = true} : memref<65536xf32, #tpu.memory_space<vmem>>[vector<16xi32>], vector<16xf32>,
    %get3A_395 = arith.constant 13 : i32
    %get3A_396 = arith.index_cast %get3A_395 : i32 to index
    %get3A_397 = arith.constant 32 : index
    %get3A_398 = tpu.vector_load %arg5[%get3A_396, %get3A_397] {strides = array<i32>} : memref<64x64xi32, #tpu.memory_space<vmem>>, vector<16xi32>,
    %add3A_399 = arith.constant 26624 : i32
    %add3A_400 = vector.broadcast %add3A_399 : i32 to vector<16xi32>
    %add3A_401 = arith.addi %get3A_398, %add3A_400 : vector<16xi32>
    tpu.vector_store_idx %arg6[%add3A_401], %broadcast_in_dim3A_8 {add = true} : memref<65536xf32, #tpu.memory_space<vmem>>[vector<16xi32>], vector<16xf32>,
    %get3A_402 = arith.constant 13 : i32
    %get3A_403 = arith.index_cast %get3A_402 : i32 to index
    %get3A_404 = arith.constant 48 : index
    %get3A_405 = tpu.vector_load %arg5[%get3A_403, %get3A_404] {strides = array<i32>} : memref<64x64xi32, #tpu.memory_space<vmem>>, vector<16xi32>,
    %add3A_406 = arith.constant 26624 : i32
    %add3A_407 = vector.broadcast %add3A_406 : i32 to vector<16xi32>
    %add3A_408 = arith.addi %get3A_405, %add3A_407 : vector<16xi32>
    tpu.vector_store_idx %arg6[%add3A_408], %broadcast_in_dim3A_8 {add = true} : memref<65536xf32, #tpu.memory_space<vmem>>[vector<16xi32>], vector<16xf32>,
    %get3A_409 = arith.constant 14 : i32
    %get3A_410 = arith.index_cast %get3A_409 : i32 to index
    %get3A_411 = arith.constant 0 : index
    %get3A_412 = tpu.vector_load %arg5[%get3A_410, %get3A_411] {strides = array<i32>} : memref<64x64xi32, #tpu.memory_space<vmem>>, vector<16xi32>,
    %add3A_413 = arith.constant 28672 : i32
    %add3A_414 = vector.broadcast %add3A_413 : i32 to vector<16xi32>
    %add3A_415 = arith.addi %get3A_412, %add3A_414 : vector<16xi32>
    tpu.vector_store_idx %arg6[%add3A_415], %broadcast_in_dim3A_8 {add = true} : memref<65536xf32, #tpu.memory_space<vmem>>[vector<16xi32>], vector<16xf32>,
    %get3A_416 = arith.constant 14 : i32
    %get3A_417 = arith.index_cast %get3A_416 : i32 to index
    %get3A_418 = arith.constant 16 : index
    %get3A_419 = tpu.vector_load %arg5[%get3A_417, %get3A_418] {strides = array<i32>} : memref<64x64xi32, #tpu.memory_space<vmem>>, vector<16xi32>,
    %add3A_420 = arith.constant 28672 : i32
    %add3A_421 = vector.broadcast %add3A_420 : i32 to vector<16xi32>
    %add3A_422 = arith.addi %get3A_419, %add3A_421 : vector<16xi32>
    tpu.vector_store_idx %arg6[%add3A_422], %broadcast_in_dim3A_8 {add = true} : memref<65536xf32, #tpu.memory_space<vmem>>[vector<16xi32>], vector<16xf32>,
    %get3A_423 = arith.constant 14 : i32
    %get3A_424 = arith.index_cast %get3A_423 : i32 to index
    %get3A_425 = arith.constant 32 : index
    %get3A_426 = tpu.vector_load %arg5[%get3A_424, %get3A_425] {strides = array<i32>} : memref<64x64xi32, #tpu.memory_space<vmem>>, vector<16xi32>,
    %add3A_427 = arith.constant 28672 : i32
    %add3A_428 = vector.broadcast %add3A_427 : i32 to vector<16xi32>
    %add3A_429 = arith.addi %get3A_426, %add3A_428 : vector<16xi32>
    tpu.vector_store_idx %arg6[%add3A_429], %broadcast_in_dim3A_8 {add = true} : memref<65536xf32, #tpu.memory_space<vmem>>[vector<16xi32>], vector<16xf32>,
    %get3A_430 = arith.constant 14 : i32
    %get3A_431 = arith.index_cast %get3A_430 : i32 to index
    %get3A_432 = arith.constant 48 : index
    %get3A_433 = tpu.vector_load %arg5[%get3A_431, %get3A_432] {strides = array<i32>} : memref<64x64xi32, #tpu.memory_space<vmem>>, vector<16xi32>,
    %add3A_434 = arith.constant 28672 : i32
    %add3A_435 = vector.broadcast %add3A_434 : i32 to vector<16xi32>
    %add3A_436 = arith.addi %get3A_433, %add3A_435 : vector<16xi32>
    tpu.vector_store_idx %arg6[%add3A_436], %broadcast_in_dim3A_8 {add = true} : memref<65536xf32, #tpu.memory_space<vmem>>[vector<16xi32>], vector<16xf32>,
    %get3A_437 = arith.constant 15 : i32
    %get3A_438 = arith.index_cast %get3A_437 : i32 to index
    %get3A_439 = arith.constant 0 : index
    %get3A_440 = tpu.vector_load %arg5[%get3A_438, %get3A_439] {strides = array<i32>} : memref<64x64xi32, #tpu.memory_space<vmem>>, vector<16xi32>,
    %add3A_441 = arith.constant 30720 : i32
    %add3A_442 = vector.broadcast %add3A_441 : i32 to vector<16xi32>
    %add3A_443 = arith.addi %get3A_440, %add3A_442 : vector<16xi32>
    tpu.vector_store_idx %arg6[%add3A_443], %broadcast_in_dim3A_8 {add = true} : memref<65536xf32, #tpu.memory_space<vmem>>[vector<16xi32>], vector<16xf32>,
    %get3A_444 = arith.constant 15 : i32
    %get3A_445 = arith.index_cast %get3A_444 : i32 to index
    %get3A_446 = arith.constant 16 : index
    %get3A_447 = tpu.vector_load %arg5[%get3A_445, %get3A_446] {strides = array<i32>} : memref<64x64xi32, #tpu.memory_space<vmem>>, vector<16xi32>,
    %add3A_448 = arith.constant 30720 : i32
    %add3A_449 = vector.broadcast %add3A_448 : i32 to vector<16xi32>
    %add3A_450 = arith.addi %get3A_447, %add3A_449 : vector<16xi32>
    tpu.vector_store_idx %arg6[%add3A_450], %broadcast_in_dim3A_8 {add = true} : memref<65536xf32, #tpu.memory_space<vmem>>[vector<16xi32>], vector<16xf32>,
    %get3A_451 = arith.constant 15 : i32
    %get3A_452 = arith.index_cast %get3A_451 : i32 to index
    %get3A_453 = arith.constant 32 : index
    %get3A_454 = tpu.vector_load %arg5[%get3A_452, %get3A_453] {strides = array<i32>} : memref<64x64xi32, #tpu.memory_space<vmem>>, vector<16xi32>,
    %add3A_455 = arith.constant 30720 : i32
    %add3A_456 = vector.broadcast %add3A_455 : i32 to vector<16xi32>
    %add3A_457 = arith.addi %get3A_454, %add3A_456 : vector<16xi32>
    tpu.vector_store_idx %arg6[%add3A_457], %broadcast_in_dim3A_8 {add = true} : memref<65536xf32, #tpu.memory_space<vmem>>[vector<16xi32>], vector<16xf32>,
    %get3A_458 = arith.constant 15 : i32
    %get3A_459 = arith.index_cast %get3A_458 : i32 to index
    %get3A_460 = arith.constant 48 : index
    %get3A_461 = tpu.vector_load %arg5[%get3A_459, %get3A_460] {strides = array<i32>} : memref<64x64xi32, #tpu.memory_space<vmem>>, vector<16xi32>,
    %add3A_462 = arith.constant 30720 : i32
    %add3A_463 = vector.broadcast %add3A_462 : i32 to vector<16xi32>
    %add3A_464 = arith.addi %get3A_461, %add3A_463 : vector<16xi32>
    tpu.vector_store_idx %arg6[%add3A_464], %broadcast_in_dim3A_8 {add = true} : memref<65536xf32, #tpu.memory_space<vmem>>[vector<16xi32>], vector<16xf32>,
    %get3A_465 = arith.constant 16 : i32
    %get3A_466 = arith.index_cast %get3A_465 : i32 to index
    %get3A_467 = arith.constant 0 : index
    %get3A_468 = tpu.vector_load %arg5[%get3A_466, %get3A_467] {strides = array<i32>} : memref<64x64xi32, #tpu.memory_space<vmem>>, vector<16xi32>,
    %add3A_469 = arith.constant 32768 : i32
    %add3A_470 = vector.broadcast %add3A_469 : i32 to vector<16xi32>
    %add3A_471 = arith.addi %get3A_468, %add3A_470 : vector<16xi32>
    tpu.vector_store_idx %arg6[%add3A_471], %broadcast_in_dim3A_8 {add = true} : memref<65536xf32, #tpu.memory_space<vmem>>[vector<16xi32>], vector<16xf32>,
    %get3A_472 = arith.constant 16 : i32
    %get3A_473 = arith.index_cast %get3A_472 : i32 to index
    %get3A_474 = arith.constant 16 : index
    %get3A_475 = tpu.vector_load %arg5[%get3A_473, %get3A_474] {strides = array<i32>} : memref<64x64xi32, #tpu.memory_space<vmem>>, vector<16xi32>,
    %add3A_476 = arith.constant 32768 : i32
    %add3A_477 = vector.broadcast %add3A_476 : i32 to vector<16xi32>
    %add3A_478 = arith.addi %get3A_475, %add3A_477 : vector<16xi32>
    tpu.vector_store_idx %arg6[%add3A_478], %broadcast_in_dim3A_8 {add = true} : memref<65536xf32, #tpu.memory_space<vmem>>[vector<16xi32>], vector<16xf32>,
    %get3A_479 = arith.constant 16 : i32
    %get3A_480 = arith.index_cast %get3A_479 : i32 to index
    %get3A_481 = arith.constant 32 : index
    %get3A_482 = tpu.vector_load %arg5[%get3A_480, %get3A_481] {strides = array<i32>} : memref<64x64xi32, #tpu.memory_space<vmem>>, vector<16xi32>,
    %add3A_483 = arith.constant 32768 : i32
    %add3A_484 = vector.broadcast %add3A_483 : i32 to vector<16xi32>
    %add3A_485 = arith.addi %get3A_482, %add3A_484 : vector<16xi32>
    tpu.vector_store_idx %arg6[%add3A_485], %broadcast_in_dim3A_8 {add = true} : memref<65536xf32, #tpu.memory_space<vmem>>[vector<16xi32>], vector<16xf32>,
    %get3A_486 = arith.constant 16 : i32
    %get3A_487 = arith.index_cast %get3A_486 : i32 to index
    %get3A_488 = arith.constant 48 : index
    %get3A_489 = tpu.vector_load %arg5[%get3A_487, %get3A_488] {strides = array<i32>} : memref<64x64xi32, #tpu.memory_space<vmem>>, vector<16xi32>,
    %add3A_490 = arith.constant 32768 : i32
    %add3A_491 = vector.broadcast %add3A_490 : i32 to vector<16xi32>
    %add3A_492 = arith.addi %get3A_489, %add3A_491 : vector<16xi32>
    tpu.vector_store_idx %arg6[%add3A_492], %broadcast_in_dim3A_8 {add = true} : memref<65536xf32, #tpu.memory_space<vmem>>[vector<16xi32>], vector<16xf32>,
    %get3A_493 = arith.constant 17 : i32
    %get3A_494 = arith.index_cast %get3A_493 : i32 to index
    %get3A_495 = arith.constant 0 : index
    %get3A_496 = tpu.vector_load %arg5[%get3A_494, %get3A_495] {strides = array<i32>} : memref<64x64xi32, #tpu.memory_space<vmem>>, vector<16xi32>,
    %add3A_497 = arith.constant 34816 : i32
    %add3A_498 = vector.broadcast %add3A_497 : i32 to vector<16xi32>
    %add3A_499 = arith.addi %get3A_496, %add3A_498 : vector<16xi32>
    tpu.vector_store_idx %arg6[%add3A_499], %broadcast_in_dim3A_8 {add = true} : memref<65536xf32, #tpu.memory_space<vmem>>[vector<16xi32>], vector<16xf32>,
    %get3A_500 = arith.constant 17 : i32
    %get3A_501 = arith.index_cast %get3A_500 : i32 to index
    %get3A_502 = arith.constant 16 : index
    %get3A_503 = tpu.vector_load %arg5[%get3A_501, %get3A_502] {strides = array<i32>} : memref<64x64xi32, #tpu.memory_space<vmem>>, vector<16xi32>,
    %add3A_504 = arith.constant 34816 : i32
    %add3A_505 = vector.broadcast %add3A_504 : i32 to vector<16xi32>
    %add3A_506 = arith.addi %get3A_503, %add3A_505 : vector<16xi32>
    tpu.vector_store_idx %arg6[%add3A_506], %broadcast_in_dim3A_8 {add = true} : memref<65536xf32, #tpu.memory_space<vmem>>[vector<16xi32>], vector<16xf32>,
    %get3A_507 = arith.constant 17 : i32
    %get3A_508 = arith.index_cast %get3A_507 : i32 to index
    %get3A_509 = arith.constant 32 : index
    %get3A_510 = tpu.vector_load %arg5[%get3A_508, %get3A_509] {strides = array<i32>} : memref<64x64xi32, #tpu.memory_space<vmem>>, vector<16xi32>,
    %add3A_511 = arith.constant 34816 : i32
    %add3A_512 = vector.broadcast %add3A_511 : i32 to vector<16xi32>
    %add3A_513 = arith.addi %get3A_510, %add3A_512 : vector<16xi32>
    tpu.vector_store_idx %arg6[%add3A_513], %broadcast_in_dim3A_8 {add = true} : memref<65536xf32, #tpu.memory_space<vmem>>[vector<16xi32>], vector<16xf32>,
    %get3A_514 = arith.constant 17 : i32
    %get3A_515 = arith.index_cast %get3A_514 : i32 to index
    %get3A_516 = arith.constant 48 : index
    %get3A_517 = tpu.vector_load %arg5[%get3A_515, %get3A_516] {strides = array<i32>} : memref<64x64xi32, #tpu.memory_space<vmem>>, vector<16xi32>,
    %add3A_518 = arith.constant 34816 : i32
    %add3A_519 = vector.broadcast %add3A_518 : i32 to vector<16xi32>
    %add3A_520 = arith.addi %get3A_517, %add3A_519 : vector<16xi32>
    tpu.vector_store_idx %arg6[%add3A_520], %broadcast_in_dim3A_8 {add = true} : memref<65536xf32, #tpu.memory_space<vmem>>[vector<16xi32>], vector<16xf32>,
    %get3A_521 = arith.constant 18 : i32
    %get3A_522 = arith.index_cast %get3A_521 : i32 to index
    %get3A_523 = arith.constant 0 : index
    %get3A_524 = tpu.vector_load %arg5[%get3A_522, %get3A_523] {strides = array<i32>} : memref<64x64xi32, #tpu.memory_space<vmem>>, vector<16xi32>,
    %add3A_525 = arith.constant 36864 : i32
    %add3A_526 = vector.broadcast %add3A_525 : i32 to vector<16xi32>
    %add3A_527 = arith.addi %get3A_524, %add3A_526 : vector<16xi32>
    tpu.vector_store_idx %arg6[%add3A_527], %broadcast_in_dim3A_8 {add = true} : memref<65536xf32, #tpu.memory_space<vmem>>[vector<16xi32>], vector<16xf32>,
    %get3A_528 = arith.constant 18 : i32
    %get3A_529 = arith.index_cast %get3A_528 : i32 to index
    %get3A_530 = arith.constant 16 : index
    %get3A_531 = tpu.vector_load %arg5[%get3A_529, %get3A_530] {strides = array<i32>} : memref<64x64xi32, #tpu.memory_space<vmem>>, vector<16xi32>,
    %add3A_532 = arith.constant 36864 : i32
    %add3A_533 = vector.broadcast %add3A_532 : i32 to vector<16xi32>
    %add3A_534 = arith.addi %get3A_531, %add3A_533 : vector<16xi32>
    tpu.vector_store_idx %arg6[%add3A_534], %broadcast_in_dim3A_8 {add = true} : memref<65536xf32, #tpu.memory_space<vmem>>[vector<16xi32>], vector<16xf32>,
    %get3A_535 = arith.constant 18 : i32
    %get3A_536 = arith.index_cast %get3A_535 : i32 to index
    %get3A_537 = arith.constant 32 : index
    %get3A_538 = tpu.vector_load %arg5[%get3A_536, %get3A_537] {strides = array<i32>} : memref<64x64xi32, #tpu.memory_space<vmem>>, vector<16xi32>,
    %add3A_539 = arith.constant 36864 : i32
    %add3A_540 = vector.broadcast %add3A_539 : i32 to vector<16xi32>
    %add3A_541 = arith.addi %get3A_538, %add3A_540 : vector<16xi32>
    tpu.vector_store_idx %arg6[%add3A_541], %broadcast_in_dim3A_8 {add = true} : memref<65536xf32, #tpu.memory_space<vmem>>[vector<16xi32>], vector<16xf32>,
    %get3A_542 = arith.constant 18 : i32
    %get3A_543 = arith.index_cast %get3A_542 : i32 to index
    %get3A_544 = arith.constant 48 : index
    %get3A_545 = tpu.vector_load %arg5[%get3A_543, %get3A_544] {strides = array<i32>} : memref<64x64xi32, #tpu.memory_space<vmem>>, vector<16xi32>,
    %add3A_546 = arith.constant 36864 : i32
    %add3A_547 = vector.broadcast %add3A_546 : i32 to vector<16xi32>
    %add3A_548 = arith.addi %get3A_545, %add3A_547 : vector<16xi32>
    tpu.vector_store_idx %arg6[%add3A_548], %broadcast_in_dim3A_8 {add = true} : memref<65536xf32, #tpu.memory_space<vmem>>[vector<16xi32>], vector<16xf32>,
    %get3A_549 = arith.constant 19 : i32
    %get3A_550 = arith.index_cast %get3A_549 : i32 to index
    %get3A_551 = arith.constant 0 : index
    %get3A_552 = tpu.vector_load %arg5[%get3A_550, %get3A_551] {strides = array<i32>} : memref<64x64xi32, #tpu.memory_space<vmem>>, vector<16xi32>,
    %add3A_553 = arith.constant 38912 : i32
    %add3A_554 = vector.broadcast %add3A_553 : i32 to vector<16xi32>
    %add3A_555 = arith.addi %get3A_552, %add3A_554 : vector<16xi32>
    tpu.vector_store_idx %arg6[%add3A_555], %broadcast_in_dim3A_8 {add = true} : memref<65536xf32, #tpu.memory_space<vmem>>[vector<16xi32>], vector<16xf32>,
    %get3A_556 = arith.constant 19 : i32
    %get3A_557 = arith.index_cast %get3A_556 : i32 to index
    %get3A_558 = arith.constant 16 : index
    %get3A_559 = tpu.vector_load %arg5[%get3A_557, %get3A_558] {strides = array<i32>} : memref<64x64xi32, #tpu.memory_space<vmem>>, vector<16xi32>,
    %add3A_560 = arith.constant 38912 : i32
    %add3A_561 = vector.broadcast %add3A_560 : i32 to vector<16xi32>
    %add3A_562 = arith.addi %get3A_559, %add3A_561 : vector<16xi32>
    tpu.vector_store_idx %arg6[%add3A_562], %broadcast_in_dim3A_8 {add = true} : memref<65536xf32, #tpu.memory_space<vmem>>[vector<16xi32>], vector<16xf32>,
    %get3A_563 = arith.constant 19 : i32
    %get3A_564 = arith.index_cast %get3A_563 : i32 to index
    %get3A_565 = arith.constant 32 : index
    %get3A_566 = tpu.vector_load %arg5[%get3A_564, %get3A_565] {strides = array<i32>} : memref<64x64xi32, #tpu.memory_space<vmem>>, vector<16xi32>,
    %add3A_567 = arith.constant 38912 : i32
    %add3A_568 = vector.broadcast %add3A_567 : i32 to vector<16xi32>
    %add3A_569 = arith.addi %get3A_566, %add3A_568 : vector<16xi32>
    tpu.vector_store_idx %arg6[%add3A_569], %broadcast_in_dim3A_8 {add = true} : memref<65536xf32, #tpu.memory_space<vmem>>[vector<16xi32>], vector<16xf32>,
    %get3A_570 = arith.constant 19 : i32
    %get3A_571 = arith.index_cast %get3A_570 : i32 to index
    %get3A_572 = arith.constant 48 : index
    %get3A_573 = tpu.vector_load %arg5[%get3A_571, %get3A_572] {strides = array<i32>} : memref<64x64xi32, #tpu.memory_space<vmem>>, vector<16xi32>,
    %add3A_574 = arith.constant 38912 : i32
    %add3A_575 = vector.broadcast %add3A_574 : i32 to vector<16xi32>
    %add3A_576 = arith.addi %get3A_573, %add3A_575 : vector<16xi32>
    tpu.vector_store_idx %arg6[%add3A_576], %broadcast_in_dim3A_8 {add = true} : memref<65536xf32, #tpu.memory_space<vmem>>[vector<16xi32>], vector<16xf32>,
    %get3A_577 = arith.constant 20 : i32
    %get3A_578 = arith.index_cast %get3A_577 : i32 to index
    %get3A_579 = arith.constant 0 : index
    %get3A_580 = tpu.vector_load %arg5[%get3A_578, %get3A_579] {strides = array<i32>} : memref<64x64xi32, #tpu.memory_space<vmem>>, vector<16xi32>,
    %add3A_581 = arith.constant 40960 : i32
    %add3A_582 = vector.broadcast %add3A_581 : i32 to vector<16xi32>
    %add3A_583 = arith.addi %get3A_580, %add3A_582 : vector<16xi32>
    tpu.vector_store_idx %arg6[%add3A_583], %broadcast_in_dim3A_8 {add = true} : memref<65536xf32, #tpu.memory_space<vmem>>[vector<16xi32>], vector<16xf32>,
    %get3A_584 = arith.constant 20 : i32
    %get3A_585 = arith.index_cast %get3A_584 : i32 to index
    %get3A_586 = arith.constant 16 : index
    %get3A_587 = tpu.vector_load %arg5[%get3A_585, %get3A_586] {strides = array<i32>} : memref<64x64xi32, #tpu.memory_space<vmem>>, vector<16xi32>,
    %add3A_588 = arith.constant 40960 : i32
    %add3A_589 = vector.broadcast %add3A_588 : i32 to vector<16xi32>
    %add3A_590 = arith.addi %get3A_587, %add3A_589 : vector<16xi32>
    tpu.vector_store_idx %arg6[%add3A_590], %broadcast_in_dim3A_8 {add = true} : memref<65536xf32, #tpu.memory_space<vmem>>[vector<16xi32>], vector<16xf32>,
    %get3A_591 = arith.constant 20 : i32
    %get3A_592 = arith.index_cast %get3A_591 : i32 to index
    %get3A_593 = arith.constant 32 : index
    %get3A_594 = tpu.vector_load %arg5[%get3A_592, %get3A_593] {strides = array<i32>} : memref<64x64xi32, #tpu.memory_space<vmem>>, vector<16xi32>,
    %add3A_595 = arith.constant 40960 : i32
    %add3A_596 = vector.broadcast %add3A_595 : i32 to vector<16xi32>
    %add3A_597 = arith.addi %get3A_594, %add3A_596 : vector<16xi32>
    tpu.vector_store_idx %arg6[%add3A_597], %broadcast_in_dim3A_8 {add = true} : memref<65536xf32, #tpu.memory_space<vmem>>[vector<16xi32>], vector<16xf32>,
    %get3A_598 = arith.constant 20 : i32
    %get3A_599 = arith.index_cast %get3A_598 : i32 to index
    %get3A_600 = arith.constant 48 : index
    %get3A_601 = tpu.vector_load %arg5[%get3A_599, %get3A_600] {strides = array<i32>} : memref<64x64xi32, #tpu.memory_space<vmem>>, vector<16xi32>,
    %add3A_602 = arith.constant 40960 : i32
    %add3A_603 = vector.broadcast %add3A_602 : i32 to vector<16xi32>
    %add3A_604 = arith.addi %get3A_601, %add3A_603 : vector<16xi32>
    tpu.vector_store_idx %arg6[%add3A_604], %broadcast_in_dim3A_8 {add = true} : memref<65536xf32, #tpu.memory_space<vmem>>[vector<16xi32>], vector<16xf32>,
    %get3A_605 = arith.constant 21 : i32
    %get3A_606 = arith.index_cast %get3A_605 : i32 to index
    %get3A_607 = arith.constant 0 : index
    %get3A_608 = tpu.vector_load %arg5[%get3A_606, %get3A_607] {strides = array<i32>} : memref<64x64xi32, #tpu.memory_space<vmem>>, vector<16xi32>,
    %add3A_609 = arith.constant 43008 : i32
    %add3A_610 = vector.broadcast %add3A_609 : i32 to vector<16xi32>
    %add3A_611 = arith.addi %get3A_608, %add3A_610 : vector<16xi32>
    tpu.vector_store_idx %arg6[%add3A_611], %broadcast_in_dim3A_8 {add = true} : memref<65536xf32, #tpu.memory_space<vmem>>[vector<16xi32>], vector<16xf32>,
    %get3A_612 = arith.constant 21 : i32
    %get3A_613 = arith.index_cast %get3A_612 : i32 to index
    %get3A_614 = arith.constant 16 : index
    %get3A_615 = tpu.vector_load %arg5[%get3A_613, %get3A_614] {strides = array<i32>} : memref<64x64xi32, #tpu.memory_space<vmem>>, vector<16xi32>,
    %add3A_616 = arith.constant 43008 : i32
    %add3A_617 = vector.broadcast %add3A_616 : i32 to vector<16xi32>
    %add3A_618 = arith.addi %get3A_615, %add3A_617 : vector<16xi32>
    tpu.vector_store_idx %arg6[%add3A_618], %broadcast_in_dim3A_8 {add = true} : memref<65536xf32, #tpu.memory_space<vmem>>[vector<16xi32>], vector<16xf32>,
    %get3A_619 = arith.constant 21 : i32
    %get3A_620 = arith.index_cast %get3A_619 : i32 to index
    %get3A_621 = arith.constant 32 : index
    %get3A_622 = tpu.vector_load %arg5[%get3A_620, %get3A_621] {strides = array<i32>} : memref<64x64xi32, #tpu.memory_space<vmem>>, vector<16xi32>,
    %add3A_623 = arith.constant 43008 : i32
    %add3A_624 = vector.broadcast %add3A_623 : i32 to vector<16xi32>
    %add3A_625 = arith.addi %get3A_622, %add3A_624 : vector<16xi32>
    tpu.vector_store_idx %arg6[%add3A_625], %broadcast_in_dim3A_8 {add = true} : memref<65536xf32, #tpu.memory_space<vmem>>[vector<16xi32>], vector<16xf32>,
    %get3A_626 = arith.constant 21 : i32
    %get3A_627 = arith.index_cast %get3A_626 : i32 to index
    %get3A_628 = arith.constant 48 : index
    %get3A_629 = tpu.vector_load %arg5[%get3A_627, %get3A_628] {strides = array<i32>} : memref<64x64xi32, #tpu.memory_space<vmem>>, vector<16xi32>,
    %add3A_630 = arith.constant 43008 : i32
    %add3A_631 = vector.broadcast %add3A_630 : i32 to vector<16xi32>
    %add3A_632 = arith.addi %get3A_629, %add3A_631 : vector<16xi32>
    tpu.vector_store_idx %arg6[%add3A_632], %broadcast_in_dim3A_8 {add = true} : memref<65536xf32, #tpu.memory_space<vmem>>[vector<16xi32>], vector<16xf32>,
    %get3A_633 = arith.constant 22 : i32
    %get3A_634 = arith.index_cast %get3A_633 : i32 to index
    %get3A_635 = arith.constant 0 : index
    %get3A_636 = tpu.vector_load %arg5[%get3A_634, %get3A_635] {strides = array<i32>} : memref<64x64xi32, #tpu.memory_space<vmem>>, vector<16xi32>,
    %add3A_637 = arith.constant 45056 : i32
    %add3A_638 = vector.broadcast %add3A_637 : i32 to vector<16xi32>
    %add3A_639 = arith.addi %get3A_636, %add3A_638 : vector<16xi32>
    tpu.vector_store_idx %arg6[%add3A_639], %broadcast_in_dim3A_8 {add = true} : memref<65536xf32, #tpu.memory_space<vmem>>[vector<16xi32>], vector<16xf32>,
    %get3A_640 = arith.constant 22 : i32
    %get3A_641 = arith.index_cast %get3A_640 : i32 to index
    %get3A_642 = arith.constant 16 : index
    %get3A_643 = tpu.vector_load %arg5[%get3A_641, %get3A_642] {strides = array<i32>} : memref<64x64xi32, #tpu.memory_space<vmem>>, vector<16xi32>,
    %add3A_644 = arith.constant 45056 : i32
    %add3A_645 = vector.broadcast %add3A_644 : i32 to vector<16xi32>
    %add3A_646 = arith.addi %get3A_643, %add3A_645 : vector<16xi32>
    tpu.vector_store_idx %arg6[%add3A_646], %broadcast_in_dim3A_8 {add = true} : memref<65536xf32, #tpu.memory_space<vmem>>[vector<16xi32>], vector<16xf32>,
    %get3A_647 = arith.constant 22 : i32
    %get3A_648 = arith.index_cast %get3A_647 : i32 to index
    %get3A_649 = arith.constant 32 : index
    %get3A_650 = tpu.vector_load %arg5[%get3A_648, %get3A_649] {strides = array<i32>} : memref<64x64xi32, #tpu.memory_space<vmem>>, vector<16xi32>,
    %add3A_651 = arith.constant 45056 : i32
    %add3A_652 = vector.broadcast %add3A_651 : i32 to vector<16xi32>
    %add3A_653 = arith.addi %get3A_650, %add3A_652 : vector<16xi32>
    tpu.vector_store_idx %arg6[%add3A_653], %broadcast_in_dim3A_8 {add = true} : memref<65536xf32, #tpu.memory_space<vmem>>[vector<16xi32>], vector<16xf32>,
    %get3A_654 = arith.constant 22 : i32
    %get3A_655 = arith.index_cast %get3A_654 : i32 to index
    %get3A_656 = arith.constant 48 : index
    %get3A_657 = tpu.vector_load %arg5[%get3A_655, %get3A_656] {strides = array<i32>} : memref<64x64xi32, #tpu.memory_space<vmem>>, vector<16xi32>,
    %add3A_658 = arith.constant 45056 : i32
    %add3A_659 = vector.broadcast %add3A_658 : i32 to vector<16xi32>
    %add3A_660 = arith.addi %get3A_657, %add3A_659 : vector<16xi32>
    tpu.vector_store_idx %arg6[%add3A_660], %broadcast_in_dim3A_8 {add = true} : memref<65536xf32, #tpu.memory_space<vmem>>[vector<16xi32>], vector<16xf32>,
    %get3A_661 = arith.constant 23 : i32
    %get3A_662 = arith.index_cast %get3A_661 : i32 to index
    %get3A_663 = arith.constant 0 : index
    %get3A_664 = tpu.vector_load %arg5[%get3A_662, %get3A_663] {strides = array<i32>} : memref<64x64xi32, #tpu.memory_space<vmem>>, vector<16xi32>,
    %add3A_665 = arith.constant 47104 : i32
    %add3A_666 = vector.broadcast %add3A_665 : i32 to vector<16xi32>
    %add3A_667 = arith.addi %get3A_664, %add3A_666 : vector<16xi32>
    tpu.vector_store_idx %arg6[%add3A_667], %broadcast_in_dim3A_8 {add = true} : memref<65536xf32, #tpu.memory_space<vmem>>[vector<16xi32>], vector<16xf32>,
    %get3A_668 = arith.constant 23 : i32
    %get3A_669 = arith.index_cast %get3A_668 : i32 to index
    %get3A_670 = arith.constant 16 : index
    %get3A_671 = tpu.vector_load %arg5[%get3A_669, %get3A_670] {strides = array<i32>} : memref<64x64xi32, #tpu.memory_space<vmem>>, vector<16xi32>,
    %add3A_672 = arith.constant 47104 : i32
    %add3A_673 = vector.broadcast %add3A_672 : i32 to vector<16xi32>
    %add3A_674 = arith.addi %get3A_671, %add3A_673 : vector<16xi32>
    tpu.vector_store_idx %arg6[%add3A_674], %broadcast_in_dim3A_8 {add = true} : memref<65536xf32, #tpu.memory_space<vmem>>[vector<16xi32>], vector<16xf32>,
    %get3A_675 = arith.constant 23 : i32
    %get3A_676 = arith.index_cast %get3A_675 : i32 to index
    %get3A_677 = arith.constant 32 : index
    %get3A_678 = tpu.vector_load %arg5[%get3A_676, %get3A_677] {strides = array<i32>} : memref<64x64xi32, #tpu.memory_space<vmem>>, vector<16xi32>,
    %add3A_679 = arith.constant 47104 : i32
    %add3A_680 = vector.broadcast %add3A_679 : i32 to vector<16xi32>
    %add3A_681 = arith.addi %get3A_678, %add3A_680 : vector<16xi32>
    tpu.vector_store_idx %arg6[%add3A_681], %broadcast_in_dim3A_8 {add = true} : memref<65536xf32, #tpu.memory_space<vmem>>[vector<16xi32>], vector<16xf32>,
    %get3A_682 = arith.constant 23 : i32
    %get3A_683 = arith.index_cast %get3A_682 : i32 to index
    %get3A_684 = arith.constant 48 : index
    %get3A_685 = tpu.vector_load %arg5[%get3A_683, %get3A_684] {strides = array<i32>} : memref<64x64xi32, #tpu.memory_space<vmem>>, vector<16xi32>,
    %add3A_686 = arith.constant 47104 : i32
    %add3A_687 = vector.broadcast %add3A_686 : i32 to vector<16xi32>
    %add3A_688 = arith.addi %get3A_685, %add3A_687 : vector<16xi32>
    tpu.vector_store_idx %arg6[%add3A_688], %broadcast_in_dim3A_8 {add = true} : memref<65536xf32, #tpu.memory_space<vmem>>[vector<16xi32>], vector<16xf32>,
    %get3A_689 = arith.constant 24 : i32
    %get3A_690 = arith.index_cast %get3A_689 : i32 to index
    %get3A_691 = arith.constant 0 : index
    %get3A_692 = tpu.vector_load %arg5[%get3A_690, %get3A_691] {strides = array<i32>} : memref<64x64xi32, #tpu.memory_space<vmem>>, vector<16xi32>,
    %add3A_693 = arith.constant 49152 : i32
    %add3A_694 = vector.broadcast %add3A_693 : i32 to vector<16xi32>
    %add3A_695 = arith.addi %get3A_692, %add3A_694 : vector<16xi32>
    tpu.vector_store_idx %arg6[%add3A_695], %broadcast_in_dim3A_8 {add = true} : memref<65536xf32, #tpu.memory_space<vmem>>[vector<16xi32>], vector<16xf32>,
    %get3A_696 = arith.constant 24 : i32
    %get3A_697 = arith.index_cast %get3A_696 : i32 to index
    %get3A_698 = arith.constant 16 : index
    %get3A_699 = tpu.vector_load %arg5[%get3A_697, %get3A_698] {strides = array<i32>} : memref<64x64xi32, #tpu.memory_space<vmem>>, vector<16xi32>,
    %add3A_700 = arith.constant 49152 : i32
    %add3A_701 = vector.broadcast %add3A_700 : i32 to vector<16xi32>
    %add3A_702 = arith.addi %get3A_699, %add3A_701 : vector<16xi32>
    tpu.vector_store_idx %arg6[%add3A_702], %broadcast_in_dim3A_8 {add = true} : memref<65536xf32, #tpu.memory_space<vmem>>[vector<16xi32>], vector<16xf32>,
    %get3A_703 = arith.constant 24 : i32
    %get3A_704 = arith.index_cast %get3A_703 : i32 to index
    %get3A_705 = arith.constant 32 : index
    %get3A_706 = tpu.vector_load %arg5[%get3A_704, %get3A_705] {strides = array<i32>} : memref<64x64xi32, #tpu.memory_space<vmem>>, vector<16xi32>,
    %add3A_707 = arith.constant 49152 : i32
    %add3A_708 = vector.broadcast %add3A_707 : i32 to vector<16xi32>
    %add3A_709 = arith.addi %get3A_706, %add3A_708 : vector<16xi32>
    tpu.vector_store_idx %arg6[%add3A_709], %broadcast_in_dim3A_8 {add = true} : memref<65536xf32, #tpu.memory_space<vmem>>[vector<16xi32>], vector<16xf32>,
    %get3A_710 = arith.constant 24 : i32
    %get3A_711 = arith.index_cast %get3A_710 : i32 to index
    %get3A_712 = arith.constant 48 : index
    %get3A_713 = tpu.vector_load %arg5[%get3A_711, %get3A_712] {strides = array<i32>} : memref<64x64xi32, #tpu.memory_space<vmem>>, vector<16xi32>,
    %add3A_714 = arith.constant 49152 : i32
    %add3A_715 = vector.broadcast %add3A_714 : i32 to vector<16xi32>
    %add3A_716 = arith.addi %get3A_713, %add3A_715 : vector<16xi32>
    tpu.vector_store_idx %arg6[%add3A_716], %broadcast_in_dim3A_8 {add = true} : memref<65536xf32, #tpu.memory_space<vmem>>[vector<16xi32>], vector<16xf32>,
    %get3A_717 = arith.constant 25 : i32
    %get3A_718 = arith.index_cast %get3A_717 : i32 to index
    %get3A_719 = arith.constant 0 : index
    %get3A_720 = tpu.vector_load %arg5[%get3A_718, %get3A_719] {strides = array<i32>} : memref<64x64xi32, #tpu.memory_space<vmem>>, vector<16xi32>,
    %add3A_721 = arith.constant 51200 : i32
    %add3A_722 = vector.broadcast %add3A_721 : i32 to vector<16xi32>
    %add3A_723 = arith.addi %get3A_720, %add3A_722 : vector<16xi32>
    tpu.vector_store_idx %arg6[%add3A_723], %broadcast_in_dim3A_8 {add = true} : memref<65536xf32, #tpu.memory_space<vmem>>[vector<16xi32>], vector<16xf32>,
    %get3A_724 = arith.constant 25 : i32
    %get3A_725 = arith.index_cast %get3A_724 : i32 to index
    %get3A_726 = arith.constant 16 : index
    %get3A_727 = tpu.vector_load %arg5[%get3A_725, %get3A_726] {strides = array<i32>} : memref<64x64xi32, #tpu.memory_space<vmem>>, vector<16xi32>,
    %add3A_728 = arith.constant 51200 : i32
    %add3A_729 = vector.broadcast %add3A_728 : i32 to vector<16xi32>
    %add3A_730 = arith.addi %get3A_727, %add3A_729 : vector<16xi32>
    tpu.vector_store_idx %arg6[%add3A_730], %broadcast_in_dim3A_8 {add = true} : memref<65536xf32, #tpu.memory_space<vmem>>[vector<16xi32>], vector<16xf32>,
    %get3A_731 = arith.constant 25 : i32
    %get3A_732 = arith.index_cast %get3A_731 : i32 to index
    %get3A_733 = arith.constant 32 : index
    %get3A_734 = tpu.vector_load %arg5[%get3A_732, %get3A_733] {strides = array<i32>} : memref<64x64xi32, #tpu.memory_space<vmem>>, vector<16xi32>,
    %add3A_735 = arith.constant 51200 : i32
    %add3A_736 = vector.broadcast %add3A_735 : i32 to vector<16xi32>
    %add3A_737 = arith.addi %get3A_734, %add3A_736 : vector<16xi32>
    tpu.vector_store_idx %arg6[%add3A_737], %broadcast_in_dim3A_8 {add = true} : memref<65536xf32, #tpu.memory_space<vmem>>[vector<16xi32>], vector<16xf32>,
    %get3A_738 = arith.constant 25 : i32
    %get3A_739 = arith.index_cast %get3A_738 : i32 to index
    %get3A_740 = arith.constant 48 : index
    %get3A_741 = tpu.vector_load %arg5[%get3A_739, %get3A_740] {strides = array<i32>} : memref<64x64xi32, #tpu.memory_space<vmem>>, vector<16xi32>,
    %add3A_742 = arith.constant 51200 : i32
    %add3A_743 = vector.broadcast %add3A_742 : i32 to vector<16xi32>
    %add3A_744 = arith.addi %get3A_741, %add3A_743 : vector<16xi32>
    tpu.vector_store_idx %arg6[%add3A_744], %broadcast_in_dim3A_8 {add = true} : memref<65536xf32, #tpu.memory_space<vmem>>[vector<16xi32>], vector<16xf32>,
    %get3A_745 = arith.constant 26 : i32
    %get3A_746 = arith.index_cast %get3A_745 : i32 to index
    %get3A_747 = arith.constant 0 : index
    %get3A_748 = tpu.vector_load %arg5[%get3A_746, %get3A_747] {strides = array<i32>} : memref<64x64xi32, #tpu.memory_space<vmem>>, vector<16xi32>,
    %add3A_749 = arith.constant 53248 : i32
    %add3A_750 = vector.broadcast %add3A_749 : i32 to vector<16xi32>
    %add3A_751 = arith.addi %get3A_748, %add3A_750 : vector<16xi32>
    tpu.vector_store_idx %arg6[%add3A_751], %broadcast_in_dim3A_8 {add = true} : memref<65536xf32, #tpu.memory_space<vmem>>[vector<16xi32>], vector<16xf32>,
    %get3A_752 = arith.constant 26 : i32
    %get3A_753 = arith.index_cast %get3A_752 : i32 to index
    %get3A_754 = arith.constant 16 : index
    %get3A_755 = tpu.vector_load %arg5[%get3A_753, %get3A_754] {strides = array<i32>} : memref<64x64xi32, #tpu.memory_space<vmem>>, vector<16xi32>,
    %add3A_756 = arith.constant 53248 : i32
    %add3A_757 = vector.broadcast %add3A_756 : i32 to vector<16xi32>
    %add3A_758 = arith.addi %get3A_755, %add3A_757 : vector<16xi32>
    tpu.vector_store_idx %arg6[%add3A_758], %broadcast_in_dim3A_8 {add = true} : memref<65536xf32, #tpu.memory_space<vmem>>[vector<16xi32>], vector<16xf32>,
    %get3A_759 = arith.constant 26 : i32
    %get3A_760 = arith.index_cast %get3A_759 : i32 to index
    %get3A_761 = arith.constant 32 : index
    %get3A_762 = tpu.vector_load %arg5[%get3A_760, %get3A_761] {strides = array<i32>} : memref<64x64xi32, #tpu.memory_space<vmem>>, vector<16xi32>,
    %add3A_763 = arith.constant 53248 : i32
    %add3A_764 = vector.broadcast %add3A_763 : i32 to vector<16xi32>
    %add3A_765 = arith.addi %get3A_762, %add3A_764 : vector<16xi32>
    tpu.vector_store_idx %arg6[%add3A_765], %broadcast_in_dim3A_8 {add = true} : memref<65536xf32, #tpu.memory_space<vmem>>[vector<16xi32>], vector<16xf32>,
    %get3A_766 = arith.constant 26 : i32
    %get3A_767 = arith.index_cast %get3A_766 : i32 to index
    %get3A_768 = arith.constant 48 : index
    %get3A_769 = tpu.vector_load %arg5[%get3A_767, %get3A_768] {strides = array<i32>} : memref<64x64xi32, #tpu.memory_space<vmem>>, vector<16xi32>,
    %add3A_770 = arith.constant 53248 : i32
    %add3A_771 = vector.broadcast %add3A_770 : i32 to vector<16xi32>
    %add3A_772 = arith.addi %get3A_769, %add3A_771 : vector<16xi32>
    tpu.vector_store_idx %arg6[%add3A_772], %broadcast_in_dim3A_8 {add = true} : memref<65536xf32, #tpu.memory_space<vmem>>[vector<16xi32>], vector<16xf32>,
    %get3A_773 = arith.constant 27 : i32
    %get3A_774 = arith.index_cast %get3A_773 : i32 to index
    %get3A_775 = arith.constant 0 : index
    %get3A_776 = tpu.vector_load %arg5[%get3A_774, %get3A_775] {strides = array<i32>} : memref<64x64xi32, #tpu.memory_space<vmem>>, vector<16xi32>,
    %add3A_777 = arith.constant 55296 : i32
    %add3A_778 = vector.broadcast %add3A_777 : i32 to vector<16xi32>
    %add3A_779 = arith.addi %get3A_776, %add3A_778 : vector<16xi32>
    tpu.vector_store_idx %arg6[%add3A_779], %broadcast_in_dim3A_8 {add = true} : memref<65536xf32, #tpu.memory_space<vmem>>[vector<16xi32>], vector<16xf32>,
    %get3A_780 = arith.constant 27 : i32
    %get3A_781 = arith.index_cast %get3A_780 : i32 to index
    %get3A_782 = arith.constant 16 : index
    %get3A_783 = tpu.vector_load %arg5[%get3A_781, %get3A_782] {strides = array<i32>} : memref<64x64xi32, #tpu.memory_space<vmem>>, vector<16xi32>,
    %add3A_784 = arith.constant 55296 : i32
    %add3A_785 = vector.broadcast %add3A_784 : i32 to vector<16xi32>
    %add3A_786 = arith.addi %get3A_783, %add3A_785 : vector<16xi32>
    tpu.vector_store_idx %arg6[%add3A_786], %broadcast_in_dim3A_8 {add = true} : memref<65536xf32, #tpu.memory_space<vmem>>[vector<16xi32>], vector<16xf32>,
    %get3A_787 = arith.constant 27 : i32
    %get3A_788 = arith.index_cast %get3A_787 : i32 to index
    %get3A_789 = arith.constant 32 : index
    %get3A_790 = tpu.vector_load %arg5[%get3A_788, %get3A_789] {strides = array<i32>} : memref<64x64xi32, #tpu.memory_space<vmem>>, vector<16xi32>,
    %add3A_791 = arith.constant 55296 : i32
    %add3A_792 = vector.broadcast %add3A_791 : i32 to vector<16xi32>
    %add3A_793 = arith.addi %get3A_790, %add3A_792 : vector<16xi32>
    tpu.vector_store_idx %arg6[%add3A_793], %broadcast_in_dim3A_8 {add = true} : memref<65536xf32, #tpu.memory_space<vmem>>[vector<16xi32>], vector<16xf32>,
    %get3A_794 = arith.constant 27 : i32
    %get3A_795 = arith.index_cast %get3A_794 : i32 to index
    %get3A_796 = arith.constant 48 : index
    %get3A_797 = tpu.vector_load %arg5[%get3A_795, %get3A_796] {strides = array<i32>} : memref<64x64xi32, #tpu.memory_space<vmem>>, vector<16xi32>,
    %add3A_798 = arith.constant 55296 : i32
    %add3A_799 = vector.broadcast %add3A_798 : i32 to vector<16xi32>
    %add3A_800 = arith.addi %get3A_797, %add3A_799 : vector<16xi32>
    tpu.vector_store_idx %arg6[%add3A_800], %broadcast_in_dim3A_8 {add = true} : memref<65536xf32, #tpu.memory_space<vmem>>[vector<16xi32>], vector<16xf32>,
    %get3A_801 = arith.constant 28 : i32
    %get3A_802 = arith.index_cast %get3A_801 : i32 to index
    %get3A_803 = arith.constant 0 : index
    %get3A_804 = tpu.vector_load %arg5[%get3A_802, %get3A_803] {strides = array<i32>} : memref<64x64xi32, #tpu.memory_space<vmem>>, vector<16xi32>,
    %add3A_805 = arith.constant 57344 : i32
    %add3A_806 = vector.broadcast %add3A_805 : i32 to vector<16xi32>
    %add3A_807 = arith.addi %get3A_804, %add3A_806 : vector<16xi32>
    tpu.vector_store_idx %arg6[%add3A_807], %broadcast_in_dim3A_8 {add = true} : memref<65536xf32, #tpu.memory_space<vmem>>[vector<16xi32>], vector<16xf32>,
    %get3A_808 = arith.constant 28 : i32
    %get3A_809 = arith.index_cast %get3A_808 : i32 to index
    %get3A_810 = arith.constant 16 : index
    %get3A_811 = tpu.vector_load %arg5[%get3A_809, %get3A_810] {strides = array<i32>} : memref<64x64xi32, #tpu.memory_space<vmem>>, vector<16xi32>,
    %add3A_812 = arith.constant 57344 : i32
    %add3A_813 = vector.broadcast %add3A_812 : i32 to vector<16xi32>
    %add3A_814 = arith.addi %get3A_811, %add3A_813 : vector<16xi32>
    tpu.vector_store_idx %arg6[%add3A_814], %broadcast_in_dim3A_8 {add = true} : memref<65536xf32, #tpu.memory_space<vmem>>[vector<16xi32>], vector<16xf32>,
    %get3A_815 = arith.constant 28 : i32
    %get3A_816 = arith.index_cast %get3A_815 : i32 to index
    %get3A_817 = arith.constant 32 : index
    %get3A_818 = tpu.vector_load %arg5[%get3A_816, %get3A_817] {strides = array<i32>} : memref<64x64xi32, #tpu.memory_space<vmem>>, vector<16xi32>,
    %add3A_819 = arith.constant 57344 : i32
    %add3A_820 = vector.broadcast %add3A_819 : i32 to vector<16xi32>
    %add3A_821 = arith.addi %get3A_818, %add3A_820 : vector<16xi32>
    tpu.vector_store_idx %arg6[%add3A_821], %broadcast_in_dim3A_8 {add = true} : memref<65536xf32, #tpu.memory_space<vmem>>[vector<16xi32>], vector<16xf32>,
    %get3A_822 = arith.constant 28 : i32
    %get3A_823 = arith.index_cast %get3A_822 : i32 to index
    %get3A_824 = arith.constant 48 : index
    %get3A_825 = tpu.vector_load %arg5[%get3A_823, %get3A_824] {strides = array<i32>} : memref<64x64xi32, #tpu.memory_space<vmem>>, vector<16xi32>,
    %add3A_826 = arith.constant 57344 : i32
    %add3A_827 = vector.broadcast %add3A_826 : i32 to vector<16xi32>
    %add3A_828 = arith.addi %get3A_825, %add3A_827 : vector<16xi32>
    tpu.vector_store_idx %arg6[%add3A_828], %broadcast_in_dim3A_8 {add = true} : memref<65536xf32, #tpu.memory_space<vmem>>[vector<16xi32>], vector<16xf32>,
    %get3A_829 = arith.constant 29 : i32
    %get3A_830 = arith.index_cast %get3A_829 : i32 to index
    %get3A_831 = arith.constant 0 : index
    %get3A_832 = tpu.vector_load %arg5[%get3A_830, %get3A_831] {strides = array<i32>} : memref<64x64xi32, #tpu.memory_space<vmem>>, vector<16xi32>,
    %add3A_833 = arith.constant 59392 : i32
    %add3A_834 = vector.broadcast %add3A_833 : i32 to vector<16xi32>
    %add3A_835 = arith.addi %get3A_832, %add3A_834 : vector<16xi32>
    tpu.vector_store_idx %arg6[%add3A_835], %broadcast_in_dim3A_8 {add = true} : memref<65536xf32, #tpu.memory_space<vmem>>[vector<16xi32>], vector<16xf32>,
    %get3A_836 = arith.constant 29 : i32
    %get3A_837 = arith.index_cast %get3A_836 : i32 to index
    %get3A_838 = arith.constant 16 : index
    %get3A_839 = tpu.vector_load %arg5[%get3A_837, %get3A_838] {strides = array<i32>} : memref<64x64xi32, #tpu.memory_space<vmem>>, vector<16xi32>,
    %add3A_840 = arith.constant 59392 : i32
    %add3A_841 = vector.broadcast %add3A_840 : i32 to vector<16xi32>
    %add3A_842 = arith.addi %get3A_839, %add3A_841 : vector<16xi32>
    tpu.vector_store_idx %arg6[%add3A_842], %broadcast_in_dim3A_8 {add = true} : memref<65536xf32, #tpu.memory_space<vmem>>[vector<16xi32>], vector<16xf32>,
    %get3A_843 = arith.constant 29 : i32
    %get3A_844 = arith.index_cast %get3A_843 : i32 to index
    %get3A_845 = arith.constant 32 : index
    %get3A_846 = tpu.vector_load %arg5[%get3A_844, %get3A_845] {strides = array<i32>} : memref<64x64xi32, #tpu.memory_space<vmem>>, vector<16xi32>,
    %add3A_847 = arith.constant 59392 : i32
    %add3A_848 = vector.broadcast %add3A_847 : i32 to vector<16xi32>
    %add3A_849 = arith.addi %get3A_846, %add3A_848 : vector<16xi32>
    tpu.vector_store_idx %arg6[%add3A_849], %broadcast_in_dim3A_8 {add = true} : memref<65536xf32, #tpu.memory_space<vmem>>[vector<16xi32>], vector<16xf32>,
    %get3A_850 = arith.constant 29 : i32
    %get3A_851 = arith.index_cast %get3A_850 : i32 to index
    %get3A_852 = arith.constant 48 : index
    %get3A_853 = tpu.vector_load %arg5[%get3A_851, %get3A_852] {strides = array<i32>} : memref<64x64xi32, #tpu.memory_space<vmem>>, vector<16xi32>,
    %add3A_854 = arith.constant 59392 : i32
    %add3A_855 = vector.broadcast %add3A_854 : i32 to vector<16xi32>
    %add3A_856 = arith.addi %get3A_853, %add3A_855 : vector<16xi32>
    tpu.vector_store_idx %arg6[%add3A_856], %broadcast_in_dim3A_8 {add = true} : memref<65536xf32, #tpu.memory_space<vmem>>[vector<16xi32>], vector<16xf32>,
    %get3A_857 = arith.constant 30 : i32
    %get3A_858 = arith.index_cast %get3A_857 : i32 to index
    %get3A_859 = arith.constant 0 : index
    %get3A_860 = tpu.vector_load %arg5[%get3A_858, %get3A_859] {strides = array<i32>} : memref<64x64xi32, #tpu.memory_space<vmem>>, vector<16xi32>,
    %add3A_861 = arith.constant 61440 : i32
    %add3A_862 = vector.broadcast %add3A_861 : i32 to vector<16xi32>
    %add3A_863 = arith.addi %get3A_860, %add3A_862 : vector<16xi32>
    tpu.vector_store_idx %arg6[%add3A_863], %broadcast_in_dim3A_8 {add = true} : memref<65536xf32, #tpu.memory_space<vmem>>[vector<16xi32>], vector<16xf32>,
    %get3A_864 = arith.constant 30 : i32
    %get3A_865 = arith.index_cast %get3A_864 : i32 to index
    %get3A_866 = arith.constant 16 : index
    %get3A_867 = tpu.vector_load %arg5[%get3A_865, %get3A_866] {strides = array<i32>} : memref<64x64xi32, #tpu.memory_space<vmem>>, vector<16xi32>,
    %add3A_868 = arith.constant 61440 : i32
    %add3A_869 = vector.broadcast %add3A_868 : i32 to vector<16xi32>
    %add3A_870 = arith.addi %get3A_867, %add3A_869 : vector<16xi32>
    tpu.vector_store_idx %arg6[%add3A_870], %broadcast_in_dim3A_8 {add = true} : memref<65536xf32, #tpu.memory_space<vmem>>[vector<16xi32>], vector<16xf32>,
    %get3A_871 = arith.constant 30 : i32
    %get3A_872 = arith.index_cast %get3A_871 : i32 to index
    %get3A_873 = arith.constant 32 : index
    %get3A_874 = tpu.vector_load %arg5[%get3A_872, %get3A_873] {strides = array<i32>} : memref<64x64xi32, #tpu.memory_space<vmem>>, vector<16xi32>,
    %add3A_875 = arith.constant 61440 : i32
    %add3A_876 = vector.broadcast %add3A_875 : i32 to vector<16xi32>
    %add3A_877 = arith.addi %get3A_874, %add3A_876 : vector<16xi32>
    tpu.vector_store_idx %arg6[%add3A_877], %broadcast_in_dim3A_8 {add = true} : memref<65536xf32, #tpu.memory_space<vmem>>[vector<16xi32>], vector<16xf32>,
    %get3A_878 = arith.constant 30 : i32
    %get3A_879 = arith.index_cast %get3A_878 : i32 to index
    %get3A_880 = arith.constant 48 : index
    %get3A_881 = tpu.vector_load %arg5[%get3A_879, %get3A_880] {strides = array<i32>} : memref<64x64xi32, #tpu.memory_space<vmem>>, vector<16xi32>,
    %add3A_882 = arith.constant 61440 : i32
    %add3A_883 = vector.broadcast %add3A_882 : i32 to vector<16xi32>
    %add3A_884 = arith.addi %get3A_881, %add3A_883 : vector<16xi32>
    tpu.vector_store_idx %arg6[%add3A_884], %broadcast_in_dim3A_8 {add = true} : memref<65536xf32, #tpu.memory_space<vmem>>[vector<16xi32>], vector<16xf32>,
    %get3A_885 = arith.constant 31 : i32
    %get3A_886 = arith.index_cast %get3A_885 : i32 to index
    %get3A_887 = arith.constant 0 : index
    %get3A_888 = tpu.vector_load %arg5[%get3A_886, %get3A_887] {strides = array<i32>} : memref<64x64xi32, #tpu.memory_space<vmem>>, vector<16xi32>,
    %add3A_889 = arith.constant 63488 : i32
    %add3A_890 = vector.broadcast %add3A_889 : i32 to vector<16xi32>
    %add3A_891 = arith.addi %get3A_888, %add3A_890 : vector<16xi32>
    tpu.vector_store_idx %arg6[%add3A_891], %broadcast_in_dim3A_8 {add = true} : memref<65536xf32, #tpu.memory_space<vmem>>[vector<16xi32>], vector<16xf32>,
    %get3A_892 = arith.constant 31 : i32
    %get3A_893 = arith.index_cast %get3A_892 : i32 to index
    %get3A_894 = arith.constant 16 : index
    %get3A_895 = tpu.vector_load %arg5[%get3A_893, %get3A_894] {strides = array<i32>} : memref<64x64xi32, #tpu.memory_space<vmem>>, vector<16xi32>,
    %add3A_896 = arith.constant 63488 : i32
    %add3A_897 = vector.broadcast %add3A_896 : i32 to vector<16xi32>
    %add3A_898 = arith.addi %get3A_895, %add3A_897 : vector<16xi32>
    tpu.vector_store_idx %arg6[%add3A_898], %broadcast_in_dim3A_8 {add = true} : memref<65536xf32, #tpu.memory_space<vmem>>[vector<16xi32>], vector<16xf32>,
    %get3A_899 = arith.constant 31 : i32
    %get3A_900 = arith.index_cast %get3A_899 : i32 to index
    %get3A_901 = arith.constant 32 : index
    %get3A_902 = tpu.vector_load %arg5[%get3A_900, %get3A_901] {strides = array<i32>} : memref<64x64xi32, #tpu.memory_space<vmem>>, vector<16xi32>,
    %add3A_903 = arith.constant 63488 : i32
    %add3A_904 = vector.broadcast %add3A_903 : i32 to vector<16xi32>
    %add3A_905 = arith.addi %get3A_902, %add3A_904 : vector<16xi32>
    tpu.vector_store_idx %arg6[%add3A_905], %broadcast_in_dim3A_8 {add = true} : memref<65536xf32, #tpu.memory_space<vmem>>[vector<16xi32>], vector<16xf32>,
    %get3A_906 = arith.constant 31 : i32
    %get3A_907 = arith.index_cast %get3A_906 : i32 to index
    %get3A_908 = arith.constant 48 : index
    %get3A_909 = tpu.vector_load %arg5[%get3A_907, %get3A_908] {strides = array<i32>} : memref<64x64xi32, #tpu.memory_space<vmem>>, vector<16xi32>,
    %add3A_910 = arith.constant 63488 : i32
    %add3A_911 = vector.broadcast %add3A_910 : i32 to vector<16xi32>
    %add3A_912 = arith.addi %get3A_909, %add3A_911 : vector<16xi32>
    tpu.vector_store_idx %arg6[%add3A_912], %broadcast_in_dim3A_8 {add = true} : memref<65536xf32, #tpu.memory_space<vmem>>[vector<16xi32>], vector<16xf32>,
    %add3A_913 = arith.constant 0 : i32
    %add3A_914 = arith.addi %mul3A_2, %add3A_913 : i32
    %mul3A_915 = arith.constant 2048 : i32
    %mul3A_916 = arith.muli %add3A_914, %mul3A_915 : i32
    "tpu.region"() ({
      %run_scoped3A = tpu.sem_alloc : memref<!tpu.dma_semaphore, #tpu.memory_space<semaphore_mem>>
      %dma_start3A_2713 = tpu.memref_slice %arg3[%mul3A_916] : memref<4194304xf32, #tpu.memory_space<hbm>> -> memref<65536xf32, #tpu.memory_space<hbm>>
      %dma_start3A_2714 = tpu.memref_slice %arg3[%mul3A_916] : memref<4194304xf32, #tpu.memory_space<hbm>> -> memref<65536xf32, #tpu.memory_space<hbm>>
      tpu.enqueue_dma source(%arg6 : memref<65536xf32, #tpu.memory_space<vmem>>) target(%dma_start3A_2714 : memref<65536xf32, #tpu.memory_space<hbm>>) target_semaphore(%run_scoped3A : memref<!tpu.dma_semaphore, #tpu.memory_space<semaphore_mem>>)
      %dma_wait3A_2715 = tpu.memref_slice %arg3[%mul3A_916] : memref<4194304xf32, #tpu.memory_space<hbm>> -> memref<65536xf32, #tpu.memory_space<hbm>>
      %dma_wait3A_2716 = tpu.memref_slice %arg3[%mul3A_916] : memref<4194304xf32, #tpu.memory_space<hbm>> -> memref<65536xf32, #tpu.memory_space<hbm>>
      tpu.wait_dma2 semaphore(%run_scoped3A : memref<!tpu.dma_semaphore, #tpu.memory_space<semaphore_mem>>) src(%arg6 : memref<65536xf32, #tpu.memory_space<vmem>>) dst(%dma_wait3A_2716 : memref<65536xf32, #tpu.memory_space<hbm>>)
      tpu.yield
    }) : () -> ()
    %get3A_917 = arith.constant 0 : i32
    %get3A_918 = arith.index_cast %get3A_917 : i32 to index
    %get3A_919 = arith.constant 0 : index
    %get3A_920 = tpu.vector_load %arg5[%get3A_918, %get3A_919] {strides = array<i32>} : memref<64x64xi32, #tpu.memory_space<vmem>>, vector<16xi32>,
    %add3A_921 = arith.constant 0 : i32
    %add3A_922 = vector.broadcast %add3A_921 : i32 to vector<16xi32>
    %add3A_923 = arith.addi %get3A_920, %add3A_922 : vector<16xi32>
    tpu.vector_store_idx %arg6[%add3A_923], %broadcast_in_dim3A_6 : memref<65536xf32, #tpu.memory_space<vmem>>[vector<16xi32>], vector<16xf32>,
    %get3A_924 = arith.constant 0 : i32
    %get3A_925 = arith.index_cast %get3A_924 : i32 to index
    %get3A_926 = arith.constant 16 : index
    %get3A_927 = tpu.vector_load %arg5[%get3A_925, %get3A_926] {strides = array<i32>} : memref<64x64xi32, #tpu.memory_space<vmem>>, vector<16xi32>,
    %add3A_928 = arith.constant 0 : i32
    %add3A_929 = vector.broadcast %add3A_928 : i32 to vector<16xi32>
    %add3A_930 = arith.addi %get3A_927, %add3A_929 : vector<16xi32>
    tpu.vector_store_idx %arg6[%add3A_930], %broadcast_in_dim3A_6 : memref<65536xf32, #tpu.memory_space<vmem>>[vector<16xi32>], vector<16xf32>,
    %get3A_931 = arith.constant 0 : i32
    %get3A_932 = arith.index_cast %get3A_931 : i32 to index
    %get3A_933 = arith.constant 32 : index
    %get3A_934 = tpu.vector_load %arg5[%get3A_932, %get3A_933] {strides = array<i32>} : memref<64x64xi32, #tpu.memory_space<vmem>>, vector<16xi32>,
    %add3A_935 = arith.constant 0 : i32
    %add3A_936 = vector.broadcast %add3A_935 : i32 to vector<16xi32>
    %add3A_937 = arith.addi %get3A_934, %add3A_936 : vector<16xi32>
    tpu.vector_store_idx %arg6[%add3A_937], %broadcast_in_dim3A_6 : memref<65536xf32, #tpu.memory_space<vmem>>[vector<16xi32>], vector<16xf32>,
    %get3A_938 = arith.constant 0 : i32
    %get3A_939 = arith.index_cast %get3A_938 : i32 to index
    %get3A_940 = arith.constant 48 : index
    %get3A_941 = tpu.vector_load %arg5[%get3A_939, %get3A_940] {strides = array<i32>} : memref<64x64xi32, #tpu.memory_space<vmem>>, vector<16xi32>,
    %add3A_942 = arith.constant 0 : i32
    %add3A_943 = vector.broadcast %add3A_942 : i32 to vector<16xi32>
    %add3A_944 = arith.addi %get3A_941, %add3A_943 : vector<16xi32>
    tpu.vector_store_idx %arg6[%add3A_944], %broadcast_in_dim3A_6 : memref<65536xf32, #tpu.memory_space<vmem>>[vector<16xi32>], vector<16xf32>,
    %get3A_945 = arith.constant 1 : i32
    %get3A_946 = arith.index_cast %get3A_945 : i32 to index
    %get3A_947 = arith.constant 0 : index
    %get3A_948 = tpu.vector_load %arg5[%get3A_946, %get3A_947] {strides = array<i32>} : memref<64x64xi32, #tpu.memory_space<vmem>>, vector<16xi32>,
    %add3A_949 = arith.constant 2048 : i32
    %add3A_950 = vector.broadcast %add3A_949 : i32 to vector<16xi32>
    %add3A_951 = arith.addi %get3A_948, %add3A_950 : vector<16xi32>
    tpu.vector_store_idx %arg6[%add3A_951], %broadcast_in_dim3A_6 : memref<65536xf32, #tpu.memory_space<vmem>>[vector<16xi32>], vector<16xf32>,
    %get3A_952 = arith.constant 1 : i32
    %get3A_953 = arith.index_cast %get3A_952 : i32 to index
    %get3A_954 = arith.constant 16 : index
    %get3A_955 = tpu.vector_load %arg5[%get3A_953, %get3A_954] {strides = array<i32>} : memref<64x64xi32, #tpu.memory_space<vmem>>, vector<16xi32>,
    %add3A_956 = arith.constant 2048 : i32
    %add3A_957 = vector.broadcast %add3A_956 : i32 to vector<16xi32>
    %add3A_958 = arith.addi %get3A_955, %add3A_957 : vector<16xi32>
    tpu.vector_store_idx %arg6[%add3A_958], %broadcast_in_dim3A_6 : memref<65536xf32, #tpu.memory_space<vmem>>[vector<16xi32>], vector<16xf32>,
    %get3A_959 = arith.constant 1 : i32
    %get3A_960 = arith.index_cast %get3A_959 : i32 to index
    %get3A_961 = arith.constant 32 : index
    %get3A_962 = tpu.vector_load %arg5[%get3A_960, %get3A_961] {strides = array<i32>} : memref<64x64xi32, #tpu.memory_space<vmem>>, vector<16xi32>,
    %add3A_963 = arith.constant 2048 : i32
    %add3A_964 = vector.broadcast %add3A_963 : i32 to vector<16xi32>
    %add3A_965 = arith.addi %get3A_962, %add3A_964 : vector<16xi32>
    tpu.vector_store_idx %arg6[%add3A_965], %broadcast_in_dim3A_6 : memref<65536xf32, #tpu.memory_space<vmem>>[vector<16xi32>], vector<16xf32>,
    %get3A_966 = arith.constant 1 : i32
    %get3A_967 = arith.index_cast %get3A_966 : i32 to index
    %get3A_968 = arith.constant 48 : index
    %get3A_969 = tpu.vector_load %arg5[%get3A_967, %get3A_968] {strides = array<i32>} : memref<64x64xi32, #tpu.memory_space<vmem>>, vector<16xi32>,
    %add3A_970 = arith.constant 2048 : i32
    %add3A_971 = vector.broadcast %add3A_970 : i32 to vector<16xi32>
    %add3A_972 = arith.addi %get3A_969, %add3A_971 : vector<16xi32>
    tpu.vector_store_idx %arg6[%add3A_972], %broadcast_in_dim3A_6 : memref<65536xf32, #tpu.memory_space<vmem>>[vector<16xi32>], vector<16xf32>,
    %get3A_973 = arith.constant 2 : i32
    %get3A_974 = arith.index_cast %get3A_973 : i32 to index
    %get3A_975 = arith.constant 0 : index
    %get3A_976 = tpu.vector_load %arg5[%get3A_974, %get3A_975] {strides = array<i32>} : memref<64x64xi32, #tpu.memory_space<vmem>>, vector<16xi32>,
    %add3A_977 = arith.constant 4096 : i32
    %add3A_978 = vector.broadcast %add3A_977 : i32 to vector<16xi32>
    %add3A_979 = arith.addi %get3A_976, %add3A_978 : vector<16xi32>
    tpu.vector_store_idx %arg6[%add3A_979], %broadcast_in_dim3A_6 : memref<65536xf32, #tpu.memory_space<vmem>>[vector<16xi32>], vector<16xf32>,
    %get3A_980 = arith.constant 2 : i32
    %get3A_981 = arith.index_cast %get3A_980 : i32 to index
    %get3A_982 = arith.constant 16 : index
    %get3A_983 = tpu.vector_load %arg5[%get3A_981, %get3A_982] {strides = array<i32>} : memref<64x64xi32, #tpu.memory_space<vmem>>, vector<16xi32>,
    %add3A_984 = arith.constant 4096 : i32
    %add3A_985 = vector.broadcast %add3A_984 : i32 to vector<16xi32>
    %add3A_986 = arith.addi %get3A_983, %add3A_985 : vector<16xi32>
    tpu.vector_store_idx %arg6[%add3A_986], %broadcast_in_dim3A_6 : memref<65536xf32, #tpu.memory_space<vmem>>[vector<16xi32>], vector<16xf32>,
    %get3A_987 = arith.constant 2 : i32
    %get3A_988 = arith.index_cast %get3A_987 : i32 to index
    %get3A_989 = arith.constant 32 : index
    %get3A_990 = tpu.vector_load %arg5[%get3A_988, %get3A_989] {strides = array<i32>} : memref<64x64xi32, #tpu.memory_space<vmem>>, vector<16xi32>,
    %add3A_991 = arith.constant 4096 : i32
    %add3A_992 = vector.broadcast %add3A_991 : i32 to vector<16xi32>
    %add3A_993 = arith.addi %get3A_990, %add3A_992 : vector<16xi32>
    tpu.vector_store_idx %arg6[%add3A_993], %broadcast_in_dim3A_6 : memref<65536xf32, #tpu.memory_space<vmem>>[vector<16xi32>], vector<16xf32>,
    %get3A_994 = arith.constant 2 : i32
    %get3A_995 = arith.index_cast %get3A_994 : i32 to index
    %get3A_996 = arith.constant 48 : index
    %get3A_997 = tpu.vector_load %arg5[%get3A_995, %get3A_996] {strides = array<i32>} : memref<64x64xi32, #tpu.memory_space<vmem>>, vector<16xi32>,
    %add3A_998 = arith.constant 4096 : i32
    %add3A_999 = vector.broadcast %add3A_998 : i32 to vector<16xi32>
    %add3A_1000 = arith.addi %get3A_997, %add3A_999 : vector<16xi32>
    tpu.vector_store_idx %arg6[%add3A_1000], %broadcast_in_dim3A_6 : memref<65536xf32, #tpu.memory_space<vmem>>[vector<16xi32>], vector<16xf32>,
    %get3A_1001 = arith.constant 3 : i32
    %get3A_1002 = arith.index_cast %get3A_1001 : i32 to index
    %get3A_1003 = arith.constant 0 : index
    %get3A_1004 = tpu.vector_load %arg5[%get3A_1002, %get3A_1003] {strides = array<i32>} : memref<64x64xi32, #tpu.memory_space<vmem>>, vector<16xi32>,
    %add3A_1005 = arith.constant 6144 : i32
    %add3A_1006 = vector.broadcast %add3A_1005 : i32 to vector<16xi32>
    %add3A_1007 = arith.addi %get3A_1004, %add3A_1006 : vector<16xi32>
    tpu.vector_store_idx %arg6[%add3A_1007], %broadcast_in_dim3A_6 : memref<65536xf32, #tpu.memory_space<vmem>>[vector<16xi32>], vector<16xf32>,
    %get3A_1008 = arith.constant 3 : i32
    %get3A_1009 = arith.index_cast %get3A_1008 : i32 to index
    %get3A_1010 = arith.constant 16 : index
    %get3A_1011 = tpu.vector_load %arg5[%get3A_1009, %get3A_1010] {strides = array<i32>} : memref<64x64xi32, #tpu.memory_space<vmem>>, vector<16xi32>,
    %add3A_1012 = arith.constant 6144 : i32
    %add3A_1013 = vector.broadcast %add3A_1012 : i32 to vector<16xi32>
    %add3A_1014 = arith.addi %get3A_1011, %add3A_1013 : vector<16xi32>
    tpu.vector_store_idx %arg6[%add3A_1014], %broadcast_in_dim3A_6 : memref<65536xf32, #tpu.memory_space<vmem>>[vector<16xi32>], vector<16xf32>,
    %get3A_1015 = arith.constant 3 : i32
    %get3A_1016 = arith.index_cast %get3A_1015 : i32 to index
    %get3A_1017 = arith.constant 32 : index
    %get3A_1018 = tpu.vector_load %arg5[%get3A_1016, %get3A_1017] {strides = array<i32>} : memref<64x64xi32, #tpu.memory_space<vmem>>, vector<16xi32>,
    %add3A_1019 = arith.constant 6144 : i32
    %add3A_1020 = vector.broadcast %add3A_1019 : i32 to vector<16xi32>
    %add3A_1021 = arith.addi %get3A_1018, %add3A_1020 : vector<16xi32>
    tpu.vector_store_idx %arg6[%add3A_1021], %broadcast_in_dim3A_6 : memref<65536xf32, #tpu.memory_space<vmem>>[vector<16xi32>], vector<16xf32>,
    %get3A_1022 = arith.constant 3 : i32
    %get3A_1023 = arith.index_cast %get3A_1022 : i32 to index
    %get3A_1024 = arith.constant 48 : index
    %get3A_1025 = tpu.vector_load %arg5[%get3A_1023, %get3A_1024] {strides = array<i32>} : memref<64x64xi32, #tpu.memory_space<vmem>>, vector<16xi32>,
    %add3A_1026 = arith.constant 6144 : i32
    %add3A_1027 = vector.broadcast %add3A_1026 : i32 to vector<16xi32>
    %add3A_1028 = arith.addi %get3A_1025, %add3A_1027 : vector<16xi32>
    tpu.vector_store_idx %arg6[%add3A_1028], %broadcast_in_dim3A_6 : memref<65536xf32, #tpu.memory_space<vmem>>[vector<16xi32>], vector<16xf32>,
    %get3A_1029 = arith.constant 4 : i32
    %get3A_1030 = arith.index_cast %get3A_1029 : i32 to index
    %get3A_1031 = arith.constant 0 : index
    %get3A_1032 = tpu.vector_load %arg5[%get3A_1030, %get3A_1031] {strides = array<i32>} : memref<64x64xi32, #tpu.memory_space<vmem>>, vector<16xi32>,
    %add3A_1033 = arith.constant 8192 : i32
    %add3A_1034 = vector.broadcast %add3A_1033 : i32 to vector<16xi32>
    %add3A_1035 = arith.addi %get3A_1032, %add3A_1034 : vector<16xi32>
    tpu.vector_store_idx %arg6[%add3A_1035], %broadcast_in_dim3A_6 : memref<65536xf32, #tpu.memory_space<vmem>>[vector<16xi32>], vector<16xf32>,
    %get3A_1036 = arith.constant 4 : i32
    %get3A_1037 = arith.index_cast %get3A_1036 : i32 to index
    %get3A_1038 = arith.constant 16 : index
    %get3A_1039 = tpu.vector_load %arg5[%get3A_1037, %get3A_1038] {strides = array<i32>} : memref<64x64xi32, #tpu.memory_space<vmem>>, vector<16xi32>,
    %add3A_1040 = arith.constant 8192 : i32
    %add3A_1041 = vector.broadcast %add3A_1040 : i32 to vector<16xi32>
    %add3A_1042 = arith.addi %get3A_1039, %add3A_1041 : vector<16xi32>
    tpu.vector_store_idx %arg6[%add3A_1042], %broadcast_in_dim3A_6 : memref<65536xf32, #tpu.memory_space<vmem>>[vector<16xi32>], vector<16xf32>,
    %get3A_1043 = arith.constant 4 : i32
    %get3A_1044 = arith.index_cast %get3A_1043 : i32 to index
    %get3A_1045 = arith.constant 32 : index
    %get3A_1046 = tpu.vector_load %arg5[%get3A_1044, %get3A_1045] {strides = array<i32>} : memref<64x64xi32, #tpu.memory_space<vmem>>, vector<16xi32>,
    %add3A_1047 = arith.constant 8192 : i32
    %add3A_1048 = vector.broadcast %add3A_1047 : i32 to vector<16xi32>
    %add3A_1049 = arith.addi %get3A_1046, %add3A_1048 : vector<16xi32>
    tpu.vector_store_idx %arg6[%add3A_1049], %broadcast_in_dim3A_6 : memref<65536xf32, #tpu.memory_space<vmem>>[vector<16xi32>], vector<16xf32>,
    %get3A_1050 = arith.constant 4 : i32
    %get3A_1051 = arith.index_cast %get3A_1050 : i32 to index
    %get3A_1052 = arith.constant 48 : index
    %get3A_1053 = tpu.vector_load %arg5[%get3A_1051, %get3A_1052] {strides = array<i32>} : memref<64x64xi32, #tpu.memory_space<vmem>>, vector<16xi32>,
    %add3A_1054 = arith.constant 8192 : i32
    %add3A_1055 = vector.broadcast %add3A_1054 : i32 to vector<16xi32>
    %add3A_1056 = arith.addi %get3A_1053, %add3A_1055 : vector<16xi32>
    tpu.vector_store_idx %arg6[%add3A_1056], %broadcast_in_dim3A_6 : memref<65536xf32, #tpu.memory_space<vmem>>[vector<16xi32>], vector<16xf32>,
    %get3A_1057 = arith.constant 5 : i32
    %get3A_1058 = arith.index_cast %get3A_1057 : i32 to index
    %get3A_1059 = arith.constant 0 : index
    %get3A_1060 = tpu.vector_load %arg5[%get3A_1058, %get3A_1059] {strides = array<i32>} : memref<64x64xi32, #tpu.memory_space<vmem>>, vector<16xi32>,
    %add3A_1061 = arith.constant 10240 : i32
    %add3A_1062 = vector.broadcast %add3A_1061 : i32 to vector<16xi32>
    %add3A_1063 = arith.addi %get3A_1060, %add3A_1062 : vector<16xi32>
    tpu.vector_store_idx %arg6[%add3A_1063], %broadcast_in_dim3A_6 : memref<65536xf32, #tpu.memory_space<vmem>>[vector<16xi32>], vector<16xf32>,
    %get3A_1064 = arith.constant 5 : i32
    %get3A_1065 = arith.index_cast %get3A_1064 : i32 to index
    %get3A_1066 = arith.constant 16 : index
    %get3A_1067 = tpu.vector_load %arg5[%get3A_1065, %get3A_1066] {strides = array<i32>} : memref<64x64xi32, #tpu.memory_space<vmem>>, vector<16xi32>,
    %add3A_1068 = arith.constant 10240 : i32
    %add3A_1069 = vector.broadcast %add3A_1068 : i32 to vector<16xi32>
    %add3A_1070 = arith.addi %get3A_1067, %add3A_1069 : vector<16xi32>
    tpu.vector_store_idx %arg6[%add3A_1070], %broadcast_in_dim3A_6 : memref<65536xf32, #tpu.memory_space<vmem>>[vector<16xi32>], vector<16xf32>,
    %get3A_1071 = arith.constant 5 : i32
    %get3A_1072 = arith.index_cast %get3A_1071 : i32 to index
    %get3A_1073 = arith.constant 32 : index
    %get3A_1074 = tpu.vector_load %arg5[%get3A_1072, %get3A_1073] {strides = array<i32>} : memref<64x64xi32, #tpu.memory_space<vmem>>, vector<16xi32>,
    %add3A_1075 = arith.constant 10240 : i32
    %add3A_1076 = vector.broadcast %add3A_1075 : i32 to vector<16xi32>
    %add3A_1077 = arith.addi %get3A_1074, %add3A_1076 : vector<16xi32>
    tpu.vector_store_idx %arg6[%add3A_1077], %broadcast_in_dim3A_6 : memref<65536xf32, #tpu.memory_space<vmem>>[vector<16xi32>], vector<16xf32>,
    %get3A_1078 = arith.constant 5 : i32
    %get3A_1079 = arith.index_cast %get3A_1078 : i32 to index
    %get3A_1080 = arith.constant 48 : index
    %get3A_1081 = tpu.vector_load %arg5[%get3A_1079, %get3A_1080] {strides = array<i32>} : memref<64x64xi32, #tpu.memory_space<vmem>>, vector<16xi32>,
    %add3A_1082 = arith.constant 10240 : i32
    %add3A_1083 = vector.broadcast %add3A_1082 : i32 to vector<16xi32>
    %add3A_1084 = arith.addi %get3A_1081, %add3A_1083 : vector<16xi32>
    tpu.vector_store_idx %arg6[%add3A_1084], %broadcast_in_dim3A_6 : memref<65536xf32, #tpu.memory_space<vmem>>[vector<16xi32>], vector<16xf32>,
    %get3A_1085 = arith.constant 6 : i32
    %get3A_1086 = arith.index_cast %get3A_1085 : i32 to index
    %get3A_1087 = arith.constant 0 : index
    %get3A_1088 = tpu.vector_load %arg5[%get3A_1086, %get3A_1087] {strides = array<i32>} : memref<64x64xi32, #tpu.memory_space<vmem>>, vector<16xi32>,
    %add3A_1089 = arith.constant 12288 : i32
    %add3A_1090 = vector.broadcast %add3A_1089 : i32 to vector<16xi32>
    %add3A_1091 = arith.addi %get3A_1088, %add3A_1090 : vector<16xi32>
    tpu.vector_store_idx %arg6[%add3A_1091], %broadcast_in_dim3A_6 : memref<65536xf32, #tpu.memory_space<vmem>>[vector<16xi32>], vector<16xf32>,
    %get3A_1092 = arith.constant 6 : i32
    %get3A_1093 = arith.index_cast %get3A_1092 : i32 to index
    %get3A_1094 = arith.constant 16 : index
    %get3A_1095 = tpu.vector_load %arg5[%get3A_1093, %get3A_1094] {strides = array<i32>} : memref<64x64xi32, #tpu.memory_space<vmem>>, vector<16xi32>,
    %add3A_1096 = arith.constant 12288 : i32
    %add3A_1097 = vector.broadcast %add3A_1096 : i32 to vector<16xi32>
    %add3A_1098 = arith.addi %get3A_1095, %add3A_1097 : vector<16xi32>
    tpu.vector_store_idx %arg6[%add3A_1098], %broadcast_in_dim3A_6 : memref<65536xf32, #tpu.memory_space<vmem>>[vector<16xi32>], vector<16xf32>,
    %get3A_1099 = arith.constant 6 : i32
    %get3A_1100 = arith.index_cast %get3A_1099 : i32 to index
    %get3A_1101 = arith.constant 32 : index
    %get3A_1102 = tpu.vector_load %arg5[%get3A_1100, %get3A_1101] {strides = array<i32>} : memref<64x64xi32, #tpu.memory_space<vmem>>, vector<16xi32>,
    %add3A_1103 = arith.constant 12288 : i32
    %add3A_1104 = vector.broadcast %add3A_1103 : i32 to vector<16xi32>
    %add3A_1105 = arith.addi %get3A_1102, %add3A_1104 : vector<16xi32>
    tpu.vector_store_idx %arg6[%add3A_1105], %broadcast_in_dim3A_6 : memref<65536xf32, #tpu.memory_space<vmem>>[vector<16xi32>], vector<16xf32>,
    %get3A_1106 = arith.constant 6 : i32
    %get3A_1107 = arith.index_cast %get3A_1106 : i32 to index
    %get3A_1108 = arith.constant 48 : index
    %get3A_1109 = tpu.vector_load %arg5[%get3A_1107, %get3A_1108] {strides = array<i32>} : memref<64x64xi32, #tpu.memory_space<vmem>>, vector<16xi32>,
    %add3A_1110 = arith.constant 12288 : i32
    %add3A_1111 = vector.broadcast %add3A_1110 : i32 to vector<16xi32>
    %add3A_1112 = arith.addi %get3A_1109, %add3A_1111 : vector<16xi32>
    tpu.vector_store_idx %arg6[%add3A_1112], %broadcast_in_dim3A_6 : memref<65536xf32, #tpu.memory_space<vmem>>[vector<16xi32>], vector<16xf32>,
    %get3A_1113 = arith.constant 7 : i32
    %get3A_1114 = arith.index_cast %get3A_1113 : i32 to index
    %get3A_1115 = arith.constant 0 : index
    %get3A_1116 = tpu.vector_load %arg5[%get3A_1114, %get3A_1115] {strides = array<i32>} : memref<64x64xi32, #tpu.memory_space<vmem>>, vector<16xi32>,
    %add3A_1117 = arith.constant 14336 : i32
    %add3A_1118 = vector.broadcast %add3A_1117 : i32 to vector<16xi32>
    %add3A_1119 = arith.addi %get3A_1116, %add3A_1118 : vector<16xi32>
    tpu.vector_store_idx %arg6[%add3A_1119], %broadcast_in_dim3A_6 : memref<65536xf32, #tpu.memory_space<vmem>>[vector<16xi32>], vector<16xf32>,
    %get3A_1120 = arith.constant 7 : i32
    %get3A_1121 = arith.index_cast %get3A_1120 : i32 to index
    %get3A_1122 = arith.constant 16 : index
    %get3A_1123 = tpu.vector_load %arg5[%get3A_1121, %get3A_1122] {strides = array<i32>} : memref<64x64xi32, #tpu.memory_space<vmem>>, vector<16xi32>,
    %add3A_1124 = arith.constant 14336 : i32
    %add3A_1125 = vector.broadcast %add3A_1124 : i32 to vector<16xi32>
    %add3A_1126 = arith.addi %get3A_1123, %add3A_1125 : vector<16xi32>
    tpu.vector_store_idx %arg6[%add3A_1126], %broadcast_in_dim3A_6 : memref<65536xf32, #tpu.memory_space<vmem>>[vector<16xi32>], vector<16xf32>,
    %get3A_1127 = arith.constant 7 : i32
    %get3A_1128 = arith.index_cast %get3A_1127 : i32 to index
    %get3A_1129 = arith.constant 32 : index
    %get3A_1130 = tpu.vector_load %arg5[%get3A_1128, %get3A_1129] {strides = array<i32>} : memref<64x64xi32, #tpu.memory_space<vmem>>, vector<16xi32>,
    %add3A_1131 = arith.constant 14336 : i32
    %add3A_1132 = vector.broadcast %add3A_1131 : i32 to vector<16xi32>
    %add3A_1133 = arith.addi %get3A_1130, %add3A_1132 : vector<16xi32>
    tpu.vector_store_idx %arg6[%add3A_1133], %broadcast_in_dim3A_6 : memref<65536xf32, #tpu.memory_space<vmem>>[vector<16xi32>], vector<16xf32>,
    %get3A_1134 = arith.constant 7 : i32
    %get3A_1135 = arith.index_cast %get3A_1134 : i32 to index
    %get3A_1136 = arith.constant 48 : index
    %get3A_1137 = tpu.vector_load %arg5[%get3A_1135, %get3A_1136] {strides = array<i32>} : memref<64x64xi32, #tpu.memory_space<vmem>>, vector<16xi32>,
    %add3A_1138 = arith.constant 14336 : i32
    %add3A_1139 = vector.broadcast %add3A_1138 : i32 to vector<16xi32>
    %add3A_1140 = arith.addi %get3A_1137, %add3A_1139 : vector<16xi32>
    tpu.vector_store_idx %arg6[%add3A_1140], %broadcast_in_dim3A_6 : memref<65536xf32, #tpu.memory_space<vmem>>[vector<16xi32>], vector<16xf32>,
    %get3A_1141 = arith.constant 8 : i32
    %get3A_1142 = arith.index_cast %get3A_1141 : i32 to index
    %get3A_1143 = arith.constant 0 : index
    %get3A_1144 = tpu.vector_load %arg5[%get3A_1142, %get3A_1143] {strides = array<i32>} : memref<64x64xi32, #tpu.memory_space<vmem>>, vector<16xi32>,
    %add3A_1145 = arith.constant 16384 : i32
    %add3A_1146 = vector.broadcast %add3A_1145 : i32 to vector<16xi32>
    %add3A_1147 = arith.addi %get3A_1144, %add3A_1146 : vector<16xi32>
    tpu.vector_store_idx %arg6[%add3A_1147], %broadcast_in_dim3A_6 : memref<65536xf32, #tpu.memory_space<vmem>>[vector<16xi32>], vector<16xf32>,
    %get3A_1148 = arith.constant 8 : i32
    %get3A_1149 = arith.index_cast %get3A_1148 : i32 to index
    %get3A_1150 = arith.constant 16 : index
    %get3A_1151 = tpu.vector_load %arg5[%get3A_1149, %get3A_1150] {strides = array<i32>} : memref<64x64xi32, #tpu.memory_space<vmem>>, vector<16xi32>,
    %add3A_1152 = arith.constant 16384 : i32
    %add3A_1153 = vector.broadcast %add3A_1152 : i32 to vector<16xi32>
    %add3A_1154 = arith.addi %get3A_1151, %add3A_1153 : vector<16xi32>
    tpu.vector_store_idx %arg6[%add3A_1154], %broadcast_in_dim3A_6 : memref<65536xf32, #tpu.memory_space<vmem>>[vector<16xi32>], vector<16xf32>,
    %get3A_1155 = arith.constant 8 : i32
    %get3A_1156 = arith.index_cast %get3A_1155 : i32 to index
    %get3A_1157 = arith.constant 32 : index
    %get3A_1158 = tpu.vector_load %arg5[%get3A_1156, %get3A_1157] {strides = array<i32>} : memref<64x64xi32, #tpu.memory_space<vmem>>, vector<16xi32>,
    %add3A_1159 = arith.constant 16384 : i32
    %add3A_1160 = vector.broadcast %add3A_1159 : i32 to vector<16xi32>
    %add3A_1161 = arith.addi %get3A_1158, %add3A_1160 : vector<16xi32>
    tpu.vector_store_idx %arg6[%add3A_1161], %broadcast_in_dim3A_6 : memref<65536xf32, #tpu.memory_space<vmem>>[vector<16xi32>], vector<16xf32>,
    %get3A_1162 = arith.constant 8 : i32
    %get3A_1163 = arith.index_cast %get3A_1162 : i32 to index
    %get3A_1164 = arith.constant 48 : index
    %get3A_1165 = tpu.vector_load %arg5[%get3A_1163, %get3A_1164] {strides = array<i32>} : memref<64x64xi32, #tpu.memory_space<vmem>>, vector<16xi32>,
    %add3A_1166 = arith.constant 16384 : i32
    %add3A_1167 = vector.broadcast %add3A_1166 : i32 to vector<16xi32>
    %add3A_1168 = arith.addi %get3A_1165, %add3A_1167 : vector<16xi32>
    tpu.vector_store_idx %arg6[%add3A_1168], %broadcast_in_dim3A_6 : memref<65536xf32, #tpu.memory_space<vmem>>[vector<16xi32>], vector<16xf32>,
    %get3A_1169 = arith.constant 9 : i32
    %get3A_1170 = arith.index_cast %get3A_1169 : i32 to index
    %get3A_1171 = arith.constant 0 : index
    %get3A_1172 = tpu.vector_load %arg5[%get3A_1170, %get3A_1171] {strides = array<i32>} : memref<64x64xi32, #tpu.memory_space<vmem>>, vector<16xi32>,
    %add3A_1173 = arith.constant 18432 : i32
    %add3A_1174 = vector.broadcast %add3A_1173 : i32 to vector<16xi32>
    %add3A_1175 = arith.addi %get3A_1172, %add3A_1174 : vector<16xi32>
    tpu.vector_store_idx %arg6[%add3A_1175], %broadcast_in_dim3A_6 : memref<65536xf32, #tpu.memory_space<vmem>>[vector<16xi32>], vector<16xf32>,
    %get3A_1176 = arith.constant 9 : i32
    %get3A_1177 = arith.index_cast %get3A_1176 : i32 to index
    %get3A_1178 = arith.constant 16 : index
    %get3A_1179 = tpu.vector_load %arg5[%get3A_1177, %get3A_1178] {strides = array<i32>} : memref<64x64xi32, #tpu.memory_space<vmem>>, vector<16xi32>,
    %add3A_1180 = arith.constant 18432 : i32
    %add3A_1181 = vector.broadcast %add3A_1180 : i32 to vector<16xi32>
    %add3A_1182 = arith.addi %get3A_1179, %add3A_1181 : vector<16xi32>
    tpu.vector_store_idx %arg6[%add3A_1182], %broadcast_in_dim3A_6 : memref<65536xf32, #tpu.memory_space<vmem>>[vector<16xi32>], vector<16xf32>,
    %get3A_1183 = arith.constant 9 : i32
    %get3A_1184 = arith.index_cast %get3A_1183 : i32 to index
    %get3A_1185 = arith.constant 32 : index
    %get3A_1186 = tpu.vector_load %arg5[%get3A_1184, %get3A_1185] {strides = array<i32>} : memref<64x64xi32, #tpu.memory_space<vmem>>, vector<16xi32>,
    %add3A_1187 = arith.constant 18432 : i32
    %add3A_1188 = vector.broadcast %add3A_1187 : i32 to vector<16xi32>
    %add3A_1189 = arith.addi %get3A_1186, %add3A_1188 : vector<16xi32>
    tpu.vector_store_idx %arg6[%add3A_1189], %broadcast_in_dim3A_6 : memref<65536xf32, #tpu.memory_space<vmem>>[vector<16xi32>], vector<16xf32>,
    %get3A_1190 = arith.constant 9 : i32
    %get3A_1191 = arith.index_cast %get3A_1190 : i32 to index
    %get3A_1192 = arith.constant 48 : index
    %get3A_1193 = tpu.vector_load %arg5[%get3A_1191, %get3A_1192] {strides = array<i32>} : memref<64x64xi32, #tpu.memory_space<vmem>>, vector<16xi32>,
    %add3A_1194 = arith.constant 18432 : i32
    %add3A_1195 = vector.broadcast %add3A_1194 : i32 to vector<16xi32>
    %add3A_1196 = arith.addi %get3A_1193, %add3A_1195 : vector<16xi32>
    tpu.vector_store_idx %arg6[%add3A_1196], %broadcast_in_dim3A_6 : memref<65536xf32, #tpu.memory_space<vmem>>[vector<16xi32>], vector<16xf32>,
    %get3A_1197 = arith.constant 10 : i32
    %get3A_1198 = arith.index_cast %get3A_1197 : i32 to index
    %get3A_1199 = arith.constant 0 : index
    %get3A_1200 = tpu.vector_load %arg5[%get3A_1198, %get3A_1199] {strides = array<i32>} : memref<64x64xi32, #tpu.memory_space<vmem>>, vector<16xi32>,
    %add3A_1201 = arith.constant 20480 : i32
    %add3A_1202 = vector.broadcast %add3A_1201 : i32 to vector<16xi32>
    %add3A_1203 = arith.addi %get3A_1200, %add3A_1202 : vector<16xi32>
    tpu.vector_store_idx %arg6[%add3A_1203], %broadcast_in_dim3A_6 : memref<65536xf32, #tpu.memory_space<vmem>>[vector<16xi32>], vector<16xf32>,
    %get3A_1204 = arith.constant 10 : i32
    %get3A_1205 = arith.index_cast %get3A_1204 : i32 to index
    %get3A_1206 = arith.constant 16 : index
    %get3A_1207 = tpu.vector_load %arg5[%get3A_1205, %get3A_1206] {strides = array<i32>} : memref<64x64xi32, #tpu.memory_space<vmem>>, vector<16xi32>,
    %add3A_1208 = arith.constant 20480 : i32
    %add3A_1209 = vector.broadcast %add3A_1208 : i32 to vector<16xi32>
    %add3A_1210 = arith.addi %get3A_1207, %add3A_1209 : vector<16xi32>
    tpu.vector_store_idx %arg6[%add3A_1210], %broadcast_in_dim3A_6 : memref<65536xf32, #tpu.memory_space<vmem>>[vector<16xi32>], vector<16xf32>,
    %get3A_1211 = arith.constant 10 : i32
    %get3A_1212 = arith.index_cast %get3A_1211 : i32 to index
    %get3A_1213 = arith.constant 32 : index
    %get3A_1214 = tpu.vector_load %arg5[%get3A_1212, %get3A_1213] {strides = array<i32>} : memref<64x64xi32, #tpu.memory_space<vmem>>, vector<16xi32>,
    %add3A_1215 = arith.constant 20480 : i32
    %add3A_1216 = vector.broadcast %add3A_1215 : i32 to vector<16xi32>
    %add3A_1217 = arith.addi %get3A_1214, %add3A_1216 : vector<16xi32>
    tpu.vector_store_idx %arg6[%add3A_1217], %broadcast_in_dim3A_6 : memref<65536xf32, #tpu.memory_space<vmem>>[vector<16xi32>], vector<16xf32>,
    %get3A_1218 = arith.constant 10 : i32
    %get3A_1219 = arith.index_cast %get3A_1218 : i32 to index
    %get3A_1220 = arith.constant 48 : index
    %get3A_1221 = tpu.vector_load %arg5[%get3A_1219, %get3A_1220] {strides = array<i32>} : memref<64x64xi32, #tpu.memory_space<vmem>>, vector<16xi32>,
    %add3A_1222 = arith.constant 20480 : i32
    %add3A_1223 = vector.broadcast %add3A_1222 : i32 to vector<16xi32>
    %add3A_1224 = arith.addi %get3A_1221, %add3A_1223 : vector<16xi32>
    tpu.vector_store_idx %arg6[%add3A_1224], %broadcast_in_dim3A_6 : memref<65536xf32, #tpu.memory_space<vmem>>[vector<16xi32>], vector<16xf32>,
    %get3A_1225 = arith.constant 11 : i32
    %get3A_1226 = arith.index_cast %get3A_1225 : i32 to index
    %get3A_1227 = arith.constant 0 : index
    %get3A_1228 = tpu.vector_load %arg5[%get3A_1226, %get3A_1227] {strides = array<i32>} : memref<64x64xi32, #tpu.memory_space<vmem>>, vector<16xi32>,
    %add3A_1229 = arith.constant 22528 : i32
    %add3A_1230 = vector.broadcast %add3A_1229 : i32 to vector<16xi32>
    %add3A_1231 = arith.addi %get3A_1228, %add3A_1230 : vector<16xi32>
    tpu.vector_store_idx %arg6[%add3A_1231], %broadcast_in_dim3A_6 : memref<65536xf32, #tpu.memory_space<vmem>>[vector<16xi32>], vector<16xf32>,
    %get3A_1232 = arith.constant 11 : i32
    %get3A_1233 = arith.index_cast %get3A_1232 : i32 to index
    %get3A_1234 = arith.constant 16 : index
    %get3A_1235 = tpu.vector_load %arg5[%get3A_1233, %get3A_1234] {strides = array<i32>} : memref<64x64xi32, #tpu.memory_space<vmem>>, vector<16xi32>,
    %add3A_1236 = arith.constant 22528 : i32
    %add3A_1237 = vector.broadcast %add3A_1236 : i32 to vector<16xi32>
    %add3A_1238 = arith.addi %get3A_1235, %add3A_1237 : vector<16xi32>
    tpu.vector_store_idx %arg6[%add3A_1238], %broadcast_in_dim3A_6 : memref<65536xf32, #tpu.memory_space<vmem>>[vector<16xi32>], vector<16xf32>,
    %get3A_1239 = arith.constant 11 : i32
    %get3A_1240 = arith.index_cast %get3A_1239 : i32 to index
    %get3A_1241 = arith.constant 32 : index
    %get3A_1242 = tpu.vector_load %arg5[%get3A_1240, %get3A_1241] {strides = array<i32>} : memref<64x64xi32, #tpu.memory_space<vmem>>, vector<16xi32>,
    %add3A_1243 = arith.constant 22528 : i32
    %add3A_1244 = vector.broadcast %add3A_1243 : i32 to vector<16xi32>
    %add3A_1245 = arith.addi %get3A_1242, %add3A_1244 : vector<16xi32>
    tpu.vector_store_idx %arg6[%add3A_1245], %broadcast_in_dim3A_6 : memref<65536xf32, #tpu.memory_space<vmem>>[vector<16xi32>], vector<16xf32>,
    %get3A_1246 = arith.constant 11 : i32
    %get3A_1247 = arith.index_cast %get3A_1246 : i32 to index
    %get3A_1248 = arith.constant 48 : index
    %get3A_1249 = tpu.vector_load %arg5[%get3A_1247, %get3A_1248] {strides = array<i32>} : memref<64x64xi32, #tpu.memory_space<vmem>>, vector<16xi32>,
    %add3A_1250 = arith.constant 22528 : i32
    %add3A_1251 = vector.broadcast %add3A_1250 : i32 to vector<16xi32>
    %add3A_1252 = arith.addi %get3A_1249, %add3A_1251 : vector<16xi32>
    tpu.vector_store_idx %arg6[%add3A_1252], %broadcast_in_dim3A_6 : memref<65536xf32, #tpu.memory_space<vmem>>[vector<16xi32>], vector<16xf32>,
    %get3A_1253 = arith.constant 12 : i32
    %get3A_1254 = arith.index_cast %get3A_1253 : i32 to index
    %get3A_1255 = arith.constant 0 : index
    %get3A_1256 = tpu.vector_load %arg5[%get3A_1254, %get3A_1255] {strides = array<i32>} : memref<64x64xi32, #tpu.memory_space<vmem>>, vector<16xi32>,
    %add3A_1257 = arith.constant 24576 : i32
    %add3A_1258 = vector.broadcast %add3A_1257 : i32 to vector<16xi32>
    %add3A_1259 = arith.addi %get3A_1256, %add3A_1258 : vector<16xi32>
    tpu.vector_store_idx %arg6[%add3A_1259], %broadcast_in_dim3A_6 : memref<65536xf32, #tpu.memory_space<vmem>>[vector<16xi32>], vector<16xf32>,
    %get3A_1260 = arith.constant 12 : i32
    %get3A_1261 = arith.index_cast %get3A_1260 : i32 to index
    %get3A_1262 = arith.constant 16 : index
    %get3A_1263 = tpu.vector_load %arg5[%get3A_1261, %get3A_1262] {strides = array<i32>} : memref<64x64xi32, #tpu.memory_space<vmem>>, vector<16xi32>,
    %add3A_1264 = arith.constant 24576 : i32
    %add3A_1265 = vector.broadcast %add3A_1264 : i32 to vector<16xi32>
    %add3A_1266 = arith.addi %get3A_1263, %add3A_1265 : vector<16xi32>
    tpu.vector_store_idx %arg6[%add3A_1266], %broadcast_in_dim3A_6 : memref<65536xf32, #tpu.memory_space<vmem>>[vector<16xi32>], vector<16xf32>,
    %get3A_1267 = arith.constant 12 : i32
    %get3A_1268 = arith.index_cast %get3A_1267 : i32 to index
    %get3A_1269 = arith.constant 32 : index
    %get3A_1270 = tpu.vector_load %arg5[%get3A_1268, %get3A_1269] {strides = array<i32>} : memref<64x64xi32, #tpu.memory_space<vmem>>, vector<16xi32>,
    %add3A_1271 = arith.constant 24576 : i32
    %add3A_1272 = vector.broadcast %add3A_1271 : i32 to vector<16xi32>
    %add3A_1273 = arith.addi %get3A_1270, %add3A_1272 : vector<16xi32>
    tpu.vector_store_idx %arg6[%add3A_1273], %broadcast_in_dim3A_6 : memref<65536xf32, #tpu.memory_space<vmem>>[vector<16xi32>], vector<16xf32>,
    %get3A_1274 = arith.constant 12 : i32
    %get3A_1275 = arith.index_cast %get3A_1274 : i32 to index
    %get3A_1276 = arith.constant 48 : index
    %get3A_1277 = tpu.vector_load %arg5[%get3A_1275, %get3A_1276] {strides = array<i32>} : memref<64x64xi32, #tpu.memory_space<vmem>>, vector<16xi32>,
    %add3A_1278 = arith.constant 24576 : i32
    %add3A_1279 = vector.broadcast %add3A_1278 : i32 to vector<16xi32>
    %add3A_1280 = arith.addi %get3A_1277, %add3A_1279 : vector<16xi32>
    tpu.vector_store_idx %arg6[%add3A_1280], %broadcast_in_dim3A_6 : memref<65536xf32, #tpu.memory_space<vmem>>[vector<16xi32>], vector<16xf32>,
    %get3A_1281 = arith.constant 13 : i32
    %get3A_1282 = arith.index_cast %get3A_1281 : i32 to index
    %get3A_1283 = arith.constant 0 : index
    %get3A_1284 = tpu.vector_load %arg5[%get3A_1282, %get3A_1283] {strides = array<i32>} : memref<64x64xi32, #tpu.memory_space<vmem>>, vector<16xi32>,
    %add3A_1285 = arith.constant 26624 : i32
    %add3A_1286 = vector.broadcast %add3A_1285 : i32 to vector<16xi32>
    %add3A_1287 = arith.addi %get3A_1284, %add3A_1286 : vector<16xi32>
    tpu.vector_store_idx %arg6[%add3A_1287], %broadcast_in_dim3A_6 : memref<65536xf32, #tpu.memory_space<vmem>>[vector<16xi32>], vector<16xf32>,
    %get3A_1288 = arith.constant 13 : i32
    %get3A_1289 = arith.index_cast %get3A_1288 : i32 to index
    %get3A_1290 = arith.constant 16 : index
    %get3A_1291 = tpu.vector_load %arg5[%get3A_1289, %get3A_1290] {strides = array<i32>} : memref<64x64xi32, #tpu.memory_space<vmem>>, vector<16xi32>,
    %add3A_1292 = arith.constant 26624 : i32
    %add3A_1293 = vector.broadcast %add3A_1292 : i32 to vector<16xi32>
    %add3A_1294 = arith.addi %get3A_1291, %add3A_1293 : vector<16xi32>
    tpu.vector_store_idx %arg6[%add3A_1294], %broadcast_in_dim3A_6 : memref<65536xf32, #tpu.memory_space<vmem>>[vector<16xi32>], vector<16xf32>,
    %get3A_1295 = arith.constant 13 : i32
    %get3A_1296 = arith.index_cast %get3A_1295 : i32 to index
    %get3A_1297 = arith.constant 32 : index
    %get3A_1298 = tpu.vector_load %arg5[%get3A_1296, %get3A_1297] {strides = array<i32>} : memref<64x64xi32, #tpu.memory_space<vmem>>, vector<16xi32>,
    %add3A_1299 = arith.constant 26624 : i32
    %add3A_1300 = vector.broadcast %add3A_1299 : i32 to vector<16xi32>
    %add3A_1301 = arith.addi %get3A_1298, %add3A_1300 : vector<16xi32>
    tpu.vector_store_idx %arg6[%add3A_1301], %broadcast_in_dim3A_6 : memref<65536xf32, #tpu.memory_space<vmem>>[vector<16xi32>], vector<16xf32>,
    %get3A_1302 = arith.constant 13 : i32
    %get3A_1303 = arith.index_cast %get3A_1302 : i32 to index
    %get3A_1304 = arith.constant 48 : index
    %get3A_1305 = tpu.vector_load %arg5[%get3A_1303, %get3A_1304] {strides = array<i32>} : memref<64x64xi32, #tpu.memory_space<vmem>>, vector<16xi32>,
    %add3A_1306 = arith.constant 26624 : i32
    %add3A_1307 = vector.broadcast %add3A_1306 : i32 to vector<16xi32>
    %add3A_1308 = arith.addi %get3A_1305, %add3A_1307 : vector<16xi32>
    tpu.vector_store_idx %arg6[%add3A_1308], %broadcast_in_dim3A_6 : memref<65536xf32, #tpu.memory_space<vmem>>[vector<16xi32>], vector<16xf32>,
    %get3A_1309 = arith.constant 14 : i32
    %get3A_1310 = arith.index_cast %get3A_1309 : i32 to index
    %get3A_1311 = arith.constant 0 : index
    %get3A_1312 = tpu.vector_load %arg5[%get3A_1310, %get3A_1311] {strides = array<i32>} : memref<64x64xi32, #tpu.memory_space<vmem>>, vector<16xi32>,
    %add3A_1313 = arith.constant 28672 : i32
    %add3A_1314 = vector.broadcast %add3A_1313 : i32 to vector<16xi32>
    %add3A_1315 = arith.addi %get3A_1312, %add3A_1314 : vector<16xi32>
    tpu.vector_store_idx %arg6[%add3A_1315], %broadcast_in_dim3A_6 : memref<65536xf32, #tpu.memory_space<vmem>>[vector<16xi32>], vector<16xf32>,
    %get3A_1316 = arith.constant 14 : i32
    %get3A_1317 = arith.index_cast %get3A_1316 : i32 to index
    %get3A_1318 = arith.constant 16 : index
    %get3A_1319 = tpu.vector_load %arg5[%get3A_1317, %get3A_1318] {strides = array<i32>} : memref<64x64xi32, #tpu.memory_space<vmem>>, vector<16xi32>,
    %add3A_1320 = arith.constant 28672 : i32
    %add3A_1321 = vector.broadcast %add3A_1320 : i32 to vector<16xi32>
    %add3A_1322 = arith.addi %get3A_1319, %add3A_1321 : vector<16xi32>
    tpu.vector_store_idx %arg6[%add3A_1322], %broadcast_in_dim3A_6 : memref<65536xf32, #tpu.memory_space<vmem>>[vector<16xi32>], vector<16xf32>,
    %get3A_1323 = arith.constant 14 : i32
    %get3A_1324 = arith.index_cast %get3A_1323 : i32 to index
    %get3A_1325 = arith.constant 32 : index
    %get3A_1326 = tpu.vector_load %arg5[%get3A_1324, %get3A_1325] {strides = array<i32>} : memref<64x64xi32, #tpu.memory_space<vmem>>, vector<16xi32>,
    %add3A_1327 = arith.constant 28672 : i32
    %add3A_1328 = vector.broadcast %add3A_1327 : i32 to vector<16xi32>
    %add3A_1329 = arith.addi %get3A_1326, %add3A_1328 : vector<16xi32>
    tpu.vector_store_idx %arg6[%add3A_1329], %broadcast_in_dim3A_6 : memref<65536xf32, #tpu.memory_space<vmem>>[vector<16xi32>], vector<16xf32>,
    %get3A_1330 = arith.constant 14 : i32
    %get3A_1331 = arith.index_cast %get3A_1330 : i32 to index
    %get3A_1332 = arith.constant 48 : index
    %get3A_1333 = tpu.vector_load %arg5[%get3A_1331, %get3A_1332] {strides = array<i32>} : memref<64x64xi32, #tpu.memory_space<vmem>>, vector<16xi32>,
    %add3A_1334 = arith.constant 28672 : i32
    %add3A_1335 = vector.broadcast %add3A_1334 : i32 to vector<16xi32>
    %add3A_1336 = arith.addi %get3A_1333, %add3A_1335 : vector<16xi32>
    tpu.vector_store_idx %arg6[%add3A_1336], %broadcast_in_dim3A_6 : memref<65536xf32, #tpu.memory_space<vmem>>[vector<16xi32>], vector<16xf32>,
    %get3A_1337 = arith.constant 15 : i32
    %get3A_1338 = arith.index_cast %get3A_1337 : i32 to index
    %get3A_1339 = arith.constant 0 : index
    %get3A_1340 = tpu.vector_load %arg5[%get3A_1338, %get3A_1339] {strides = array<i32>} : memref<64x64xi32, #tpu.memory_space<vmem>>, vector<16xi32>,
    %add3A_1341 = arith.constant 30720 : i32
    %add3A_1342 = vector.broadcast %add3A_1341 : i32 to vector<16xi32>
    %add3A_1343 = arith.addi %get3A_1340, %add3A_1342 : vector<16xi32>
    tpu.vector_store_idx %arg6[%add3A_1343], %broadcast_in_dim3A_6 : memref<65536xf32, #tpu.memory_space<vmem>>[vector<16xi32>], vector<16xf32>,
    %get3A_1344 = arith.constant 15 : i32
    %get3A_1345 = arith.index_cast %get3A_1344 : i32 to index
    %get3A_1346 = arith.constant 16 : index
    %get3A_1347 = tpu.vector_load %arg5[%get3A_1345, %get3A_1346] {strides = array<i32>} : memref<64x64xi32, #tpu.memory_space<vmem>>, vector<16xi32>,
    %add3A_1348 = arith.constant 30720 : i32
    %add3A_1349 = vector.broadcast %add3A_1348 : i32 to vector<16xi32>
    %add3A_1350 = arith.addi %get3A_1347, %add3A_1349 : vector<16xi32>
    tpu.vector_store_idx %arg6[%add3A_1350], %broadcast_in_dim3A_6 : memref<65536xf32, #tpu.memory_space<vmem>>[vector<16xi32>], vector<16xf32>,
    %get3A_1351 = arith.constant 15 : i32
    %get3A_1352 = arith.index_cast %get3A_1351 : i32 to index
    %get3A_1353 = arith.constant 32 : index
    %get3A_1354 = tpu.vector_load %arg5[%get3A_1352, %get3A_1353] {strides = array<i32>} : memref<64x64xi32, #tpu.memory_space<vmem>>, vector<16xi32>,
    %add3A_1355 = arith.constant 30720 : i32
    %add3A_1356 = vector.broadcast %add3A_1355 : i32 to vector<16xi32>
    %add3A_1357 = arith.addi %get3A_1354, %add3A_1356 : vector<16xi32>
    tpu.vector_store_idx %arg6[%add3A_1357], %broadcast_in_dim3A_6 : memref<65536xf32, #tpu.memory_space<vmem>>[vector<16xi32>], vector<16xf32>,
    %get3A_1358 = arith.constant 15 : i32
    %get3A_1359 = arith.index_cast %get3A_1358 : i32 to index
    %get3A_1360 = arith.constant 48 : index
    %get3A_1361 = tpu.vector_load %arg5[%get3A_1359, %get3A_1360] {strides = array<i32>} : memref<64x64xi32, #tpu.memory_space<vmem>>, vector<16xi32>,
    %add3A_1362 = arith.constant 30720 : i32
    %add3A_1363 = vector.broadcast %add3A_1362 : i32 to vector<16xi32>
    %add3A_1364 = arith.addi %get3A_1361, %add3A_1363 : vector<16xi32>
    tpu.vector_store_idx %arg6[%add3A_1364], %broadcast_in_dim3A_6 : memref<65536xf32, #tpu.memory_space<vmem>>[vector<16xi32>], vector<16xf32>,
    %get3A_1365 = arith.constant 16 : i32
    %get3A_1366 = arith.index_cast %get3A_1365 : i32 to index
    %get3A_1367 = arith.constant 0 : index
    %get3A_1368 = tpu.vector_load %arg5[%get3A_1366, %get3A_1367] {strides = array<i32>} : memref<64x64xi32, #tpu.memory_space<vmem>>, vector<16xi32>,
    %add3A_1369 = arith.constant 32768 : i32
    %add3A_1370 = vector.broadcast %add3A_1369 : i32 to vector<16xi32>
    %add3A_1371 = arith.addi %get3A_1368, %add3A_1370 : vector<16xi32>
    tpu.vector_store_idx %arg6[%add3A_1371], %broadcast_in_dim3A_6 : memref<65536xf32, #tpu.memory_space<vmem>>[vector<16xi32>], vector<16xf32>,
    %get3A_1372 = arith.constant 16 : i32
    %get3A_1373 = arith.index_cast %get3A_1372 : i32 to index
    %get3A_1374 = arith.constant 16 : index
    %get3A_1375 = tpu.vector_load %arg5[%get3A_1373, %get3A_1374] {strides = array<i32>} : memref<64x64xi32, #tpu.memory_space<vmem>>, vector<16xi32>,
    %add3A_1376 = arith.constant 32768 : i32
    %add3A_1377 = vector.broadcast %add3A_1376 : i32 to vector<16xi32>
    %add3A_1378 = arith.addi %get3A_1375, %add3A_1377 : vector<16xi32>
    tpu.vector_store_idx %arg6[%add3A_1378], %broadcast_in_dim3A_6 : memref<65536xf32, #tpu.memory_space<vmem>>[vector<16xi32>], vector<16xf32>,
    %get3A_1379 = arith.constant 16 : i32
    %get3A_1380 = arith.index_cast %get3A_1379 : i32 to index
    %get3A_1381 = arith.constant 32 : index
    %get3A_1382 = tpu.vector_load %arg5[%get3A_1380, %get3A_1381] {strides = array<i32>} : memref<64x64xi32, #tpu.memory_space<vmem>>, vector<16xi32>,
    %add3A_1383 = arith.constant 32768 : i32
    %add3A_1384 = vector.broadcast %add3A_1383 : i32 to vector<16xi32>
    %add3A_1385 = arith.addi %get3A_1382, %add3A_1384 : vector<16xi32>
    tpu.vector_store_idx %arg6[%add3A_1385], %broadcast_in_dim3A_6 : memref<65536xf32, #tpu.memory_space<vmem>>[vector<16xi32>], vector<16xf32>,
    %get3A_1386 = arith.constant 16 : i32
    %get3A_1387 = arith.index_cast %get3A_1386 : i32 to index
    %get3A_1388 = arith.constant 48 : index
    %get3A_1389 = tpu.vector_load %arg5[%get3A_1387, %get3A_1388] {strides = array<i32>} : memref<64x64xi32, #tpu.memory_space<vmem>>, vector<16xi32>,
    %add3A_1390 = arith.constant 32768 : i32
    %add3A_1391 = vector.broadcast %add3A_1390 : i32 to vector<16xi32>
    %add3A_1392 = arith.addi %get3A_1389, %add3A_1391 : vector<16xi32>
    tpu.vector_store_idx %arg6[%add3A_1392], %broadcast_in_dim3A_6 : memref<65536xf32, #tpu.memory_space<vmem>>[vector<16xi32>], vector<16xf32>,
    %get3A_1393 = arith.constant 17 : i32
    %get3A_1394 = arith.index_cast %get3A_1393 : i32 to index
    %get3A_1395 = arith.constant 0 : index
    %get3A_1396 = tpu.vector_load %arg5[%get3A_1394, %get3A_1395] {strides = array<i32>} : memref<64x64xi32, #tpu.memory_space<vmem>>, vector<16xi32>,
    %add3A_1397 = arith.constant 34816 : i32
    %add3A_1398 = vector.broadcast %add3A_1397 : i32 to vector<16xi32>
    %add3A_1399 = arith.addi %get3A_1396, %add3A_1398 : vector<16xi32>
    tpu.vector_store_idx %arg6[%add3A_1399], %broadcast_in_dim3A_6 : memref<65536xf32, #tpu.memory_space<vmem>>[vector<16xi32>], vector<16xf32>,
    %get3A_1400 = arith.constant 17 : i32
    %get3A_1401 = arith.index_cast %get3A_1400 : i32 to index
    %get3A_1402 = arith.constant 16 : index
    %get3A_1403 = tpu.vector_load %arg5[%get3A_1401, %get3A_1402] {strides = array<i32>} : memref<64x64xi32, #tpu.memory_space<vmem>>, vector<16xi32>,
    %add3A_1404 = arith.constant 34816 : i32
    %add3A_1405 = vector.broadcast %add3A_1404 : i32 to vector<16xi32>
    %add3A_1406 = arith.addi %get3A_1403, %add3A_1405 : vector<16xi32>
    tpu.vector_store_idx %arg6[%add3A_1406], %broadcast_in_dim3A_6 : memref<65536xf32, #tpu.memory_space<vmem>>[vector<16xi32>], vector<16xf32>,
    %get3A_1407 = arith.constant 17 : i32
    %get3A_1408 = arith.index_cast %get3A_1407 : i32 to index
    %get3A_1409 = arith.constant 32 : index
    %get3A_1410 = tpu.vector_load %arg5[%get3A_1408, %get3A_1409] {strides = array<i32>} : memref<64x64xi32, #tpu.memory_space<vmem>>, vector<16xi32>,
    %add3A_1411 = arith.constant 34816 : i32
    %add3A_1412 = vector.broadcast %add3A_1411 : i32 to vector<16xi32>
    %add3A_1413 = arith.addi %get3A_1410, %add3A_1412 : vector<16xi32>
    tpu.vector_store_idx %arg6[%add3A_1413], %broadcast_in_dim3A_6 : memref<65536xf32, #tpu.memory_space<vmem>>[vector<16xi32>], vector<16xf32>,
    %get3A_1414 = arith.constant 17 : i32
    %get3A_1415 = arith.index_cast %get3A_1414 : i32 to index
    %get3A_1416 = arith.constant 48 : index
    %get3A_1417 = tpu.vector_load %arg5[%get3A_1415, %get3A_1416] {strides = array<i32>} : memref<64x64xi32, #tpu.memory_space<vmem>>, vector<16xi32>,
    %add3A_1418 = arith.constant 34816 : i32
    %add3A_1419 = vector.broadcast %add3A_1418 : i32 to vector<16xi32>
    %add3A_1420 = arith.addi %get3A_1417, %add3A_1419 : vector<16xi32>
    tpu.vector_store_idx %arg6[%add3A_1420], %broadcast_in_dim3A_6 : memref<65536xf32, #tpu.memory_space<vmem>>[vector<16xi32>], vector<16xf32>,
    %get3A_1421 = arith.constant 18 : i32
    %get3A_1422 = arith.index_cast %get3A_1421 : i32 to index
    %get3A_1423 = arith.constant 0 : index
    %get3A_1424 = tpu.vector_load %arg5[%get3A_1422, %get3A_1423] {strides = array<i32>} : memref<64x64xi32, #tpu.memory_space<vmem>>, vector<16xi32>,
    %add3A_1425 = arith.constant 36864 : i32
    %add3A_1426 = vector.broadcast %add3A_1425 : i32 to vector<16xi32>
    %add3A_1427 = arith.addi %get3A_1424, %add3A_1426 : vector<16xi32>
    tpu.vector_store_idx %arg6[%add3A_1427], %broadcast_in_dim3A_6 : memref<65536xf32, #tpu.memory_space<vmem>>[vector<16xi32>], vector<16xf32>,
    %get3A_1428 = arith.constant 18 : i32
    %get3A_1429 = arith.index_cast %get3A_1428 : i32 to index
    %get3A_1430 = arith.constant 16 : index
    %get3A_1431 = tpu.vector_load %arg5[%get3A_1429, %get3A_1430] {strides = array<i32>} : memref<64x64xi32, #tpu.memory_space<vmem>>, vector<16xi32>,
    %add3A_1432 = arith.constant 36864 : i32
    %add3A_1433 = vector.broadcast %add3A_1432 : i32 to vector<16xi32>
    %add3A_1434 = arith.addi %get3A_1431, %add3A_1433 : vector<16xi32>
    tpu.vector_store_idx %arg6[%add3A_1434], %broadcast_in_dim3A_6 : memref<65536xf32, #tpu.memory_space<vmem>>[vector<16xi32>], vector<16xf32>,
    %get3A_1435 = arith.constant 18 : i32
    %get3A_1436 = arith.index_cast %get3A_1435 : i32 to index
    %get3A_1437 = arith.constant 32 : index
    %get3A_1438 = tpu.vector_load %arg5[%get3A_1436, %get3A_1437] {strides = array<i32>} : memref<64x64xi32, #tpu.memory_space<vmem>>, vector<16xi32>,
    %add3A_1439 = arith.constant 36864 : i32
    %add3A_1440 = vector.broadcast %add3A_1439 : i32 to vector<16xi32>
    %add3A_1441 = arith.addi %get3A_1438, %add3A_1440 : vector<16xi32>
    tpu.vector_store_idx %arg6[%add3A_1441], %broadcast_in_dim3A_6 : memref<65536xf32, #tpu.memory_space<vmem>>[vector<16xi32>], vector<16xf32>,
    %get3A_1442 = arith.constant 18 : i32
    %get3A_1443 = arith.index_cast %get3A_1442 : i32 to index
    %get3A_1444 = arith.constant 48 : index
    %get3A_1445 = tpu.vector_load %arg5[%get3A_1443, %get3A_1444] {strides = array<i32>} : memref<64x64xi32, #tpu.memory_space<vmem>>, vector<16xi32>,
    %add3A_1446 = arith.constant 36864 : i32
    %add3A_1447 = vector.broadcast %add3A_1446 : i32 to vector<16xi32>
    %add3A_1448 = arith.addi %get3A_1445, %add3A_1447 : vector<16xi32>
    tpu.vector_store_idx %arg6[%add3A_1448], %broadcast_in_dim3A_6 : memref<65536xf32, #tpu.memory_space<vmem>>[vector<16xi32>], vector<16xf32>,
    %get3A_1449 = arith.constant 19 : i32
    %get3A_1450 = arith.index_cast %get3A_1449 : i32 to index
    %get3A_1451 = arith.constant 0 : index
    %get3A_1452 = tpu.vector_load %arg5[%get3A_1450, %get3A_1451] {strides = array<i32>} : memref<64x64xi32, #tpu.memory_space<vmem>>, vector<16xi32>,
    %add3A_1453 = arith.constant 38912 : i32
    %add3A_1454 = vector.broadcast %add3A_1453 : i32 to vector<16xi32>
    %add3A_1455 = arith.addi %get3A_1452, %add3A_1454 : vector<16xi32>
    tpu.vector_store_idx %arg6[%add3A_1455], %broadcast_in_dim3A_6 : memref<65536xf32, #tpu.memory_space<vmem>>[vector<16xi32>], vector<16xf32>,
    %get3A_1456 = arith.constant 19 : i32
    %get3A_1457 = arith.index_cast %get3A_1456 : i32 to index
    %get3A_1458 = arith.constant 16 : index
    %get3A_1459 = tpu.vector_load %arg5[%get3A_1457, %get3A_1458] {strides = array<i32>} : memref<64x64xi32, #tpu.memory_space<vmem>>, vector<16xi32>,
    %add3A_1460 = arith.constant 38912 : i32
    %add3A_1461 = vector.broadcast %add3A_1460 : i32 to vector<16xi32>
    %add3A_1462 = arith.addi %get3A_1459, %add3A_1461 : vector<16xi32>
    tpu.vector_store_idx %arg6[%add3A_1462], %broadcast_in_dim3A_6 : memref<65536xf32, #tpu.memory_space<vmem>>[vector<16xi32>], vector<16xf32>,
    %get3A_1463 = arith.constant 19 : i32
    %get3A_1464 = arith.index_cast %get3A_1463 : i32 to index
    %get3A_1465 = arith.constant 32 : index
    %get3A_1466 = tpu.vector_load %arg5[%get3A_1464, %get3A_1465] {strides = array<i32>} : memref<64x64xi32, #tpu.memory_space<vmem>>, vector<16xi32>,
    %add3A_1467 = arith.constant 38912 : i32
    %add3A_1468 = vector.broadcast %add3A_1467 : i32 to vector<16xi32>
    %add3A_1469 = arith.addi %get3A_1466, %add3A_1468 : vector<16xi32>
    tpu.vector_store_idx %arg6[%add3A_1469], %broadcast_in_dim3A_6 : memref<65536xf32, #tpu.memory_space<vmem>>[vector<16xi32>], vector<16xf32>,
    %get3A_1470 = arith.constant 19 : i32
    %get3A_1471 = arith.index_cast %get3A_1470 : i32 to index
    %get3A_1472 = arith.constant 48 : index
    %get3A_1473 = tpu.vector_load %arg5[%get3A_1471, %get3A_1472] {strides = array<i32>} : memref<64x64xi32, #tpu.memory_space<vmem>>, vector<16xi32>,
    %add3A_1474 = arith.constant 38912 : i32
    %add3A_1475 = vector.broadcast %add3A_1474 : i32 to vector<16xi32>
    %add3A_1476 = arith.addi %get3A_1473, %add3A_1475 : vector<16xi32>
    tpu.vector_store_idx %arg6[%add3A_1476], %broadcast_in_dim3A_6 : memref<65536xf32, #tpu.memory_space<vmem>>[vector<16xi32>], vector<16xf32>,
    %get3A_1477 = arith.constant 20 : i32
    %get3A_1478 = arith.index_cast %get3A_1477 : i32 to index
    %get3A_1479 = arith.constant 0 : index
    %get3A_1480 = tpu.vector_load %arg5[%get3A_1478, %get3A_1479] {strides = array<i32>} : memref<64x64xi32, #tpu.memory_space<vmem>>, vector<16xi32>,
    %add3A_1481 = arith.constant 40960 : i32
    %add3A_1482 = vector.broadcast %add3A_1481 : i32 to vector<16xi32>
    %add3A_1483 = arith.addi %get3A_1480, %add3A_1482 : vector<16xi32>
    tpu.vector_store_idx %arg6[%add3A_1483], %broadcast_in_dim3A_6 : memref<65536xf32, #tpu.memory_space<vmem>>[vector<16xi32>], vector<16xf32>,
    %get3A_1484 = arith.constant 20 : i32
    %get3A_1485 = arith.index_cast %get3A_1484 : i32 to index
    %get3A_1486 = arith.constant 16 : index
    %get3A_1487 = tpu.vector_load %arg5[%get3A_1485, %get3A_1486] {strides = array<i32>} : memref<64x64xi32, #tpu.memory_space<vmem>>, vector<16xi32>,
    %add3A_1488 = arith.constant 40960 : i32
    %add3A_1489 = vector.broadcast %add3A_1488 : i32 to vector<16xi32>
    %add3A_1490 = arith.addi %get3A_1487, %add3A_1489 : vector<16xi32>
    tpu.vector_store_idx %arg6[%add3A_1490], %broadcast_in_dim3A_6 : memref<65536xf32, #tpu.memory_space<vmem>>[vector<16xi32>], vector<16xf32>,
    %get3A_1491 = arith.constant 20 : i32
    %get3A_1492 = arith.index_cast %get3A_1491 : i32 to index
    %get3A_1493 = arith.constant 32 : index
    %get3A_1494 = tpu.vector_load %arg5[%get3A_1492, %get3A_1493] {strides = array<i32>} : memref<64x64xi32, #tpu.memory_space<vmem>>, vector<16xi32>,
    %add3A_1495 = arith.constant 40960 : i32
    %add3A_1496 = vector.broadcast %add3A_1495 : i32 to vector<16xi32>
    %add3A_1497 = arith.addi %get3A_1494, %add3A_1496 : vector<16xi32>
    tpu.vector_store_idx %arg6[%add3A_1497], %broadcast_in_dim3A_6 : memref<65536xf32, #tpu.memory_space<vmem>>[vector<16xi32>], vector<16xf32>,
    %get3A_1498 = arith.constant 20 : i32
    %get3A_1499 = arith.index_cast %get3A_1498 : i32 to index
    %get3A_1500 = arith.constant 48 : index
    %get3A_1501 = tpu.vector_load %arg5[%get3A_1499, %get3A_1500] {strides = array<i32>} : memref<64x64xi32, #tpu.memory_space<vmem>>, vector<16xi32>,
    %add3A_1502 = arith.constant 40960 : i32
    %add3A_1503 = vector.broadcast %add3A_1502 : i32 to vector<16xi32>
    %add3A_1504 = arith.addi %get3A_1501, %add3A_1503 : vector<16xi32>
    tpu.vector_store_idx %arg6[%add3A_1504], %broadcast_in_dim3A_6 : memref<65536xf32, #tpu.memory_space<vmem>>[vector<16xi32>], vector<16xf32>,
    %get3A_1505 = arith.constant 21 : i32
    %get3A_1506 = arith.index_cast %get3A_1505 : i32 to index
    %get3A_1507 = arith.constant 0 : index
    %get3A_1508 = tpu.vector_load %arg5[%get3A_1506, %get3A_1507] {strides = array<i32>} : memref<64x64xi32, #tpu.memory_space<vmem>>, vector<16xi32>,
    %add3A_1509 = arith.constant 43008 : i32
    %add3A_1510 = vector.broadcast %add3A_1509 : i32 to vector<16xi32>
    %add3A_1511 = arith.addi %get3A_1508, %add3A_1510 : vector<16xi32>
    tpu.vector_store_idx %arg6[%add3A_1511], %broadcast_in_dim3A_6 : memref<65536xf32, #tpu.memory_space<vmem>>[vector<16xi32>], vector<16xf32>,
    %get3A_1512 = arith.constant 21 : i32
    %get3A_1513 = arith.index_cast %get3A_1512 : i32 to index
    %get3A_1514 = arith.constant 16 : index
    %get3A_1515 = tpu.vector_load %arg5[%get3A_1513, %get3A_1514] {strides = array<i32>} : memref<64x64xi32, #tpu.memory_space<vmem>>, vector<16xi32>,
    %add3A_1516 = arith.constant 43008 : i32
    %add3A_1517 = vector.broadcast %add3A_1516 : i32 to vector<16xi32>
    %add3A_1518 = arith.addi %get3A_1515, %add3A_1517 : vector<16xi32>
    tpu.vector_store_idx %arg6[%add3A_1518], %broadcast_in_dim3A_6 : memref<65536xf32, #tpu.memory_space<vmem>>[vector<16xi32>], vector<16xf32>,
    %get3A_1519 = arith.constant 21 : i32
    %get3A_1520 = arith.index_cast %get3A_1519 : i32 to index
    %get3A_1521 = arith.constant 32 : index
    %get3A_1522 = tpu.vector_load %arg5[%get3A_1520, %get3A_1521] {strides = array<i32>} : memref<64x64xi32, #tpu.memory_space<vmem>>, vector<16xi32>,
    %add3A_1523 = arith.constant 43008 : i32
    %add3A_1524 = vector.broadcast %add3A_1523 : i32 to vector<16xi32>
    %add3A_1525 = arith.addi %get3A_1522, %add3A_1524 : vector<16xi32>
    tpu.vector_store_idx %arg6[%add3A_1525], %broadcast_in_dim3A_6 : memref<65536xf32, #tpu.memory_space<vmem>>[vector<16xi32>], vector<16xf32>,
    %get3A_1526 = arith.constant 21 : i32
    %get3A_1527 = arith.index_cast %get3A_1526 : i32 to index
    %get3A_1528 = arith.constant 48 : index
    %get3A_1529 = tpu.vector_load %arg5[%get3A_1527, %get3A_1528] {strides = array<i32>} : memref<64x64xi32, #tpu.memory_space<vmem>>, vector<16xi32>,
    %add3A_1530 = arith.constant 43008 : i32
    %add3A_1531 = vector.broadcast %add3A_1530 : i32 to vector<16xi32>
    %add3A_1532 = arith.addi %get3A_1529, %add3A_1531 : vector<16xi32>
    tpu.vector_store_idx %arg6[%add3A_1532], %broadcast_in_dim3A_6 : memref<65536xf32, #tpu.memory_space<vmem>>[vector<16xi32>], vector<16xf32>,
    %get3A_1533 = arith.constant 22 : i32
    %get3A_1534 = arith.index_cast %get3A_1533 : i32 to index
    %get3A_1535 = arith.constant 0 : index
    %get3A_1536 = tpu.vector_load %arg5[%get3A_1534, %get3A_1535] {strides = array<i32>} : memref<64x64xi32, #tpu.memory_space<vmem>>, vector<16xi32>,
    %add3A_1537 = arith.constant 45056 : i32
    %add3A_1538 = vector.broadcast %add3A_1537 : i32 to vector<16xi32>
    %add3A_1539 = arith.addi %get3A_1536, %add3A_1538 : vector<16xi32>
    tpu.vector_store_idx %arg6[%add3A_1539], %broadcast_in_dim3A_6 : memref<65536xf32, #tpu.memory_space<vmem>>[vector<16xi32>], vector<16xf32>,
    %get3A_1540 = arith.constant 22 : i32
    %get3A_1541 = arith.index_cast %get3A_1540 : i32 to index
    %get3A_1542 = arith.constant 16 : index
    %get3A_1543 = tpu.vector_load %arg5[%get3A_1541, %get3A_1542] {strides = array<i32>} : memref<64x64xi32, #tpu.memory_space<vmem>>, vector<16xi32>,
    %add3A_1544 = arith.constant 45056 : i32
    %add3A_1545 = vector.broadcast %add3A_1544 : i32 to vector<16xi32>
    %add3A_1546 = arith.addi %get3A_1543, %add3A_1545 : vector<16xi32>
    tpu.vector_store_idx %arg6[%add3A_1546], %broadcast_in_dim3A_6 : memref<65536xf32, #tpu.memory_space<vmem>>[vector<16xi32>], vector<16xf32>,
    %get3A_1547 = arith.constant 22 : i32
    %get3A_1548 = arith.index_cast %get3A_1547 : i32 to index
    %get3A_1549 = arith.constant 32 : index
    %get3A_1550 = tpu.vector_load %arg5[%get3A_1548, %get3A_1549] {strides = array<i32>} : memref<64x64xi32, #tpu.memory_space<vmem>>, vector<16xi32>,
    %add3A_1551 = arith.constant 45056 : i32
    %add3A_1552 = vector.broadcast %add3A_1551 : i32 to vector<16xi32>
    %add3A_1553 = arith.addi %get3A_1550, %add3A_1552 : vector<16xi32>
    tpu.vector_store_idx %arg6[%add3A_1553], %broadcast_in_dim3A_6 : memref<65536xf32, #tpu.memory_space<vmem>>[vector<16xi32>], vector<16xf32>,
    %get3A_1554 = arith.constant 22 : i32
    %get3A_1555 = arith.index_cast %get3A_1554 : i32 to index
    %get3A_1556 = arith.constant 48 : index
    %get3A_1557 = tpu.vector_load %arg5[%get3A_1555, %get3A_1556] {strides = array<i32>} : memref<64x64xi32, #tpu.memory_space<vmem>>, vector<16xi32>,
    %add3A_1558 = arith.constant 45056 : i32
    %add3A_1559 = vector.broadcast %add3A_1558 : i32 to vector<16xi32>
    %add3A_1560 = arith.addi %get3A_1557, %add3A_1559 : vector<16xi32>
    tpu.vector_store_idx %arg6[%add3A_1560], %broadcast_in_dim3A_6 : memref<65536xf32, #tpu.memory_space<vmem>>[vector<16xi32>], vector<16xf32>,
    %get3A_1561 = arith.constant 23 : i32
    %get3A_1562 = arith.index_cast %get3A_1561 : i32 to index
    %get3A_1563 = arith.constant 0 : index
    %get3A_1564 = tpu.vector_load %arg5[%get3A_1562, %get3A_1563] {strides = array<i32>} : memref<64x64xi32, #tpu.memory_space<vmem>>, vector<16xi32>,
    %add3A_1565 = arith.constant 47104 : i32
    %add3A_1566 = vector.broadcast %add3A_1565 : i32 to vector<16xi32>
    %add3A_1567 = arith.addi %get3A_1564, %add3A_1566 : vector<16xi32>
    tpu.vector_store_idx %arg6[%add3A_1567], %broadcast_in_dim3A_6 : memref<65536xf32, #tpu.memory_space<vmem>>[vector<16xi32>], vector<16xf32>,
    %get3A_1568 = arith.constant 23 : i32
    %get3A_1569 = arith.index_cast %get3A_1568 : i32 to index
    %get3A_1570 = arith.constant 16 : index
    %get3A_1571 = tpu.vector_load %arg5[%get3A_1569, %get3A_1570] {strides = array<i32>} : memref<64x64xi32, #tpu.memory_space<vmem>>, vector<16xi32>,
    %add3A_1572 = arith.constant 47104 : i32
    %add3A_1573 = vector.broadcast %add3A_1572 : i32 to vector<16xi32>
    %add3A_1574 = arith.addi %get3A_1571, %add3A_1573 : vector<16xi32>
    tpu.vector_store_idx %arg6[%add3A_1574], %broadcast_in_dim3A_6 : memref<65536xf32, #tpu.memory_space<vmem>>[vector<16xi32>], vector<16xf32>,
    %get3A_1575 = arith.constant 23 : i32
    %get3A_1576 = arith.index_cast %get3A_1575 : i32 to index
    %get3A_1577 = arith.constant 32 : index
    %get3A_1578 = tpu.vector_load %arg5[%get3A_1576, %get3A_1577] {strides = array<i32>} : memref<64x64xi32, #tpu.memory_space<vmem>>, vector<16xi32>,
    %add3A_1579 = arith.constant 47104 : i32
    %add3A_1580 = vector.broadcast %add3A_1579 : i32 to vector<16xi32>
    %add3A_1581 = arith.addi %get3A_1578, %add3A_1580 : vector<16xi32>
    tpu.vector_store_idx %arg6[%add3A_1581], %broadcast_in_dim3A_6 : memref<65536xf32, #tpu.memory_space<vmem>>[vector<16xi32>], vector<16xf32>,
    %get3A_1582 = arith.constant 23 : i32
    %get3A_1583 = arith.index_cast %get3A_1582 : i32 to index
    %get3A_1584 = arith.constant 48 : index
    %get3A_1585 = tpu.vector_load %arg5[%get3A_1583, %get3A_1584] {strides = array<i32>} : memref<64x64xi32, #tpu.memory_space<vmem>>, vector<16xi32>,
    %add3A_1586 = arith.constant 47104 : i32
    %add3A_1587 = vector.broadcast %add3A_1586 : i32 to vector<16xi32>
    %add3A_1588 = arith.addi %get3A_1585, %add3A_1587 : vector<16xi32>
    tpu.vector_store_idx %arg6[%add3A_1588], %broadcast_in_dim3A_6 : memref<65536xf32, #tpu.memory_space<vmem>>[vector<16xi32>], vector<16xf32>,
    %get3A_1589 = arith.constant 24 : i32
    %get3A_1590 = arith.index_cast %get3A_1589 : i32 to index
    %get3A_1591 = arith.constant 0 : index
    %get3A_1592 = tpu.vector_load %arg5[%get3A_1590, %get3A_1591] {strides = array<i32>} : memref<64x64xi32, #tpu.memory_space<vmem>>, vector<16xi32>,
    %add3A_1593 = arith.constant 49152 : i32
    %add3A_1594 = vector.broadcast %add3A_1593 : i32 to vector<16xi32>
    %add3A_1595 = arith.addi %get3A_1592, %add3A_1594 : vector<16xi32>
    tpu.vector_store_idx %arg6[%add3A_1595], %broadcast_in_dim3A_6 : memref<65536xf32, #tpu.memory_space<vmem>>[vector<16xi32>], vector<16xf32>,
    %get3A_1596 = arith.constant 24 : i32
    %get3A_1597 = arith.index_cast %get3A_1596 : i32 to index
    %get3A_1598 = arith.constant 16 : index
    %get3A_1599 = tpu.vector_load %arg5[%get3A_1597, %get3A_1598] {strides = array<i32>} : memref<64x64xi32, #tpu.memory_space<vmem>>, vector<16xi32>,
    %add3A_1600 = arith.constant 49152 : i32
    %add3A_1601 = vector.broadcast %add3A_1600 : i32 to vector<16xi32>
    %add3A_1602 = arith.addi %get3A_1599, %add3A_1601 : vector<16xi32>
    tpu.vector_store_idx %arg6[%add3A_1602], %broadcast_in_dim3A_6 : memref<65536xf32, #tpu.memory_space<vmem>>[vector<16xi32>], vector<16xf32>,
    %get3A_1603 = arith.constant 24 : i32
    %get3A_1604 = arith.index_cast %get3A_1603 : i32 to index
    %get3A_1605 = arith.constant 32 : index
    %get3A_1606 = tpu.vector_load %arg5[%get3A_1604, %get3A_1605] {strides = array<i32>} : memref<64x64xi32, #tpu.memory_space<vmem>>, vector<16xi32>,
    %add3A_1607 = arith.constant 49152 : i32
    %add3A_1608 = vector.broadcast %add3A_1607 : i32 to vector<16xi32>
    %add3A_1609 = arith.addi %get3A_1606, %add3A_1608 : vector<16xi32>
    tpu.vector_store_idx %arg6[%add3A_1609], %broadcast_in_dim3A_6 : memref<65536xf32, #tpu.memory_space<vmem>>[vector<16xi32>], vector<16xf32>,
    %get3A_1610 = arith.constant 24 : i32
    %get3A_1611 = arith.index_cast %get3A_1610 : i32 to index
    %get3A_1612 = arith.constant 48 : index
    %get3A_1613 = tpu.vector_load %arg5[%get3A_1611, %get3A_1612] {strides = array<i32>} : memref<64x64xi32, #tpu.memory_space<vmem>>, vector<16xi32>,
    %add3A_1614 = arith.constant 49152 : i32
    %add3A_1615 = vector.broadcast %add3A_1614 : i32 to vector<16xi32>
    %add3A_1616 = arith.addi %get3A_1613, %add3A_1615 : vector<16xi32>
    tpu.vector_store_idx %arg6[%add3A_1616], %broadcast_in_dim3A_6 : memref<65536xf32, #tpu.memory_space<vmem>>[vector<16xi32>], vector<16xf32>,
    %get3A_1617 = arith.constant 25 : i32
    %get3A_1618 = arith.index_cast %get3A_1617 : i32 to index
    %get3A_1619 = arith.constant 0 : index
    %get3A_1620 = tpu.vector_load %arg5[%get3A_1618, %get3A_1619] {strides = array<i32>} : memref<64x64xi32, #tpu.memory_space<vmem>>, vector<16xi32>,
    %add3A_1621 = arith.constant 51200 : i32
    %add3A_1622 = vector.broadcast %add3A_1621 : i32 to vector<16xi32>
    %add3A_1623 = arith.addi %get3A_1620, %add3A_1622 : vector<16xi32>
    tpu.vector_store_idx %arg6[%add3A_1623], %broadcast_in_dim3A_6 : memref<65536xf32, #tpu.memory_space<vmem>>[vector<16xi32>], vector<16xf32>,
    %get3A_1624 = arith.constant 25 : i32
    %get3A_1625 = arith.index_cast %get3A_1624 : i32 to index
    %get3A_1626 = arith.constant 16 : index
    %get3A_1627 = tpu.vector_load %arg5[%get3A_1625, %get3A_1626] {strides = array<i32>} : memref<64x64xi32, #tpu.memory_space<vmem>>, vector<16xi32>,
    %add3A_1628 = arith.constant 51200 : i32
    %add3A_1629 = vector.broadcast %add3A_1628 : i32 to vector<16xi32>
    %add3A_1630 = arith.addi %get3A_1627, %add3A_1629 : vector<16xi32>
    tpu.vector_store_idx %arg6[%add3A_1630], %broadcast_in_dim3A_6 : memref<65536xf32, #tpu.memory_space<vmem>>[vector<16xi32>], vector<16xf32>,
    %get3A_1631 = arith.constant 25 : i32
    %get3A_1632 = arith.index_cast %get3A_1631 : i32 to index
    %get3A_1633 = arith.constant 32 : index
    %get3A_1634 = tpu.vector_load %arg5[%get3A_1632, %get3A_1633] {strides = array<i32>} : memref<64x64xi32, #tpu.memory_space<vmem>>, vector<16xi32>,
    %add3A_1635 = arith.constant 51200 : i32
    %add3A_1636 = vector.broadcast %add3A_1635 : i32 to vector<16xi32>
    %add3A_1637 = arith.addi %get3A_1634, %add3A_1636 : vector<16xi32>
    tpu.vector_store_idx %arg6[%add3A_1637], %broadcast_in_dim3A_6 : memref<65536xf32, #tpu.memory_space<vmem>>[vector<16xi32>], vector<16xf32>,
    %get3A_1638 = arith.constant 25 : i32
    %get3A_1639 = arith.index_cast %get3A_1638 : i32 to index
    %get3A_1640 = arith.constant 48 : index
    %get3A_1641 = tpu.vector_load %arg5[%get3A_1639, %get3A_1640] {strides = array<i32>} : memref<64x64xi32, #tpu.memory_space<vmem>>, vector<16xi32>,
    %add3A_1642 = arith.constant 51200 : i32
    %add3A_1643 = vector.broadcast %add3A_1642 : i32 to vector<16xi32>
    %add3A_1644 = arith.addi %get3A_1641, %add3A_1643 : vector<16xi32>
    tpu.vector_store_idx %arg6[%add3A_1644], %broadcast_in_dim3A_6 : memref<65536xf32, #tpu.memory_space<vmem>>[vector<16xi32>], vector<16xf32>,
    %get3A_1645 = arith.constant 26 : i32
    %get3A_1646 = arith.index_cast %get3A_1645 : i32 to index
    %get3A_1647 = arith.constant 0 : index
    %get3A_1648 = tpu.vector_load %arg5[%get3A_1646, %get3A_1647] {strides = array<i32>} : memref<64x64xi32, #tpu.memory_space<vmem>>, vector<16xi32>,
    %add3A_1649 = arith.constant 53248 : i32
    %add3A_1650 = vector.broadcast %add3A_1649 : i32 to vector<16xi32>
    %add3A_1651 = arith.addi %get3A_1648, %add3A_1650 : vector<16xi32>
    tpu.vector_store_idx %arg6[%add3A_1651], %broadcast_in_dim3A_6 : memref<65536xf32, #tpu.memory_space<vmem>>[vector<16xi32>], vector<16xf32>,
    %get3A_1652 = arith.constant 26 : i32
    %get3A_1653 = arith.index_cast %get3A_1652 : i32 to index
    %get3A_1654 = arith.constant 16 : index
    %get3A_1655 = tpu.vector_load %arg5[%get3A_1653, %get3A_1654] {strides = array<i32>} : memref<64x64xi32, #tpu.memory_space<vmem>>, vector<16xi32>,
    %add3A_1656 = arith.constant 53248 : i32
    %add3A_1657 = vector.broadcast %add3A_1656 : i32 to vector<16xi32>
    %add3A_1658 = arith.addi %get3A_1655, %add3A_1657 : vector<16xi32>
    tpu.vector_store_idx %arg6[%add3A_1658], %broadcast_in_dim3A_6 : memref<65536xf32, #tpu.memory_space<vmem>>[vector<16xi32>], vector<16xf32>,
    %get3A_1659 = arith.constant 26 : i32
    %get3A_1660 = arith.index_cast %get3A_1659 : i32 to index
    %get3A_1661 = arith.constant 32 : index
    %get3A_1662 = tpu.vector_load %arg5[%get3A_1660, %get3A_1661] {strides = array<i32>} : memref<64x64xi32, #tpu.memory_space<vmem>>, vector<16xi32>,
    %add3A_1663 = arith.constant 53248 : i32
    %add3A_1664 = vector.broadcast %add3A_1663 : i32 to vector<16xi32>
    %add3A_1665 = arith.addi %get3A_1662, %add3A_1664 : vector<16xi32>
    tpu.vector_store_idx %arg6[%add3A_1665], %broadcast_in_dim3A_6 : memref<65536xf32, #tpu.memory_space<vmem>>[vector<16xi32>], vector<16xf32>,
    %get3A_1666 = arith.constant 26 : i32
    %get3A_1667 = arith.index_cast %get3A_1666 : i32 to index
    %get3A_1668 = arith.constant 48 : index
    %get3A_1669 = tpu.vector_load %arg5[%get3A_1667, %get3A_1668] {strides = array<i32>} : memref<64x64xi32, #tpu.memory_space<vmem>>, vector<16xi32>,
    %add3A_1670 = arith.constant 53248 : i32
    %add3A_1671 = vector.broadcast %add3A_1670 : i32 to vector<16xi32>
    %add3A_1672 = arith.addi %get3A_1669, %add3A_1671 : vector<16xi32>
    tpu.vector_store_idx %arg6[%add3A_1672], %broadcast_in_dim3A_6 : memref<65536xf32, #tpu.memory_space<vmem>>[vector<16xi32>], vector<16xf32>,
    %get3A_1673 = arith.constant 27 : i32
    %get3A_1674 = arith.index_cast %get3A_1673 : i32 to index
    %get3A_1675 = arith.constant 0 : index
    %get3A_1676 = tpu.vector_load %arg5[%get3A_1674, %get3A_1675] {strides = array<i32>} : memref<64x64xi32, #tpu.memory_space<vmem>>, vector<16xi32>,
    %add3A_1677 = arith.constant 55296 : i32
    %add3A_1678 = vector.broadcast %add3A_1677 : i32 to vector<16xi32>
    %add3A_1679 = arith.addi %get3A_1676, %add3A_1678 : vector<16xi32>
    tpu.vector_store_idx %arg6[%add3A_1679], %broadcast_in_dim3A_6 : memref<65536xf32, #tpu.memory_space<vmem>>[vector<16xi32>], vector<16xf32>,
    %get3A_1680 = arith.constant 27 : i32
    %get3A_1681 = arith.index_cast %get3A_1680 : i32 to index
    %get3A_1682 = arith.constant 16 : index
    %get3A_1683 = tpu.vector_load %arg5[%get3A_1681, %get3A_1682] {strides = array<i32>} : memref<64x64xi32, #tpu.memory_space<vmem>>, vector<16xi32>,
    %add3A_1684 = arith.constant 55296 : i32
    %add3A_1685 = vector.broadcast %add3A_1684 : i32 to vector<16xi32>
    %add3A_1686 = arith.addi %get3A_1683, %add3A_1685 : vector<16xi32>
    tpu.vector_store_idx %arg6[%add3A_1686], %broadcast_in_dim3A_6 : memref<65536xf32, #tpu.memory_space<vmem>>[vector<16xi32>], vector<16xf32>,
    %get3A_1687 = arith.constant 27 : i32
    %get3A_1688 = arith.index_cast %get3A_1687 : i32 to index
    %get3A_1689 = arith.constant 32 : index
    %get3A_1690 = tpu.vector_load %arg5[%get3A_1688, %get3A_1689] {strides = array<i32>} : memref<64x64xi32, #tpu.memory_space<vmem>>, vector<16xi32>,
    %add3A_1691 = arith.constant 55296 : i32
    %add3A_1692 = vector.broadcast %add3A_1691 : i32 to vector<16xi32>
    %add3A_1693 = arith.addi %get3A_1690, %add3A_1692 : vector<16xi32>
    tpu.vector_store_idx %arg6[%add3A_1693], %broadcast_in_dim3A_6 : memref<65536xf32, #tpu.memory_space<vmem>>[vector<16xi32>], vector<16xf32>,
    %get3A_1694 = arith.constant 27 : i32
    %get3A_1695 = arith.index_cast %get3A_1694 : i32 to index
    %get3A_1696 = arith.constant 48 : index
    %get3A_1697 = tpu.vector_load %arg5[%get3A_1695, %get3A_1696] {strides = array<i32>} : memref<64x64xi32, #tpu.memory_space<vmem>>, vector<16xi32>,
    %add3A_1698 = arith.constant 55296 : i32
    %add3A_1699 = vector.broadcast %add3A_1698 : i32 to vector<16xi32>
    %add3A_1700 = arith.addi %get3A_1697, %add3A_1699 : vector<16xi32>
    tpu.vector_store_idx %arg6[%add3A_1700], %broadcast_in_dim3A_6 : memref<65536xf32, #tpu.memory_space<vmem>>[vector<16xi32>], vector<16xf32>,
    %get3A_1701 = arith.constant 28 : i32
    %get3A_1702 = arith.index_cast %get3A_1701 : i32 to index
    %get3A_1703 = arith.constant 0 : index
    %get3A_1704 = tpu.vector_load %arg5[%get3A_1702, %get3A_1703] {strides = array<i32>} : memref<64x64xi32, #tpu.memory_space<vmem>>, vector<16xi32>,
    %add3A_1705 = arith.constant 57344 : i32
    %add3A_1706 = vector.broadcast %add3A_1705 : i32 to vector<16xi32>
    %add3A_1707 = arith.addi %get3A_1704, %add3A_1706 : vector<16xi32>
    tpu.vector_store_idx %arg6[%add3A_1707], %broadcast_in_dim3A_6 : memref<65536xf32, #tpu.memory_space<vmem>>[vector<16xi32>], vector<16xf32>,
    %get3A_1708 = arith.constant 28 : i32
    %get3A_1709 = arith.index_cast %get3A_1708 : i32 to index
    %get3A_1710 = arith.constant 16 : index
    %get3A_1711 = tpu.vector_load %arg5[%get3A_1709, %get3A_1710] {strides = array<i32>} : memref<64x64xi32, #tpu.memory_space<vmem>>, vector<16xi32>,
    %add3A_1712 = arith.constant 57344 : i32
    %add3A_1713 = vector.broadcast %add3A_1712 : i32 to vector<16xi32>
    %add3A_1714 = arith.addi %get3A_1711, %add3A_1713 : vector<16xi32>
    tpu.vector_store_idx %arg6[%add3A_1714], %broadcast_in_dim3A_6 : memref<65536xf32, #tpu.memory_space<vmem>>[vector<16xi32>], vector<16xf32>,
    %get3A_1715 = arith.constant 28 : i32
    %get3A_1716 = arith.index_cast %get3A_1715 : i32 to index
    %get3A_1717 = arith.constant 32 : index
    %get3A_1718 = tpu.vector_load %arg5[%get3A_1716, %get3A_1717] {strides = array<i32>} : memref<64x64xi32, #tpu.memory_space<vmem>>, vector<16xi32>,
    %add3A_1719 = arith.constant 57344 : i32
    %add3A_1720 = vector.broadcast %add3A_1719 : i32 to vector<16xi32>
    %add3A_1721 = arith.addi %get3A_1718, %add3A_1720 : vector<16xi32>
    tpu.vector_store_idx %arg6[%add3A_1721], %broadcast_in_dim3A_6 : memref<65536xf32, #tpu.memory_space<vmem>>[vector<16xi32>], vector<16xf32>,
    %get3A_1722 = arith.constant 28 : i32
    %get3A_1723 = arith.index_cast %get3A_1722 : i32 to index
    %get3A_1724 = arith.constant 48 : index
    %get3A_1725 = tpu.vector_load %arg5[%get3A_1723, %get3A_1724] {strides = array<i32>} : memref<64x64xi32, #tpu.memory_space<vmem>>, vector<16xi32>,
    %add3A_1726 = arith.constant 57344 : i32
    %add3A_1727 = vector.broadcast %add3A_1726 : i32 to vector<16xi32>
    %add3A_1728 = arith.addi %get3A_1725, %add3A_1727 : vector<16xi32>
    tpu.vector_store_idx %arg6[%add3A_1728], %broadcast_in_dim3A_6 : memref<65536xf32, #tpu.memory_space<vmem>>[vector<16xi32>], vector<16xf32>,
    %get3A_1729 = arith.constant 29 : i32
    %get3A_1730 = arith.index_cast %get3A_1729 : i32 to index
    %get3A_1731 = arith.constant 0 : index
    %get3A_1732 = tpu.vector_load %arg5[%get3A_1730, %get3A_1731] {strides = array<i32>} : memref<64x64xi32, #tpu.memory_space<vmem>>, vector<16xi32>,
    %add3A_1733 = arith.constant 59392 : i32
    %add3A_1734 = vector.broadcast %add3A_1733 : i32 to vector<16xi32>
    %add3A_1735 = arith.addi %get3A_1732, %add3A_1734 : vector<16xi32>
    tpu.vector_store_idx %arg6[%add3A_1735], %broadcast_in_dim3A_6 : memref<65536xf32, #tpu.memory_space<vmem>>[vector<16xi32>], vector<16xf32>,
    %get3A_1736 = arith.constant 29 : i32
    %get3A_1737 = arith.index_cast %get3A_1736 : i32 to index
    %get3A_1738 = arith.constant 16 : index
    %get3A_1739 = tpu.vector_load %arg5[%get3A_1737, %get3A_1738] {strides = array<i32>} : memref<64x64xi32, #tpu.memory_space<vmem>>, vector<16xi32>,
    %add3A_1740 = arith.constant 59392 : i32
    %add3A_1741 = vector.broadcast %add3A_1740 : i32 to vector<16xi32>
    %add3A_1742 = arith.addi %get3A_1739, %add3A_1741 : vector<16xi32>
    tpu.vector_store_idx %arg6[%add3A_1742], %broadcast_in_dim3A_6 : memref<65536xf32, #tpu.memory_space<vmem>>[vector<16xi32>], vector<16xf32>,
    %get3A_1743 = arith.constant 29 : i32
    %get3A_1744 = arith.index_cast %get3A_1743 : i32 to index
    %get3A_1745 = arith.constant 32 : index
    %get3A_1746 = tpu.vector_load %arg5[%get3A_1744, %get3A_1745] {strides = array<i32>} : memref<64x64xi32, #tpu.memory_space<vmem>>, vector<16xi32>,
    %add3A_1747 = arith.constant 59392 : i32
    %add3A_1748 = vector.broadcast %add3A_1747 : i32 to vector<16xi32>
    %add3A_1749 = arith.addi %get3A_1746, %add3A_1748 : vector<16xi32>
    tpu.vector_store_idx %arg6[%add3A_1749], %broadcast_in_dim3A_6 : memref<65536xf32, #tpu.memory_space<vmem>>[vector<16xi32>], vector<16xf32>,
    %get3A_1750 = arith.constant 29 : i32
    %get3A_1751 = arith.index_cast %get3A_1750 : i32 to index
    %get3A_1752 = arith.constant 48 : index
    %get3A_1753 = tpu.vector_load %arg5[%get3A_1751, %get3A_1752] {strides = array<i32>} : memref<64x64xi32, #tpu.memory_space<vmem>>, vector<16xi32>,
    %add3A_1754 = arith.constant 59392 : i32
    %add3A_1755 = vector.broadcast %add3A_1754 : i32 to vector<16xi32>
    %add3A_1756 = arith.addi %get3A_1753, %add3A_1755 : vector<16xi32>
    tpu.vector_store_idx %arg6[%add3A_1756], %broadcast_in_dim3A_6 : memref<65536xf32, #tpu.memory_space<vmem>>[vector<16xi32>], vector<16xf32>,
    %get3A_1757 = arith.constant 30 : i32
    %get3A_1758 = arith.index_cast %get3A_1757 : i32 to index
    %get3A_1759 = arith.constant 0 : index
    %get3A_1760 = tpu.vector_load %arg5[%get3A_1758, %get3A_1759] {strides = array<i32>} : memref<64x64xi32, #tpu.memory_space<vmem>>, vector<16xi32>,
    %add3A_1761 = arith.constant 61440 : i32
    %add3A_1762 = vector.broadcast %add3A_1761 : i32 to vector<16xi32>
    %add3A_1763 = arith.addi %get3A_1760, %add3A_1762 : vector<16xi32>
    tpu.vector_store_idx %arg6[%add3A_1763], %broadcast_in_dim3A_6 : memref<65536xf32, #tpu.memory_space<vmem>>[vector<16xi32>], vector<16xf32>,
    %get3A_1764 = arith.constant 30 : i32
    %get3A_1765 = arith.index_cast %get3A_1764 : i32 to index
    %get3A_1766 = arith.constant 16 : index
    %get3A_1767 = tpu.vector_load %arg5[%get3A_1765, %get3A_1766] {strides = array<i32>} : memref<64x64xi32, #tpu.memory_space<vmem>>, vector<16xi32>,
    %add3A_1768 = arith.constant 61440 : i32
    %add3A_1769 = vector.broadcast %add3A_1768 : i32 to vector<16xi32>
    %add3A_1770 = arith.addi %get3A_1767, %add3A_1769 : vector<16xi32>
    tpu.vector_store_idx %arg6[%add3A_1770], %broadcast_in_dim3A_6 : memref<65536xf32, #tpu.memory_space<vmem>>[vector<16xi32>], vector<16xf32>,
    %get3A_1771 = arith.constant 30 : i32
    %get3A_1772 = arith.index_cast %get3A_1771 : i32 to index
    %get3A_1773 = arith.constant 32 : index
    %get3A_1774 = tpu.vector_load %arg5[%get3A_1772, %get3A_1773] {strides = array<i32>} : memref<64x64xi32, #tpu.memory_space<vmem>>, vector<16xi32>,
    %add3A_1775 = arith.constant 61440 : i32
    %add3A_1776 = vector.broadcast %add3A_1775 : i32 to vector<16xi32>
    %add3A_1777 = arith.addi %get3A_1774, %add3A_1776 : vector<16xi32>
    tpu.vector_store_idx %arg6[%add3A_1777], %broadcast_in_dim3A_6 : memref<65536xf32, #tpu.memory_space<vmem>>[vector<16xi32>], vector<16xf32>,
    %get3A_1778 = arith.constant 30 : i32
    %get3A_1779 = arith.index_cast %get3A_1778 : i32 to index
    %get3A_1780 = arith.constant 48 : index
    %get3A_1781 = tpu.vector_load %arg5[%get3A_1779, %get3A_1780] {strides = array<i32>} : memref<64x64xi32, #tpu.memory_space<vmem>>, vector<16xi32>,
    %add3A_1782 = arith.constant 61440 : i32
    %add3A_1783 = vector.broadcast %add3A_1782 : i32 to vector<16xi32>
    %add3A_1784 = arith.addi %get3A_1781, %add3A_1783 : vector<16xi32>
    tpu.vector_store_idx %arg6[%add3A_1784], %broadcast_in_dim3A_6 : memref<65536xf32, #tpu.memory_space<vmem>>[vector<16xi32>], vector<16xf32>,
    %get3A_1785 = arith.constant 31 : i32
    %get3A_1786 = arith.index_cast %get3A_1785 : i32 to index
    %get3A_1787 = arith.constant 0 : index
    %get3A_1788 = tpu.vector_load %arg5[%get3A_1786, %get3A_1787] {strides = array<i32>} : memref<64x64xi32, #tpu.memory_space<vmem>>, vector<16xi32>,
    %add3A_1789 = arith.constant 63488 : i32
    %add3A_1790 = vector.broadcast %add3A_1789 : i32 to vector<16xi32>
    %add3A_1791 = arith.addi %get3A_1788, %add3A_1790 : vector<16xi32>
    tpu.vector_store_idx %arg6[%add3A_1791], %broadcast_in_dim3A_6 : memref<65536xf32, #tpu.memory_space<vmem>>[vector<16xi32>], vector<16xf32>,
    %get3A_1792 = arith.constant 31 : i32
    %get3A_1793 = arith.index_cast %get3A_1792 : i32 to index
    %get3A_1794 = arith.constant 16 : index
    %get3A_1795 = tpu.vector_load %arg5[%get3A_1793, %get3A_1794] {strides = array<i32>} : memref<64x64xi32, #tpu.memory_space<vmem>>, vector<16xi32>,
    %add3A_1796 = arith.constant 63488 : i32
    %add3A_1797 = vector.broadcast %add3A_1796 : i32 to vector<16xi32>
    %add3A_1798 = arith.addi %get3A_1795, %add3A_1797 : vector<16xi32>
    tpu.vector_store_idx %arg6[%add3A_1798], %broadcast_in_dim3A_6 : memref<65536xf32, #tpu.memory_space<vmem>>[vector<16xi32>], vector<16xf32>,
    %get3A_1799 = arith.constant 31 : i32
    %get3A_1800 = arith.index_cast %get3A_1799 : i32 to index
    %get3A_1801 = arith.constant 32 : index
    %get3A_1802 = tpu.vector_load %arg5[%get3A_1800, %get3A_1801] {strides = array<i32>} : memref<64x64xi32, #tpu.memory_space<vmem>>, vector<16xi32>,
    %add3A_1803 = arith.constant 63488 : i32
    %add3A_1804 = vector.broadcast %add3A_1803 : i32 to vector<16xi32>
    %add3A_1805 = arith.addi %get3A_1802, %add3A_1804 : vector<16xi32>
    tpu.vector_store_idx %arg6[%add3A_1805], %broadcast_in_dim3A_6 : memref<65536xf32, #tpu.memory_space<vmem>>[vector<16xi32>], vector<16xf32>,
    %get3A_1806 = arith.constant 31 : i32
    %get3A_1807 = arith.index_cast %get3A_1806 : i32 to index
    %get3A_1808 = arith.constant 48 : index
    %get3A_1809 = tpu.vector_load %arg5[%get3A_1807, %get3A_1808] {strides = array<i32>} : memref<64x64xi32, #tpu.memory_space<vmem>>, vector<16xi32>,
    %add3A_1810 = arith.constant 63488 : i32
    %add3A_1811 = vector.broadcast %add3A_1810 : i32 to vector<16xi32>
    %add3A_1812 = arith.addi %get3A_1809, %add3A_1811 : vector<16xi32>
    tpu.vector_store_idx %arg6[%add3A_1812], %broadcast_in_dim3A_6 : memref<65536xf32, #tpu.memory_space<vmem>>[vector<16xi32>], vector<16xf32>,
    %get3A_1813 = arith.constant 32 : i32
    %get3A_1814 = arith.index_cast %get3A_1813 : i32 to index
    %get3A_1815 = arith.constant 0 : index
    %get3A_1816 = tpu.vector_load %arg5[%get3A_1814, %get3A_1815] {strides = array<i32>} : memref<64x64xi32, #tpu.memory_space<vmem>>, vector<16xi32>,
    %add3A_1817 = arith.constant 0 : i32
    %add3A_1818 = vector.broadcast %add3A_1817 : i32 to vector<16xi32>
    %add3A_1819 = arith.addi %get3A_1816, %add3A_1818 : vector<16xi32>
    tpu.vector_store_idx %arg6[%add3A_1819], %broadcast_in_dim3A_8 {add = true} : memref<65536xf32, #tpu.memory_space<vmem>>[vector<16xi32>], vector<16xf32>,
    %get3A_1820 = arith.constant 32 : i32
    %get3A_1821 = arith.index_cast %get3A_1820 : i32 to index
    %get3A_1822 = arith.constant 16 : index
    %get3A_1823 = tpu.vector_load %arg5[%get3A_1821, %get3A_1822] {strides = array<i32>} : memref<64x64xi32, #tpu.memory_space<vmem>>, vector<16xi32>,
    %add3A_1824 = arith.constant 0 : i32
    %add3A_1825 = vector.broadcast %add3A_1824 : i32 to vector<16xi32>
    %add3A_1826 = arith.addi %get3A_1823, %add3A_1825 : vector<16xi32>
    tpu.vector_store_idx %arg6[%add3A_1826], %broadcast_in_dim3A_8 {add = true} : memref<65536xf32, #tpu.memory_space<vmem>>[vector<16xi32>], vector<16xf32>,
    %get3A_1827 = arith.constant 32 : i32
    %get3A_1828 = arith.index_cast %get3A_1827 : i32 to index
    %get3A_1829 = arith.constant 32 : index
    %get3A_1830 = tpu.vector_load %arg5[%get3A_1828, %get3A_1829] {strides = array<i32>} : memref<64x64xi32, #tpu.memory_space<vmem>>, vector<16xi32>,
    %add3A_1831 = arith.constant 0 : i32
    %add3A_1832 = vector.broadcast %add3A_1831 : i32 to vector<16xi32>
    %add3A_1833 = arith.addi %get3A_1830, %add3A_1832 : vector<16xi32>
    tpu.vector_store_idx %arg6[%add3A_1833], %broadcast_in_dim3A_8 {add = true} : memref<65536xf32, #tpu.memory_space<vmem>>[vector<16xi32>], vector<16xf32>,
    %get3A_1834 = arith.constant 32 : i32
    %get3A_1835 = arith.index_cast %get3A_1834 : i32 to index
    %get3A_1836 = arith.constant 48 : index
    %get3A_1837 = tpu.vector_load %arg5[%get3A_1835, %get3A_1836] {strides = array<i32>} : memref<64x64xi32, #tpu.memory_space<vmem>>, vector<16xi32>,
    %add3A_1838 = arith.constant 0 : i32
    %add3A_1839 = vector.broadcast %add3A_1838 : i32 to vector<16xi32>
    %add3A_1840 = arith.addi %get3A_1837, %add3A_1839 : vector<16xi32>
    tpu.vector_store_idx %arg6[%add3A_1840], %broadcast_in_dim3A_8 {add = true} : memref<65536xf32, #tpu.memory_space<vmem>>[vector<16xi32>], vector<16xf32>,
    %get3A_1841 = arith.constant 33 : i32
    %get3A_1842 = arith.index_cast %get3A_1841 : i32 to index
    %get3A_1843 = arith.constant 0 : index
    %get3A_1844 = tpu.vector_load %arg5[%get3A_1842, %get3A_1843] {strides = array<i32>} : memref<64x64xi32, #tpu.memory_space<vmem>>, vector<16xi32>,
    %add3A_1845 = arith.constant 2048 : i32
    %add3A_1846 = vector.broadcast %add3A_1845 : i32 to vector<16xi32>
    %add3A_1847 = arith.addi %get3A_1844, %add3A_1846 : vector<16xi32>
    tpu.vector_store_idx %arg6[%add3A_1847], %broadcast_in_dim3A_8 {add = true} : memref<65536xf32, #tpu.memory_space<vmem>>[vector<16xi32>], vector<16xf32>,
    %get3A_1848 = arith.constant 33 : i32
    %get3A_1849 = arith.index_cast %get3A_1848 : i32 to index
    %get3A_1850 = arith.constant 16 : index
    %get3A_1851 = tpu.vector_load %arg5[%get3A_1849, %get3A_1850] {strides = array<i32>} : memref<64x64xi32, #tpu.memory_space<vmem>>, vector<16xi32>,
    %add3A_1852 = arith.constant 2048 : i32
    %add3A_1853 = vector.broadcast %add3A_1852 : i32 to vector<16xi32>
    %add3A_1854 = arith.addi %get3A_1851, %add3A_1853 : vector<16xi32>
    tpu.vector_store_idx %arg6[%add3A_1854], %broadcast_in_dim3A_8 {add = true} : memref<65536xf32, #tpu.memory_space<vmem>>[vector<16xi32>], vector<16xf32>,
    %get3A_1855 = arith.constant 33 : i32
    %get3A_1856 = arith.index_cast %get3A_1855 : i32 to index
    %get3A_1857 = arith.constant 32 : index
    %get3A_1858 = tpu.vector_load %arg5[%get3A_1856, %get3A_1857] {strides = array<i32>} : memref<64x64xi32, #tpu.memory_space<vmem>>, vector<16xi32>,
    %add3A_1859 = arith.constant 2048 : i32
    %add3A_1860 = vector.broadcast %add3A_1859 : i32 to vector<16xi32>
    %add3A_1861 = arith.addi %get3A_1858, %add3A_1860 : vector<16xi32>
    tpu.vector_store_idx %arg6[%add3A_1861], %broadcast_in_dim3A_8 {add = true} : memref<65536xf32, #tpu.memory_space<vmem>>[vector<16xi32>], vector<16xf32>,
    %get3A_1862 = arith.constant 33 : i32
    %get3A_1863 = arith.index_cast %get3A_1862 : i32 to index
    %get3A_1864 = arith.constant 48 : index
    %get3A_1865 = tpu.vector_load %arg5[%get3A_1863, %get3A_1864] {strides = array<i32>} : memref<64x64xi32, #tpu.memory_space<vmem>>, vector<16xi32>,
    %add3A_1866 = arith.constant 2048 : i32
    %add3A_1867 = vector.broadcast %add3A_1866 : i32 to vector<16xi32>
    %add3A_1868 = arith.addi %get3A_1865, %add3A_1867 : vector<16xi32>
    tpu.vector_store_idx %arg6[%add3A_1868], %broadcast_in_dim3A_8 {add = true} : memref<65536xf32, #tpu.memory_space<vmem>>[vector<16xi32>], vector<16xf32>,
    %get3A_1869 = arith.constant 34 : i32
    %get3A_1870 = arith.index_cast %get3A_1869 : i32 to index
    %get3A_1871 = arith.constant 0 : index
    %get3A_1872 = tpu.vector_load %arg5[%get3A_1870, %get3A_1871] {strides = array<i32>} : memref<64x64xi32, #tpu.memory_space<vmem>>, vector<16xi32>,
    %add3A_1873 = arith.constant 4096 : i32
    %add3A_1874 = vector.broadcast %add3A_1873 : i32 to vector<16xi32>
    %add3A_1875 = arith.addi %get3A_1872, %add3A_1874 : vector<16xi32>
    tpu.vector_store_idx %arg6[%add3A_1875], %broadcast_in_dim3A_8 {add = true} : memref<65536xf32, #tpu.memory_space<vmem>>[vector<16xi32>], vector<16xf32>,
    %get3A_1876 = arith.constant 34 : i32
    %get3A_1877 = arith.index_cast %get3A_1876 : i32 to index
    %get3A_1878 = arith.constant 16 : index
    %get3A_1879 = tpu.vector_load %arg5[%get3A_1877, %get3A_1878] {strides = array<i32>} : memref<64x64xi32, #tpu.memory_space<vmem>>, vector<16xi32>,
    %add3A_1880 = arith.constant 4096 : i32
    %add3A_1881 = vector.broadcast %add3A_1880 : i32 to vector<16xi32>
    %add3A_1882 = arith.addi %get3A_1879, %add3A_1881 : vector<16xi32>
    tpu.vector_store_idx %arg6[%add3A_1882], %broadcast_in_dim3A_8 {add = true} : memref<65536xf32, #tpu.memory_space<vmem>>[vector<16xi32>], vector<16xf32>,
    %get3A_1883 = arith.constant 34 : i32
    %get3A_1884 = arith.index_cast %get3A_1883 : i32 to index
    %get3A_1885 = arith.constant 32 : index
    %get3A_1886 = tpu.vector_load %arg5[%get3A_1884, %get3A_1885] {strides = array<i32>} : memref<64x64xi32, #tpu.memory_space<vmem>>, vector<16xi32>,
    %add3A_1887 = arith.constant 4096 : i32
    %add3A_1888 = vector.broadcast %add3A_1887 : i32 to vector<16xi32>
    %add3A_1889 = arith.addi %get3A_1886, %add3A_1888 : vector<16xi32>
    tpu.vector_store_idx %arg6[%add3A_1889], %broadcast_in_dim3A_8 {add = true} : memref<65536xf32, #tpu.memory_space<vmem>>[vector<16xi32>], vector<16xf32>,
    %get3A_1890 = arith.constant 34 : i32
    %get3A_1891 = arith.index_cast %get3A_1890 : i32 to index
    %get3A_1892 = arith.constant 48 : index
    %get3A_1893 = tpu.vector_load %arg5[%get3A_1891, %get3A_1892] {strides = array<i32>} : memref<64x64xi32, #tpu.memory_space<vmem>>, vector<16xi32>,
    %add3A_1894 = arith.constant 4096 : i32
    %add3A_1895 = vector.broadcast %add3A_1894 : i32 to vector<16xi32>
    %add3A_1896 = arith.addi %get3A_1893, %add3A_1895 : vector<16xi32>
    tpu.vector_store_idx %arg6[%add3A_1896], %broadcast_in_dim3A_8 {add = true} : memref<65536xf32, #tpu.memory_space<vmem>>[vector<16xi32>], vector<16xf32>,
    %get3A_1897 = arith.constant 35 : i32
    %get3A_1898 = arith.index_cast %get3A_1897 : i32 to index
    %get3A_1899 = arith.constant 0 : index
    %get3A_1900 = tpu.vector_load %arg5[%get3A_1898, %get3A_1899] {strides = array<i32>} : memref<64x64xi32, #tpu.memory_space<vmem>>, vector<16xi32>,
    %add3A_1901 = arith.constant 6144 : i32
    %add3A_1902 = vector.broadcast %add3A_1901 : i32 to vector<16xi32>
    %add3A_1903 = arith.addi %get3A_1900, %add3A_1902 : vector<16xi32>
    tpu.vector_store_idx %arg6[%add3A_1903], %broadcast_in_dim3A_8 {add = true} : memref<65536xf32, #tpu.memory_space<vmem>>[vector<16xi32>], vector<16xf32>,
    %get3A_1904 = arith.constant 35 : i32
    %get3A_1905 = arith.index_cast %get3A_1904 : i32 to index
    %get3A_1906 = arith.constant 16 : index
    %get3A_1907 = tpu.vector_load %arg5[%get3A_1905, %get3A_1906] {strides = array<i32>} : memref<64x64xi32, #tpu.memory_space<vmem>>, vector<16xi32>,
    %add3A_1908 = arith.constant 6144 : i32
    %add3A_1909 = vector.broadcast %add3A_1908 : i32 to vector<16xi32>
    %add3A_1910 = arith.addi %get3A_1907, %add3A_1909 : vector<16xi32>
    tpu.vector_store_idx %arg6[%add3A_1910], %broadcast_in_dim3A_8 {add = true} : memref<65536xf32, #tpu.memory_space<vmem>>[vector<16xi32>], vector<16xf32>,
    %get3A_1911 = arith.constant 35 : i32
    %get3A_1912 = arith.index_cast %get3A_1911 : i32 to index
    %get3A_1913 = arith.constant 32 : index
    %get3A_1914 = tpu.vector_load %arg5[%get3A_1912, %get3A_1913] {strides = array<i32>} : memref<64x64xi32, #tpu.memory_space<vmem>>, vector<16xi32>,
    %add3A_1915 = arith.constant 6144 : i32
    %add3A_1916 = vector.broadcast %add3A_1915 : i32 to vector<16xi32>
    %add3A_1917 = arith.addi %get3A_1914, %add3A_1916 : vector<16xi32>
    tpu.vector_store_idx %arg6[%add3A_1917], %broadcast_in_dim3A_8 {add = true} : memref<65536xf32, #tpu.memory_space<vmem>>[vector<16xi32>], vector<16xf32>,
    %get3A_1918 = arith.constant 35 : i32
    %get3A_1919 = arith.index_cast %get3A_1918 : i32 to index
    %get3A_1920 = arith.constant 48 : index
    %get3A_1921 = tpu.vector_load %arg5[%get3A_1919, %get3A_1920] {strides = array<i32>} : memref<64x64xi32, #tpu.memory_space<vmem>>, vector<16xi32>,
    %add3A_1922 = arith.constant 6144 : i32
    %add3A_1923 = vector.broadcast %add3A_1922 : i32 to vector<16xi32>
    %add3A_1924 = arith.addi %get3A_1921, %add3A_1923 : vector<16xi32>
    tpu.vector_store_idx %arg6[%add3A_1924], %broadcast_in_dim3A_8 {add = true} : memref<65536xf32, #tpu.memory_space<vmem>>[vector<16xi32>], vector<16xf32>,
    %get3A_1925 = arith.constant 36 : i32
    %get3A_1926 = arith.index_cast %get3A_1925 : i32 to index
    %get3A_1927 = arith.constant 0 : index
    %get3A_1928 = tpu.vector_load %arg5[%get3A_1926, %get3A_1927] {strides = array<i32>} : memref<64x64xi32, #tpu.memory_space<vmem>>, vector<16xi32>,
    %add3A_1929 = arith.constant 8192 : i32
    %add3A_1930 = vector.broadcast %add3A_1929 : i32 to vector<16xi32>
    %add3A_1931 = arith.addi %get3A_1928, %add3A_1930 : vector<16xi32>
    tpu.vector_store_idx %arg6[%add3A_1931], %broadcast_in_dim3A_8 {add = true} : memref<65536xf32, #tpu.memory_space<vmem>>[vector<16xi32>], vector<16xf32>,
    %get3A_1932 = arith.constant 36 : i32
    %get3A_1933 = arith.index_cast %get3A_1932 : i32 to index
    %get3A_1934 = arith.constant 16 : index
    %get3A_1935 = tpu.vector_load %arg5[%get3A_1933, %get3A_1934] {strides = array<i32>} : memref<64x64xi32, #tpu.memory_space<vmem>>, vector<16xi32>,
    %add3A_1936 = arith.constant 8192 : i32
    %add3A_1937 = vector.broadcast %add3A_1936 : i32 to vector<16xi32>
    %add3A_1938 = arith.addi %get3A_1935, %add3A_1937 : vector<16xi32>
    tpu.vector_store_idx %arg6[%add3A_1938], %broadcast_in_dim3A_8 {add = true} : memref<65536xf32, #tpu.memory_space<vmem>>[vector<16xi32>], vector<16xf32>,
    %get3A_1939 = arith.constant 36 : i32
    %get3A_1940 = arith.index_cast %get3A_1939 : i32 to index
    %get3A_1941 = arith.constant 32 : index
    %get3A_1942 = tpu.vector_load %arg5[%get3A_1940, %get3A_1941] {strides = array<i32>} : memref<64x64xi32, #tpu.memory_space<vmem>>, vector<16xi32>,
    %add3A_1943 = arith.constant 8192 : i32
    %add3A_1944 = vector.broadcast %add3A_1943 : i32 to vector<16xi32>
    %add3A_1945 = arith.addi %get3A_1942, %add3A_1944 : vector<16xi32>
    tpu.vector_store_idx %arg6[%add3A_1945], %broadcast_in_dim3A_8 {add = true} : memref<65536xf32, #tpu.memory_space<vmem>>[vector<16xi32>], vector<16xf32>,
    %get3A_1946 = arith.constant 36 : i32
    %get3A_1947 = arith.index_cast %get3A_1946 : i32 to index
    %get3A_1948 = arith.constant 48 : index
    %get3A_1949 = tpu.vector_load %arg5[%get3A_1947, %get3A_1948] {strides = array<i32>} : memref<64x64xi32, #tpu.memory_space<vmem>>, vector<16xi32>,
    %add3A_1950 = arith.constant 8192 : i32
    %add3A_1951 = vector.broadcast %add3A_1950 : i32 to vector<16xi32>
    %add3A_1952 = arith.addi %get3A_1949, %add3A_1951 : vector<16xi32>
    tpu.vector_store_idx %arg6[%add3A_1952], %broadcast_in_dim3A_8 {add = true} : memref<65536xf32, #tpu.memory_space<vmem>>[vector<16xi32>], vector<16xf32>,
    %get3A_1953 = arith.constant 37 : i32
    %get3A_1954 = arith.index_cast %get3A_1953 : i32 to index
    %get3A_1955 = arith.constant 0 : index
    %get3A_1956 = tpu.vector_load %arg5[%get3A_1954, %get3A_1955] {strides = array<i32>} : memref<64x64xi32, #tpu.memory_space<vmem>>, vector<16xi32>,
    %add3A_1957 = arith.constant 10240 : i32
    %add3A_1958 = vector.broadcast %add3A_1957 : i32 to vector<16xi32>
    %add3A_1959 = arith.addi %get3A_1956, %add3A_1958 : vector<16xi32>
    tpu.vector_store_idx %arg6[%add3A_1959], %broadcast_in_dim3A_8 {add = true} : memref<65536xf32, #tpu.memory_space<vmem>>[vector<16xi32>], vector<16xf32>,
    %get3A_1960 = arith.constant 37 : i32
    %get3A_1961 = arith.index_cast %get3A_1960 : i32 to index
    %get3A_1962 = arith.constant 16 : index
    %get3A_1963 = tpu.vector_load %arg5[%get3A_1961, %get3A_1962] {strides = array<i32>} : memref<64x64xi32, #tpu.memory_space<vmem>>, vector<16xi32>,
    %add3A_1964 = arith.constant 10240 : i32
    %add3A_1965 = vector.broadcast %add3A_1964 : i32 to vector<16xi32>
    %add3A_1966 = arith.addi %get3A_1963, %add3A_1965 : vector<16xi32>
    tpu.vector_store_idx %arg6[%add3A_1966], %broadcast_in_dim3A_8 {add = true} : memref<65536xf32, #tpu.memory_space<vmem>>[vector<16xi32>], vector<16xf32>,
    %get3A_1967 = arith.constant 37 : i32
    %get3A_1968 = arith.index_cast %get3A_1967 : i32 to index
    %get3A_1969 = arith.constant 32 : index
    %get3A_1970 = tpu.vector_load %arg5[%get3A_1968, %get3A_1969] {strides = array<i32>} : memref<64x64xi32, #tpu.memory_space<vmem>>, vector<16xi32>,
    %add3A_1971 = arith.constant 10240 : i32
    %add3A_1972 = vector.broadcast %add3A_1971 : i32 to vector<16xi32>
    %add3A_1973 = arith.addi %get3A_1970, %add3A_1972 : vector<16xi32>
    tpu.vector_store_idx %arg6[%add3A_1973], %broadcast_in_dim3A_8 {add = true} : memref<65536xf32, #tpu.memory_space<vmem>>[vector<16xi32>], vector<16xf32>,
    %get3A_1974 = arith.constant 37 : i32
    %get3A_1975 = arith.index_cast %get3A_1974 : i32 to index
    %get3A_1976 = arith.constant 48 : index
    %get3A_1977 = tpu.vector_load %arg5[%get3A_1975, %get3A_1976] {strides = array<i32>} : memref<64x64xi32, #tpu.memory_space<vmem>>, vector<16xi32>,
    %add3A_1978 = arith.constant 10240 : i32
    %add3A_1979 = vector.broadcast %add3A_1978 : i32 to vector<16xi32>
    %add3A_1980 = arith.addi %get3A_1977, %add3A_1979 : vector<16xi32>
    tpu.vector_store_idx %arg6[%add3A_1980], %broadcast_in_dim3A_8 {add = true} : memref<65536xf32, #tpu.memory_space<vmem>>[vector<16xi32>], vector<16xf32>,
    %get3A_1981 = arith.constant 38 : i32
    %get3A_1982 = arith.index_cast %get3A_1981 : i32 to index
    %get3A_1983 = arith.constant 0 : index
    %get3A_1984 = tpu.vector_load %arg5[%get3A_1982, %get3A_1983] {strides = array<i32>} : memref<64x64xi32, #tpu.memory_space<vmem>>, vector<16xi32>,
    %add3A_1985 = arith.constant 12288 : i32
    %add3A_1986 = vector.broadcast %add3A_1985 : i32 to vector<16xi32>
    %add3A_1987 = arith.addi %get3A_1984, %add3A_1986 : vector<16xi32>
    tpu.vector_store_idx %arg6[%add3A_1987], %broadcast_in_dim3A_8 {add = true} : memref<65536xf32, #tpu.memory_space<vmem>>[vector<16xi32>], vector<16xf32>,
    %get3A_1988 = arith.constant 38 : i32
    %get3A_1989 = arith.index_cast %get3A_1988 : i32 to index
    %get3A_1990 = arith.constant 16 : index
    %get3A_1991 = tpu.vector_load %arg5[%get3A_1989, %get3A_1990] {strides = array<i32>} : memref<64x64xi32, #tpu.memory_space<vmem>>, vector<16xi32>,
    %add3A_1992 = arith.constant 12288 : i32
    %add3A_1993 = vector.broadcast %add3A_1992 : i32 to vector<16xi32>
    %add3A_1994 = arith.addi %get3A_1991, %add3A_1993 : vector<16xi32>
    tpu.vector_store_idx %arg6[%add3A_1994], %broadcast_in_dim3A_8 {add = true} : memref<65536xf32, #tpu.memory_space<vmem>>[vector<16xi32>], vector<16xf32>,
    %get3A_1995 = arith.constant 38 : i32
    %get3A_1996 = arith.index_cast %get3A_1995 : i32 to index
    %get3A_1997 = arith.constant 32 : index
    %get3A_1998 = tpu.vector_load %arg5[%get3A_1996, %get3A_1997] {strides = array<i32>} : memref<64x64xi32, #tpu.memory_space<vmem>>, vector<16xi32>,
    %add3A_1999 = arith.constant 12288 : i32
    %add3A_2000 = vector.broadcast %add3A_1999 : i32 to vector<16xi32>
    %add3A_2001 = arith.addi %get3A_1998, %add3A_2000 : vector<16xi32>
    tpu.vector_store_idx %arg6[%add3A_2001], %broadcast_in_dim3A_8 {add = true} : memref<65536xf32, #tpu.memory_space<vmem>>[vector<16xi32>], vector<16xf32>,
    %get3A_2002 = arith.constant 38 : i32
    %get3A_2003 = arith.index_cast %get3A_2002 : i32 to index
    %get3A_2004 = arith.constant 48 : index
    %get3A_2005 = tpu.vector_load %arg5[%get3A_2003, %get3A_2004] {strides = array<i32>} : memref<64x64xi32, #tpu.memory_space<vmem>>, vector<16xi32>,
    %add3A_2006 = arith.constant 12288 : i32
    %add3A_2007 = vector.broadcast %add3A_2006 : i32 to vector<16xi32>
    %add3A_2008 = arith.addi %get3A_2005, %add3A_2007 : vector<16xi32>
    tpu.vector_store_idx %arg6[%add3A_2008], %broadcast_in_dim3A_8 {add = true} : memref<65536xf32, #tpu.memory_space<vmem>>[vector<16xi32>], vector<16xf32>,
    %get3A_2009 = arith.constant 39 : i32
    %get3A_2010 = arith.index_cast %get3A_2009 : i32 to index
    %get3A_2011 = arith.constant 0 : index
    %get3A_2012 = tpu.vector_load %arg5[%get3A_2010, %get3A_2011] {strides = array<i32>} : memref<64x64xi32, #tpu.memory_space<vmem>>, vector<16xi32>,
    %add3A_2013 = arith.constant 14336 : i32
    %add3A_2014 = vector.broadcast %add3A_2013 : i32 to vector<16xi32>
    %add3A_2015 = arith.addi %get3A_2012, %add3A_2014 : vector<16xi32>
    tpu.vector_store_idx %arg6[%add3A_2015], %broadcast_in_dim3A_8 {add = true} : memref<65536xf32, #tpu.memory_space<vmem>>[vector<16xi32>], vector<16xf32>,
    %get3A_2016 = arith.constant 39 : i32
    %get3A_2017 = arith.index_cast %get3A_2016 : i32 to index
    %get3A_2018 = arith.constant 16 : index
    %get3A_2019 = tpu.vector_load %arg5[%get3A_2017, %get3A_2018] {strides = array<i32>} : memref<64x64xi32, #tpu.memory_space<vmem>>, vector<16xi32>,
    %add3A_2020 = arith.constant 14336 : i32
    %add3A_2021 = vector.broadcast %add3A_2020 : i32 to vector<16xi32>
    %add3A_2022 = arith.addi %get3A_2019, %add3A_2021 : vector<16xi32>
    tpu.vector_store_idx %arg6[%add3A_2022], %broadcast_in_dim3A_8 {add = true} : memref<65536xf32, #tpu.memory_space<vmem>>[vector<16xi32>], vector<16xf32>,
    %get3A_2023 = arith.constant 39 : i32
    %get3A_2024 = arith.index_cast %get3A_2023 : i32 to index
    %get3A_2025 = arith.constant 32 : index
    %get3A_2026 = tpu.vector_load %arg5[%get3A_2024, %get3A_2025] {strides = array<i32>} : memref<64x64xi32, #tpu.memory_space<vmem>>, vector<16xi32>,
    %add3A_2027 = arith.constant 14336 : i32
    %add3A_2028 = vector.broadcast %add3A_2027 : i32 to vector<16xi32>
    %add3A_2029 = arith.addi %get3A_2026, %add3A_2028 : vector<16xi32>
    tpu.vector_store_idx %arg6[%add3A_2029], %broadcast_in_dim3A_8 {add = true} : memref<65536xf32, #tpu.memory_space<vmem>>[vector<16xi32>], vector<16xf32>,
    %get3A_2030 = arith.constant 39 : i32
    %get3A_2031 = arith.index_cast %get3A_2030 : i32 to index
    %get3A_2032 = arith.constant 48 : index
    %get3A_2033 = tpu.vector_load %arg5[%get3A_2031, %get3A_2032] {strides = array<i32>} : memref<64x64xi32, #tpu.memory_space<vmem>>, vector<16xi32>,
    %add3A_2034 = arith.constant 14336 : i32
    %add3A_2035 = vector.broadcast %add3A_2034 : i32 to vector<16xi32>
    %add3A_2036 = arith.addi %get3A_2033, %add3A_2035 : vector<16xi32>
    tpu.vector_store_idx %arg6[%add3A_2036], %broadcast_in_dim3A_8 {add = true} : memref<65536xf32, #tpu.memory_space<vmem>>[vector<16xi32>], vector<16xf32>,
    %get3A_2037 = arith.constant 40 : i32
    %get3A_2038 = arith.index_cast %get3A_2037 : i32 to index
    %get3A_2039 = arith.constant 0 : index
    %get3A_2040 = tpu.vector_load %arg5[%get3A_2038, %get3A_2039] {strides = array<i32>} : memref<64x64xi32, #tpu.memory_space<vmem>>, vector<16xi32>,
    %add3A_2041 = arith.constant 16384 : i32
    %add3A_2042 = vector.broadcast %add3A_2041 : i32 to vector<16xi32>
    %add3A_2043 = arith.addi %get3A_2040, %add3A_2042 : vector<16xi32>
    tpu.vector_store_idx %arg6[%add3A_2043], %broadcast_in_dim3A_8 {add = true} : memref<65536xf32, #tpu.memory_space<vmem>>[vector<16xi32>], vector<16xf32>,
    %get3A_2044 = arith.constant 40 : i32
    %get3A_2045 = arith.index_cast %get3A_2044 : i32 to index
    %get3A_2046 = arith.constant 16 : index
    %get3A_2047 = tpu.vector_load %arg5[%get3A_2045, %get3A_2046] {strides = array<i32>} : memref<64x64xi32, #tpu.memory_space<vmem>>, vector<16xi32>,
    %add3A_2048 = arith.constant 16384 : i32
    %add3A_2049 = vector.broadcast %add3A_2048 : i32 to vector<16xi32>
    %add3A_2050 = arith.addi %get3A_2047, %add3A_2049 : vector<16xi32>
    tpu.vector_store_idx %arg6[%add3A_2050], %broadcast_in_dim3A_8 {add = true} : memref<65536xf32, #tpu.memory_space<vmem>>[vector<16xi32>], vector<16xf32>,
    %get3A_2051 = arith.constant 40 : i32
    %get3A_2052 = arith.index_cast %get3A_2051 : i32 to index
    %get3A_2053 = arith.constant 32 : index
    %get3A_2054 = tpu.vector_load %arg5[%get3A_2052, %get3A_2053] {strides = array<i32>} : memref<64x64xi32, #tpu.memory_space<vmem>>, vector<16xi32>,
    %add3A_2055 = arith.constant 16384 : i32
    %add3A_2056 = vector.broadcast %add3A_2055 : i32 to vector<16xi32>
    %add3A_2057 = arith.addi %get3A_2054, %add3A_2056 : vector<16xi32>
    tpu.vector_store_idx %arg6[%add3A_2057], %broadcast_in_dim3A_8 {add = true} : memref<65536xf32, #tpu.memory_space<vmem>>[vector<16xi32>], vector<16xf32>,
    %get3A_2058 = arith.constant 40 : i32
    %get3A_2059 = arith.index_cast %get3A_2058 : i32 to index
    %get3A_2060 = arith.constant 48 : index
    %get3A_2061 = tpu.vector_load %arg5[%get3A_2059, %get3A_2060] {strides = array<i32>} : memref<64x64xi32, #tpu.memory_space<vmem>>, vector<16xi32>,
    %add3A_2062 = arith.constant 16384 : i32
    %add3A_2063 = vector.broadcast %add3A_2062 : i32 to vector<16xi32>
    %add3A_2064 = arith.addi %get3A_2061, %add3A_2063 : vector<16xi32>
    tpu.vector_store_idx %arg6[%add3A_2064], %broadcast_in_dim3A_8 {add = true} : memref<65536xf32, #tpu.memory_space<vmem>>[vector<16xi32>], vector<16xf32>,
    %get3A_2065 = arith.constant 41 : i32
    %get3A_2066 = arith.index_cast %get3A_2065 : i32 to index
    %get3A_2067 = arith.constant 0 : index
    %get3A_2068 = tpu.vector_load %arg5[%get3A_2066, %get3A_2067] {strides = array<i32>} : memref<64x64xi32, #tpu.memory_space<vmem>>, vector<16xi32>,
    %add3A_2069 = arith.constant 18432 : i32
    %add3A_2070 = vector.broadcast %add3A_2069 : i32 to vector<16xi32>
    %add3A_2071 = arith.addi %get3A_2068, %add3A_2070 : vector<16xi32>
    tpu.vector_store_idx %arg6[%add3A_2071], %broadcast_in_dim3A_8 {add = true} : memref<65536xf32, #tpu.memory_space<vmem>>[vector<16xi32>], vector<16xf32>,
    %get3A_2072 = arith.constant 41 : i32
    %get3A_2073 = arith.index_cast %get3A_2072 : i32 to index
    %get3A_2074 = arith.constant 16 : index
    %get3A_2075 = tpu.vector_load %arg5[%get3A_2073, %get3A_2074] {strides = array<i32>} : memref<64x64xi32, #tpu.memory_space<vmem>>, vector<16xi32>,
    %add3A_2076 = arith.constant 18432 : i32
    %add3A_2077 = vector.broadcast %add3A_2076 : i32 to vector<16xi32>
    %add3A_2078 = arith.addi %get3A_2075, %add3A_2077 : vector<16xi32>
    tpu.vector_store_idx %arg6[%add3A_2078], %broadcast_in_dim3A_8 {add = true} : memref<65536xf32, #tpu.memory_space<vmem>>[vector<16xi32>], vector<16xf32>,
    %get3A_2079 = arith.constant 41 : i32
    %get3A_2080 = arith.index_cast %get3A_2079 : i32 to index
    %get3A_2081 = arith.constant 32 : index
    %get3A_2082 = tpu.vector_load %arg5[%get3A_2080, %get3A_2081] {strides = array<i32>} : memref<64x64xi32, #tpu.memory_space<vmem>>, vector<16xi32>,
    %add3A_2083 = arith.constant 18432 : i32
    %add3A_2084 = vector.broadcast %add3A_2083 : i32 to vector<16xi32>
    %add3A_2085 = arith.addi %get3A_2082, %add3A_2084 : vector<16xi32>
    tpu.vector_store_idx %arg6[%add3A_2085], %broadcast_in_dim3A_8 {add = true} : memref<65536xf32, #tpu.memory_space<vmem>>[vector<16xi32>], vector<16xf32>,
    %get3A_2086 = arith.constant 41 : i32
    %get3A_2087 = arith.index_cast %get3A_2086 : i32 to index
    %get3A_2088 = arith.constant 48 : index
    %get3A_2089 = tpu.vector_load %arg5[%get3A_2087, %get3A_2088] {strides = array<i32>} : memref<64x64xi32, #tpu.memory_space<vmem>>, vector<16xi32>,
    %add3A_2090 = arith.constant 18432 : i32
    %add3A_2091 = vector.broadcast %add3A_2090 : i32 to vector<16xi32>
    %add3A_2092 = arith.addi %get3A_2089, %add3A_2091 : vector<16xi32>
    tpu.vector_store_idx %arg6[%add3A_2092], %broadcast_in_dim3A_8 {add = true} : memref<65536xf32, #tpu.memory_space<vmem>>[vector<16xi32>], vector<16xf32>,
    %get3A_2093 = arith.constant 42 : i32
    %get3A_2094 = arith.index_cast %get3A_2093 : i32 to index
    %get3A_2095 = arith.constant 0 : index
    %get3A_2096 = tpu.vector_load %arg5[%get3A_2094, %get3A_2095] {strides = array<i32>} : memref<64x64xi32, #tpu.memory_space<vmem>>, vector<16xi32>,
    %add3A_2097 = arith.constant 20480 : i32
    %add3A_2098 = vector.broadcast %add3A_2097 : i32 to vector<16xi32>
    %add3A_2099 = arith.addi %get3A_2096, %add3A_2098 : vector<16xi32>
    tpu.vector_store_idx %arg6[%add3A_2099], %broadcast_in_dim3A_8 {add = true} : memref<65536xf32, #tpu.memory_space<vmem>>[vector<16xi32>], vector<16xf32>,
    %get3A_2100 = arith.constant 42 : i32
    %get3A_2101 = arith.index_cast %get3A_2100 : i32 to index
    %get3A_2102 = arith.constant 16 : index
    %get3A_2103 = tpu.vector_load %arg5[%get3A_2101, %get3A_2102] {strides = array<i32>} : memref<64x64xi32, #tpu.memory_space<vmem>>, vector<16xi32>,
    %add3A_2104 = arith.constant 20480 : i32
    %add3A_2105 = vector.broadcast %add3A_2104 : i32 to vector<16xi32>
    %add3A_2106 = arith.addi %get3A_2103, %add3A_2105 : vector<16xi32>
    tpu.vector_store_idx %arg6[%add3A_2106], %broadcast_in_dim3A_8 {add = true} : memref<65536xf32, #tpu.memory_space<vmem>>[vector<16xi32>], vector<16xf32>,
    %get3A_2107 = arith.constant 42 : i32
    %get3A_2108 = arith.index_cast %get3A_2107 : i32 to index
    %get3A_2109 = arith.constant 32 : index
    %get3A_2110 = tpu.vector_load %arg5[%get3A_2108, %get3A_2109] {strides = array<i32>} : memref<64x64xi32, #tpu.memory_space<vmem>>, vector<16xi32>,
    %add3A_2111 = arith.constant 20480 : i32
    %add3A_2112 = vector.broadcast %add3A_2111 : i32 to vector<16xi32>
    %add3A_2113 = arith.addi %get3A_2110, %add3A_2112 : vector<16xi32>
    tpu.vector_store_idx %arg6[%add3A_2113], %broadcast_in_dim3A_8 {add = true} : memref<65536xf32, #tpu.memory_space<vmem>>[vector<16xi32>], vector<16xf32>,
    %get3A_2114 = arith.constant 42 : i32
    %get3A_2115 = arith.index_cast %get3A_2114 : i32 to index
    %get3A_2116 = arith.constant 48 : index
    %get3A_2117 = tpu.vector_load %arg5[%get3A_2115, %get3A_2116] {strides = array<i32>} : memref<64x64xi32, #tpu.memory_space<vmem>>, vector<16xi32>,
    %add3A_2118 = arith.constant 20480 : i32
    %add3A_2119 = vector.broadcast %add3A_2118 : i32 to vector<16xi32>
    %add3A_2120 = arith.addi %get3A_2117, %add3A_2119 : vector<16xi32>
    tpu.vector_store_idx %arg6[%add3A_2120], %broadcast_in_dim3A_8 {add = true} : memref<65536xf32, #tpu.memory_space<vmem>>[vector<16xi32>], vector<16xf32>,
    %get3A_2121 = arith.constant 43 : i32
    %get3A_2122 = arith.index_cast %get3A_2121 : i32 to index
    %get3A_2123 = arith.constant 0 : index
    %get3A_2124 = tpu.vector_load %arg5[%get3A_2122, %get3A_2123] {strides = array<i32>} : memref<64x64xi32, #tpu.memory_space<vmem>>, vector<16xi32>,
    %add3A_2125 = arith.constant 22528 : i32
    %add3A_2126 = vector.broadcast %add3A_2125 : i32 to vector<16xi32>
    %add3A_2127 = arith.addi %get3A_2124, %add3A_2126 : vector<16xi32>
    tpu.vector_store_idx %arg6[%add3A_2127], %broadcast_in_dim3A_8 {add = true} : memref<65536xf32, #tpu.memory_space<vmem>>[vector<16xi32>], vector<16xf32>,
    %get3A_2128 = arith.constant 43 : i32
    %get3A_2129 = arith.index_cast %get3A_2128 : i32 to index
    %get3A_2130 = arith.constant 16 : index
    %get3A_2131 = tpu.vector_load %arg5[%get3A_2129, %get3A_2130] {strides = array<i32>} : memref<64x64xi32, #tpu.memory_space<vmem>>, vector<16xi32>,
    %add3A_2132 = arith.constant 22528 : i32
    %add3A_2133 = vector.broadcast %add3A_2132 : i32 to vector<16xi32>
    %add3A_2134 = arith.addi %get3A_2131, %add3A_2133 : vector<16xi32>
    tpu.vector_store_idx %arg6[%add3A_2134], %broadcast_in_dim3A_8 {add = true} : memref<65536xf32, #tpu.memory_space<vmem>>[vector<16xi32>], vector<16xf32>,
    %get3A_2135 = arith.constant 43 : i32
    %get3A_2136 = arith.index_cast %get3A_2135 : i32 to index
    %get3A_2137 = arith.constant 32 : index
    %get3A_2138 = tpu.vector_load %arg5[%get3A_2136, %get3A_2137] {strides = array<i32>} : memref<64x64xi32, #tpu.memory_space<vmem>>, vector<16xi32>,
    %add3A_2139 = arith.constant 22528 : i32
    %add3A_2140 = vector.broadcast %add3A_2139 : i32 to vector<16xi32>
    %add3A_2141 = arith.addi %get3A_2138, %add3A_2140 : vector<16xi32>
    tpu.vector_store_idx %arg6[%add3A_2141], %broadcast_in_dim3A_8 {add = true} : memref<65536xf32, #tpu.memory_space<vmem>>[vector<16xi32>], vector<16xf32>,
    %get3A_2142 = arith.constant 43 : i32
    %get3A_2143 = arith.index_cast %get3A_2142 : i32 to index
    %get3A_2144 = arith.constant 48 : index
    %get3A_2145 = tpu.vector_load %arg5[%get3A_2143, %get3A_2144] {strides = array<i32>} : memref<64x64xi32, #tpu.memory_space<vmem>>, vector<16xi32>,
    %add3A_2146 = arith.constant 22528 : i32
    %add3A_2147 = vector.broadcast %add3A_2146 : i32 to vector<16xi32>
    %add3A_2148 = arith.addi %get3A_2145, %add3A_2147 : vector<16xi32>
    tpu.vector_store_idx %arg6[%add3A_2148], %broadcast_in_dim3A_8 {add = true} : memref<65536xf32, #tpu.memory_space<vmem>>[vector<16xi32>], vector<16xf32>,
    %get3A_2149 = arith.constant 44 : i32
    %get3A_2150 = arith.index_cast %get3A_2149 : i32 to index
    %get3A_2151 = arith.constant 0 : index
    %get3A_2152 = tpu.vector_load %arg5[%get3A_2150, %get3A_2151] {strides = array<i32>} : memref<64x64xi32, #tpu.memory_space<vmem>>, vector<16xi32>,
    %add3A_2153 = arith.constant 24576 : i32
    %add3A_2154 = vector.broadcast %add3A_2153 : i32 to vector<16xi32>
    %add3A_2155 = arith.addi %get3A_2152, %add3A_2154 : vector<16xi32>
    tpu.vector_store_idx %arg6[%add3A_2155], %broadcast_in_dim3A_8 {add = true} : memref<65536xf32, #tpu.memory_space<vmem>>[vector<16xi32>], vector<16xf32>,
    %get3A_2156 = arith.constant 44 : i32
    %get3A_2157 = arith.index_cast %get3A_2156 : i32 to index
    %get3A_2158 = arith.constant 16 : index
    %get3A_2159 = tpu.vector_load %arg5[%get3A_2157, %get3A_2158] {strides = array<i32>} : memref<64x64xi32, #tpu.memory_space<vmem>>, vector<16xi32>,
    %add3A_2160 = arith.constant 24576 : i32
    %add3A_2161 = vector.broadcast %add3A_2160 : i32 to vector<16xi32>
    %add3A_2162 = arith.addi %get3A_2159, %add3A_2161 : vector<16xi32>
    tpu.vector_store_idx %arg6[%add3A_2162], %broadcast_in_dim3A_8 {add = true} : memref<65536xf32, #tpu.memory_space<vmem>>[vector<16xi32>], vector<16xf32>,
    %get3A_2163 = arith.constant 44 : i32
    %get3A_2164 = arith.index_cast %get3A_2163 : i32 to index
    %get3A_2165 = arith.constant 32 : index
    %get3A_2166 = tpu.vector_load %arg5[%get3A_2164, %get3A_2165] {strides = array<i32>} : memref<64x64xi32, #tpu.memory_space<vmem>>, vector<16xi32>,
    %add3A_2167 = arith.constant 24576 : i32
    %add3A_2168 = vector.broadcast %add3A_2167 : i32 to vector<16xi32>
    %add3A_2169 = arith.addi %get3A_2166, %add3A_2168 : vector<16xi32>
    tpu.vector_store_idx %arg6[%add3A_2169], %broadcast_in_dim3A_8 {add = true} : memref<65536xf32, #tpu.memory_space<vmem>>[vector<16xi32>], vector<16xf32>,
    %get3A_2170 = arith.constant 44 : i32
    %get3A_2171 = arith.index_cast %get3A_2170 : i32 to index
    %get3A_2172 = arith.constant 48 : index
    %get3A_2173 = tpu.vector_load %arg5[%get3A_2171, %get3A_2172] {strides = array<i32>} : memref<64x64xi32, #tpu.memory_space<vmem>>, vector<16xi32>,
    %add3A_2174 = arith.constant 24576 : i32
    %add3A_2175 = vector.broadcast %add3A_2174 : i32 to vector<16xi32>
    %add3A_2176 = arith.addi %get3A_2173, %add3A_2175 : vector<16xi32>
    tpu.vector_store_idx %arg6[%add3A_2176], %broadcast_in_dim3A_8 {add = true} : memref<65536xf32, #tpu.memory_space<vmem>>[vector<16xi32>], vector<16xf32>,
    %get3A_2177 = arith.constant 45 : i32
    %get3A_2178 = arith.index_cast %get3A_2177 : i32 to index
    %get3A_2179 = arith.constant 0 : index
    %get3A_2180 = tpu.vector_load %arg5[%get3A_2178, %get3A_2179] {strides = array<i32>} : memref<64x64xi32, #tpu.memory_space<vmem>>, vector<16xi32>,
    %add3A_2181 = arith.constant 26624 : i32
    %add3A_2182 = vector.broadcast %add3A_2181 : i32 to vector<16xi32>
    %add3A_2183 = arith.addi %get3A_2180, %add3A_2182 : vector<16xi32>
    tpu.vector_store_idx %arg6[%add3A_2183], %broadcast_in_dim3A_8 {add = true} : memref<65536xf32, #tpu.memory_space<vmem>>[vector<16xi32>], vector<16xf32>,
    %get3A_2184 = arith.constant 45 : i32
    %get3A_2185 = arith.index_cast %get3A_2184 : i32 to index
    %get3A_2186 = arith.constant 16 : index
    %get3A_2187 = tpu.vector_load %arg5[%get3A_2185, %get3A_2186] {strides = array<i32>} : memref<64x64xi32, #tpu.memory_space<vmem>>, vector<16xi32>,
    %add3A_2188 = arith.constant 26624 : i32
    %add3A_2189 = vector.broadcast %add3A_2188 : i32 to vector<16xi32>
    %add3A_2190 = arith.addi %get3A_2187, %add3A_2189 : vector<16xi32>
    tpu.vector_store_idx %arg6[%add3A_2190], %broadcast_in_dim3A_8 {add = true} : memref<65536xf32, #tpu.memory_space<vmem>>[vector<16xi32>], vector<16xf32>,
    %get3A_2191 = arith.constant 45 : i32
    %get3A_2192 = arith.index_cast %get3A_2191 : i32 to index
    %get3A_2193 = arith.constant 32 : index
    %get3A_2194 = tpu.vector_load %arg5[%get3A_2192, %get3A_2193] {strides = array<i32>} : memref<64x64xi32, #tpu.memory_space<vmem>>, vector<16xi32>,
    %add3A_2195 = arith.constant 26624 : i32
    %add3A_2196 = vector.broadcast %add3A_2195 : i32 to vector<16xi32>
    %add3A_2197 = arith.addi %get3A_2194, %add3A_2196 : vector<16xi32>
    tpu.vector_store_idx %arg6[%add3A_2197], %broadcast_in_dim3A_8 {add = true} : memref<65536xf32, #tpu.memory_space<vmem>>[vector<16xi32>], vector<16xf32>,
    %get3A_2198 = arith.constant 45 : i32
    %get3A_2199 = arith.index_cast %get3A_2198 : i32 to index
    %get3A_2200 = arith.constant 48 : index
    %get3A_2201 = tpu.vector_load %arg5[%get3A_2199, %get3A_2200] {strides = array<i32>} : memref<64x64xi32, #tpu.memory_space<vmem>>, vector<16xi32>,
    %add3A_2202 = arith.constant 26624 : i32
    %add3A_2203 = vector.broadcast %add3A_2202 : i32 to vector<16xi32>
    %add3A_2204 = arith.addi %get3A_2201, %add3A_2203 : vector<16xi32>
    tpu.vector_store_idx %arg6[%add3A_2204], %broadcast_in_dim3A_8 {add = true} : memref<65536xf32, #tpu.memory_space<vmem>>[vector<16xi32>], vector<16xf32>,
    %get3A_2205 = arith.constant 46 : i32
    %get3A_2206 = arith.index_cast %get3A_2205 : i32 to index
    %get3A_2207 = arith.constant 0 : index
    %get3A_2208 = tpu.vector_load %arg5[%get3A_2206, %get3A_2207] {strides = array<i32>} : memref<64x64xi32, #tpu.memory_space<vmem>>, vector<16xi32>,
    %add3A_2209 = arith.constant 28672 : i32
    %add3A_2210 = vector.broadcast %add3A_2209 : i32 to vector<16xi32>
    %add3A_2211 = arith.addi %get3A_2208, %add3A_2210 : vector<16xi32>
    tpu.vector_store_idx %arg6[%add3A_2211], %broadcast_in_dim3A_8 {add = true} : memref<65536xf32, #tpu.memory_space<vmem>>[vector<16xi32>], vector<16xf32>,
    %get3A_2212 = arith.constant 46 : i32
    %get3A_2213 = arith.index_cast %get3A_2212 : i32 to index
    %get3A_2214 = arith.constant 16 : index
    %get3A_2215 = tpu.vector_load %arg5[%get3A_2213, %get3A_2214] {strides = array<i32>} : memref<64x64xi32, #tpu.memory_space<vmem>>, vector<16xi32>,
    %add3A_2216 = arith.constant 28672 : i32
    %add3A_2217 = vector.broadcast %add3A_2216 : i32 to vector<16xi32>
    %add3A_2218 = arith.addi %get3A_2215, %add3A_2217 : vector<16xi32>
    tpu.vector_store_idx %arg6[%add3A_2218], %broadcast_in_dim3A_8 {add = true} : memref<65536xf32, #tpu.memory_space<vmem>>[vector<16xi32>], vector<16xf32>,
    %get3A_2219 = arith.constant 46 : i32
    %get3A_2220 = arith.index_cast %get3A_2219 : i32 to index
    %get3A_2221 = arith.constant 32 : index
    %get3A_2222 = tpu.vector_load %arg5[%get3A_2220, %get3A_2221] {strides = array<i32>} : memref<64x64xi32, #tpu.memory_space<vmem>>, vector<16xi32>,
    %add3A_2223 = arith.constant 28672 : i32
    %add3A_2224 = vector.broadcast %add3A_2223 : i32 to vector<16xi32>
    %add3A_2225 = arith.addi %get3A_2222, %add3A_2224 : vector<16xi32>
    tpu.vector_store_idx %arg6[%add3A_2225], %broadcast_in_dim3A_8 {add = true} : memref<65536xf32, #tpu.memory_space<vmem>>[vector<16xi32>], vector<16xf32>,
    %get3A_2226 = arith.constant 46 : i32
    %get3A_2227 = arith.index_cast %get3A_2226 : i32 to index
    %get3A_2228 = arith.constant 48 : index
    %get3A_2229 = tpu.vector_load %arg5[%get3A_2227, %get3A_2228] {strides = array<i32>} : memref<64x64xi32, #tpu.memory_space<vmem>>, vector<16xi32>,
    %add3A_2230 = arith.constant 28672 : i32
    %add3A_2231 = vector.broadcast %add3A_2230 : i32 to vector<16xi32>
    %add3A_2232 = arith.addi %get3A_2229, %add3A_2231 : vector<16xi32>
    tpu.vector_store_idx %arg6[%add3A_2232], %broadcast_in_dim3A_8 {add = true} : memref<65536xf32, #tpu.memory_space<vmem>>[vector<16xi32>], vector<16xf32>,
    %get3A_2233 = arith.constant 47 : i32
    %get3A_2234 = arith.index_cast %get3A_2233 : i32 to index
    %get3A_2235 = arith.constant 0 : index
    %get3A_2236 = tpu.vector_load %arg5[%get3A_2234, %get3A_2235] {strides = array<i32>} : memref<64x64xi32, #tpu.memory_space<vmem>>, vector<16xi32>,
    %add3A_2237 = arith.constant 30720 : i32
    %add3A_2238 = vector.broadcast %add3A_2237 : i32 to vector<16xi32>
    %add3A_2239 = arith.addi %get3A_2236, %add3A_2238 : vector<16xi32>
    tpu.vector_store_idx %arg6[%add3A_2239], %broadcast_in_dim3A_8 {add = true} : memref<65536xf32, #tpu.memory_space<vmem>>[vector<16xi32>], vector<16xf32>,
    %get3A_2240 = arith.constant 47 : i32
    %get3A_2241 = arith.index_cast %get3A_2240 : i32 to index
    %get3A_2242 = arith.constant 16 : index
    %get3A_2243 = tpu.vector_load %arg5[%get3A_2241, %get3A_2242] {strides = array<i32>} : memref<64x64xi32, #tpu.memory_space<vmem>>, vector<16xi32>,
    %add3A_2244 = arith.constant 30720 : i32
    %add3A_2245 = vector.broadcast %add3A_2244 : i32 to vector<16xi32>
    %add3A_2246 = arith.addi %get3A_2243, %add3A_2245 : vector<16xi32>
    tpu.vector_store_idx %arg6[%add3A_2246], %broadcast_in_dim3A_8 {add = true} : memref<65536xf32, #tpu.memory_space<vmem>>[vector<16xi32>], vector<16xf32>,
    %get3A_2247 = arith.constant 47 : i32
    %get3A_2248 = arith.index_cast %get3A_2247 : i32 to index
    %get3A_2249 = arith.constant 32 : index
    %get3A_2250 = tpu.vector_load %arg5[%get3A_2248, %get3A_2249] {strides = array<i32>} : memref<64x64xi32, #tpu.memory_space<vmem>>, vector<16xi32>,
    %add3A_2251 = arith.constant 30720 : i32
    %add3A_2252 = vector.broadcast %add3A_2251 : i32 to vector<16xi32>
    %add3A_2253 = arith.addi %get3A_2250, %add3A_2252 : vector<16xi32>
    tpu.vector_store_idx %arg6[%add3A_2253], %broadcast_in_dim3A_8 {add = true} : memref<65536xf32, #tpu.memory_space<vmem>>[vector<16xi32>], vector<16xf32>,
    %get3A_2254 = arith.constant 47 : i32
    %get3A_2255 = arith.index_cast %get3A_2254 : i32 to index
    %get3A_2256 = arith.constant 48 : index
    %get3A_2257 = tpu.vector_load %arg5[%get3A_2255, %get3A_2256] {strides = array<i32>} : memref<64x64xi32, #tpu.memory_space<vmem>>, vector<16xi32>,
    %add3A_2258 = arith.constant 30720 : i32
    %add3A_2259 = vector.broadcast %add3A_2258 : i32 to vector<16xi32>
    %add3A_2260 = arith.addi %get3A_2257, %add3A_2259 : vector<16xi32>
    tpu.vector_store_idx %arg6[%add3A_2260], %broadcast_in_dim3A_8 {add = true} : memref<65536xf32, #tpu.memory_space<vmem>>[vector<16xi32>], vector<16xf32>,
    %get3A_2261 = arith.constant 48 : i32
    %get3A_2262 = arith.index_cast %get3A_2261 : i32 to index
    %get3A_2263 = arith.constant 0 : index
    %get3A_2264 = tpu.vector_load %arg5[%get3A_2262, %get3A_2263] {strides = array<i32>} : memref<64x64xi32, #tpu.memory_space<vmem>>, vector<16xi32>,
    %add3A_2265 = arith.constant 32768 : i32
    %add3A_2266 = vector.broadcast %add3A_2265 : i32 to vector<16xi32>
    %add3A_2267 = arith.addi %get3A_2264, %add3A_2266 : vector<16xi32>
    tpu.vector_store_idx %arg6[%add3A_2267], %broadcast_in_dim3A_8 {add = true} : memref<65536xf32, #tpu.memory_space<vmem>>[vector<16xi32>], vector<16xf32>,
    %get3A_2268 = arith.constant 48 : i32
    %get3A_2269 = arith.index_cast %get3A_2268 : i32 to index
    %get3A_2270 = arith.constant 16 : index
    %get3A_2271 = tpu.vector_load %arg5[%get3A_2269, %get3A_2270] {strides = array<i32>} : memref<64x64xi32, #tpu.memory_space<vmem>>, vector<16xi32>,
    %add3A_2272 = arith.constant 32768 : i32
    %add3A_2273 = vector.broadcast %add3A_2272 : i32 to vector<16xi32>
    %add3A_2274 = arith.addi %get3A_2271, %add3A_2273 : vector<16xi32>
    tpu.vector_store_idx %arg6[%add3A_2274], %broadcast_in_dim3A_8 {add = true} : memref<65536xf32, #tpu.memory_space<vmem>>[vector<16xi32>], vector<16xf32>,
    %get3A_2275 = arith.constant 48 : i32
    %get3A_2276 = arith.index_cast %get3A_2275 : i32 to index
    %get3A_2277 = arith.constant 32 : index
    %get3A_2278 = tpu.vector_load %arg5[%get3A_2276, %get3A_2277] {strides = array<i32>} : memref<64x64xi32, #tpu.memory_space<vmem>>, vector<16xi32>,
    %add3A_2279 = arith.constant 32768 : i32
    %add3A_2280 = vector.broadcast %add3A_2279 : i32 to vector<16xi32>
    %add3A_2281 = arith.addi %get3A_2278, %add3A_2280 : vector<16xi32>
    tpu.vector_store_idx %arg6[%add3A_2281], %broadcast_in_dim3A_8 {add = true} : memref<65536xf32, #tpu.memory_space<vmem>>[vector<16xi32>], vector<16xf32>,
    %get3A_2282 = arith.constant 48 : i32
    %get3A_2283 = arith.index_cast %get3A_2282 : i32 to index
    %get3A_2284 = arith.constant 48 : index
    %get3A_2285 = tpu.vector_load %arg5[%get3A_2283, %get3A_2284] {strides = array<i32>} : memref<64x64xi32, #tpu.memory_space<vmem>>, vector<16xi32>,
    %add3A_2286 = arith.constant 32768 : i32
    %add3A_2287 = vector.broadcast %add3A_2286 : i32 to vector<16xi32>
    %add3A_2288 = arith.addi %get3A_2285, %add3A_2287 : vector<16xi32>
    tpu.vector_store_idx %arg6[%add3A_2288], %broadcast_in_dim3A_8 {add = true} : memref<65536xf32, #tpu.memory_space<vmem>>[vector<16xi32>], vector<16xf32>,
    %get3A_2289 = arith.constant 49 : i32
    %get3A_2290 = arith.index_cast %get3A_2289 : i32 to index
    %get3A_2291 = arith.constant 0 : index
    %get3A_2292 = tpu.vector_load %arg5[%get3A_2290, %get3A_2291] {strides = array<i32>} : memref<64x64xi32, #tpu.memory_space<vmem>>, vector<16xi32>,
    %add3A_2293 = arith.constant 34816 : i32
    %add3A_2294 = vector.broadcast %add3A_2293 : i32 to vector<16xi32>
    %add3A_2295 = arith.addi %get3A_2292, %add3A_2294 : vector<16xi32>
    tpu.vector_store_idx %arg6[%add3A_2295], %broadcast_in_dim3A_8 {add = true} : memref<65536xf32, #tpu.memory_space<vmem>>[vector<16xi32>], vector<16xf32>,
    %get3A_2296 = arith.constant 49 : i32
    %get3A_2297 = arith.index_cast %get3A_2296 : i32 to index
    %get3A_2298 = arith.constant 16 : index
    %get3A_2299 = tpu.vector_load %arg5[%get3A_2297, %get3A_2298] {strides = array<i32>} : memref<64x64xi32, #tpu.memory_space<vmem>>, vector<16xi32>,
    %add3A_2300 = arith.constant 34816 : i32
    %add3A_2301 = vector.broadcast %add3A_2300 : i32 to vector<16xi32>
    %add3A_2302 = arith.addi %get3A_2299, %add3A_2301 : vector<16xi32>
    tpu.vector_store_idx %arg6[%add3A_2302], %broadcast_in_dim3A_8 {add = true} : memref<65536xf32, #tpu.memory_space<vmem>>[vector<16xi32>], vector<16xf32>,
    %get3A_2303 = arith.constant 49 : i32
    %get3A_2304 = arith.index_cast %get3A_2303 : i32 to index
    %get3A_2305 = arith.constant 32 : index
    %get3A_2306 = tpu.vector_load %arg5[%get3A_2304, %get3A_2305] {strides = array<i32>} : memref<64x64xi32, #tpu.memory_space<vmem>>, vector<16xi32>,
    %add3A_2307 = arith.constant 34816 : i32
    %add3A_2308 = vector.broadcast %add3A_2307 : i32 to vector<16xi32>
    %add3A_2309 = arith.addi %get3A_2306, %add3A_2308 : vector<16xi32>
    tpu.vector_store_idx %arg6[%add3A_2309], %broadcast_in_dim3A_8 {add = true} : memref<65536xf32, #tpu.memory_space<vmem>>[vector<16xi32>], vector<16xf32>,
    %get3A_2310 = arith.constant 49 : i32
    %get3A_2311 = arith.index_cast %get3A_2310 : i32 to index
    %get3A_2312 = arith.constant 48 : index
    %get3A_2313 = tpu.vector_load %arg5[%get3A_2311, %get3A_2312] {strides = array<i32>} : memref<64x64xi32, #tpu.memory_space<vmem>>, vector<16xi32>,
    %add3A_2314 = arith.constant 34816 : i32
    %add3A_2315 = vector.broadcast %add3A_2314 : i32 to vector<16xi32>
    %add3A_2316 = arith.addi %get3A_2313, %add3A_2315 : vector<16xi32>
    tpu.vector_store_idx %arg6[%add3A_2316], %broadcast_in_dim3A_8 {add = true} : memref<65536xf32, #tpu.memory_space<vmem>>[vector<16xi32>], vector<16xf32>,
    %get3A_2317 = arith.constant 50 : i32
    %get3A_2318 = arith.index_cast %get3A_2317 : i32 to index
    %get3A_2319 = arith.constant 0 : index
    %get3A_2320 = tpu.vector_load %arg5[%get3A_2318, %get3A_2319] {strides = array<i32>} : memref<64x64xi32, #tpu.memory_space<vmem>>, vector<16xi32>,
    %add3A_2321 = arith.constant 36864 : i32
    %add3A_2322 = vector.broadcast %add3A_2321 : i32 to vector<16xi32>
    %add3A_2323 = arith.addi %get3A_2320, %add3A_2322 : vector<16xi32>
    tpu.vector_store_idx %arg6[%add3A_2323], %broadcast_in_dim3A_8 {add = true} : memref<65536xf32, #tpu.memory_space<vmem>>[vector<16xi32>], vector<16xf32>,
    %get3A_2324 = arith.constant 50 : i32
    %get3A_2325 = arith.index_cast %get3A_2324 : i32 to index
    %get3A_2326 = arith.constant 16 : index
    %get3A_2327 = tpu.vector_load %arg5[%get3A_2325, %get3A_2326] {strides = array<i32>} : memref<64x64xi32, #tpu.memory_space<vmem>>, vector<16xi32>,
    %add3A_2328 = arith.constant 36864 : i32
    %add3A_2329 = vector.broadcast %add3A_2328 : i32 to vector<16xi32>
    %add3A_2330 = arith.addi %get3A_2327, %add3A_2329 : vector<16xi32>
    tpu.vector_store_idx %arg6[%add3A_2330], %broadcast_in_dim3A_8 {add = true} : memref<65536xf32, #tpu.memory_space<vmem>>[vector<16xi32>], vector<16xf32>,
    %get3A_2331 = arith.constant 50 : i32
    %get3A_2332 = arith.index_cast %get3A_2331 : i32 to index
    %get3A_2333 = arith.constant 32 : index
    %get3A_2334 = tpu.vector_load %arg5[%get3A_2332, %get3A_2333] {strides = array<i32>} : memref<64x64xi32, #tpu.memory_space<vmem>>, vector<16xi32>,
    %add3A_2335 = arith.constant 36864 : i32
    %add3A_2336 = vector.broadcast %add3A_2335 : i32 to vector<16xi32>
    %add3A_2337 = arith.addi %get3A_2334, %add3A_2336 : vector<16xi32>
    tpu.vector_store_idx %arg6[%add3A_2337], %broadcast_in_dim3A_8 {add = true} : memref<65536xf32, #tpu.memory_space<vmem>>[vector<16xi32>], vector<16xf32>,
    %get3A_2338 = arith.constant 50 : i32
    %get3A_2339 = arith.index_cast %get3A_2338 : i32 to index
    %get3A_2340 = arith.constant 48 : index
    %get3A_2341 = tpu.vector_load %arg5[%get3A_2339, %get3A_2340] {strides = array<i32>} : memref<64x64xi32, #tpu.memory_space<vmem>>, vector<16xi32>,
    %add3A_2342 = arith.constant 36864 : i32
    %add3A_2343 = vector.broadcast %add3A_2342 : i32 to vector<16xi32>
    %add3A_2344 = arith.addi %get3A_2341, %add3A_2343 : vector<16xi32>
    tpu.vector_store_idx %arg6[%add3A_2344], %broadcast_in_dim3A_8 {add = true} : memref<65536xf32, #tpu.memory_space<vmem>>[vector<16xi32>], vector<16xf32>,
    %get3A_2345 = arith.constant 51 : i32
    %get3A_2346 = arith.index_cast %get3A_2345 : i32 to index
    %get3A_2347 = arith.constant 0 : index
    %get3A_2348 = tpu.vector_load %arg5[%get3A_2346, %get3A_2347] {strides = array<i32>} : memref<64x64xi32, #tpu.memory_space<vmem>>, vector<16xi32>,
    %add3A_2349 = arith.constant 38912 : i32
    %add3A_2350 = vector.broadcast %add3A_2349 : i32 to vector<16xi32>
    %add3A_2351 = arith.addi %get3A_2348, %add3A_2350 : vector<16xi32>
    tpu.vector_store_idx %arg6[%add3A_2351], %broadcast_in_dim3A_8 {add = true} : memref<65536xf32, #tpu.memory_space<vmem>>[vector<16xi32>], vector<16xf32>,
    %get3A_2352 = arith.constant 51 : i32
    %get3A_2353 = arith.index_cast %get3A_2352 : i32 to index
    %get3A_2354 = arith.constant 16 : index
    %get3A_2355 = tpu.vector_load %arg5[%get3A_2353, %get3A_2354] {strides = array<i32>} : memref<64x64xi32, #tpu.memory_space<vmem>>, vector<16xi32>,
    %add3A_2356 = arith.constant 38912 : i32
    %add3A_2357 = vector.broadcast %add3A_2356 : i32 to vector<16xi32>
    %add3A_2358 = arith.addi %get3A_2355, %add3A_2357 : vector<16xi32>
    tpu.vector_store_idx %arg6[%add3A_2358], %broadcast_in_dim3A_8 {add = true} : memref<65536xf32, #tpu.memory_space<vmem>>[vector<16xi32>], vector<16xf32>,
    %get3A_2359 = arith.constant 51 : i32
    %get3A_2360 = arith.index_cast %get3A_2359 : i32 to index
    %get3A_2361 = arith.constant 32 : index
    %get3A_2362 = tpu.vector_load %arg5[%get3A_2360, %get3A_2361] {strides = array<i32>} : memref<64x64xi32, #tpu.memory_space<vmem>>, vector<16xi32>,
    %add3A_2363 = arith.constant 38912 : i32
    %add3A_2364 = vector.broadcast %add3A_2363 : i32 to vector<16xi32>
    %add3A_2365 = arith.addi %get3A_2362, %add3A_2364 : vector<16xi32>
    tpu.vector_store_idx %arg6[%add3A_2365], %broadcast_in_dim3A_8 {add = true} : memref<65536xf32, #tpu.memory_space<vmem>>[vector<16xi32>], vector<16xf32>,
    %get3A_2366 = arith.constant 51 : i32
    %get3A_2367 = arith.index_cast %get3A_2366 : i32 to index
    %get3A_2368 = arith.constant 48 : index
    %get3A_2369 = tpu.vector_load %arg5[%get3A_2367, %get3A_2368] {strides = array<i32>} : memref<64x64xi32, #tpu.memory_space<vmem>>, vector<16xi32>,
    %add3A_2370 = arith.constant 38912 : i32
    %add3A_2371 = vector.broadcast %add3A_2370 : i32 to vector<16xi32>
    %add3A_2372 = arith.addi %get3A_2369, %add3A_2371 : vector<16xi32>
    tpu.vector_store_idx %arg6[%add3A_2372], %broadcast_in_dim3A_8 {add = true} : memref<65536xf32, #tpu.memory_space<vmem>>[vector<16xi32>], vector<16xf32>,
    %get3A_2373 = arith.constant 52 : i32
    %get3A_2374 = arith.index_cast %get3A_2373 : i32 to index
    %get3A_2375 = arith.constant 0 : index
    %get3A_2376 = tpu.vector_load %arg5[%get3A_2374, %get3A_2375] {strides = array<i32>} : memref<64x64xi32, #tpu.memory_space<vmem>>, vector<16xi32>,
    %add3A_2377 = arith.constant 40960 : i32
    %add3A_2378 = vector.broadcast %add3A_2377 : i32 to vector<16xi32>
    %add3A_2379 = arith.addi %get3A_2376, %add3A_2378 : vector<16xi32>
    tpu.vector_store_idx %arg6[%add3A_2379], %broadcast_in_dim3A_8 {add = true} : memref<65536xf32, #tpu.memory_space<vmem>>[vector<16xi32>], vector<16xf32>,
    %get3A_2380 = arith.constant 52 : i32
    %get3A_2381 = arith.index_cast %get3A_2380 : i32 to index
    %get3A_2382 = arith.constant 16 : index
    %get3A_2383 = tpu.vector_load %arg5[%get3A_2381, %get3A_2382] {strides = array<i32>} : memref<64x64xi32, #tpu.memory_space<vmem>>, vector<16xi32>,
    %add3A_2384 = arith.constant 40960 : i32
    %add3A_2385 = vector.broadcast %add3A_2384 : i32 to vector<16xi32>
    %add3A_2386 = arith.addi %get3A_2383, %add3A_2385 : vector<16xi32>
    tpu.vector_store_idx %arg6[%add3A_2386], %broadcast_in_dim3A_8 {add = true} : memref<65536xf32, #tpu.memory_space<vmem>>[vector<16xi32>], vector<16xf32>,
    %get3A_2387 = arith.constant 52 : i32
    %get3A_2388 = arith.index_cast %get3A_2387 : i32 to index
    %get3A_2389 = arith.constant 32 : index
    %get3A_2390 = tpu.vector_load %arg5[%get3A_2388, %get3A_2389] {strides = array<i32>} : memref<64x64xi32, #tpu.memory_space<vmem>>, vector<16xi32>,
    %add3A_2391 = arith.constant 40960 : i32
    %add3A_2392 = vector.broadcast %add3A_2391 : i32 to vector<16xi32>
    %add3A_2393 = arith.addi %get3A_2390, %add3A_2392 : vector<16xi32>
    tpu.vector_store_idx %arg6[%add3A_2393], %broadcast_in_dim3A_8 {add = true} : memref<65536xf32, #tpu.memory_space<vmem>>[vector<16xi32>], vector<16xf32>,
    %get3A_2394 = arith.constant 52 : i32
    %get3A_2395 = arith.index_cast %get3A_2394 : i32 to index
    %get3A_2396 = arith.constant 48 : index
    %get3A_2397 = tpu.vector_load %arg5[%get3A_2395, %get3A_2396] {strides = array<i32>} : memref<64x64xi32, #tpu.memory_space<vmem>>, vector<16xi32>,
    %add3A_2398 = arith.constant 40960 : i32
    %add3A_2399 = vector.broadcast %add3A_2398 : i32 to vector<16xi32>
    %add3A_2400 = arith.addi %get3A_2397, %add3A_2399 : vector<16xi32>
    tpu.vector_store_idx %arg6[%add3A_2400], %broadcast_in_dim3A_8 {add = true} : memref<65536xf32, #tpu.memory_space<vmem>>[vector<16xi32>], vector<16xf32>,
    %get3A_2401 = arith.constant 53 : i32
    %get3A_2402 = arith.index_cast %get3A_2401 : i32 to index
    %get3A_2403 = arith.constant 0 : index
    %get3A_2404 = tpu.vector_load %arg5[%get3A_2402, %get3A_2403] {strides = array<i32>} : memref<64x64xi32, #tpu.memory_space<vmem>>, vector<16xi32>,
    %add3A_2405 = arith.constant 43008 : i32
    %add3A_2406 = vector.broadcast %add3A_2405 : i32 to vector<16xi32>
    %add3A_2407 = arith.addi %get3A_2404, %add3A_2406 : vector<16xi32>
    tpu.vector_store_idx %arg6[%add3A_2407], %broadcast_in_dim3A_8 {add = true} : memref<65536xf32, #tpu.memory_space<vmem>>[vector<16xi32>], vector<16xf32>,
    %get3A_2408 = arith.constant 53 : i32
    %get3A_2409 = arith.index_cast %get3A_2408 : i32 to index
    %get3A_2410 = arith.constant 16 : index
    %get3A_2411 = tpu.vector_load %arg5[%get3A_2409, %get3A_2410] {strides = array<i32>} : memref<64x64xi32, #tpu.memory_space<vmem>>, vector<16xi32>,
    %add3A_2412 = arith.constant 43008 : i32
    %add3A_2413 = vector.broadcast %add3A_2412 : i32 to vector<16xi32>
    %add3A_2414 = arith.addi %get3A_2411, %add3A_2413 : vector<16xi32>
    tpu.vector_store_idx %arg6[%add3A_2414], %broadcast_in_dim3A_8 {add = true} : memref<65536xf32, #tpu.memory_space<vmem>>[vector<16xi32>], vector<16xf32>,
    %get3A_2415 = arith.constant 53 : i32
    %get3A_2416 = arith.index_cast %get3A_2415 : i32 to index
    %get3A_2417 = arith.constant 32 : index
    %get3A_2418 = tpu.vector_load %arg5[%get3A_2416, %get3A_2417] {strides = array<i32>} : memref<64x64xi32, #tpu.memory_space<vmem>>, vector<16xi32>,
    %add3A_2419 = arith.constant 43008 : i32
    %add3A_2420 = vector.broadcast %add3A_2419 : i32 to vector<16xi32>
    %add3A_2421 = arith.addi %get3A_2418, %add3A_2420 : vector<16xi32>
    tpu.vector_store_idx %arg6[%add3A_2421], %broadcast_in_dim3A_8 {add = true} : memref<65536xf32, #tpu.memory_space<vmem>>[vector<16xi32>], vector<16xf32>,
    %get3A_2422 = arith.constant 53 : i32
    %get3A_2423 = arith.index_cast %get3A_2422 : i32 to index
    %get3A_2424 = arith.constant 48 : index
    %get3A_2425 = tpu.vector_load %arg5[%get3A_2423, %get3A_2424] {strides = array<i32>} : memref<64x64xi32, #tpu.memory_space<vmem>>, vector<16xi32>,
    %add3A_2426 = arith.constant 43008 : i32
    %add3A_2427 = vector.broadcast %add3A_2426 : i32 to vector<16xi32>
    %add3A_2428 = arith.addi %get3A_2425, %add3A_2427 : vector<16xi32>
    tpu.vector_store_idx %arg6[%add3A_2428], %broadcast_in_dim3A_8 {add = true} : memref<65536xf32, #tpu.memory_space<vmem>>[vector<16xi32>], vector<16xf32>,
    %get3A_2429 = arith.constant 54 : i32
    %get3A_2430 = arith.index_cast %get3A_2429 : i32 to index
    %get3A_2431 = arith.constant 0 : index
    %get3A_2432 = tpu.vector_load %arg5[%get3A_2430, %get3A_2431] {strides = array<i32>} : memref<64x64xi32, #tpu.memory_space<vmem>>, vector<16xi32>,
    %add3A_2433 = arith.constant 45056 : i32
    %add3A_2434 = vector.broadcast %add3A_2433 : i32 to vector<16xi32>
    %add3A_2435 = arith.addi %get3A_2432, %add3A_2434 : vector<16xi32>
    tpu.vector_store_idx %arg6[%add3A_2435], %broadcast_in_dim3A_8 {add = true} : memref<65536xf32, #tpu.memory_space<vmem>>[vector<16xi32>], vector<16xf32>,
    %get3A_2436 = arith.constant 54 : i32
    %get3A_2437 = arith.index_cast %get3A_2436 : i32 to index
    %get3A_2438 = arith.constant 16 : index
    %get3A_2439 = tpu.vector_load %arg5[%get3A_2437, %get3A_2438] {strides = array<i32>} : memref<64x64xi32, #tpu.memory_space<vmem>>, vector<16xi32>,
    %add3A_2440 = arith.constant 45056 : i32
    %add3A_2441 = vector.broadcast %add3A_2440 : i32 to vector<16xi32>
    %add3A_2442 = arith.addi %get3A_2439, %add3A_2441 : vector<16xi32>
    tpu.vector_store_idx %arg6[%add3A_2442], %broadcast_in_dim3A_8 {add = true} : memref<65536xf32, #tpu.memory_space<vmem>>[vector<16xi32>], vector<16xf32>,
    %get3A_2443 = arith.constant 54 : i32
    %get3A_2444 = arith.index_cast %get3A_2443 : i32 to index
    %get3A_2445 = arith.constant 32 : index
    %get3A_2446 = tpu.vector_load %arg5[%get3A_2444, %get3A_2445] {strides = array<i32>} : memref<64x64xi32, #tpu.memory_space<vmem>>, vector<16xi32>,
    %add3A_2447 = arith.constant 45056 : i32
    %add3A_2448 = vector.broadcast %add3A_2447 : i32 to vector<16xi32>
    %add3A_2449 = arith.addi %get3A_2446, %add3A_2448 : vector<16xi32>
    tpu.vector_store_idx %arg6[%add3A_2449], %broadcast_in_dim3A_8 {add = true} : memref<65536xf32, #tpu.memory_space<vmem>>[vector<16xi32>], vector<16xf32>,
    %get3A_2450 = arith.constant 54 : i32
    %get3A_2451 = arith.index_cast %get3A_2450 : i32 to index
    %get3A_2452 = arith.constant 48 : index
    %get3A_2453 = tpu.vector_load %arg5[%get3A_2451, %get3A_2452] {strides = array<i32>} : memref<64x64xi32, #tpu.memory_space<vmem>>, vector<16xi32>,
    %add3A_2454 = arith.constant 45056 : i32
    %add3A_2455 = vector.broadcast %add3A_2454 : i32 to vector<16xi32>
    %add3A_2456 = arith.addi %get3A_2453, %add3A_2455 : vector<16xi32>
    tpu.vector_store_idx %arg6[%add3A_2456], %broadcast_in_dim3A_8 {add = true} : memref<65536xf32, #tpu.memory_space<vmem>>[vector<16xi32>], vector<16xf32>,
    %get3A_2457 = arith.constant 55 : i32
    %get3A_2458 = arith.index_cast %get3A_2457 : i32 to index
    %get3A_2459 = arith.constant 0 : index
    %get3A_2460 = tpu.vector_load %arg5[%get3A_2458, %get3A_2459] {strides = array<i32>} : memref<64x64xi32, #tpu.memory_space<vmem>>, vector<16xi32>,
    %add3A_2461 = arith.constant 47104 : i32
    %add3A_2462 = vector.broadcast %add3A_2461 : i32 to vector<16xi32>
    %add3A_2463 = arith.addi %get3A_2460, %add3A_2462 : vector<16xi32>
    tpu.vector_store_idx %arg6[%add3A_2463], %broadcast_in_dim3A_8 {add = true} : memref<65536xf32, #tpu.memory_space<vmem>>[vector<16xi32>], vector<16xf32>,
    %get3A_2464 = arith.constant 55 : i32
    %get3A_2465 = arith.index_cast %get3A_2464 : i32 to index
    %get3A_2466 = arith.constant 16 : index
    %get3A_2467 = tpu.vector_load %arg5[%get3A_2465, %get3A_2466] {strides = array<i32>} : memref<64x64xi32, #tpu.memory_space<vmem>>, vector<16xi32>,
    %add3A_2468 = arith.constant 47104 : i32
    %add3A_2469 = vector.broadcast %add3A_2468 : i32 to vector<16xi32>
    %add3A_2470 = arith.addi %get3A_2467, %add3A_2469 : vector<16xi32>
    tpu.vector_store_idx %arg6[%add3A_2470], %broadcast_in_dim3A_8 {add = true} : memref<65536xf32, #tpu.memory_space<vmem>>[vector<16xi32>], vector<16xf32>,
    %get3A_2471 = arith.constant 55 : i32
    %get3A_2472 = arith.index_cast %get3A_2471 : i32 to index
    %get3A_2473 = arith.constant 32 : index
    %get3A_2474 = tpu.vector_load %arg5[%get3A_2472, %get3A_2473] {strides = array<i32>} : memref<64x64xi32, #tpu.memory_space<vmem>>, vector<16xi32>,
    %add3A_2475 = arith.constant 47104 : i32
    %add3A_2476 = vector.broadcast %add3A_2475 : i32 to vector<16xi32>
    %add3A_2477 = arith.addi %get3A_2474, %add3A_2476 : vector<16xi32>
    tpu.vector_store_idx %arg6[%add3A_2477], %broadcast_in_dim3A_8 {add = true} : memref<65536xf32, #tpu.memory_space<vmem>>[vector<16xi32>], vector<16xf32>,
    %get3A_2478 = arith.constant 55 : i32
    %get3A_2479 = arith.index_cast %get3A_2478 : i32 to index
    %get3A_2480 = arith.constant 48 : index
    %get3A_2481 = tpu.vector_load %arg5[%get3A_2479, %get3A_2480] {strides = array<i32>} : memref<64x64xi32, #tpu.memory_space<vmem>>, vector<16xi32>,
    %add3A_2482 = arith.constant 47104 : i32
    %add3A_2483 = vector.broadcast %add3A_2482 : i32 to vector<16xi32>
    %add3A_2484 = arith.addi %get3A_2481, %add3A_2483 : vector<16xi32>
    tpu.vector_store_idx %arg6[%add3A_2484], %broadcast_in_dim3A_8 {add = true} : memref<65536xf32, #tpu.memory_space<vmem>>[vector<16xi32>], vector<16xf32>,
    %get3A_2485 = arith.constant 56 : i32
    %get3A_2486 = arith.index_cast %get3A_2485 : i32 to index
    %get3A_2487 = arith.constant 0 : index
    %get3A_2488 = tpu.vector_load %arg5[%get3A_2486, %get3A_2487] {strides = array<i32>} : memref<64x64xi32, #tpu.memory_space<vmem>>, vector<16xi32>,
    %add3A_2489 = arith.constant 49152 : i32
    %add3A_2490 = vector.broadcast %add3A_2489 : i32 to vector<16xi32>
    %add3A_2491 = arith.addi %get3A_2488, %add3A_2490 : vector<16xi32>
    tpu.vector_store_idx %arg6[%add3A_2491], %broadcast_in_dim3A_8 {add = true} : memref<65536xf32, #tpu.memory_space<vmem>>[vector<16xi32>], vector<16xf32>,
    %get3A_2492 = arith.constant 56 : i32
    %get3A_2493 = arith.index_cast %get3A_2492 : i32 to index
    %get3A_2494 = arith.constant 16 : index
    %get3A_2495 = tpu.vector_load %arg5[%get3A_2493, %get3A_2494] {strides = array<i32>} : memref<64x64xi32, #tpu.memory_space<vmem>>, vector<16xi32>,
    %add3A_2496 = arith.constant 49152 : i32
    %add3A_2497 = vector.broadcast %add3A_2496 : i32 to vector<16xi32>
    %add3A_2498 = arith.addi %get3A_2495, %add3A_2497 : vector<16xi32>
    tpu.vector_store_idx %arg6[%add3A_2498], %broadcast_in_dim3A_8 {add = true} : memref<65536xf32, #tpu.memory_space<vmem>>[vector<16xi32>], vector<16xf32>,
    %get3A_2499 = arith.constant 56 : i32
    %get3A_2500 = arith.index_cast %get3A_2499 : i32 to index
    %get3A_2501 = arith.constant 32 : index
    %get3A_2502 = tpu.vector_load %arg5[%get3A_2500, %get3A_2501] {strides = array<i32>} : memref<64x64xi32, #tpu.memory_space<vmem>>, vector<16xi32>,
    %add3A_2503 = arith.constant 49152 : i32
    %add3A_2504 = vector.broadcast %add3A_2503 : i32 to vector<16xi32>
    %add3A_2505 = arith.addi %get3A_2502, %add3A_2504 : vector<16xi32>
    tpu.vector_store_idx %arg6[%add3A_2505], %broadcast_in_dim3A_8 {add = true} : memref<65536xf32, #tpu.memory_space<vmem>>[vector<16xi32>], vector<16xf32>,
    %get3A_2506 = arith.constant 56 : i32
    %get3A_2507 = arith.index_cast %get3A_2506 : i32 to index
    %get3A_2508 = arith.constant 48 : index
    %get3A_2509 = tpu.vector_load %arg5[%get3A_2507, %get3A_2508] {strides = array<i32>} : memref<64x64xi32, #tpu.memory_space<vmem>>, vector<16xi32>,
    %add3A_2510 = arith.constant 49152 : i32
    %add3A_2511 = vector.broadcast %add3A_2510 : i32 to vector<16xi32>
    %add3A_2512 = arith.addi %get3A_2509, %add3A_2511 : vector<16xi32>
    tpu.vector_store_idx %arg6[%add3A_2512], %broadcast_in_dim3A_8 {add = true} : memref<65536xf32, #tpu.memory_space<vmem>>[vector<16xi32>], vector<16xf32>,
    %get3A_2513 = arith.constant 57 : i32
    %get3A_2514 = arith.index_cast %get3A_2513 : i32 to index
    %get3A_2515 = arith.constant 0 : index
    %get3A_2516 = tpu.vector_load %arg5[%get3A_2514, %get3A_2515] {strides = array<i32>} : memref<64x64xi32, #tpu.memory_space<vmem>>, vector<16xi32>,
    %add3A_2517 = arith.constant 51200 : i32
    %add3A_2518 = vector.broadcast %add3A_2517 : i32 to vector<16xi32>
    %add3A_2519 = arith.addi %get3A_2516, %add3A_2518 : vector<16xi32>
    tpu.vector_store_idx %arg6[%add3A_2519], %broadcast_in_dim3A_8 {add = true} : memref<65536xf32, #tpu.memory_space<vmem>>[vector<16xi32>], vector<16xf32>,
    %get3A_2520 = arith.constant 57 : i32
    %get3A_2521 = arith.index_cast %get3A_2520 : i32 to index
    %get3A_2522 = arith.constant 16 : index
    %get3A_2523 = tpu.vector_load %arg5[%get3A_2521, %get3A_2522] {strides = array<i32>} : memref<64x64xi32, #tpu.memory_space<vmem>>, vector<16xi32>,
    %add3A_2524 = arith.constant 51200 : i32
    %add3A_2525 = vector.broadcast %add3A_2524 : i32 to vector<16xi32>
    %add3A_2526 = arith.addi %get3A_2523, %add3A_2525 : vector<16xi32>
    tpu.vector_store_idx %arg6[%add3A_2526], %broadcast_in_dim3A_8 {add = true} : memref<65536xf32, #tpu.memory_space<vmem>>[vector<16xi32>], vector<16xf32>,
    %get3A_2527 = arith.constant 57 : i32
    %get3A_2528 = arith.index_cast %get3A_2527 : i32 to index
    %get3A_2529 = arith.constant 32 : index
    %get3A_2530 = tpu.vector_load %arg5[%get3A_2528, %get3A_2529] {strides = array<i32>} : memref<64x64xi32, #tpu.memory_space<vmem>>, vector<16xi32>,
    %add3A_2531 = arith.constant 51200 : i32
    %add3A_2532 = vector.broadcast %add3A_2531 : i32 to vector<16xi32>
    %add3A_2533 = arith.addi %get3A_2530, %add3A_2532 : vector<16xi32>
    tpu.vector_store_idx %arg6[%add3A_2533], %broadcast_in_dim3A_8 {add = true} : memref<65536xf32, #tpu.memory_space<vmem>>[vector<16xi32>], vector<16xf32>,
    %get3A_2534 = arith.constant 57 : i32
    %get3A_2535 = arith.index_cast %get3A_2534 : i32 to index
    %get3A_2536 = arith.constant 48 : index
    %get3A_2537 = tpu.vector_load %arg5[%get3A_2535, %get3A_2536] {strides = array<i32>} : memref<64x64xi32, #tpu.memory_space<vmem>>, vector<16xi32>,
    %add3A_2538 = arith.constant 51200 : i32
    %add3A_2539 = vector.broadcast %add3A_2538 : i32 to vector<16xi32>
    %add3A_2540 = arith.addi %get3A_2537, %add3A_2539 : vector<16xi32>
    tpu.vector_store_idx %arg6[%add3A_2540], %broadcast_in_dim3A_8 {add = true} : memref<65536xf32, #tpu.memory_space<vmem>>[vector<16xi32>], vector<16xf32>,
    %get3A_2541 = arith.constant 58 : i32
    %get3A_2542 = arith.index_cast %get3A_2541 : i32 to index
    %get3A_2543 = arith.constant 0 : index
    %get3A_2544 = tpu.vector_load %arg5[%get3A_2542, %get3A_2543] {strides = array<i32>} : memref<64x64xi32, #tpu.memory_space<vmem>>, vector<16xi32>,
    %add3A_2545 = arith.constant 53248 : i32
    %add3A_2546 = vector.broadcast %add3A_2545 : i32 to vector<16xi32>
    %add3A_2547 = arith.addi %get3A_2544, %add3A_2546 : vector<16xi32>
    tpu.vector_store_idx %arg6[%add3A_2547], %broadcast_in_dim3A_8 {add = true} : memref<65536xf32, #tpu.memory_space<vmem>>[vector<16xi32>], vector<16xf32>,
    %get3A_2548 = arith.constant 58 : i32
    %get3A_2549 = arith.index_cast %get3A_2548 : i32 to index
    %get3A_2550 = arith.constant 16 : index
    %get3A_2551 = tpu.vector_load %arg5[%get3A_2549, %get3A_2550] {strides = array<i32>} : memref<64x64xi32, #tpu.memory_space<vmem>>, vector<16xi32>,
    %add3A_2552 = arith.constant 53248 : i32
    %add3A_2553 = vector.broadcast %add3A_2552 : i32 to vector<16xi32>
    %add3A_2554 = arith.addi %get3A_2551, %add3A_2553 : vector<16xi32>
    tpu.vector_store_idx %arg6[%add3A_2554], %broadcast_in_dim3A_8 {add = true} : memref<65536xf32, #tpu.memory_space<vmem>>[vector<16xi32>], vector<16xf32>,
    %get3A_2555 = arith.constant 58 : i32
    %get3A_2556 = arith.index_cast %get3A_2555 : i32 to index
    %get3A_2557 = arith.constant 32 : index
    %get3A_2558 = tpu.vector_load %arg5[%get3A_2556, %get3A_2557] {strides = array<i32>} : memref<64x64xi32, #tpu.memory_space<vmem>>, vector<16xi32>,
    %add3A_2559 = arith.constant 53248 : i32
    %add3A_2560 = vector.broadcast %add3A_2559 : i32 to vector<16xi32>
    %add3A_2561 = arith.addi %get3A_2558, %add3A_2560 : vector<16xi32>
    tpu.vector_store_idx %arg6[%add3A_2561], %broadcast_in_dim3A_8 {add = true} : memref<65536xf32, #tpu.memory_space<vmem>>[vector<16xi32>], vector<16xf32>,
    %get3A_2562 = arith.constant 58 : i32
    %get3A_2563 = arith.index_cast %get3A_2562 : i32 to index
    %get3A_2564 = arith.constant 48 : index
    %get3A_2565 = tpu.vector_load %arg5[%get3A_2563, %get3A_2564] {strides = array<i32>} : memref<64x64xi32, #tpu.memory_space<vmem>>, vector<16xi32>,
    %add3A_2566 = arith.constant 53248 : i32
    %add3A_2567 = vector.broadcast %add3A_2566 : i32 to vector<16xi32>
    %add3A_2568 = arith.addi %get3A_2565, %add3A_2567 : vector<16xi32>
    tpu.vector_store_idx %arg6[%add3A_2568], %broadcast_in_dim3A_8 {add = true} : memref<65536xf32, #tpu.memory_space<vmem>>[vector<16xi32>], vector<16xf32>,
    %get3A_2569 = arith.constant 59 : i32
    %get3A_2570 = arith.index_cast %get3A_2569 : i32 to index
    %get3A_2571 = arith.constant 0 : index
    %get3A_2572 = tpu.vector_load %arg5[%get3A_2570, %get3A_2571] {strides = array<i32>} : memref<64x64xi32, #tpu.memory_space<vmem>>, vector<16xi32>,
    %add3A_2573 = arith.constant 55296 : i32
    %add3A_2574 = vector.broadcast %add3A_2573 : i32 to vector<16xi32>
    %add3A_2575 = arith.addi %get3A_2572, %add3A_2574 : vector<16xi32>
    tpu.vector_store_idx %arg6[%add3A_2575], %broadcast_in_dim3A_8 {add = true} : memref<65536xf32, #tpu.memory_space<vmem>>[vector<16xi32>], vector<16xf32>,
    %get3A_2576 = arith.constant 59 : i32
    %get3A_2577 = arith.index_cast %get3A_2576 : i32 to index
    %get3A_2578 = arith.constant 16 : index
    %get3A_2579 = tpu.vector_load %arg5[%get3A_2577, %get3A_2578] {strides = array<i32>} : memref<64x64xi32, #tpu.memory_space<vmem>>, vector<16xi32>,
    %add3A_2580 = arith.constant 55296 : i32
    %add3A_2581 = vector.broadcast %add3A_2580 : i32 to vector<16xi32>
    %add3A_2582 = arith.addi %get3A_2579, %add3A_2581 : vector<16xi32>
    tpu.vector_store_idx %arg6[%add3A_2582], %broadcast_in_dim3A_8 {add = true} : memref<65536xf32, #tpu.memory_space<vmem>>[vector<16xi32>], vector<16xf32>,
    %get3A_2583 = arith.constant 59 : i32
    %get3A_2584 = arith.index_cast %get3A_2583 : i32 to index
    %get3A_2585 = arith.constant 32 : index
    %get3A_2586 = tpu.vector_load %arg5[%get3A_2584, %get3A_2585] {strides = array<i32>} : memref<64x64xi32, #tpu.memory_space<vmem>>, vector<16xi32>,
    %add3A_2587 = arith.constant 55296 : i32
    %add3A_2588 = vector.broadcast %add3A_2587 : i32 to vector<16xi32>
    %add3A_2589 = arith.addi %get3A_2586, %add3A_2588 : vector<16xi32>
    tpu.vector_store_idx %arg6[%add3A_2589], %broadcast_in_dim3A_8 {add = true} : memref<65536xf32, #tpu.memory_space<vmem>>[vector<16xi32>], vector<16xf32>,
    %get3A_2590 = arith.constant 59 : i32
    %get3A_2591 = arith.index_cast %get3A_2590 : i32 to index
    %get3A_2592 = arith.constant 48 : index
    %get3A_2593 = tpu.vector_load %arg5[%get3A_2591, %get3A_2592] {strides = array<i32>} : memref<64x64xi32, #tpu.memory_space<vmem>>, vector<16xi32>,
    %add3A_2594 = arith.constant 55296 : i32
    %add3A_2595 = vector.broadcast %add3A_2594 : i32 to vector<16xi32>
    %add3A_2596 = arith.addi %get3A_2593, %add3A_2595 : vector<16xi32>
    tpu.vector_store_idx %arg6[%add3A_2596], %broadcast_in_dim3A_8 {add = true} : memref<65536xf32, #tpu.memory_space<vmem>>[vector<16xi32>], vector<16xf32>,
    %get3A_2597 = arith.constant 60 : i32
    %get3A_2598 = arith.index_cast %get3A_2597 : i32 to index
    %get3A_2599 = arith.constant 0 : index
    %get3A_2600 = tpu.vector_load %arg5[%get3A_2598, %get3A_2599] {strides = array<i32>} : memref<64x64xi32, #tpu.memory_space<vmem>>, vector<16xi32>,
    %add3A_2601 = arith.constant 57344 : i32
    %add3A_2602 = vector.broadcast %add3A_2601 : i32 to vector<16xi32>
    %add3A_2603 = arith.addi %get3A_2600, %add3A_2602 : vector<16xi32>
    tpu.vector_store_idx %arg6[%add3A_2603], %broadcast_in_dim3A_8 {add = true} : memref<65536xf32, #tpu.memory_space<vmem>>[vector<16xi32>], vector<16xf32>,
    %get3A_2604 = arith.constant 60 : i32
    %get3A_2605 = arith.index_cast %get3A_2604 : i32 to index
    %get3A_2606 = arith.constant 16 : index
    %get3A_2607 = tpu.vector_load %arg5[%get3A_2605, %get3A_2606] {strides = array<i32>} : memref<64x64xi32, #tpu.memory_space<vmem>>, vector<16xi32>,
    %add3A_2608 = arith.constant 57344 : i32
    %add3A_2609 = vector.broadcast %add3A_2608 : i32 to vector<16xi32>
    %add3A_2610 = arith.addi %get3A_2607, %add3A_2609 : vector<16xi32>
    tpu.vector_store_idx %arg6[%add3A_2610], %broadcast_in_dim3A_8 {add = true} : memref<65536xf32, #tpu.memory_space<vmem>>[vector<16xi32>], vector<16xf32>,
    %get3A_2611 = arith.constant 60 : i32
    %get3A_2612 = arith.index_cast %get3A_2611 : i32 to index
    %get3A_2613 = arith.constant 32 : index
    %get3A_2614 = tpu.vector_load %arg5[%get3A_2612, %get3A_2613] {strides = array<i32>} : memref<64x64xi32, #tpu.memory_space<vmem>>, vector<16xi32>,
    %add3A_2615 = arith.constant 57344 : i32
    %add3A_2616 = vector.broadcast %add3A_2615 : i32 to vector<16xi32>
    %add3A_2617 = arith.addi %get3A_2614, %add3A_2616 : vector<16xi32>
    tpu.vector_store_idx %arg6[%add3A_2617], %broadcast_in_dim3A_8 {add = true} : memref<65536xf32, #tpu.memory_space<vmem>>[vector<16xi32>], vector<16xf32>,
    %get3A_2618 = arith.constant 60 : i32
    %get3A_2619 = arith.index_cast %get3A_2618 : i32 to index
    %get3A_2620 = arith.constant 48 : index
    %get3A_2621 = tpu.vector_load %arg5[%get3A_2619, %get3A_2620] {strides = array<i32>} : memref<64x64xi32, #tpu.memory_space<vmem>>, vector<16xi32>,
    %add3A_2622 = arith.constant 57344 : i32
    %add3A_2623 = vector.broadcast %add3A_2622 : i32 to vector<16xi32>
    %add3A_2624 = arith.addi %get3A_2621, %add3A_2623 : vector<16xi32>
    tpu.vector_store_idx %arg6[%add3A_2624], %broadcast_in_dim3A_8 {add = true} : memref<65536xf32, #tpu.memory_space<vmem>>[vector<16xi32>], vector<16xf32>,
    %get3A_2625 = arith.constant 61 : i32
    %get3A_2626 = arith.index_cast %get3A_2625 : i32 to index
    %get3A_2627 = arith.constant 0 : index
    %get3A_2628 = tpu.vector_load %arg5[%get3A_2626, %get3A_2627] {strides = array<i32>} : memref<64x64xi32, #tpu.memory_space<vmem>>, vector<16xi32>,
    %add3A_2629 = arith.constant 59392 : i32
    %add3A_2630 = vector.broadcast %add3A_2629 : i32 to vector<16xi32>
    %add3A_2631 = arith.addi %get3A_2628, %add3A_2630 : vector<16xi32>
    tpu.vector_store_idx %arg6[%add3A_2631], %broadcast_in_dim3A_8 {add = true} : memref<65536xf32, #tpu.memory_space<vmem>>[vector<16xi32>], vector<16xf32>,
    %get3A_2632 = arith.constant 61 : i32
    %get3A_2633 = arith.index_cast %get3A_2632 : i32 to index
    %get3A_2634 = arith.constant 16 : index
    %get3A_2635 = tpu.vector_load %arg5[%get3A_2633, %get3A_2634] {strides = array<i32>} : memref<64x64xi32, #tpu.memory_space<vmem>>, vector<16xi32>,
    %add3A_2636 = arith.constant 59392 : i32
    %add3A_2637 = vector.broadcast %add3A_2636 : i32 to vector<16xi32>
    %add3A_2638 = arith.addi %get3A_2635, %add3A_2637 : vector<16xi32>
    tpu.vector_store_idx %arg6[%add3A_2638], %broadcast_in_dim3A_8 {add = true} : memref<65536xf32, #tpu.memory_space<vmem>>[vector<16xi32>], vector<16xf32>,
    %get3A_2639 = arith.constant 61 : i32
    %get3A_2640 = arith.index_cast %get3A_2639 : i32 to index
    %get3A_2641 = arith.constant 32 : index
    %get3A_2642 = tpu.vector_load %arg5[%get3A_2640, %get3A_2641] {strides = array<i32>} : memref<64x64xi32, #tpu.memory_space<vmem>>, vector<16xi32>,
    %add3A_2643 = arith.constant 59392 : i32
    %add3A_2644 = vector.broadcast %add3A_2643 : i32 to vector<16xi32>
    %add3A_2645 = arith.addi %get3A_2642, %add3A_2644 : vector<16xi32>
    tpu.vector_store_idx %arg6[%add3A_2645], %broadcast_in_dim3A_8 {add = true} : memref<65536xf32, #tpu.memory_space<vmem>>[vector<16xi32>], vector<16xf32>,
    %get3A_2646 = arith.constant 61 : i32
    %get3A_2647 = arith.index_cast %get3A_2646 : i32 to index
    %get3A_2648 = arith.constant 48 : index
    %get3A_2649 = tpu.vector_load %arg5[%get3A_2647, %get3A_2648] {strides = array<i32>} : memref<64x64xi32, #tpu.memory_space<vmem>>, vector<16xi32>,
    %add3A_2650 = arith.constant 59392 : i32
    %add3A_2651 = vector.broadcast %add3A_2650 : i32 to vector<16xi32>
    %add3A_2652 = arith.addi %get3A_2649, %add3A_2651 : vector<16xi32>
    tpu.vector_store_idx %arg6[%add3A_2652], %broadcast_in_dim3A_8 {add = true} : memref<65536xf32, #tpu.memory_space<vmem>>[vector<16xi32>], vector<16xf32>,
    %get3A_2653 = arith.constant 62 : i32
    %get3A_2654 = arith.index_cast %get3A_2653 : i32 to index
    %get3A_2655 = arith.constant 0 : index
    %get3A_2656 = tpu.vector_load %arg5[%get3A_2654, %get3A_2655] {strides = array<i32>} : memref<64x64xi32, #tpu.memory_space<vmem>>, vector<16xi32>,
    %add3A_2657 = arith.constant 61440 : i32
    %add3A_2658 = vector.broadcast %add3A_2657 : i32 to vector<16xi32>
    %add3A_2659 = arith.addi %get3A_2656, %add3A_2658 : vector<16xi32>
    tpu.vector_store_idx %arg6[%add3A_2659], %broadcast_in_dim3A_8 {add = true} : memref<65536xf32, #tpu.memory_space<vmem>>[vector<16xi32>], vector<16xf32>,
    %get3A_2660 = arith.constant 62 : i32
    %get3A_2661 = arith.index_cast %get3A_2660 : i32 to index
    %get3A_2662 = arith.constant 16 : index
    %get3A_2663 = tpu.vector_load %arg5[%get3A_2661, %get3A_2662] {strides = array<i32>} : memref<64x64xi32, #tpu.memory_space<vmem>>, vector<16xi32>,
    %add3A_2664 = arith.constant 61440 : i32
    %add3A_2665 = vector.broadcast %add3A_2664 : i32 to vector<16xi32>
    %add3A_2666 = arith.addi %get3A_2663, %add3A_2665 : vector<16xi32>
    tpu.vector_store_idx %arg6[%add3A_2666], %broadcast_in_dim3A_8 {add = true} : memref<65536xf32, #tpu.memory_space<vmem>>[vector<16xi32>], vector<16xf32>,
    %get3A_2667 = arith.constant 62 : i32
    %get3A_2668 = arith.index_cast %get3A_2667 : i32 to index
    %get3A_2669 = arith.constant 32 : index
    %get3A_2670 = tpu.vector_load %arg5[%get3A_2668, %get3A_2669] {strides = array<i32>} : memref<64x64xi32, #tpu.memory_space<vmem>>, vector<16xi32>,
    %add3A_2671 = arith.constant 61440 : i32
    %add3A_2672 = vector.broadcast %add3A_2671 : i32 to vector<16xi32>
    %add3A_2673 = arith.addi %get3A_2670, %add3A_2672 : vector<16xi32>
    tpu.vector_store_idx %arg6[%add3A_2673], %broadcast_in_dim3A_8 {add = true} : memref<65536xf32, #tpu.memory_space<vmem>>[vector<16xi32>], vector<16xf32>,
    %get3A_2674 = arith.constant 62 : i32
    %get3A_2675 = arith.index_cast %get3A_2674 : i32 to index
    %get3A_2676 = arith.constant 48 : index
    %get3A_2677 = tpu.vector_load %arg5[%get3A_2675, %get3A_2676] {strides = array<i32>} : memref<64x64xi32, #tpu.memory_space<vmem>>, vector<16xi32>,
    %add3A_2678 = arith.constant 61440 : i32
    %add3A_2679 = vector.broadcast %add3A_2678 : i32 to vector<16xi32>
    %add3A_2680 = arith.addi %get3A_2677, %add3A_2679 : vector<16xi32>
    tpu.vector_store_idx %arg6[%add3A_2680], %broadcast_in_dim3A_8 {add = true} : memref<65536xf32, #tpu.memory_space<vmem>>[vector<16xi32>], vector<16xf32>,
    %get3A_2681 = arith.constant 63 : i32
    %get3A_2682 = arith.index_cast %get3A_2681 : i32 to index
    %get3A_2683 = arith.constant 0 : index
    %get3A_2684 = tpu.vector_load %arg5[%get3A_2682, %get3A_2683] {strides = array<i32>} : memref<64x64xi32, #tpu.memory_space<vmem>>, vector<16xi32>,
    %add3A_2685 = arith.constant 63488 : i32
    %add3A_2686 = vector.broadcast %add3A_2685 : i32 to vector<16xi32>
    %add3A_2687 = arith.addi %get3A_2684, %add3A_2686 : vector<16xi32>
    tpu.vector_store_idx %arg6[%add3A_2687], %broadcast_in_dim3A_8 {add = true} : memref<65536xf32, #tpu.memory_space<vmem>>[vector<16xi32>], vector<16xf32>,
    %get3A_2688 = arith.constant 63 : i32
    %get3A_2689 = arith.index_cast %get3A_2688 : i32 to index
    %get3A_2690 = arith.constant 16 : index
    %get3A_2691 = tpu.vector_load %arg5[%get3A_2689, %get3A_2690] {strides = array<i32>} : memref<64x64xi32, #tpu.memory_space<vmem>>, vector<16xi32>,
    %add3A_2692 = arith.constant 63488 : i32
    %add3A_2693 = vector.broadcast %add3A_2692 : i32 to vector<16xi32>
    %add3A_2694 = arith.addi %get3A_2691, %add3A_2693 : vector<16xi32>
    tpu.vector_store_idx %arg6[%add3A_2694], %broadcast_in_dim3A_8 {add = true} : memref<65536xf32, #tpu.memory_space<vmem>>[vector<16xi32>], vector<16xf32>,
    %get3A_2695 = arith.constant 63 : i32
    %get3A_2696 = arith.index_cast %get3A_2695 : i32 to index
    %get3A_2697 = arith.constant 32 : index
    %get3A_2698 = tpu.vector_load %arg5[%get3A_2696, %get3A_2697] {strides = array<i32>} : memref<64x64xi32, #tpu.memory_space<vmem>>, vector<16xi32>,
    %add3A_2699 = arith.constant 63488 : i32
    %add3A_2700 = vector.broadcast %add3A_2699 : i32 to vector<16xi32>
    %add3A_2701 = arith.addi %get3A_2698, %add3A_2700 : vector<16xi32>
    tpu.vector_store_idx %arg6[%add3A_2701], %broadcast_in_dim3A_8 {add = true} : memref<65536xf32, #tpu.memory_space<vmem>>[vector<16xi32>], vector<16xf32>,
    %get3A_2702 = arith.constant 63 : i32
    %get3A_2703 = arith.index_cast %get3A_2702 : i32 to index
    %get3A_2704 = arith.constant 48 : index
    %get3A_2705 = tpu.vector_load %arg5[%get3A_2703, %get3A_2704] {strides = array<i32>} : memref<64x64xi32, #tpu.memory_space<vmem>>, vector<16xi32>,
    %add3A_2706 = arith.constant 63488 : i32
    %add3A_2707 = vector.broadcast %add3A_2706 : i32 to vector<16xi32>
    %add3A_2708 = arith.addi %get3A_2705, %add3A_2707 : vector<16xi32>
    tpu.vector_store_idx %arg6[%add3A_2708], %broadcast_in_dim3A_8 {add = true} : memref<65536xf32, #tpu.memory_space<vmem>>[vector<16xi32>], vector<16xf32>,
    %add3A_2709 = arith.constant 32 : i32
    %add3A_2710 = arith.addi %mul3A_2, %add3A_2709 : i32
    %mul3A_2711 = arith.constant 2048 : i32
    %mul3A_2712 = arith.muli %add3A_2710, %mul3A_2711 : i32
    "tpu.region"() ({
      %run_scoped3A = tpu.sem_alloc : memref<!tpu.dma_semaphore, #tpu.memory_space<semaphore_mem>>
      %dma_start3A_2713 = tpu.memref_slice %arg3[%mul3A_2712] : memref<4194304xf32, #tpu.memory_space<hbm>> -> memref<65536xf32, #tpu.memory_space<hbm>>
      %dma_start3A_2714 = tpu.memref_slice %arg3[%mul3A_2712] : memref<4194304xf32, #tpu.memory_space<hbm>> -> memref<65536xf32, #tpu.memory_space<hbm>>
      tpu.enqueue_dma source(%arg6 : memref<65536xf32, #tpu.memory_space<vmem>>) target(%dma_start3A_2714 : memref<65536xf32, #tpu.memory_space<hbm>>) target_semaphore(%run_scoped3A : memref<!tpu.dma_semaphore, #tpu.memory_space<semaphore_mem>>)
      %dma_wait3A_2715 = tpu.memref_slice %arg3[%mul3A_2712] : memref<4194304xf32, #tpu.memory_space<hbm>> -> memref<65536xf32, #tpu.memory_space<hbm>>
      %dma_wait3A_2716 = tpu.memref_slice %arg3[%mul3A_2712] : memref<4194304xf32, #tpu.memory_space<hbm>> -> memref<65536xf32, #tpu.memory_space<hbm>>
      tpu.wait_dma2 semaphore(%run_scoped3A : memref<!tpu.dma_semaphore, #tpu.memory_space<semaphore_mem>>) src(%arg6 : memref<65536xf32, #tpu.memory_space<vmem>>) dst(%dma_wait3A_2716 : memref<65536xf32, #tpu.memory_space<hbm>>)
      tpu.yield
    }) : () -> ()
    return
  }
}

module attributes {stable_mosaic.version = 14 : i64} {
  func.func @_attn_body(%arg0: i32, %arg1: memref<512x768xbf16, #tpu.memory_space<vmem>>, %arg2: memref<2048x768xbf16, #tpu.memory_space<vmem>>, %arg3: memref<2048x1536xbf16, #tpu.memory_space<vmem>>, %arg4: memref<512x2048xf32, #tpu.memory_space<vmem>>, %arg5: memref<512x768xf32, #tpu.memory_space<vmem>>) attributes {dimension_semantics = [#tpu.dimension_semantics<arbitrary>], iteration_bounds = array<i64: 4>, scalar_prefetch = 0 : i64, scratch_operands = 0 : i64, tpu.core_type = #tpu.core_type<tc>, window_params = [{transform_indices = @transform_0, window_bounds = array<i64: 512, 768>}, {pipeline_mode = #tpu.pipeline_mode<synchronous>, transform_indices = @transform_1, window_bounds = array<i64: 2048, 768>}, {pipeline_mode = #tpu.pipeline_mode<synchronous>, transform_indices = @transform_2, window_bounds = array<i64: 2048, 1536>}, {transform_indices = @transform_3, window_bounds = array<i64: 512, 2048>}, {transform_indices = @transform_4, window_bounds = array<i64: 512, 768>}]} {
    %get3A = arith.constant 0 : index
    %get3A_0 = arith.constant 0 : index
    %get3A_1 = vector.load %arg4[%get3A, %get3A_0] : memref<512x2048xf32, #tpu.memory_space<vmem>>, vector<512x2048xf32>
    %get3A_2 = arith.constant 0 : index
    %get3A_3 = arith.constant 0 : index
    %get3A_4 = vector.load %arg1[%get3A_2, %get3A_3] : memref<512x768xbf16, #tpu.memory_space<vmem>>, vector<512x64xbf16>
    %get3A_5 = arith.constant 0 : index
    %get3A_6 = arith.constant 0 : index
    %get3A_7 = vector.load %arg2[%get3A_5, %get3A_6] : memref<2048x768xbf16, #tpu.memory_space<vmem>>, vector<2048x64xbf16>
    %dot_general3A = arith.constant dense<0.000000e+00> : vector<512x2048xf32>
    %dot_general3A_8 = tpu.matmul %get3A_4, %get3A_7, %dot_general3A {dimension_numbers = #tpu.dot_dimension_numbers<[1], [1], [0], [0], [0, 0, 1, 0], [], []>, transpose_lhs_hint = false} : vector<512x64xbf16>, vector<2048x64xbf16>, vector<512x2048xf32> -> vector<512x2048xf32>
    %exp23A = math.exp2 %dot_general3A_8 : vector<512x2048xf32>
    %mul3A = arith.mulf %get3A_1, %exp23A : vector<512x2048xf32>
    %convert_element_type3A = arith.truncf %mul3A : vector<512x2048xf32> to vector<512x2048xbf16>
    %get3A_9 = arith.constant 0 : index
    %get3A_10 = arith.constant 0 : index
    %get3A_11 = vector.load %arg3[%get3A_9, %get3A_10] : memref<2048x1536xbf16, #tpu.memory_space<vmem>>, vector<2048x128xbf16>
    %dot_general3A_12 = arith.constant dense<0.000000e+00> : vector<512x128xf32>
    %dot_general3A_13 = tpu.matmul %convert_element_type3A, %get3A_11, %dot_general3A_12 {dimension_numbers = #tpu.dot_dimension_numbers<[1], [0], [0], [1], [0, 0, 1, 1], [], []>, transpose_lhs_hint = false} : vector<512x2048xbf16>, vector<2048x128xbf16>, vector<512x128xf32> -> vector<512x128xf32>
    %slice3A = vector.extract_strided_slice %dot_general3A_13 {offsets = [0, 0], sizes = [512, 64], strides = [1, 1]} : vector<512x128xf32> to vector<512x64xf32>
    %slice3A_14 = vector.extract_strided_slice %dot_general3A_13 {offsets = [0, 64], sizes = [512, 1], strides = [1, 1]} : vector<512x128xf32> to vector<512x1xf32>
    %div3A = vector.broadcast %slice3A_14 : vector<512x1xf32> to vector<512x64xf32>
    %div3A_15 = arith.divf %slice3A, %div3A : vector<512x64xf32>
    %swap3A = arith.constant 0 : index
    %swap3A_16 = arith.constant 0 : index
    %swap3A_17 = vector.load %arg5[%swap3A, %swap3A_16] : memref<512x768xf32, #tpu.memory_space<vmem>>, vector<512x64xf32>
    tpu.vector_store %arg5[%swap3A, %swap3A_16], %div3A_15 {strides = array<i32>} : memref<512x768xf32, #tpu.memory_space<vmem>>, vector<512x64xf32>,
    %get3A_18 = arith.constant 0 : index
    %get3A_19 = arith.constant 64 : index
    %get3A_20 = vector.load %arg1[%get3A_18, %get3A_19] : memref<512x768xbf16, #tpu.memory_space<vmem>>, vector<512x64xbf16>
    %get3A_21 = arith.constant 0 : index
    %get3A_22 = arith.constant 64 : index
    %get3A_23 = vector.load %arg2[%get3A_21, %get3A_22] : memref<2048x768xbf16, #tpu.memory_space<vmem>>, vector<2048x64xbf16>
    %dot_general3A_24 = arith.constant dense<0.000000e+00> : vector<512x2048xf32>
    %dot_general3A_25 = tpu.matmul %get3A_20, %get3A_23, %dot_general3A_24 {dimension_numbers = #tpu.dot_dimension_numbers<[1], [1], [0], [0], [0, 0, 1, 0], [], []>, transpose_lhs_hint = false} : vector<512x64xbf16>, vector<2048x64xbf16>, vector<512x2048xf32> -> vector<512x2048xf32>
    %exp23A_26 = math.exp2 %dot_general3A_25 : vector<512x2048xf32>
    %mul3A_27 = arith.mulf %get3A_1, %exp23A_26 : vector<512x2048xf32>
    %convert_element_type3A_28 = arith.truncf %mul3A_27 : vector<512x2048xf32> to vector<512x2048xbf16>
    %get3A_29 = arith.constant 0 : index
    %get3A_30 = arith.constant 128 : index
    %get3A_31 = vector.load %arg3[%get3A_29, %get3A_30] : memref<2048x1536xbf16, #tpu.memory_space<vmem>>, vector<2048x128xbf16>
    %dot_general3A_32 = arith.constant dense<0.000000e+00> : vector<512x128xf32>
    %dot_general3A_33 = tpu.matmul %convert_element_type3A_28, %get3A_31, %dot_general3A_32 {dimension_numbers = #tpu.dot_dimension_numbers<[1], [0], [0], [1], [0, 0, 1, 1], [], []>, transpose_lhs_hint = false} : vector<512x2048xbf16>, vector<2048x128xbf16>, vector<512x128xf32> -> vector<512x128xf32>
    %slice3A_34 = vector.extract_strided_slice %dot_general3A_33 {offsets = [0, 0], sizes = [512, 64], strides = [1, 1]} : vector<512x128xf32> to vector<512x64xf32>
    %slice3A_35 = vector.extract_strided_slice %dot_general3A_33 {offsets = [0, 64], sizes = [512, 1], strides = [1, 1]} : vector<512x128xf32> to vector<512x1xf32>
    %div3A_36 = vector.broadcast %slice3A_35 : vector<512x1xf32> to vector<512x64xf32>
    %div3A_37 = arith.divf %slice3A_34, %div3A_36 : vector<512x64xf32>
    %swap3A_38 = arith.constant 0 : index
    %swap3A_39 = arith.constant 64 : index
    %swap3A_40 = vector.load %arg5[%swap3A_38, %swap3A_39] : memref<512x768xf32, #tpu.memory_space<vmem>>, vector<512x64xf32>
    tpu.vector_store %arg5[%swap3A_38, %swap3A_39], %div3A_37 {strides = array<i32>} : memref<512x768xf32, #tpu.memory_space<vmem>>, vector<512x64xf32>,
    %get3A_41 = arith.constant 0 : index
    %get3A_42 = arith.constant 128 : index
    %get3A_43 = vector.load %arg1[%get3A_41, %get3A_42] : memref<512x768xbf16, #tpu.memory_space<vmem>>, vector<512x64xbf16>
    %get3A_44 = arith.constant 0 : index
    %get3A_45 = arith.constant 128 : index
    %get3A_46 = vector.load %arg2[%get3A_44, %get3A_45] : memref<2048x768xbf16, #tpu.memory_space<vmem>>, vector<2048x64xbf16>
    %dot_general3A_47 = arith.constant dense<0.000000e+00> : vector<512x2048xf32>
    %dot_general3A_48 = tpu.matmul %get3A_43, %get3A_46, %dot_general3A_47 {dimension_numbers = #tpu.dot_dimension_numbers<[1], [1], [0], [0], [0, 0, 1, 0], [], []>, transpose_lhs_hint = false} : vector<512x64xbf16>, vector<2048x64xbf16>, vector<512x2048xf32> -> vector<512x2048xf32>
    %exp23A_49 = math.exp2 %dot_general3A_48 : vector<512x2048xf32>
    %mul3A_50 = arith.mulf %get3A_1, %exp23A_49 : vector<512x2048xf32>
    %convert_element_type3A_51 = arith.truncf %mul3A_50 : vector<512x2048xf32> to vector<512x2048xbf16>
    %get3A_52 = arith.constant 0 : index
    %get3A_53 = arith.constant 256 : index
    %get3A_54 = vector.load %arg3[%get3A_52, %get3A_53] : memref<2048x1536xbf16, #tpu.memory_space<vmem>>, vector<2048x128xbf16>
    %dot_general3A_55 = arith.constant dense<0.000000e+00> : vector<512x128xf32>
    %dot_general3A_56 = tpu.matmul %convert_element_type3A_51, %get3A_54, %dot_general3A_55 {dimension_numbers = #tpu.dot_dimension_numbers<[1], [0], [0], [1], [0, 0, 1, 1], [], []>, transpose_lhs_hint = false} : vector<512x2048xbf16>, vector<2048x128xbf16>, vector<512x128xf32> -> vector<512x128xf32>
    %slice3A_57 = vector.extract_strided_slice %dot_general3A_56 {offsets = [0, 0], sizes = [512, 64], strides = [1, 1]} : vector<512x128xf32> to vector<512x64xf32>
    %slice3A_58 = vector.extract_strided_slice %dot_general3A_56 {offsets = [0, 64], sizes = [512, 1], strides = [1, 1]} : vector<512x128xf32> to vector<512x1xf32>
    %div3A_59 = vector.broadcast %slice3A_58 : vector<512x1xf32> to vector<512x64xf32>
    %div3A_60 = arith.divf %slice3A_57, %div3A_59 : vector<512x64xf32>
    %swap3A_61 = arith.constant 0 : index
    %swap3A_62 = arith.constant 128 : index
    %swap3A_63 = vector.load %arg5[%swap3A_61, %swap3A_62] : memref<512x768xf32, #tpu.memory_space<vmem>>, vector<512x64xf32>
    tpu.vector_store %arg5[%swap3A_61, %swap3A_62], %div3A_60 {strides = array<i32>} : memref<512x768xf32, #tpu.memory_space<vmem>>, vector<512x64xf32>,
    %get3A_64 = arith.constant 0 : index
    %get3A_65 = arith.constant 192 : index
    %get3A_66 = vector.load %arg1[%get3A_64, %get3A_65] : memref<512x768xbf16, #tpu.memory_space<vmem>>, vector<512x64xbf16>
    %get3A_67 = arith.constant 0 : index
    %get3A_68 = arith.constant 192 : index
    %get3A_69 = vector.load %arg2[%get3A_67, %get3A_68] : memref<2048x768xbf16, #tpu.memory_space<vmem>>, vector<2048x64xbf16>
    %dot_general3A_70 = arith.constant dense<0.000000e+00> : vector<512x2048xf32>
    %dot_general3A_71 = tpu.matmul %get3A_66, %get3A_69, %dot_general3A_70 {dimension_numbers = #tpu.dot_dimension_numbers<[1], [1], [0], [0], [0, 0, 1, 0], [], []>, transpose_lhs_hint = false} : vector<512x64xbf16>, vector<2048x64xbf16>, vector<512x2048xf32> -> vector<512x2048xf32>
    %exp23A_72 = math.exp2 %dot_general3A_71 : vector<512x2048xf32>
    %mul3A_73 = arith.mulf %get3A_1, %exp23A_72 : vector<512x2048xf32>
    %convert_element_type3A_74 = arith.truncf %mul3A_73 : vector<512x2048xf32> to vector<512x2048xbf16>
    %get3A_75 = arith.constant 0 : index
    %get3A_76 = arith.constant 384 : index
    %get3A_77 = vector.load %arg3[%get3A_75, %get3A_76] : memref<2048x1536xbf16, #tpu.memory_space<vmem>>, vector<2048x128xbf16>
    %dot_general3A_78 = arith.constant dense<0.000000e+00> : vector<512x128xf32>
    %dot_general3A_79 = tpu.matmul %convert_element_type3A_74, %get3A_77, %dot_general3A_78 {dimension_numbers = #tpu.dot_dimension_numbers<[1], [0], [0], [1], [0, 0, 1, 1], [], []>, transpose_lhs_hint = false} : vector<512x2048xbf16>, vector<2048x128xbf16>, vector<512x128xf32> -> vector<512x128xf32>
    %slice3A_80 = vector.extract_strided_slice %dot_general3A_79 {offsets = [0, 0], sizes = [512, 64], strides = [1, 1]} : vector<512x128xf32> to vector<512x64xf32>
    %slice3A_81 = vector.extract_strided_slice %dot_general3A_79 {offsets = [0, 64], sizes = [512, 1], strides = [1, 1]} : vector<512x128xf32> to vector<512x1xf32>
    %div3A_82 = vector.broadcast %slice3A_81 : vector<512x1xf32> to vector<512x64xf32>
    %div3A_83 = arith.divf %slice3A_80, %div3A_82 : vector<512x64xf32>
    %swap3A_84 = arith.constant 0 : index
    %swap3A_85 = arith.constant 192 : index
    %swap3A_86 = vector.load %arg5[%swap3A_84, %swap3A_85] : memref<512x768xf32, #tpu.memory_space<vmem>>, vector<512x64xf32>
    tpu.vector_store %arg5[%swap3A_84, %swap3A_85], %div3A_83 {strides = array<i32>} : memref<512x768xf32, #tpu.memory_space<vmem>>, vector<512x64xf32>,
    %get3A_87 = arith.constant 0 : index
    %get3A_88 = arith.constant 256 : index
    %get3A_89 = vector.load %arg1[%get3A_87, %get3A_88] : memref<512x768xbf16, #tpu.memory_space<vmem>>, vector<512x64xbf16>
    %get3A_90 = arith.constant 0 : index
    %get3A_91 = arith.constant 256 : index
    %get3A_92 = vector.load %arg2[%get3A_90, %get3A_91] : memref<2048x768xbf16, #tpu.memory_space<vmem>>, vector<2048x64xbf16>
    %dot_general3A_93 = arith.constant dense<0.000000e+00> : vector<512x2048xf32>
    %dot_general3A_94 = tpu.matmul %get3A_89, %get3A_92, %dot_general3A_93 {dimension_numbers = #tpu.dot_dimension_numbers<[1], [1], [0], [0], [0, 0, 1, 0], [], []>, transpose_lhs_hint = false} : vector<512x64xbf16>, vector<2048x64xbf16>, vector<512x2048xf32> -> vector<512x2048xf32>
    %exp23A_95 = math.exp2 %dot_general3A_94 : vector<512x2048xf32>
    %mul3A_96 = arith.mulf %get3A_1, %exp23A_95 : vector<512x2048xf32>
    %convert_element_type3A_97 = arith.truncf %mul3A_96 : vector<512x2048xf32> to vector<512x2048xbf16>
    %get3A_98 = arith.constant 0 : index
    %get3A_99 = arith.constant 512 : index
    %get3A_100 = vector.load %arg3[%get3A_98, %get3A_99] : memref<2048x1536xbf16, #tpu.memory_space<vmem>>, vector<2048x128xbf16>
    %dot_general3A_101 = arith.constant dense<0.000000e+00> : vector<512x128xf32>
    %dot_general3A_102 = tpu.matmul %convert_element_type3A_97, %get3A_100, %dot_general3A_101 {dimension_numbers = #tpu.dot_dimension_numbers<[1], [0], [0], [1], [0, 0, 1, 1], [], []>, transpose_lhs_hint = false} : vector<512x2048xbf16>, vector<2048x128xbf16>, vector<512x128xf32> -> vector<512x128xf32>
    %slice3A_103 = vector.extract_strided_slice %dot_general3A_102 {offsets = [0, 0], sizes = [512, 64], strides = [1, 1]} : vector<512x128xf32> to vector<512x64xf32>
    %slice3A_104 = vector.extract_strided_slice %dot_general3A_102 {offsets = [0, 64], sizes = [512, 1], strides = [1, 1]} : vector<512x128xf32> to vector<512x1xf32>
    %div3A_105 = vector.broadcast %slice3A_104 : vector<512x1xf32> to vector<512x64xf32>
    %div3A_106 = arith.divf %slice3A_103, %div3A_105 : vector<512x64xf32>
    %swap3A_107 = arith.constant 0 : index
    %swap3A_108 = arith.constant 256 : index
    %swap3A_109 = vector.load %arg5[%swap3A_107, %swap3A_108] : memref<512x768xf32, #tpu.memory_space<vmem>>, vector<512x64xf32>
    tpu.vector_store %arg5[%swap3A_107, %swap3A_108], %div3A_106 {strides = array<i32>} : memref<512x768xf32, #tpu.memory_space<vmem>>, vector<512x64xf32>,
    %get3A_110 = arith.constant 0 : index
    %get3A_111 = arith.constant 320 : index
    %get3A_112 = vector.load %arg1[%get3A_110, %get3A_111] : memref<512x768xbf16, #tpu.memory_space<vmem>>, vector<512x64xbf16>
    %get3A_113 = arith.constant 0 : index
    %get3A_114 = arith.constant 320 : index
    %get3A_115 = vector.load %arg2[%get3A_113, %get3A_114] : memref<2048x768xbf16, #tpu.memory_space<vmem>>, vector<2048x64xbf16>
    %dot_general3A_116 = arith.constant dense<0.000000e+00> : vector<512x2048xf32>
    %dot_general3A_117 = tpu.matmul %get3A_112, %get3A_115, %dot_general3A_116 {dimension_numbers = #tpu.dot_dimension_numbers<[1], [1], [0], [0], [0, 0, 1, 0], [], []>, transpose_lhs_hint = false} : vector<512x64xbf16>, vector<2048x64xbf16>, vector<512x2048xf32> -> vector<512x2048xf32>
    %exp23A_118 = math.exp2 %dot_general3A_117 : vector<512x2048xf32>
    %mul3A_119 = arith.mulf %get3A_1, %exp23A_118 : vector<512x2048xf32>
    %convert_element_type3A_120 = arith.truncf %mul3A_119 : vector<512x2048xf32> to vector<512x2048xbf16>
    %get3A_121 = arith.constant 0 : index
    %get3A_122 = arith.constant 640 : index
    %get3A_123 = vector.load %arg3[%get3A_121, %get3A_122] : memref<2048x1536xbf16, #tpu.memory_space<vmem>>, vector<2048x128xbf16>
    %dot_general3A_124 = arith.constant dense<0.000000e+00> : vector<512x128xf32>
    %dot_general3A_125 = tpu.matmul %convert_element_type3A_120, %get3A_123, %dot_general3A_124 {dimension_numbers = #tpu.dot_dimension_numbers<[1], [0], [0], [1], [0, 0, 1, 1], [], []>, transpose_lhs_hint = false} : vector<512x2048xbf16>, vector<2048x128xbf16>, vector<512x128xf32> -> vector<512x128xf32>
    %slice3A_126 = vector.extract_strided_slice %dot_general3A_125 {offsets = [0, 0], sizes = [512, 64], strides = [1, 1]} : vector<512x128xf32> to vector<512x64xf32>
    %slice3A_127 = vector.extract_strided_slice %dot_general3A_125 {offsets = [0, 64], sizes = [512, 1], strides = [1, 1]} : vector<512x128xf32> to vector<512x1xf32>
    %div3A_128 = vector.broadcast %slice3A_127 : vector<512x1xf32> to vector<512x64xf32>
    %div3A_129 = arith.divf %slice3A_126, %div3A_128 : vector<512x64xf32>
    %swap3A_130 = arith.constant 0 : index
    %swap3A_131 = arith.constant 320 : index
    %swap3A_132 = vector.load %arg5[%swap3A_130, %swap3A_131] : memref<512x768xf32, #tpu.memory_space<vmem>>, vector<512x64xf32>
    tpu.vector_store %arg5[%swap3A_130, %swap3A_131], %div3A_129 {strides = array<i32>} : memref<512x768xf32, #tpu.memory_space<vmem>>, vector<512x64xf32>,
    %get3A_133 = arith.constant 0 : index
    %get3A_134 = arith.constant 384 : index
    %get3A_135 = vector.load %arg1[%get3A_133, %get3A_134] : memref<512x768xbf16, #tpu.memory_space<vmem>>, vector<512x64xbf16>
    %get3A_136 = arith.constant 0 : index
    %get3A_137 = arith.constant 384 : index
    %get3A_138 = vector.load %arg2[%get3A_136, %get3A_137] : memref<2048x768xbf16, #tpu.memory_space<vmem>>, vector<2048x64xbf16>
    %dot_general3A_139 = arith.constant dense<0.000000e+00> : vector<512x2048xf32>
    %dot_general3A_140 = tpu.matmul %get3A_135, %get3A_138, %dot_general3A_139 {dimension_numbers = #tpu.dot_dimension_numbers<[1], [1], [0], [0], [0, 0, 1, 0], [], []>, transpose_lhs_hint = false} : vector<512x64xbf16>, vector<2048x64xbf16>, vector<512x2048xf32> -> vector<512x2048xf32>
    %exp23A_141 = math.exp2 %dot_general3A_140 : vector<512x2048xf32>
    %mul3A_142 = arith.mulf %get3A_1, %exp23A_141 : vector<512x2048xf32>
    %convert_element_type3A_143 = arith.truncf %mul3A_142 : vector<512x2048xf32> to vector<512x2048xbf16>
    %get3A_144 = arith.constant 0 : index
    %get3A_145 = arith.constant 768 : index
    %get3A_146 = vector.load %arg3[%get3A_144, %get3A_145] : memref<2048x1536xbf16, #tpu.memory_space<vmem>>, vector<2048x128xbf16>
    %dot_general3A_147 = arith.constant dense<0.000000e+00> : vector<512x128xf32>
    %dot_general3A_148 = tpu.matmul %convert_element_type3A_143, %get3A_146, %dot_general3A_147 {dimension_numbers = #tpu.dot_dimension_numbers<[1], [0], [0], [1], [0, 0, 1, 1], [], []>, transpose_lhs_hint = false} : vector<512x2048xbf16>, vector<2048x128xbf16>, vector<512x128xf32> -> vector<512x128xf32>
    %slice3A_149 = vector.extract_strided_slice %dot_general3A_148 {offsets = [0, 0], sizes = [512, 64], strides = [1, 1]} : vector<512x128xf32> to vector<512x64xf32>
    %slice3A_150 = vector.extract_strided_slice %dot_general3A_148 {offsets = [0, 64], sizes = [512, 1], strides = [1, 1]} : vector<512x128xf32> to vector<512x1xf32>
    %div3A_151 = vector.broadcast %slice3A_150 : vector<512x1xf32> to vector<512x64xf32>
    %div3A_152 = arith.divf %slice3A_149, %div3A_151 : vector<512x64xf32>
    %swap3A_153 = arith.constant 0 : index
    %swap3A_154 = arith.constant 384 : index
    %swap3A_155 = vector.load %arg5[%swap3A_153, %swap3A_154] : memref<512x768xf32, #tpu.memory_space<vmem>>, vector<512x64xf32>
    tpu.vector_store %arg5[%swap3A_153, %swap3A_154], %div3A_152 {strides = array<i32>} : memref<512x768xf32, #tpu.memory_space<vmem>>, vector<512x64xf32>,
    %get3A_156 = arith.constant 0 : index
    %get3A_157 = arith.constant 448 : index
    %get3A_158 = vector.load %arg1[%get3A_156, %get3A_157] : memref<512x768xbf16, #tpu.memory_space<vmem>>, vector<512x64xbf16>
    %get3A_159 = arith.constant 0 : index
    %get3A_160 = arith.constant 448 : index
    %get3A_161 = vector.load %arg2[%get3A_159, %get3A_160] : memref<2048x768xbf16, #tpu.memory_space<vmem>>, vector<2048x64xbf16>
    %dot_general3A_162 = arith.constant dense<0.000000e+00> : vector<512x2048xf32>
    %dot_general3A_163 = tpu.matmul %get3A_158, %get3A_161, %dot_general3A_162 {dimension_numbers = #tpu.dot_dimension_numbers<[1], [1], [0], [0], [0, 0, 1, 0], [], []>, transpose_lhs_hint = false} : vector<512x64xbf16>, vector<2048x64xbf16>, vector<512x2048xf32> -> vector<512x2048xf32>
    %exp23A_164 = math.exp2 %dot_general3A_163 : vector<512x2048xf32>
    %mul3A_165 = arith.mulf %get3A_1, %exp23A_164 : vector<512x2048xf32>
    %convert_element_type3A_166 = arith.truncf %mul3A_165 : vector<512x2048xf32> to vector<512x2048xbf16>
    %get3A_167 = arith.constant 0 : index
    %get3A_168 = arith.constant 896 : index
    %get3A_169 = vector.load %arg3[%get3A_167, %get3A_168] : memref<2048x1536xbf16, #tpu.memory_space<vmem>>, vector<2048x128xbf16>
    %dot_general3A_170 = arith.constant dense<0.000000e+00> : vector<512x128xf32>
    %dot_general3A_171 = tpu.matmul %convert_element_type3A_166, %get3A_169, %dot_general3A_170 {dimension_numbers = #tpu.dot_dimension_numbers<[1], [0], [0], [1], [0, 0, 1, 1], [], []>, transpose_lhs_hint = false} : vector<512x2048xbf16>, vector<2048x128xbf16>, vector<512x128xf32> -> vector<512x128xf32>
    %slice3A_172 = vector.extract_strided_slice %dot_general3A_171 {offsets = [0, 0], sizes = [512, 64], strides = [1, 1]} : vector<512x128xf32> to vector<512x64xf32>
    %slice3A_173 = vector.extract_strided_slice %dot_general3A_171 {offsets = [0, 64], sizes = [512, 1], strides = [1, 1]} : vector<512x128xf32> to vector<512x1xf32>
    %div3A_174 = vector.broadcast %slice3A_173 : vector<512x1xf32> to vector<512x64xf32>
    %div3A_175 = arith.divf %slice3A_172, %div3A_174 : vector<512x64xf32>
    %swap3A_176 = arith.constant 0 : index
    %swap3A_177 = arith.constant 448 : index
    %swap3A_178 = vector.load %arg5[%swap3A_176, %swap3A_177] : memref<512x768xf32, #tpu.memory_space<vmem>>, vector<512x64xf32>
    tpu.vector_store %arg5[%swap3A_176, %swap3A_177], %div3A_175 {strides = array<i32>} : memref<512x768xf32, #tpu.memory_space<vmem>>, vector<512x64xf32>,
    %get3A_179 = arith.constant 0 : index
    %get3A_180 = arith.constant 512 : index
    %get3A_181 = vector.load %arg1[%get3A_179, %get3A_180] : memref<512x768xbf16, #tpu.memory_space<vmem>>, vector<512x64xbf16>
    %get3A_182 = arith.constant 0 : index
    %get3A_183 = arith.constant 512 : index
    %get3A_184 = vector.load %arg2[%get3A_182, %get3A_183] : memref<2048x768xbf16, #tpu.memory_space<vmem>>, vector<2048x64xbf16>
    %dot_general3A_185 = arith.constant dense<0.000000e+00> : vector<512x2048xf32>
    %dot_general3A_186 = tpu.matmul %get3A_181, %get3A_184, %dot_general3A_185 {dimension_numbers = #tpu.dot_dimension_numbers<[1], [1], [0], [0], [0, 0, 1, 0], [], []>, transpose_lhs_hint = false} : vector<512x64xbf16>, vector<2048x64xbf16>, vector<512x2048xf32> -> vector<512x2048xf32>
    %exp23A_187 = math.exp2 %dot_general3A_186 : vector<512x2048xf32>
    %mul3A_188 = arith.mulf %get3A_1, %exp23A_187 : vector<512x2048xf32>
    %convert_element_type3A_189 = arith.truncf %mul3A_188 : vector<512x2048xf32> to vector<512x2048xbf16>
    %get3A_190 = arith.constant 0 : index
    %get3A_191 = arith.constant 1024 : index
    %get3A_192 = vector.load %arg3[%get3A_190, %get3A_191] : memref<2048x1536xbf16, #tpu.memory_space<vmem>>, vector<2048x128xbf16>
    %dot_general3A_193 = arith.constant dense<0.000000e+00> : vector<512x128xf32>
    %dot_general3A_194 = tpu.matmul %convert_element_type3A_189, %get3A_192, %dot_general3A_193 {dimension_numbers = #tpu.dot_dimension_numbers<[1], [0], [0], [1], [0, 0, 1, 1], [], []>, transpose_lhs_hint = false} : vector<512x2048xbf16>, vector<2048x128xbf16>, vector<512x128xf32> -> vector<512x128xf32>
    %slice3A_195 = vector.extract_strided_slice %dot_general3A_194 {offsets = [0, 0], sizes = [512, 64], strides = [1, 1]} : vector<512x128xf32> to vector<512x64xf32>
    %slice3A_196 = vector.extract_strided_slice %dot_general3A_194 {offsets = [0, 64], sizes = [512, 1], strides = [1, 1]} : vector<512x128xf32> to vector<512x1xf32>
    %div3A_197 = vector.broadcast %slice3A_196 : vector<512x1xf32> to vector<512x64xf32>
    %div3A_198 = arith.divf %slice3A_195, %div3A_197 : vector<512x64xf32>
    %swap3A_199 = arith.constant 0 : index
    %swap3A_200 = arith.constant 512 : index
    %swap3A_201 = vector.load %arg5[%swap3A_199, %swap3A_200] : memref<512x768xf32, #tpu.memory_space<vmem>>, vector<512x64xf32>
    tpu.vector_store %arg5[%swap3A_199, %swap3A_200], %div3A_198 {strides = array<i32>} : memref<512x768xf32, #tpu.memory_space<vmem>>, vector<512x64xf32>,
    %get3A_202 = arith.constant 0 : index
    %get3A_203 = arith.constant 576 : index
    %get3A_204 = vector.load %arg1[%get3A_202, %get3A_203] : memref<512x768xbf16, #tpu.memory_space<vmem>>, vector<512x64xbf16>
    %get3A_205 = arith.constant 0 : index
    %get3A_206 = arith.constant 576 : index
    %get3A_207 = vector.load %arg2[%get3A_205, %get3A_206] : memref<2048x768xbf16, #tpu.memory_space<vmem>>, vector<2048x64xbf16>
    %dot_general3A_208 = arith.constant dense<0.000000e+00> : vector<512x2048xf32>
    %dot_general3A_209 = tpu.matmul %get3A_204, %get3A_207, %dot_general3A_208 {dimension_numbers = #tpu.dot_dimension_numbers<[1], [1], [0], [0], [0, 0, 1, 0], [], []>, transpose_lhs_hint = false} : vector<512x64xbf16>, vector<2048x64xbf16>, vector<512x2048xf32> -> vector<512x2048xf32>
    %exp23A_210 = math.exp2 %dot_general3A_209 : vector<512x2048xf32>
    %mul3A_211 = arith.mulf %get3A_1, %exp23A_210 : vector<512x2048xf32>
    %convert_element_type3A_212 = arith.truncf %mul3A_211 : vector<512x2048xf32> to vector<512x2048xbf16>
    %get3A_213 = arith.constant 0 : index
    %get3A_214 = arith.constant 1152 : index
    %get3A_215 = vector.load %arg3[%get3A_213, %get3A_214] : memref<2048x1536xbf16, #tpu.memory_space<vmem>>, vector<2048x128xbf16>
    %dot_general3A_216 = arith.constant dense<0.000000e+00> : vector<512x128xf32>
    %dot_general3A_217 = tpu.matmul %convert_element_type3A_212, %get3A_215, %dot_general3A_216 {dimension_numbers = #tpu.dot_dimension_numbers<[1], [0], [0], [1], [0, 0, 1, 1], [], []>, transpose_lhs_hint = false} : vector<512x2048xbf16>, vector<2048x128xbf16>, vector<512x128xf32> -> vector<512x128xf32>
    %slice3A_218 = vector.extract_strided_slice %dot_general3A_217 {offsets = [0, 0], sizes = [512, 64], strides = [1, 1]} : vector<512x128xf32> to vector<512x64xf32>
    %slice3A_219 = vector.extract_strided_slice %dot_general3A_217 {offsets = [0, 64], sizes = [512, 1], strides = [1, 1]} : vector<512x128xf32> to vector<512x1xf32>
    %div3A_220 = vector.broadcast %slice3A_219 : vector<512x1xf32> to vector<512x64xf32>
    %div3A_221 = arith.divf %slice3A_218, %div3A_220 : vector<512x64xf32>
    %swap3A_222 = arith.constant 0 : index
    %swap3A_223 = arith.constant 576 : index
    %swap3A_224 = vector.load %arg5[%swap3A_222, %swap3A_223] : memref<512x768xf32, #tpu.memory_space<vmem>>, vector<512x64xf32>
    tpu.vector_store %arg5[%swap3A_222, %swap3A_223], %div3A_221 {strides = array<i32>} : memref<512x768xf32, #tpu.memory_space<vmem>>, vector<512x64xf32>,
    %get3A_225 = arith.constant 0 : index
    %get3A_226 = arith.constant 640 : index
    %get3A_227 = vector.load %arg1[%get3A_225, %get3A_226] : memref<512x768xbf16, #tpu.memory_space<vmem>>, vector<512x64xbf16>
    %get3A_228 = arith.constant 0 : index
    %get3A_229 = arith.constant 640 : index
    %get3A_230 = vector.load %arg2[%get3A_228, %get3A_229] : memref<2048x768xbf16, #tpu.memory_space<vmem>>, vector<2048x64xbf16>
    %dot_general3A_231 = arith.constant dense<0.000000e+00> : vector<512x2048xf32>
    %dot_general3A_232 = tpu.matmul %get3A_227, %get3A_230, %dot_general3A_231 {dimension_numbers = #tpu.dot_dimension_numbers<[1], [1], [0], [0], [0, 0, 1, 0], [], []>, transpose_lhs_hint = false} : vector<512x64xbf16>, vector<2048x64xbf16>, vector<512x2048xf32> -> vector<512x2048xf32>
    %exp23A_233 = math.exp2 %dot_general3A_232 : vector<512x2048xf32>
    %mul3A_234 = arith.mulf %get3A_1, %exp23A_233 : vector<512x2048xf32>
    %convert_element_type3A_235 = arith.truncf %mul3A_234 : vector<512x2048xf32> to vector<512x2048xbf16>
    %get3A_236 = arith.constant 0 : index
    %get3A_237 = arith.constant 1280 : index
    %get3A_238 = vector.load %arg3[%get3A_236, %get3A_237] : memref<2048x1536xbf16, #tpu.memory_space<vmem>>, vector<2048x128xbf16>
    %dot_general3A_239 = arith.constant dense<0.000000e+00> : vector<512x128xf32>
    %dot_general3A_240 = tpu.matmul %convert_element_type3A_235, %get3A_238, %dot_general3A_239 {dimension_numbers = #tpu.dot_dimension_numbers<[1], [0], [0], [1], [0, 0, 1, 1], [], []>, transpose_lhs_hint = false} : vector<512x2048xbf16>, vector<2048x128xbf16>, vector<512x128xf32> -> vector<512x128xf32>
    %slice3A_241 = vector.extract_strided_slice %dot_general3A_240 {offsets = [0, 0], sizes = [512, 64], strides = [1, 1]} : vector<512x128xf32> to vector<512x64xf32>
    %slice3A_242 = vector.extract_strided_slice %dot_general3A_240 {offsets = [0, 64], sizes = [512, 1], strides = [1, 1]} : vector<512x128xf32> to vector<512x1xf32>
    %div3A_243 = vector.broadcast %slice3A_242 : vector<512x1xf32> to vector<512x64xf32>
    %div3A_244 = arith.divf %slice3A_241, %div3A_243 : vector<512x64xf32>
    %swap3A_245 = arith.constant 0 : index
    %swap3A_246 = arith.constant 640 : index
    %swap3A_247 = vector.load %arg5[%swap3A_245, %swap3A_246] : memref<512x768xf32, #tpu.memory_space<vmem>>, vector<512x64xf32>
    tpu.vector_store %arg5[%swap3A_245, %swap3A_246], %div3A_244 {strides = array<i32>} : memref<512x768xf32, #tpu.memory_space<vmem>>, vector<512x64xf32>,
    %get3A_248 = arith.constant 0 : index
    %get3A_249 = arith.constant 704 : index
    %get3A_250 = vector.load %arg1[%get3A_248, %get3A_249] : memref<512x768xbf16, #tpu.memory_space<vmem>>, vector<512x64xbf16>
    %get3A_251 = arith.constant 0 : index
    %get3A_252 = arith.constant 704 : index
    %get3A_253 = vector.load %arg2[%get3A_251, %get3A_252] : memref<2048x768xbf16, #tpu.memory_space<vmem>>, vector<2048x64xbf16>
    %dot_general3A_254 = arith.constant dense<0.000000e+00> : vector<512x2048xf32>
    %dot_general3A_255 = tpu.matmul %get3A_250, %get3A_253, %dot_general3A_254 {dimension_numbers = #tpu.dot_dimension_numbers<[1], [1], [0], [0], [0, 0, 1, 0], [], []>, transpose_lhs_hint = false} : vector<512x64xbf16>, vector<2048x64xbf16>, vector<512x2048xf32> -> vector<512x2048xf32>
    %exp23A_256 = math.exp2 %dot_general3A_255 : vector<512x2048xf32>
    %mul3A_257 = arith.mulf %get3A_1, %exp23A_256 : vector<512x2048xf32>
    %convert_element_type3A_258 = arith.truncf %mul3A_257 : vector<512x2048xf32> to vector<512x2048xbf16>
    %get3A_259 = arith.constant 0 : index
    %get3A_260 = arith.constant 1408 : index
    %get3A_261 = vector.load %arg3[%get3A_259, %get3A_260] : memref<2048x1536xbf16, #tpu.memory_space<vmem>>, vector<2048x128xbf16>
    %dot_general3A_262 = arith.constant dense<0.000000e+00> : vector<512x128xf32>
    %dot_general3A_263 = tpu.matmul %convert_element_type3A_258, %get3A_261, %dot_general3A_262 {dimension_numbers = #tpu.dot_dimension_numbers<[1], [0], [0], [1], [0, 0, 1, 1], [], []>, transpose_lhs_hint = false} : vector<512x2048xbf16>, vector<2048x128xbf16>, vector<512x128xf32> -> vector<512x128xf32>
    %slice3A_264 = vector.extract_strided_slice %dot_general3A_263 {offsets = [0, 0], sizes = [512, 64], strides = [1, 1]} : vector<512x128xf32> to vector<512x64xf32>
    %slice3A_265 = vector.extract_strided_slice %dot_general3A_263 {offsets = [0, 64], sizes = [512, 1], strides = [1, 1]} : vector<512x128xf32> to vector<512x1xf32>
    %div3A_266 = vector.broadcast %slice3A_265 : vector<512x1xf32> to vector<512x64xf32>
    %div3A_267 = arith.divf %slice3A_264, %div3A_266 : vector<512x64xf32>
    %swap3A_268 = arith.constant 0 : index
    %swap3A_269 = arith.constant 704 : index
    %swap3A_270 = vector.load %arg5[%swap3A_268, %swap3A_269] : memref<512x768xf32, #tpu.memory_space<vmem>>, vector<512x64xf32>
    tpu.vector_store %arg5[%swap3A_268, %swap3A_269], %div3A_267 {strides = array<i32>} : memref<512x768xf32, #tpu.memory_space<vmem>>, vector<512x64xf32>,
    return
  }
  func.func @transform_0(%arg0: i32) -> (i32, i32) {
    %c0_i32 = arith.constant 0 : i32
    %c0_i32_0 = arith.constant 0 : i32
    return %arg0, %c0_i32 : i32, i32
  }
  func.func @transform_1(%arg0: i32) -> (i32, i32) {
    %c0_i32 = arith.constant 0 : i32
    %c0_i32_0 = arith.constant 0 : i32
    %c0_i32_1 = arith.constant 0 : i32
    return %c0_i32, %c0_i32_0 : i32, i32
  }
  func.func @transform_2(%arg0: i32) -> (i32, i32) {
    %c0_i32 = arith.constant 0 : i32
    %c0_i32_0 = arith.constant 0 : i32
    %c0_i32_1 = arith.constant 0 : i32
    return %c0_i32, %c0_i32_0 : i32, i32
  }
  func.func @transform_3(%arg0: i32) -> (i32, i32) {
    %c0_i32 = arith.constant 0 : i32
    %c0_i32_0 = arith.constant 0 : i32
    return %arg0, %c0_i32 : i32, i32
  }
  func.func @transform_4(%arg0: i32) -> (i32, i32) {
    %c0_i32 = arith.constant 0 : i32
    %c0_i32_0 = arith.constant 0 : i32
    return %arg0, %c0_i32 : i32, i32
  }
}

</mosaic_0001>

<sc_bundles>
// kernel: kernel.4.cloned.1.call-start
scs
__scs_entry_jumppad:
0x0: {  	(pc) =	sbr.rel $0x88, $3  }
0x1: {  	(tag) =	ssettag $0x0;
	lr =	simm.s32 $0x1  }
0x2: {  	[smem:$0x3F9D] =	sst lr;
	_ =	strace $0xD0000000  }
0x3: {  	_ = 	snop  }
0x4: {  	_ = 	snop  }
0x5: {  	_ = 	snop  }
0x6: {  	_ = 	snop  }
0x7: {  	_ = 	snop  }
__scs_overlays_trampoline_lowered:
0x8: {  	[smem:$0x3FAC] =	sst s0  }
0x9: {  	[smem:$0x3FAD] =	sst s1  }
0xa: {  	[smem:$0x3FAE] =	sst s2  }
0xb: {  	[smem:$0x3FAF] =	sst s3  }
0xc: {  	[smem:$0x3FB0] =	sst s4  }
0xd: {  	[smem:$0x3FB1] =	sst s5  }
0xe: {  	[smem:$0x3FB2] =	sst s6  }
0xf: {  	[smem:$0x3FB3] =	sst s7  }
0x10: {  	[smem:$0x3FB4] =	sst s8  }
0x11: {  	[smem:$0x3FB5] =	sst s9;
	s0 =	simm.s32 @!p0 $0x0  }
0x12: {  	s1 =	sld [smem:$0x3F9B];
	s0 =	simm.s32 @p0 $0x1  }
0x13: {  	[smem:$0x3FB6] =	sst s0;
	s0 =	simm.s32 @!p1 $0x0  }
0x14: {  	s2 =	sld [smem:$0x3F9A];
	s0 =	simm.s32 @p1 $0x1  }
0x15: {  	[smem:$0x3FB7] =	sst s0;
	s0 =	simm.s32 @!p2 $0x0  }
0x16: {  	s3 =	sld [smem:$0x3FDB];
	s0 =	simm.s32 @p2 $0x1  }
0x17: {  	s4 =	simm.s32 $0x1BF5;
	[smem:$0x3FB9] =	sst s0  }
0x18: {  	s0 =	sld [smem:$0x3F9C];
	_ =	swait.ge [sflag:s4], $0x0  }
0x19: {  	s7 =	sld [smem:$0x3F9D]  }
0x1a: {  	s8 =	sadd.s32 $0xFFFFE003, lr  }
0x1b: {  	s9 =	sadd.s32 $0xFFFFFEF7, lr;
	s5 =	simm.s32 $0xFFFFFFFF;
	p2 =	slt.u32 s8, $0xFFFFF086  }
0x1c: {  	p1 =	slt.u32 s9, $0xF7A;
	s5 =	simm.s32 @!p2 $0x0  }
0x1d: {  	s5 =	simm.s32 @p1 $0x1;
	p0 =	seq.s32 s7, s2  }
0x1e: {  	s7 =	smul.u32 @!p0 $0xF7A, s2;
	p2 =	seq.s32 @!p0 s5, $0x0  }
0x1f: {  	s9 =	smul.u32 $0xF7A, s1;
	s8 =	simm.s32 @!p0 $0x1BF5;
	p2 =	por !p2, p0  }
0x20: {  	[sflag:s8] =	ssyncset.s32 @!p0 $0xFFFFF086;
	s6 =	sadd.s32 @!p0 s3, s7;
	s7 =	simm.s32 @!p0 $0x108  }
0x21: {  	s3 =	sadd.s32 s3, s9;
	s6 =	sadd.s32 @!p0 $0x88, s6;
	s7 =	simm.s32 @p2 $0x1082  }
0x22: {  	[simem:s7], [sflag:s8] =	dma.local @!p0 [hbm:s6], $0xF7A  }
0x23: {  	s9 =	sor.u32 $0xD0000000, s2;
	s6 =	simm.s32 $0x108;
	_ =	swait.ge @!p0 [sflag:s8], $0x0  }
0x24: {  	s3 =	sadd.s32 $0x88, s3;
	s6 =	simm.s32 @!p1 $0x1082;
	[sflag:s4] =	ssyncset.s32 $0xFFFFF086  }
0x25: {  	[simem:s6], [sflag:s4] =	dma.local [hbm:s3], $0xF7A  }
0x26: {  	[smem:$0x3F9D] =	sst s1;
	(tag) =	ssettag s2;
	_ =	strace s9  }
0x27: {  	s1 =	sld [smem:$0x3FAD]  }
0x28: {  	s2 =	sld [smem:$0x3FAE]  }
0x29: {  	s4 =	sld [smem:$0x3FB0]  }
0x2a: {  	p0 =	seq.s32 s5, $0x0;
	s5 =	sld [smem:$0x3FB1]  }
0x2b: {  	s6 =	sld [smem:$0x3FB2]  }
0x2c: {  	s7 =	sld [smem:$0x3FB3]  }
0x2d: {  	s3 =	simm.s32 $0x108;
	s8 =	sld [smem:$0x3FB4]  }
0x2e: {  	s3 =	simm.s32 @!p0 $0x1082;
	s9 =	sld [smem:$0x3FB5]  }
0x2f: {  	lr =	sadd.s32 s0, s3;
	s0 =	sld [smem:$0x3FAC]  }
0x30: {  	s3 =	sld [smem:$0x3FAF]  }
0x31: {  	[smem:$0x3FB8] =	sst s10  }
0x32: {  	s10 =	sld [smem:$0x3FB6];
	_ =	sdelay $0x3  }
0x33: {  	p0 =	seq.s32 s10, $0x1;
	s10 =	sld [smem:$0x3FB8];
	_ =	sdelay $0x3  }
0x34: {  	[smem:$0x3FB8] =	sst s10  }
0x35: {  	s10 =	sld [smem:$0x3FB7];
	_ =	sdelay $0x3  }
0x36: {  	p1 =	seq.s32 s10, $0x1;
	s10 =	sld [smem:$0x3FB8];
	_ =	sdelay $0x3  }
0x37: {  	[smem:$0x3FB8] =	sst s10  }
0x38: {  	s10 =	sld [smem:$0x3FB9]  }
0x39: {  	_ = 	snop;
	(pc) =	sbr.ind lr, $3  }
0x3a: {  	_ = 	snop  }
0x3b: {  	_ = 	snop  }
0x3c: {  	p2 =	seq.s32 s10, $0x1;
	s10 =	sld [smem:$0x3FB8]  }
0x3d: {  	_ =	shalt  }
0x3e: {  	_ =	shalt  }
0x3f: {  	_ =	shalt  }
0x40: {  	_ =	shalt  }
0x41: {  	_ =	shalt  }
0x42: {  	_ =	shalt  }
0x43: {  	_ =	shalt  }
0x44: {  	_ =	shalt  }
0x45: {  	_ =	shalt  }
0x46: {  	_ =	shalt  }
0x47: {  	_ =	shalt  }
0x48: {  	_ =	shalt  }
0x49: {  	_ =	shalt  }
0x4a: {  	_ =	shalt  }
0x4b: {  	_ =	shalt  }
0x4c: {  	_ =	shalt  }
0x4d: {  	_ =	shalt  }
0x4e: {  	_ =	shalt  }
0x4f: {  	_ =	shalt  }
0x50: {  	_ =	shalt  }
0x51: {  	_ =	shalt  }
0x52: {  	_ =	shalt  }
0x53: {  	_ =	shalt  }
0x54: {  	_ =	shalt  }
0x55: {  	_ =	shalt  }
0x56: {  	_ =	shalt  }
0x57: {  	_ =	shalt  }
0x58: {  	_ =	shalt  }
0x59: {  	_ =	shalt  }
0x5a: {  	_ =	shalt  }
0x5b: {  	_ =	shalt  }
0x5c: {  	_ =	shalt  }
0x5d: {  	_ =	shalt  }
0x5e: {  	_ =	shalt  }
0x5f: {  	_ =	shalt  }
0x60: {  	_ =	shalt  }
0x61: {  	_ =	shalt  }
0x62: {  	_ =	shalt  }
0x63: {  	_ =	shalt  }
0x64: {  	_ =	shalt  }
0x65: {  	_ =	shalt  }
0x66: {  	_ =	shalt  }
0x67: {  	_ =	shalt  }
0x68: {  	_ =	shalt  }
0x69: {  	_ =	shalt  }
0x6a: {  	_ =	shalt  }
0x6b: {  	_ =	shalt  }
0x6c: {  	_ =	shalt  }
0x6d: {  	_ =	shalt  }
0x6e: {  	_ =	shalt  }
0x6f: {  	_ =	shalt  }
0x70: {  	_ =	shalt  }
0x71: {  	_ =	shalt  }
0x72: {  	_ =	shalt  }
0x73: {  	_ =	shalt  }
0x74: {  	_ =	shalt  }
0x75: {  	_ =	shalt  }
0x76: {  	_ =	shalt  }
0x77: {  	_ =	shalt  }
0x78: {  	_ =	shalt  }
0x79: {  	_ =	shalt  }
0x7a: {  	_ =	shalt  }
0x7b: {  	_ =	shalt  }
0x7c: {  	_ =	shalt  }
0x7d: {  	_ =	shalt  }
0x7e: {  	_ =	shalt  }
0x7f: {  	_ =	shalt  }
0x80: {  	_ =	shalt  }
0x81: {  	_ =	shalt  }
0x82: {  	_ =	shalt  }
0x83: {  	_ =	shalt  }
0x84: {  	_ =	shalt  }
0x85: {  	_ =	shalt  }
0x86: {  	_ =	shalt  }
0x87: {  	_ =	shalt  }
.Lfunc_end0:
.L_simem_size_0:
called_computation_lowered:
.L_overlay_start_0:
0x88: {  	s2 =	sld [smem:$0x3FD9]  }
0x89: {  	s3 =	sld [smem:$0x3FFE];
	_ =	sdelay $0x1  }
0x8a: {  	s1 =	srdreg.scid  }
0x8b: {  	s0 =	sand.u32 $0x1, s1  }
0x8c: {  	s17 =	sshll.u32 s0, $0xA;
	s2 =	sadd.s32 s3, s2  }
0x8d: {  	s2 =	sadd.s32 s2, s17  }
0x8e: {  	[smem:$0x3FC4] =	sst s2  }
0x8f: {  	_ = 	snop  }
0x90: {  	s2 =	sld [smem:$0x3FD0];
	(tm) =	ssettm $0x1  }
0x91: {  	s18 =	sld [smem:$0x3FFB];
	_ =	sdelay $0x3  }
0x92: {  	_ =	strace s18  }
0x93: {  	s3 =	sld [smem:$0x3FFC];
	_ =	sdelay $0x3  }
0x94: {  	_ =	strace s3  }
0x95: {  	s3 =	sld [smem:$0x3FFD];
	_ =	sdelay $0x3  }
0x96: {  	_ =	strace s3  }
0x97: {  	_ =	strace $0x8FFFFFFF  }
0x98: {  	s19 =	sld [smem:$0x3FDB];
	_ =	sdelay $0x1  }
0x99: {  	s4 =	simm.s32 $_scs_section_size  }
0x9a: {  	s5 =	simm.s32 $_size__tile_overlayer_lowered;
	s6 =	simm.s32 $_tile_overlayer_lowered  }
0x9b: {  	s22 =	simm.s32 $0x1BFF;
	s21 =	sshll.u32 s6, $0x1;
	s3 =	sadd.s32 s4, s19  }
0x9c: {  	s7 =	simm.s32 $0x0;
	s20 =	sshll.u32 s5, $0x1;
	s5 =	sadd.s32 s21, s3  }
0x9d: {  	[timem:s7], [sflag:s22] =	dma.local [hbm:s5], s20  }
0x9e: {  	_ =	swait.ge [sflag:s22], s20  }
0x9f: {  	s4 =	ssub.s32 $0x0, s20;
	[sflag:s22] =	ssyncset.done $0x0  }
0xa0: {  	[sflag:s22] =	ssyncadd.s32 s4;
	_ =	sdelay $0x1  }
0xa1: {  	s23 =	simm.s32 $0x1B8B  }
0xa2: {  	_ =	swait.ge [sflag:s23], $0x1  }
0xa3: {  	[sflag:s23] =	ssyncset.done $0x0  }
0xa4: {  	s25 =	simm.s32 $0x1B8E;
	s24 =	sld [smem:$0x3FFE];
	[sflag:s23] =	ssyncadd.s32 $0xFFFFFFFF  }
0xa5: {  	s26 =	simm.s32 $execute0_lowered;
	[smem:$0x3FD2] =	sst s25  }
0xa6: {  	s5 =	sshll.u32 s26, $0x1;
	_ =	strace $0x80000046;
	[dreg:$0x1] =	wrdreg $0xFFFFFFFF  }
0xa7: {  	s28 =	simm.s32 $_size_execute0_lowered;
	s3 =	sadd.s32 s3, s5;
	[dreg:$0x0] =	wrdreg $0x0  }
0xa8: {  	s5 =	sshll.u32 s28, $0x1;
	[dreg:$0x2] =	wrdreg s3  }
0xa9: {  	[dreg:$0x3] =	wrdreg s5  }
0xaa: {  	[dreg:$0x4] =	wrdreg $0xC0  }
0xab: {  	_ =	task [dreg:s7], $0x5FFFF  }
0xac: {  	[dreg:$0x1] =	wrdreg $0xFFFFFFFF  }
0xad: {  	[dreg:$0x0] =	wrdreg $0x60  }
0xae: {  	[dreg:$0x2] =	wrdreg s2  }
0xaf: {  	[dreg:$0x3] =	wrdreg s24  }
0xb0: {  	[dreg:$0x4] =	wrdreg $0x9  }
0xb1: {  	_ =	task.clear_ibuf [dreg:s7], $0x5FFFF;
	_ =	strace $0x90000046  }
0xb2: {  	s29 =	simm.s32 $0x9;
	_ =	strace $0x80000048  }
0xb3: {  	_ =	swait.ge [sflag:s29], $0x1  }
0xb4: {  	[sflag:s29] =	ssyncadd.s32 $0xFFFFFFFF  }
0xb5: {  	_ =	strace $0x90000048  }
0xb6: {  	_ =	sfence  }
0xb7: {  	s30 =	sld [smem:$0x0];
	_ =	sdelay $0x2  }
0xb8: {  	s31 =	sshll.u32 s1, $0xD;
	s1 =	sshrl.u32 s1, $0x2  }
0xb9: {  	s3 =	sand.u32 $0x4000, s31;
	s1 =	sadd.s32 s1, s30  }
0xba: {  	s0 =	sor.u32 s3, s0;
	s1 =	sshll.u32 s1, $0x11  }
0xbb: {  	s0 =	sor.u32 s1, s0  }
0xbc: {  	s0 =	sadd.s32 $0x8F2B, s0  }
0xbd: {  	[sflag:s0] =	ssyncadd.remote.s32 $0x1  }
0xbe: {  	_ =	sfence.sel $0xFFFF  }
0xbf: {  	[dreg:$0x0] =	wrdreg $0xFFFFFFFF;
	(pc) =	sbr.abs _section_cstart, $3  }
0xc0: {  	[dreg:$0x1] =	wrdreg $0xFFFFFFFF  }
0xc1: {  	_ =	task.clear_ibuf [dreg:s7], $0x2FFFF;
	_ =	strace $0x9FFFFFFF  }
0xc2: {  	(tm) =	ssettm $0x7FFFFFFF  }
0xc3: {  	_ =	shalt  }
tec
execute0_lowered:
.L_overlay_start_1:
0x0: {  	(tag) =	ssettag $0x1  }
0x1: {  	s3 =	rddreg [dreg:$0x0]  }
0x2: {  	s4 =	rddreg [dreg:$0x1]  }
0x3: {  	s0 =	rddreg [dreg:$0x2];
	s5 =	srdreg.scid  }
0x4: {  	s1 =	stileid.u32;
	s2 =	simm.s32 $0x0;
	s9 =	simm.s32 $0x2  }
0x5: {  	s10 =	simm.s32 $0x0;
	s5 =	sand.u32 $0x1, s5;
	s6 =	sshll.u32 s1, $0x1  }
0x6: {  	[smem:$0x7FF] =	sst s2;
	s6 =	sor.u32 s5, s6;
	s5 =	ssub.s32 $0x2, s5  }
0x7: {  	_ =	strace $0x80000047;
	s7 =	sshll.u32 s6, $0xE;
	s31 =	sshrl.u32 s5, $0x1  }
0x8: {  	s6 =	sshll.u32 s6, $0xA;
	s7 =	sadd.s32 s7, s4;
	s8 =	ssub.s32 s5, s31  }
0x9: {  	s3 =	sadd.s32 s3, s6;
	s4 =	sadd.s32 $0x1C00, s7;
	s5 =	sadd.s32 $0x3C00, s7  }
0xa: {  	v0 =	vimm.f32 $0.0e+00;
	v1 =	vimm.f32 $1.000000000e+00;
	s6 =	smax.u32 s8, $0x1;
	s7 =	simm.s32 $0x1;
	s8 =	simm.s32 $0x2000  }
.LBB2_1:
0xb: {  	[tilespmem:s2], [sflag:$0x1] =	stream.linear.gather [hbm4b:s3+s2], $0x2000, $0x38;
	[tilespmem:$0x12000] =	vst v63  }
0xc: {  	s11 =	simm.s32 $0x0;
	s12 =	simm.s32 $0x200  }
.LBB2_2:
0xd: {  	p0 =	sne.s32 s12, $0x3FE00;
	[tilespmem:s11+$0x2070] =	vst v0  }
0xe: {  	[tilespmem:s11+$0x2000] =	vst v0  }
0xf: {  	[tilespmem:s11+$0x2010] =	vst v0  }
.Ltmp0:
0x10: {  	[tilespmem:s11+$0x2020] =	vst v0;
	(pc) =	sbr.rel @p0 .LBB2_2-.Ltmp0, $4  }
0x11: {  	[tilespmem:s11+$0x2030] =	vst v0  }
0x12: {  	[tilespmem:s11+$0x2040] =	vst v0  }
0x13: {  	[tilespmem:s11+$0x2050] =	vst v0  }
0x14: {  	[tilespmem:s11+$0x2060] =	vst v0;
	s11 =	sshra.s32 s12, $0x2;
	s12 =	sadd.s32 $0x200, s12  }
0x15: {  	[tilespmem:s11+$0x2070] =	vst v0  }
0x16: {  	[tilespmem:s11+$0x2000] =	vst v0  }
0x17: {  	[tilespmem:s11+$0x2010] =	vst v0  }
0x18: {  	[tilespmem:s11+$0x2020] =	vst v0  }
0x19: {  	[tilespmem:s11+$0x2030] =	vst v0  }
0x1a: {  	[tilespmem:s11+$0x2040] =	vst v0  }
0x1b: {  	[tilespmem:s11+$0x2050] =	vst v0  }
0x1c: {  	[tilespmem:s11+$0x2060] =	vst v0  }
0x1d: {  	_ =	swait.ge [sflag:s7], $0x2000  }
0x1e: {  	[sflag:s7] =	ssyncset.done $0x0  }
0x1f: {  	[sflag:s7] =	ssyncadd.s32 $0xFFFFE000  }
0x20: {  	v2 =	vld [tilespmem:$0x0];
	_ =	sdelay $0x7  }
0x21: {  	[tilespmem:v2+s8+$0x0] =	vst.idx.add.f32.msk $0xffff, v1  }
0x22: {  	v2 =	vld [tilespmem:$0x10];
	_ =	sdelay $0x7  }
0x23: {  	[tilespmem:v2+s8+$0x0] =	vst.idx.add.f32.msk $0xffff, v1  }
0x24: {  	v2 =	vld [tilespmem:$0x20];
	_ =	sdelay $0x7  }
0x25: {  	[tilespmem:v2+s8+$0x0] =	vst.idx.add.f32.msk $0xffff, v1  }
0x26: {  	v2 =	vld [tilespmem:$0x30];
	_ =	sdelay $0x7  }
0x27: {  	[tilespmem:v2+s8+$0x0] =	vst.idx.add.f32.msk $0xffff, v1  }
0x28: {  	v2 =	vld [tilespmem:$0x80];
	_ =	sdelay $0x4  }
0x29: {  	v2 =	vadd.s32 $0x800, v2;
	_ =	sdelay $0x4  }
0x2a: {  	[tilespmem:v2+s8+$0x0] =	vst.idx.add.f32.msk $0xffff, v1  }
0x2b: {  	v2 =	vld [tilespmem:$0x90];
	_ =	sdelay $0x4  }
0x2c: {  	v2 =	vadd.s32 $0x800, v2;
	_ =	sdelay $0x4  }
0x2d: {  	[tilespmem:v2+s8+$0x0] =	vst.idx.add.f32.msk $0xffff, v1  }
0x2e: {  	v2 =	vld [tilespmem:$0xA0];
	_ =	sdelay $0x4  }
0x2f: {  	v2 =	vadd.s32 $0x800, v2;
	_ =	sdelay $0x4  }
0x30: {  	[tilespmem:v2+s8+$0x0] =	vst.idx.add.f32.msk $0xffff, v1  }
0x31: {  	v2 =	vld [tilespmem:$0xB0];
	_ =	sdelay $0x4  }
0x32: {  	v2 =	vadd.s32 $0x800, v2;
	_ =	sdelay $0x4  }
0x33: {  	[tilespmem:v2+s8+$0x0] =	vst.idx.add.f32.msk $0xffff, v1  }
0x34: {  	v2 =	vld [tilespmem:$0x100];
	_ =	sdelay $0x4  }
0x35: {  	v2 =	vadd.s32 $0x1000, v2;
	_ =	sdelay $0x4  }
0x36: {  	[tilespmem:v2+s8+$0x0] =	vst.idx.add.f32.msk $0xffff, v1  }
0x37: {  	v2 =	vld [tilespmem:$0x110];
	_ =	sdelay $0x4  }
0x38: {  	v2 =	vadd.s32 $0x1000, v2;
	_ =	sdelay $0x4  }
0x39: {  	[tilespmem:v2+s8+$0x0] =	vst.idx.add.f32.msk $0xffff, v1  }
0x3a: {  	v2 =	vld [tilespmem:$0x120];
	_ =	sdelay $0x4  }
0x3b: {  	v2 =	vadd.s32 $0x1000, v2;
	_ =	sdelay $0x4  }
0x3c: {  	[tilespmem:v2+s8+$0x0] =	vst.idx.add.f32.msk $0xffff, v1  }
0x3d: {  	v2 =	vld [tilespmem:$0x130];
	_ =	sdelay $0x4  }
0x3e: {  	v2 =	vadd.s32 $0x1000, v2;
	_ =	sdelay $0x4  }
0x3f: {  	[tilespmem:v2+s8+$0x0] =	vst.idx.add.f32.msk $0xffff, v1  }
0x40: {  	v2 =	vld [tilespmem:$0x180];
	_ =	sdelay $0x4  }
0x41: {  	v2 =	vadd.s32 $0x1800, v2;
	_ =	sdelay $0x4  }
0x42: {  	[tilespmem:v2+s8+$0x0] =	vst.idx.add.f32.msk $0xffff, v1  }
0x43: {  	v2 =	vld [tilespmem:$0x190];
	_ =	sdelay $0x4  }
0x44: {  	v2 =	vadd.s32 $0x1800, v2;
	_ =	sdelay $0x4  }
0x45: {  	[tilespmem:v2+s8+$0x0] =	vst.idx.add.f32.msk $0xffff, v1  }
0x46: {  	v2 =	vld [tilespmem:$0x1A0];
	_ =	sdelay $0x4  }
0x47: {  	v2 =	vadd.s32 $0x1800, v2;
	_ =	sdelay $0x4  }
0x48: {  	[tilespmem:v2+s8+$0x0] =	vst.idx.add.f32.msk $0xffff, v1  }
0x49: {  	v2 =	vld [tilespmem:$0x1B0];
	_ =	sdelay $0x4  }
0x4a: {  	v2 =	vadd.s32 $0x1800, v2;
	_ =	sdelay $0x4  }
0x4b: {  	[tilespmem:v2+s8+$0x0] =	vst.idx.add.f32.msk $0xffff, v1  }
0x4c: {  	v2 =	vld [tilespmem:$0x200];
	_ =	sdelay $0x4  }
0x4d: {  	v2 =	vadd.s32 $0x2000, v2;
	_ =	sdelay $0x4  }
0x4e: {  	[tilespmem:v2+s8+$0x0] =	vst.idx.add.f32.msk $0xffff, v1  }
0x4f: {  	v2 =	vld [tilespmem:$0x210];
	_ =	sdelay $0x4  }
0x50: {  	v2 =	vadd.s32 $0x2000, v2;
	_ =	sdelay $0x4  }
0x51: {  	[tilespmem:v2+s8+$0x0] =	vst.idx.add.f32.msk $0xffff, v1  }
0x52: {  	v2 =	vld [tilespmem:$0x220];
	_ =	sdelay $0x4  }
0x53: {  	v2 =	vadd.s32 $0x2000, v2;
	_ =	sdelay $0x4  }
0x54: {  	[tilespmem:v2+s8+$0x0] =	vst.idx.add.f32.msk $0xffff, v1  }
0x55: {  	v2 =	vld [tilespmem:$0x230];
	_ =	sdelay $0x4  }
0x56: {  	v2 =	vadd.s32 $0x2000, v2;
	_ =	sdelay $0x4  }
0x57: {  	[tilespmem:v2+s8+$0x0] =	vst.idx.add.f32.msk $0xffff, v1  }
0x58: {  	v2 =	vld [tilespmem:$0x280];
	_ =	sdelay $0x4  }
0x59: {  	v2 =	vadd.s32 $0x2800, v2;
	_ =	sdelay $0x4  }
0x5a: {  	[tilespmem:v2+s8+$0x0] =	vst.idx.add.f32.msk $0xffff, v1  }
0x5b: {  	v2 =	vld [tilespmem:$0x290];
	_ =	sdelay $0x4  }
0x5c: {  	v2 =	vadd.s32 $0x2800, v2;
	_ =	sdelay $0x4  }
0x5d: {  	[tilespmem:v2+s8+$0x0] =	vst.idx.add.f32.msk $0xffff, v1  }
0x5e: {  	v2 =	vld [tilespmem:$0x2A0];
	_ =	sdelay $0x4  }
0x5f: {  	v2 =	vadd.s32 $0x2800, v2;
	_ =	sdelay $0x4  }
0x60: {  	[tilespmem:v2+s8+$0x0] =	vst.idx.add.f32.msk $0xffff, v1  }
0x61: {  	v2 =	vld [tilespmem:$0x2B0];
	_ =	sdelay $0x4  }
0x62: {  	v2 =	vadd.s32 $0x2800, v2;
	_ =	sdelay $0x4  }
0x63: {  	[tilespmem:v2+s8+$0x0] =	vst.idx.add.f32.msk $0xffff, v1  }
0x64: {  	v2 =	vld [tilespmem:$0x300];
	_ =	sdelay $0x4  }
0x65: {  	v2 =	vadd.s32 $0x3000, v2;
	_ =	sdelay $0x4  }
0x66: {  	[tilespmem:v2+s8+$0x0] =	vst.idx.add.f32.msk $0xffff, v1  }
0x67: {  	v2 =	vld [tilespmem:$0x310];
	_ =	sdelay $0x4  }
0x68: {  	v2 =	vadd.s32 $0x3000, v2;
	_ =	sdelay $0x4  }
0x69: {  	[tilespmem:v2+s8+$0x0] =	vst.idx.add.f32.msk $0xffff, v1  }
0x6a: {  	v2 =	vld [tilespmem:$0x320];
	_ =	sdelay $0x4  }
0x6b: {  	v2 =	vadd.s32 $0x3000, v2;
	_ =	sdelay $0x4  }
0x6c: {  	[tilespmem:v2+s8+$0x0] =	vst.idx.add.f32.msk $0xffff, v1  }
0x6d: {  	v2 =	vld [tilespmem:$0x330];
	_ =	sdelay $0x4  }
0x6e: {  	v2 =	vadd.s32 $0x3000, v2;
	_ =	sdelay $0x4  }
0x6f: {  	[tilespmem:v2+s8+$0x0] =	vst.idx.add.f32.msk $0xffff, v1  }
0x70: {  	v2 =	vld [tilespmem:$0x380];
	_ =	sdelay $0x4  }
0x71: {  	v2 =	vadd.s32 $0x3800, v2;
	_ =	sdelay $0x4  }
0x72: {  	[tilespmem:v2+s8+$0x0] =	vst.idx.add.f32.msk $0xffff, v1  }
0x73: {  	v2 =	vld [tilespmem:$0x390];
	_ =	sdelay $0x4  }
0x74: {  	v2 =	vadd.s32 $0x3800, v2;
	_ =	sdelay $0x4  }
0x75: {  	[tilespmem:v2+s8+$0x0] =	vst.idx.add.f32.msk $0xffff, v1  }
0x76: {  	v2 =	vld [tilespmem:$0x3A0];
	_ =	sdelay $0x4  }
0x77: {  	v2 =	vadd.s32 $0x3800, v2;
	_ =	sdelay $0x4  }
0x78: {  	[tilespmem:v2+s8+$0x0] =	vst.idx.add.f32.msk $0xffff, v1  }
0x79: {  	v2 =	vld [tilespmem:$0x3B0];
	_ =	sdelay $0x4  }
0x7a: {  	v2 =	vadd.s32 $0x3800, v2;
	_ =	sdelay $0x4  }
0x7b: {  	[tilespmem:v2+s8+$0x0] =	vst.idx.add.f32.msk $0xffff, v1  }
0x7c: {  	v2 =	vld [tilespmem:$0x400];
	_ =	sdelay $0x4  }
0x7d: {  	v2 =	vadd.s32 $0x4000, v2;
	_ =	sdelay $0x4  }
0x7e: {  	[tilespmem:v2+s8+$0x0] =	vst.idx.add.f32.msk $0xffff, v1  }
0x7f: {  	v2 =	vld [tilespmem:$0x410];
	_ =	sdelay $0x4  }
0x80: {  	v2 =	vadd.s32 $0x4000, v2;
	_ =	sdelay $0x4  }
0x81: {  	[tilespmem:v2+s8+$0x0] =	vst.idx.add.f32.msk $0xffff, v1  }
0x82: {  	v2 =	vld [tilespmem:$0x420];
	_ =	sdelay $0x4  }
0x83: {  	v2 =	vadd.s32 $0x4000, v2;
	_ =	sdelay $0x4  }
0x84: {  	[tilespmem:v2+s8+$0x0] =	vst.idx.add.f32.msk $0xffff, v1  }
0x85: {  	v2 =	vld [tilespmem:$0x430];
	_ =	sdelay $0x4  }
0x86: {  	v2 =	vadd.s32 $0x4000, v2;
	_ =	sdelay $0x4  }
0x87: {  	[tilespmem:v2+s8+$0x0] =	vst.idx.add.f32.msk $0xffff, v1  }
0x88: {  	v2 =	vld [tilespmem:$0x480];
	_ =	sdelay $0x4  }
0x89: {  	v2 =	vadd.s32 $0x4800, v2;
	_ =	sdelay $0x4  }
0x8a: {  	[tilespmem:v2+s8+$0x0] =	vst.idx.add.f32.msk $0xffff, v1  }
0x8b: {  	v2 =	vld [tilespmem:$0x490];
	_ =	sdelay $0x4  }
0x8c: {  	v2 =	vadd.s32 $0x4800, v2;
	_ =	sdelay $0x4  }
0x8d: {  	[tilespmem:v2+s8+$0x0] =	vst.idx.add.f32.msk $0xffff, v1  }
0x8e: {  	v2 =	vld [tilespmem:$0x4A0];
	_ =	sdelay $0x4  }
0x8f: {  	v2 =	vadd.s32 $0x4800, v2;
	_ =	sdelay $0x4  }
0x90: {  	[tilespmem:v2+s8+$0x0] =	vst.idx.add.f32.msk $0xffff, v1  }
0x91: {  	v2 =	vld [tilespmem:$0x4B0];
	_ =	sdelay $0x4  }
0x92: {  	v2 =	vadd.s32 $0x4800, v2;
	_ =	sdelay $0x4  }
0x93: {  	[tilespmem:v2+s8+$0x0] =	vst.idx.add.f32.msk $0xffff, v1  }
0x94: {  	v2 =	vld [tilespmem:$0x500];
	_ =	sdelay $0x4  }
0x95: {  	v2 =	vadd.s32 $0x5000, v2;
	_ =	sdelay $0x4  }
0x96: {  	[tilespmem:v2+s8+$0x0] =	vst.idx.add.f32.msk $0xffff, v1  }
0x97: {  	v2 =	vld [tilespmem:$0x510];
	_ =	sdelay $0x4  }
0x98: {  	v2 =	vadd.s32 $0x5000, v2;
	_ =	sdelay $0x4  }
0x99: {  	[tilespmem:v2+s8+$0x0] =	vst.idx.add.f32.msk $0xffff, v1  }
0x9a: {  	v2 =	vld [tilespmem:$0x520];
	_ =	sdelay $0x4  }
0x9b: {  	v2 =	vadd.s32 $0x5000, v2;
	_ =	sdelay $0x4  }
0x9c: {  	[tilespmem:v2+s8+$0x0] =	vst.idx.add.f32.msk $0xffff, v1  }
0x9d: {  	v2 =	vld [tilespmem:$0x530];
	_ =	sdelay $0x4  }
0x9e: {  	v2 =	vadd.s32 $0x5000, v2;
	_ =	sdelay $0x4  }
0x9f: {  	[tilespmem:v2+s8+$0x0] =	vst.idx.add.f32.msk $0xffff, v1  }
0xa0: {  	v2 =	vld [tilespmem:$0x580];
	_ =	sdelay $0x4  }
0xa1: {  	v2 =	vadd.s32 $0x5800, v2;
	_ =	sdelay $0x4  }
0xa2: {  	[tilespmem:v2+s8+$0x0] =	vst.idx.add.f32.msk $0xffff, v1  }
0xa3: {  	v2 =	vld [tilespmem:$0x590];
	_ =	sdelay $0x4  }
0xa4: {  	v2 =	vadd.s32 $0x5800, v2;
	_ =	sdelay $0x4  }
0xa5: {  	[tilespmem:v2+s8+$0x0] =	vst.idx.add.f32.msk $0xffff, v1  }
0xa6: {  	v2 =	vld [tilespmem:$0x5A0];
	_ =	sdelay $0x4  }
0xa7: {  	v2 =	vadd.s32 $0x5800, v2;
	_ =	sdelay $0x4  }
0xa8: {  	[tilespmem:v2+s8+$0x0] =	vst.idx.add.f32.msk $0xffff, v1  }
0xa9: {  	v2 =	vld [tilespmem:$0x5B0];
	_ =	sdelay $0x4  }
0xaa: {  	v2 =	vadd.s32 $0x5800, v2;
	_ =	sdelay $0x4  }
0xab: {  	[tilespmem:v2+s8+$0x0] =	vst.idx.add.f32.msk $0xffff, v1  }
0xac: {  	v2 =	vld [tilespmem:$0x600];
	_ =	sdelay $0x4  }
0xad: {  	v2 =	vadd.s32 $0x6000, v2;
	_ =	sdelay $0x4  }
0xae: {  	[tilespmem:v2+s8+$0x0] =	vst.idx.add.f32.msk $0xffff, v1  }
0xaf: {  	v2 =	vld [tilespmem:$0x610];
	_ =	sdelay $0x4  }
0xb0: {  	v2 =	vadd.s32 $0x6000, v2;
	_ =	sdelay $0x4  }
0xb1: {  	[tilespmem:v2+s8+$0x0] =	vst.idx.add.f32.msk $0xffff, v1  }
0xb2: {  	v2 =	vld [tilespmem:$0x620];
	_ =	sdelay $0x4  }
0xb3: {  	v2 =	vadd.s32 $0x6000, v2;
	_ =	sdelay $0x4  }
0xb4: {  	[tilespmem:v2+s8+$0x0] =	vst.idx.add.f32.msk $0xffff, v1  }
0xb5: {  	v2 =	vld [tilespmem:$0x630];
	_ =	sdelay $0x4  }
0xb6: {  	v2 =	vadd.s32 $0x6000, v2;
	_ =	sdelay $0x4  }
0xb7: {  	[tilespmem:v2+s8+$0x0] =	vst.idx.add.f32.msk $0xffff, v1  }
0xb8: {  	v2 =	vld [tilespmem:$0x680];
	_ =	sdelay $0x4  }
0xb9: {  	v2 =	vadd.s32 $0x6800, v2;
	_ =	sdelay $0x4  }
0xba: {  	[tilespmem:v2+s8+$0x0] =	vst.idx.add.f32.msk $0xffff, v1  }
0xbb: {  	v2 =	vld [tilespmem:$0x690];
	_ =	sdelay $0x4  }
0xbc: {  	v2 =	vadd.s32 $0x6800, v2;
	_ =	sdelay $0x4  }
0xbd: {  	[tilespmem:v2+s8+$0x0] =	vst.idx.add.f32.msk $0xffff, v1  }
0xbe: {  	v2 =	vld [tilespmem:$0x6A0];
	_ =	sdelay $0x4  }
0xbf: {  	v2 =	vadd.s32 $0x6800, v2;
	_ =	sdelay $0x4  }
0xc0: {  	[tilespmem:v2+s8+$0x0] =	vst.idx.add.f32.msk $0xffff, v1  }
0xc1: {  	v2 =	vld [tilespmem:$0x6B0];
	_ =	sdelay $0x4  }
0xc2: {  	v2 =	vadd.s32 $0x6800, v2;
	_ =	sdelay $0x4  }
0xc3: {  	[tilespmem:v2+s8+$0x0] =	vst.idx.add.f32.msk $0xffff, v1  }
0xc4: {  	v2 =	vld [tilespmem:$0x700];
	_ =	sdelay $0x4  }
0xc5: {  	v2 =	vadd.s32 $0x7000, v2;
	_ =	sdelay $0x4  }
0xc6: {  	[tilespmem:v2+s8+$0x0] =	vst.idx.add.f32.msk $0xffff, v1  }
0xc7: {  	v2 =	vld [tilespmem:$0x710];
	_ =	sdelay $0x4  }
0xc8: {  	v2 =	vadd.s32 $0x7000, v2;
	_ =	sdelay $0x4  }
0xc9: {  	[tilespmem:v2+s8+$0x0] =	vst.idx.add.f32.msk $0xffff, v1  }
0xca: {  	v2 =	vld [tilespmem:$0x720];
	_ =	sdelay $0x4  }
0xcb: {  	v2 =	vadd.s32 $0x7000, v2;
	_ =	sdelay $0x4  }
0xcc: {  	[tilespmem:v2+s8+$0x0] =	vst.idx.add.f32.msk $0xffff, v1  }
0xcd: {  	v2 =	vld [tilespmem:$0x730];
	_ =	sdelay $0x4  }
0xce: {  	v2 =	vadd.s32 $0x7000, v2;
	_ =	sdelay $0x4  }
0xcf: {  	[tilespmem:v2+s8+$0x0] =	vst.idx.add.f32.msk $0xffff, v1  }
0xd0: {  	v2 =	vld [tilespmem:$0x780];
	_ =	sdelay $0x4  }
0xd1: {  	v2 =	vadd.s32 $0x7800, v2;
	_ =	sdelay $0x4  }
0xd2: {  	[tilespmem:v2+s8+$0x0] =	vst.idx.add.f32.msk $0xffff, v1  }
0xd3: {  	v2 =	vld [tilespmem:$0x790];
	_ =	sdelay $0x4  }
0xd4: {  	v2 =	vadd.s32 $0x7800, v2;
	_ =	sdelay $0x4  }
0xd5: {  	[tilespmem:v2+s8+$0x0] =	vst.idx.add.f32.msk $0xffff, v1  }
0xd6: {  	v2 =	vld [tilespmem:$0x7A0];
	_ =	sdelay $0x4  }
0xd7: {  	v2 =	vadd.s32 $0x7800, v2;
	_ =	sdelay $0x4  }
0xd8: {  	[tilespmem:v2+s8+$0x0] =	vst.idx.add.f32.msk $0xffff, v1  }
0xd9: {  	v2 =	vld [tilespmem:$0x7B0];
	_ =	sdelay $0x4  }
0xda: {  	v2 =	vadd.s32 $0x7800, v2;
	_ =	sdelay $0x4  }
0xdb: {  	[tilespmem:v2+s8+$0x0] =	vst.idx.add.f32.msk $0xffff, v1  }
0xdc: {  	v2 =	vld [tilespmem:$0x800];
	_ =	sdelay $0x4  }
0xdd: {  	v2 =	vadd.s32 $0x8000, v2;
	_ =	sdelay $0x4  }
0xde: {  	[tilespmem:v2+s8+$0x0] =	vst.idx.add.f32.msk $0xffff, v1  }
0xdf: {  	v2 =	vld [tilespmem:$0x810];
	_ =	sdelay $0x4  }
0xe0: {  	v2 =	vadd.s32 $0x8000, v2;
	_ =	sdelay $0x4  }
0xe1: {  	[tilespmem:v2+s8+$0x0] =	vst.idx.add.f32.msk $0xffff, v1  }
0xe2: {  	v2 =	vld [tilespmem:$0x820];
	_ =	sdelay $0x4  }
0xe3: {  	v2 =	vadd.s32 $0x8000, v2;
	_ =	sdelay $0x4  }
0xe4: {  	[tilespmem:v2+s8+$0x0] =	vst.idx.add.f32.msk $0xffff, v1  }
0xe5: {  	v2 =	vld [tilespmem:$0x830];
	_ =	sdelay $0x4  }
0xe6: {  	v2 =	vadd.s32 $0x8000, v2;
	_ =	sdelay $0x4  }
0xe7: {  	[tilespmem:v2+s8+$0x0] =	vst.idx.add.f32.msk $0xffff, v1  }
0xe8: {  	v2 =	vld [tilespmem:$0x880];
	_ =	sdelay $0x4  }
0xe9: {  	v2 =	vadd.s32 $0x8800, v2;
	_ =	sdelay $0x4  }
0xea: {  	[tilespmem:v2+s8+$0x0] =	vst.idx.add.f32.msk $0xffff, v1  }
0xeb: {  	v2 =	vld [tilespmem:$0x890];
	_ =	sdelay $0x4  }
0xec: {  	v2 =	vadd.s32 $0x8800, v2;
	_ =	sdelay $0x4  }
0xed: {  	[tilespmem:v2+s8+$0x0] =	vst.idx.add.f32.msk $0xffff, v1  }
0xee: {  	v2 =	vld [tilespmem:$0x8A0];
	_ =	sdelay $0x4  }
0xef: {  	v2 =	vadd.s32 $0x8800, v2;
	_ =	sdelay $0x4  }
0xf0: {  	[tilespmem:v2+s8+$0x0] =	vst.idx.add.f32.msk $0xffff, v1  }
0xf1: {  	v2 =	vld [tilespmem:$0x8B0];
	_ =	sdelay $0x4  }
0xf2: {  	v2 =	vadd.s32 $0x8800, v2;
	_ =	sdelay $0x4  }
0xf3: {  	[tilespmem:v2+s8+$0x0] =	vst.idx.add.f32.msk $0xffff, v1  }
0xf4: {  	v2 =	vld [tilespmem:$0x900];
	_ =	sdelay $0x4  }
0xf5: {  	v2 =	vadd.s32 $0x9000, v2;
	_ =	sdelay $0x4  }
0xf6: {  	[tilespmem:v2+s8+$0x0] =	vst.idx.add.f32.msk $0xffff, v1  }
0xf7: {  	v2 =	vld [tilespmem:$0x910];
	_ =	sdelay $0x4  }
0xf8: {  	v2 =	vadd.s32 $0x9000, v2;
	_ =	sdelay $0x4  }
0xf9: {  	[tilespmem:v2+s8+$0x0] =	vst.idx.add.f32.msk $0xffff, v1  }
0xfa: {  	v2 =	vld [tilespmem:$0x920];
	_ =	sdelay $0x4  }
0xfb: {  	v2 =	vadd.s32 $0x9000, v2;
	_ =	sdelay $0x4  }
0xfc: {  	[tilespmem:v2+s8+$0x0] =	vst.idx.add.f32.msk $0xffff, v1  }
0xfd: {  	v2 =	vld [tilespmem:$0x930];
	_ =	sdelay $0x4  }
0xfe: {  	v2 =	vadd.s32 $0x9000, v2;
	_ =	sdelay $0x4  }
0xff: {  	[tilespmem:v2+s8+$0x0] =	vst.idx.add.f32.msk $0xffff, v1  }
0x100: {  	v2 =	vld [tilespmem:$0x980];
	_ =	sdelay $0x4  }
0x101: {  	v2 =	vadd.s32 $0x9800, v2;
	_ =	sdelay $0x4  }
0x102: {  	[tilespmem:v2+s8+$0x0] =	vst.idx.add.f32.msk $0xffff, v1  }
0x103: {  	v2 =	vld [tilespmem:$0x990];
	_ =	sdelay $0x4  }
0x104: {  	v2 =	vadd.s32 $0x9800, v2;
	_ =	sdelay $0x4  }
0x105: {  	[tilespmem:v2+s8+$0x0] =	vst.idx.add.f32.msk $0xffff, v1  }
0x106: {  	v2 =	vld [tilespmem:$0x9A0];
	_ =	sdelay $0x4  }
0x107: {  	v2 =	vadd.s32 $0x9800, v2;
	_ =	sdelay $0x4  }
0x108: {  	[tilespmem:v2+s8+$0x0] =	vst.idx.add.f32.msk $0xffff, v1  }
0x109: {  	v2 =	vld [tilespmem:$0x9B0];
	_ =	sdelay $0x4  }
0x10a: {  	v2 =	vadd.s32 $0x9800, v2;
	_ =	sdelay $0x4  }
0x10b: {  	[tilespmem:v2+s8+$0x0] =	vst.idx.add.f32.msk $0xffff, v1  }
0x10c: {  	v2 =	vld [tilespmem:$0xA00];
	_ =	sdelay $0x4  }
0x10d: {  	v2 =	vadd.s32 $0xA000, v2;
	_ =	sdelay $0x4  }
0x10e: {  	[tilespmem:v2+s8+$0x0] =	vst.idx.add.f32.msk $0xffff, v1  }
0x10f: {  	v2 =	vld [tilespmem:$0xA10];
	_ =	sdelay $0x4  }
0x110: {  	v2 =	vadd.s32 $0xA000, v2;
	_ =	sdelay $0x4  }
0x111: {  	[tilespmem:v2+s8+$0x0] =	vst.idx.add.f32.msk $0xffff, v1  }
0x112: {  	v2 =	vld [tilespmem:$0xA20];
	_ =	sdelay $0x4  }
0x113: {  	v2 =	vadd.s32 $0xA000, v2;
	_ =	sdelay $0x4  }
0x114: {  	[tilespmem:v2+s8+$0x0] =	vst.idx.add.f32.msk $0xffff, v1  }
0x115: {  	v2 =	vld [tilespmem:$0xA30];
	_ =	sdelay $0x4  }
0x116: {  	v2 =	vadd.s32 $0xA000, v2;
	_ =	sdelay $0x4  }
0x117: {  	[tilespmem:v2+s8+$0x0] =	vst.idx.add.f32.msk $0xffff, v1  }
0x118: {  	v2 =	vld [tilespmem:$0xA80];
	_ =	sdelay $0x4  }
0x119: {  	v2 =	vadd.s32 $0xA800, v2;
	_ =	sdelay $0x4  }
0x11a: {  	[tilespmem:v2+s8+$0x0] =	vst.idx.add.f32.msk $0xffff, v1  }
0x11b: {  	v2 =	vld [tilespmem:$0xA90];
	_ =	sdelay $0x4  }
0x11c: {  	v2 =	vadd.s32 $0xA800, v2;
	_ =	sdelay $0x4  }
0x11d: {  	[tilespmem:v2+s8+$0x0] =	vst.idx.add.f32.msk $0xffff, v1  }
0x11e: {  	v2 =	vld [tilespmem:$0xAA0];
	_ =	sdelay $0x4  }
0x11f: {  	v2 =	vadd.s32 $0xA800, v2;
	_ =	sdelay $0x4  }
0x120: {  	[tilespmem:v2+s8+$0x0] =	vst.idx.add.f32.msk $0xffff, v1  }
0x121: {  	v2 =	vld [tilespmem:$0xAB0];
	_ =	sdelay $0x4  }
0x122: {  	v2 =	vadd.s32 $0xA800, v2;
	_ =	sdelay $0x4  }
0x123: {  	[tilespmem:v2+s8+$0x0] =	vst.idx.add.f32.msk $0xffff, v1  }
0x124: {  	v2 =	vld [tilespmem:$0xB00];
	_ =	sdelay $0x4  }
0x125: {  	v2 =	vadd.s32 $0xB000, v2;
	_ =	sdelay $0x4  }
0x126: {  	[tilespmem:v2+s8+$0x0] =	vst.idx.add.f32.msk $0xffff, v1  }
0x127: {  	v2 =	vld [tilespmem:$0xB10];
	_ =	sdelay $0x4  }
0x128: {  	v2 =	vadd.s32 $0xB000, v2;
	_ =	sdelay $0x4  }
0x129: {  	[tilespmem:v2+s8+$0x0] =	vst.idx.add.f32.msk $0xffff, v1  }
0x12a: {  	v2 =	vld [tilespmem:$0xB20];
	_ =	sdelay $0x4  }
0x12b: {  	v2 =	vadd.s32 $0xB000, v2;
	_ =	sdelay $0x4  }
0x12c: {  	[tilespmem:v2+s8+$0x0] =	vst.idx.add.f32.msk $0xffff, v1  }
0x12d: {  	v2 =	vld [tilespmem:$0xB30];
	_ =	sdelay $0x4  }
0x12e: {  	v2 =	vadd.s32 $0xB000, v2;
	_ =	sdelay $0x4  }
0x12f: {  	[tilespmem:v2+s8+$0x0] =	vst.idx.add.f32.msk $0xffff, v1  }
0x130: {  	v2 =	vld [tilespmem:$0xB80];
	_ =	sdelay $0x4  }
0x131: {  	v2 =	vadd.s32 $0xB800, v2;
	_ =	sdelay $0x4  }
0x132: {  	[tilespmem:v2+s8+$0x0] =	vst.idx.add.f32.msk $0xffff, v1  }
0x133: {  	v2 =	vld [tilespmem:$0xB90];
	_ =	sdelay $0x4  }
0x134: {  	v2 =	vadd.s32 $0xB800, v2;
	_ =	sdelay $0x4  }
0x135: {  	[tilespmem:v2+s8+$0x0] =	vst.idx.add.f32.msk $0xffff, v1  }
0x136: {  	v2 =	vld [tilespmem:$0xBA0];
	_ =	sdelay $0x4  }
0x137: {  	v2 =	vadd.s32 $0xB800, v2;
	_ =	sdelay $0x4  }
0x138: {  	[tilespmem:v2+s8+$0x0] =	vst.idx.add.f32.msk $0xffff, v1  }
0x139: {  	v2 =	vld [tilespmem:$0xBB0];
	_ =	sdelay $0x4  }
0x13a: {  	v2 =	vadd.s32 $0xB800, v2;
	_ =	sdelay $0x4  }
0x13b: {  	[tilespmem:v2+s8+$0x0] =	vst.idx.add.f32.msk $0xffff, v1  }
0x13c: {  	v2 =	vld [tilespmem:$0xC00];
	_ =	sdelay $0x4  }
0x13d: {  	v2 =	vadd.s32 $0xC000, v2;
	_ =	sdelay $0x4  }
0x13e: {  	[tilespmem:v2+s8+$0x0] =	vst.idx.add.f32.msk $0xffff, v1  }
0x13f: {  	v2 =	vld [tilespmem:$0xC10];
	_ =	sdelay $0x4  }
0x140: {  	v2 =	vadd.s32 $0xC000, v2;
	_ =	sdelay $0x4  }
0x141: {  	[tilespmem:v2+s8+$0x0] =	vst.idx.add.f32.msk $0xffff, v1  }
0x142: {  	v2 =	vld [tilespmem:$0xC20];
	_ =	sdelay $0x4  }
0x143: {  	v2 =	vadd.s32 $0xC000, v2;
	_ =	sdelay $0x4  }
0x144: {  	[tilespmem:v2+s8+$0x0] =	vst.idx.add.f32.msk $0xffff, v1  }
0x145: {  	v2 =	vld [tilespmem:$0xC30];
	_ =	sdelay $0x4  }
0x146: {  	v2 =	vadd.s32 $0xC000, v2;
	_ =	sdelay $0x4  }
0x147: {  	[tilespmem:v2+s8+$0x0] =	vst.idx.add.f32.msk $0xffff, v1  }
0x148: {  	v2 =	vld [tilespmem:$0xC80];
	_ =	sdelay $0x4  }
0x149: {  	v2 =	vadd.s32 $0xC800, v2;
	_ =	sdelay $0x4  }
0x14a: {  	[tilespmem:v2+s8+$0x0] =	vst.idx.add.f32.msk $0xffff, v1  }
0x14b: {  	v2 =	vld [tilespmem:$0xC90];
	_ =	sdelay $0x4  }
0x14c: {  	v2 =	vadd.s32 $0xC800, v2;
	_ =	sdelay $0x4  }
0x14d: {  	[tilespmem:v2+s8+$0x0] =	vst.idx.add.f32.msk $0xffff, v1  }
0x14e: {  	v2 =	vld [tilespmem:$0xCA0];
	_ =	sdelay $0x4  }
0x14f: {  	v2 =	vadd.s32 $0xC800, v2;
	_ =	sdelay $0x4  }
0x150: {  	[tilespmem:v2+s8+$0x0] =	vst.idx.add.f32.msk $0xffff, v1  }
0x151: {  	v2 =	vld [tilespmem:$0xCB0];
	_ =	sdelay $0x4  }
0x152: {  	v2 =	vadd.s32 $0xC800, v2;
	_ =	sdelay $0x4  }
0x153: {  	[tilespmem:v2+s8+$0x0] =	vst.idx.add.f32.msk $0xffff, v1  }
0x154: {  	v2 =	vld [tilespmem:$0xD00];
	_ =	sdelay $0x4  }
0x155: {  	v2 =	vadd.s32 $0xD000, v2;
	_ =	sdelay $0x4  }
0x156: {  	[tilespmem:v2+s8+$0x0] =	vst.idx.add.f32.msk $0xffff, v1  }
0x157: {  	v2 =	vld [tilespmem:$0xD10];
	_ =	sdelay $0x4  }
0x158: {  	v2 =	vadd.s32 $0xD000, v2;
	_ =	sdelay $0x4  }
0x159: {  	[tilespmem:v2+s8+$0x0] =	vst.idx.add.f32.msk $0xffff, v1  }
0x15a: {  	v2 =	vld [tilespmem:$0xD20];
	_ =	sdelay $0x4  }
0x15b: {  	v2 =	vadd.s32 $0xD000, v2;
	_ =	sdelay $0x4  }
0x15c: {  	[tilespmem:v2+s8+$0x0] =	vst.idx.add.f32.msk $0xffff, v1  }
0x15d: {  	v2 =	vld [tilespmem:$0xD30];
	_ =	sdelay $0x4  }
0x15e: {  	v2 =	vadd.s32 $0xD000, v2;
	_ =	sdelay $0x4  }
0x15f: {  	[tilespmem:v2+s8+$0x0] =	vst.idx.add.f32.msk $0xffff, v1  }
0x160: {  	v2 =	vld [tilespmem:$0xD80];
	_ =	sdelay $0x4  }
0x161: {  	v2 =	vadd.s32 $0xD800, v2;
	_ =	sdelay $0x4  }
0x162: {  	[tilespmem:v2+s8+$0x0] =	vst.idx.add.f32.msk $0xffff, v1  }
0x163: {  	v2 =	vld [tilespmem:$0xD90];
	_ =	sdelay $0x4  }
0x164: {  	v2 =	vadd.s32 $0xD800, v2;
	_ =	sdelay $0x4  }
0x165: {  	[tilespmem:v2+s8+$0x0] =	vst.idx.add.f32.msk $0xffff, v1  }
0x166: {  	v2 =	vld [tilespmem:$0xDA0];
	_ =	sdelay $0x4  }
0x167: {  	v2 =	vadd.s32 $0xD800, v2;
	_ =	sdelay $0x4  }
0x168: {  	[tilespmem:v2+s8+$0x0] =	vst.idx.add.f32.msk $0xffff, v1  }
0x169: {  	v2 =	vld [tilespmem:$0xDB0];
	_ =	sdelay $0x4  }
0x16a: {  	v2 =	vadd.s32 $0xD800, v2;
	_ =	sdelay $0x4  }
0x16b: {  	[tilespmem:v2+s8+$0x0] =	vst.idx.add.f32.msk $0xffff, v1  }
0x16c: {  	v2 =	vld [tilespmem:$0xE00];
	_ =	sdelay $0x4  }
0x16d: {  	v2 =	vadd.s32 $0xE000, v2;
	_ =	sdelay $0x4  }
0x16e: {  	[tilespmem:v2+s8+$0x0] =	vst.idx.add.f32.msk $0xffff, v1  }
0x16f: {  	v2 =	vld [tilespmem:$0xE10];
	_ =	sdelay $0x4  }
0x170: {  	v2 =	vadd.s32 $0xE000, v2;
	_ =	sdelay $0x4  }
0x171: {  	[tilespmem:v2+s8+$0x0] =	vst.idx.add.f32.msk $0xffff, v1  }
0x172: {  	v2 =	vld [tilespmem:$0xE20];
	_ =	sdelay $0x4  }
0x173: {  	v2 =	vadd.s32 $0xE000, v2;
	_ =	sdelay $0x4  }
0x174: {  	[tilespmem:v2+s8+$0x0] =	vst.idx.add.f32.msk $0xffff, v1  }
0x175: {  	v2 =	vld [tilespmem:$0xE30];
	_ =	sdelay $0x4  }
0x176: {  	v2 =	vadd.s32 $0xE000, v2;
	_ =	sdelay $0x4  }
0x177: {  	[tilespmem:v2+s8+$0x0] =	vst.idx.add.f32.msk $0xffff, v1  }
0x178: {  	v2 =	vld [tilespmem:$0xE80];
	_ =	sdelay $0x4  }
0x179: {  	v2 =	vadd.s32 $0xE800, v2;
	_ =	sdelay $0x4  }
0x17a: {  	[tilespmem:v2+s8+$0x0] =	vst.idx.add.f32.msk $0xffff, v1  }
0x17b: {  	v2 =	vld [tilespmem:$0xE90];
	_ =	sdelay $0x4  }
0x17c: {  	v2 =	vadd.s32 $0xE800, v2;
	_ =	sdelay $0x4  }
0x17d: {  	[tilespmem:v2+s8+$0x0] =	vst.idx.add.f32.msk $0xffff, v1  }
0x17e: {  	v2 =	vld [tilespmem:$0xEA0];
	_ =	sdelay $0x4  }
0x17f: {  	v2 =	vadd.s32 $0xE800, v2;
	_ =	sdelay $0x4  }
0x180: {  	[tilespmem:v2+s8+$0x0] =	vst.idx.add.f32.msk $0xffff, v1  }
0x181: {  	v2 =	vld [tilespmem:$0xEB0];
	_ =	sdelay $0x4  }
0x182: {  	v2 =	vadd.s32 $0xE800, v2;
	_ =	sdelay $0x4  }
0x183: {  	[tilespmem:v2+s8+$0x0] =	vst.idx.add.f32.msk $0xffff, v1  }
0x184: {  	v2 =	vld [tilespmem:$0xF00];
	_ =	sdelay $0x4  }
0x185: {  	v2 =	vadd.s32 $0xF000, v2;
	_ =	sdelay $0x4  }
0x186: {  	[tilespmem:v2+s8+$0x0] =	vst.idx.add.f32.msk $0xffff, v1  }
0x187: {  	v2 =	vld [tilespmem:$0xF10];
	_ =	sdelay $0x4  }
0x188: {  	v2 =	vadd.s32 $0xF000, v2;
	_ =	sdelay $0x4  }
0x189: {  	[tilespmem:v2+s8+$0x0] =	vst.idx.add.f32.msk $0xffff, v1  }
0x18a: {  	v2 =	vld [tilespmem:$0xF20];
	_ =	sdelay $0x4  }
0x18b: {  	v2 =	vadd.s32 $0xF000, v2;
	_ =	sdelay $0x4  }
0x18c: {  	[tilespmem:v2+s8+$0x0] =	vst.idx.add.f32.msk $0xffff, v1  }
0x18d: {  	v2 =	vld [tilespmem:$0xF30];
	_ =	sdelay $0x4  }
0x18e: {  	v2 =	vadd.s32 $0xF000, v2;
	_ =	sdelay $0x4  }
0x18f: {  	[tilespmem:v2+s8+$0x0] =	vst.idx.add.f32.msk $0xffff, v1  }
0x190: {  	v2 =	vld [tilespmem:$0xF80];
	_ =	sdelay $0x4  }
0x191: {  	v2 =	vadd.s32 $0xF800, v2;
	_ =	sdelay $0x4  }
0x192: {  	[tilespmem:v2+s8+$0x0] =	vst.idx.add.f32.msk $0xffff, v1  }
0x193: {  	v2 =	vld [tilespmem:$0xF90];
	_ =	sdelay $0x4  }
0x194: {  	v2 =	vadd.s32 $0xF800, v2;
	_ =	sdelay $0x4  }
0x195: {  	[tilespmem:v2+s8+$0x0] =	vst.idx.add.f32.msk $0xffff, v1  }
0x196: {  	v2 =	vld [tilespmem:$0xFA0];
	_ =	sdelay $0x4  }
0x197: {  	v2 =	vadd.s32 $0xF800, v2;
	_ =	sdelay $0x4  }
0x198: {  	[tilespmem:v2+s8+$0x0] =	vst.idx.add.f32.msk $0xffff, v1  }
0x199: {  	v2 =	vld [tilespmem:$0xFB0];
	_ =	sdelay $0x4  }
0x19a: {  	v2 =	vadd.s32 $0xF800, v2;
	_ =	sdelay $0x4  }
0x19b: {  	[tilespmem:v2+s8+$0x0] =	vst.idx.add.f32.msk $0xffff, v1  }
0x19c: {  	[hbm4b:s4+s2] =	stream.linear.scatter [tilespmem:s8], [sflag:$0x2], $0x10000, $0x38;
	[tilespmem:$0x12000] =	vst v63  }
0x19d: {  	_ =	swait.ge [sflag:s9], $0x10000  }
0x19e: {  	[sflag:s9] =	ssyncset.done $0x0  }
0x19f: {  	[sflag:s9] =	ssyncadd.s32 $0xFFFF0000  }
0x1a0: {  	v2 =	vld [tilespmem:$0x0];
	_ =	sdelay $0x7  }
0x1a1: {  	[tilespmem:v2+s8+$0x0] =	vst.idx.msk $0xffff, v0  }
0x1a2: {  	v2 =	vld [tilespmem:$0x10];
	_ =	sdelay $0x7  }
0x1a3: {  	[tilespmem:v2+s8+$0x0] =	vst.idx.msk $0xffff, v0  }
0x1a4: {  	v2 =	vld [tilespmem:$0x20];
	_ =	sdelay $0x7  }
0x1a5: {  	[tilespmem:v2+s8+$0x0] =	vst.idx.msk $0xffff, v0  }
0x1a6: {  	v2 =	vld [tilespmem:$0x30];
	_ =	sdelay $0x7  }
0x1a7: {  	[tilespmem:v2+s8+$0x0] =	vst.idx.msk $0xffff, v0  }
0x1a8: {  	v2 =	vld [tilespmem:$0x80];
	_ =	sdelay $0x4  }
0x1a9: {  	v2 =	vadd.s32 $0x800, v2;
	_ =	sdelay $0x4  }
0x1aa: {  	[tilespmem:v2+s8+$0x0] =	vst.idx.msk $0xffff, v0  }
0x1ab: {  	v2 =	vld [tilespmem:$0x90];
	_ =	sdelay $0x4  }
0x1ac: {  	v2 =	vadd.s32 $0x800, v2;
	_ =	sdelay $0x4  }
0x1ad: {  	[tilespmem:v2+s8+$0x0] =	vst.idx.msk $0xffff, v0  }
0x1ae: {  	v2 =	vld [tilespmem:$0xA0];
	_ =	sdelay $0x4  }
0x1af: {  	v2 =	vadd.s32 $0x800, v2;
	_ =	sdelay $0x4  }
0x1b0: {  	[tilespmem:v2+s8+$0x0] =	vst.idx.msk $0xffff, v0  }
0x1b1: {  	v2 =	vld [tilespmem:$0xB0];
	_ =	sdelay $0x4  }
0x1b2: {  	v2 =	vadd.s32 $0x800, v2;
	_ =	sdelay $0x4  }
0x1b3: {  	[tilespmem:v2+s8+$0x0] =	vst.idx.msk $0xffff, v0  }
0x1b4: {  	v2 =	vld [tilespmem:$0x100];
	_ =	sdelay $0x4  }
0x1b5: {  	v2 =	vadd.s32 $0x1000, v2;
	_ =	sdelay $0x4  }
0x1b6: {  	[tilespmem:v2+s8+$0x0] =	vst.idx.msk $0xffff, v0  }
0x1b7: {  	v2 =	vld [tilespmem:$0x110];
	_ =	sdelay $0x4  }
0x1b8: {  	v2 =	vadd.s32 $0x1000, v2;
	_ =	sdelay $0x4  }
0x1b9: {  	[tilespmem:v2+s8+$0x0] =	vst.idx.msk $0xffff, v0  }
0x1ba: {  	v2 =	vld [tilespmem:$0x120];
	_ =	sdelay $0x4  }
0x1bb: {  	v2 =	vadd.s32 $0x1000, v2;
	_ =	sdelay $0x4  }
0x1bc: {  	[tilespmem:v2+s8+$0x0] =	vst.idx.msk $0xffff, v0  }
0x1bd: {  	v2 =	vld [tilespmem:$0x130];
	_ =	sdelay $0x4  }
0x1be: {  	v2 =	vadd.s32 $0x1000, v2;
	_ =	sdelay $0x4  }
0x1bf: {  	[tilespmem:v2+s8+$0x0] =	vst.idx.msk $0xffff, v0  }
0x1c0: {  	v2 =	vld [tilespmem:$0x180];
	_ =	sdelay $0x4  }
0x1c1: {  	v2 =	vadd.s32 $0x1800, v2;
	_ =	sdelay $0x4  }
0x1c2: {  	[tilespmem:v2+s8+$0x0] =	vst.idx.msk $0xffff, v0  }
0x1c3: {  	v2 =	vld [tilespmem:$0x190];
	_ =	sdelay $0x4  }
0x1c4: {  	v2 =	vadd.s32 $0x1800, v2;
	_ =	sdelay $0x4  }
0x1c5: {  	[tilespmem:v2+s8+$0x0] =	vst.idx.msk $0xffff, v0  }
0x1c6: {  	v2 =	vld [tilespmem:$0x1A0];
	_ =	sdelay $0x4  }
0x1c7: {  	v2 =	vadd.s32 $0x1800, v2;
	_ =	sdelay $0x4  }
0x1c8: {  	[tilespmem:v2+s8+$0x0] =	vst.idx.msk $0xffff, v0  }
0x1c9: {  	v2 =	vld [tilespmem:$0x1B0];
	_ =	sdelay $0x4  }
0x1ca: {  	v2 =	vadd.s32 $0x1800, v2;
	_ =	sdelay $0x4  }
0x1cb: {  	[tilespmem:v2+s8+$0x0] =	vst.idx.msk $0xffff, v0  }
0x1cc: {  	v2 =	vld [tilespmem:$0x200];
	_ =	sdelay $0x4  }
0x1cd: {  	v2 =	vadd.s32 $0x2000, v2;
	_ =	sdelay $0x4  }
0x1ce: {  	[tilespmem:v2+s8+$0x0] =	vst.idx.msk $0xffff, v0  }
0x1cf: {  	v2 =	vld [tilespmem:$0x210];
	_ =	sdelay $0x4  }
0x1d0: {  	v2 =	vadd.s32 $0x2000, v2;
	_ =	sdelay $0x4  }
0x1d1: {  	[tilespmem:v2+s8+$0x0] =	vst.idx.msk $0xffff, v0  }
0x1d2: {  	v2 =	vld [tilespmem:$0x220];
	_ =	sdelay $0x4  }
0x1d3: {  	v2 =	vadd.s32 $0x2000, v2;
	_ =	sdelay $0x4  }
0x1d4: {  	[tilespmem:v2+s8+$0x0] =	vst.idx.msk $0xffff, v0  }
0x1d5: {  	v2 =	vld [tilespmem:$0x230];
	_ =	sdelay $0x4  }
0x1d6: {  	v2 =	vadd.s32 $0x2000, v2;
	_ =	sdelay $0x4  }
0x1d7: {  	[tilespmem:v2+s8+$0x0] =	vst.idx.msk $0xffff, v0  }
0x1d8: {  	v2 =	vld [tilespmem:$0x280];
	_ =	sdelay $0x4  }
0x1d9: {  	v2 =	vadd.s32 $0x2800, v2;
	_ =	sdelay $0x4  }
0x1da: {  	[tilespmem:v2+s8+$0x0] =	vst.idx.msk $0xffff, v0  }
0x1db: {  	v2 =	vld [tilespmem:$0x290];
	_ =	sdelay $0x4  }
0x1dc: {  	v2 =	vadd.s32 $0x2800, v2;
	_ =	sdelay $0x4  }
0x1dd: {  	[tilespmem:v2+s8+$0x0] =	vst.idx.msk $0xffff, v0  }
0x1de: {  	v2 =	vld [tilespmem:$0x2A0];
	_ =	sdelay $0x4  }
0x1df: {  	v2 =	vadd.s32 $0x2800, v2;
	_ =	sdelay $0x4  }
0x1e0: {  	[tilespmem:v2+s8+$0x0] =	vst.idx.msk $0xffff, v0  }
0x1e1: {  	v2 =	vld [tilespmem:$0x2B0];
	_ =	sdelay $0x4  }
0x1e2: {  	v2 =	vadd.s32 $0x2800, v2;
	_ =	sdelay $0x4  }
0x1e3: {  	[tilespmem:v2+s8+$0x0] =	vst.idx.msk $0xffff, v0  }
0x1e4: {  	v2 =	vld [tilespmem:$0x300];
	_ =	sdelay $0x4  }
0x1e5: {  	v2 =	vadd.s32 $0x3000, v2;
	_ =	sdelay $0x4  }
0x1e6: {  	[tilespmem:v2+s8+$0x0] =	vst.idx.msk $0xffff, v0  }
0x1e7: {  	v2 =	vld [tilespmem:$0x310];
	_ =	sdelay $0x4  }
0x1e8: {  	v2 =	vadd.s32 $0x3000, v2;
	_ =	sdelay $0x4  }
0x1e9: {  	[tilespmem:v2+s8+$0x0] =	vst.idx.msk $0xffff, v0  }
0x1ea: {  	v2 =	vld [tilespmem:$0x320];
	_ =	sdelay $0x4  }
0x1eb: {  	v2 =	vadd.s32 $0x3000, v2;
	_ =	sdelay $0x4  }
0x1ec: {  	[tilespmem:v2+s8+$0x0] =	vst.idx.msk $0xffff, v0  }
0x1ed: {  	v2 =	vld [tilespmem:$0x330];
	_ =	sdelay $0x4  }
0x1ee: {  	v2 =	vadd.s32 $0x3000, v2;
	_ =	sdelay $0x4  }
0x1ef: {  	[tilespmem:v2+s8+$0x0] =	vst.idx.msk $0xffff, v0  }
0x1f0: {  	v2 =	vld [tilespmem:$0x380];
	_ =	sdelay $0x4  }
0x1f1: {  	v2 =	vadd.s32 $0x3800, v2;
	_ =	sdelay $0x4  }
0x1f2: {  	[tilespmem:v2+s8+$0x0] =	vst.idx.msk $0xffff, v0  }
0x1f3: {  	v2 =	vld [tilespmem:$0x390];
	_ =	sdelay $0x4  }
0x1f4: {  	v2 =	vadd.s32 $0x3800, v2;
	_ =	sdelay $0x4  }
0x1f5: {  	[tilespmem:v2+s8+$0x0] =	vst.idx.msk $0xffff, v0  }
0x1f6: {  	v2 =	vld [tilespmem:$0x3A0];
	_ =	sdelay $0x4  }
0x1f7: {  	v2 =	vadd.s32 $0x3800, v2;
	_ =	sdelay $0x4  }
0x1f8: {  	[tilespmem:v2+s8+$0x0] =	vst.idx.msk $0xffff, v0  }
0x1f9: {  	v2 =	vld [tilespmem:$0x3B0];
	_ =	sdelay $0x4  }
0x1fa: {  	v2 =	vadd.s32 $0x3800, v2;
	_ =	sdelay $0x4  }
0x1fb: {  	[tilespmem:v2+s8+$0x0] =	vst.idx.msk $0xffff, v0  }
0x1fc: {  	v2 =	vld [tilespmem:$0x400];
	_ =	sdelay $0x4  }
0x1fd: {  	v2 =	vadd.s32 $0x4000, v2;
	_ =	sdelay $0x4  }
0x1fe: {  	[tilespmem:v2+s8+$0x0] =	vst.idx.msk $0xffff, v0  }
0x1ff: {  	v2 =	vld [tilespmem:$0x410];
	_ =	sdelay $0x4  }
0x200: {  	v2 =	vadd.s32 $0x4000, v2;
	_ =	sdelay $0x4  }
0x201: {  	[tilespmem:v2+s8+$0x0] =	vst.idx.msk $0xffff, v0  }
0x202: {  	v2 =	vld [tilespmem:$0x420];
	_ =	sdelay $0x4  }
0x203: {  	v2 =	vadd.s32 $0x4000, v2;
	_ =	sdelay $0x4  }
0x204: {  	[tilespmem:v2+s8+$0x0] =	vst.idx.msk $0xffff, v0  }
0x205: {  	v2 =	vld [tilespmem:$0x430];
	_ =	sdelay $0x4  }
0x206: {  	v2 =	vadd.s32 $0x4000, v2;
	_ =	sdelay $0x4  }
0x207: {  	[tilespmem:v2+s8+$0x0] =	vst.idx.msk $0xffff, v0  }
0x208: {  	v2 =	vld [tilespmem:$0x480];
	_ =	sdelay $0x4  }
0x209: {  	v2 =	vadd.s32 $0x4800, v2;
	_ =	sdelay $0x4  }
0x20a: {  	[tilespmem:v2+s8+$0x0] =	vst.idx.msk $0xffff, v0  }
0x20b: {  	v2 =	vld [tilespmem:$0x490];
	_ =	sdelay $0x4  }
0x20c: {  	v2 =	vadd.s32 $0x4800, v2;
	_ =	sdelay $0x4  }
0x20d: {  	[tilespmem:v2+s8+$0x0] =	vst.idx.msk $0xffff, v0  }
0x20e: {  	v2 =	vld [tilespmem:$0x4A0];
	_ =	sdelay $0x4  }
0x20f: {  	v2 =	vadd.s32 $0x4800, v2;
	_ =	sdelay $0x4  }
0x210: {  	[tilespmem:v2+s8+$0x0] =	vst.idx.msk $0xffff, v0  }
0x211: {  	v2 =	vld [tilespmem:$0x4B0];
	_ =	sdelay $0x4  }
0x212: {  	v2 =	vadd.s32 $0x4800, v2;
	_ =	sdelay $0x4  }
0x213: {  	[tilespmem:v2+s8+$0x0] =	vst.idx.msk $0xffff, v0  }
0x214: {  	v2 =	vld [tilespmem:$0x500];
	_ =	sdelay $0x4  }
0x215: {  	v2 =	vadd.s32 $0x5000, v2;
	_ =	sdelay $0x4  }
0x216: {  	[tilespmem:v2+s8+$0x0] =	vst.idx.msk $0xffff, v0  }
0x217: {  	v2 =	vld [tilespmem:$0x510];
	_ =	sdelay $0x4  }
0x218: {  	v2 =	vadd.s32 $0x5000, v2;
	_ =	sdelay $0x4  }
0x219: {  	[tilespmem:v2+s8+$0x0] =	vst.idx.msk $0xffff, v0  }
0x21a: {  	v2 =	vld [tilespmem:$0x520];
	_ =	sdelay $0x4  }
0x21b: {  	v2 =	vadd.s32 $0x5000, v2;
	_ =	sdelay $0x4  }
0x21c: {  	[tilespmem:v2+s8+$0x0] =	vst.idx.msk $0xffff, v0  }
0x21d: {  	v2 =	vld [tilespmem:$0x530];
	_ =	sdelay $0x4  }
0x21e: {  	v2 =	vadd.s32 $0x5000, v2;
	_ =	sdelay $0x4  }
0x21f: {  	[tilespmem:v2+s8+$0x0] =	vst.idx.msk $0xffff, v0  }
0x220: {  	v2 =	vld [tilespmem:$0x580];
	_ =	sdelay $0x4  }
0x221: {  	v2 =	vadd.s32 $0x5800, v2;
	_ =	sdelay $0x4  }
0x222: {  	[tilespmem:v2+s8+$0x0] =	vst.idx.msk $0xffff, v0  }
0x223: {  	v2 =	vld [tilespmem:$0x590];
	_ =	sdelay $0x4  }
0x224: {  	v2 =	vadd.s32 $0x5800, v2;
	_ =	sdelay $0x4  }
0x225: {  	[tilespmem:v2+s8+$0x0] =	vst.idx.msk $0xffff, v0  }
0x226: {  	v2 =	vld [tilespmem:$0x5A0];
	_ =	sdelay $0x4  }
0x227: {  	v2 =	vadd.s32 $0x5800, v2;
	_ =	sdelay $0x4  }
0x228: {  	[tilespmem:v2+s8+$0x0] =	vst.idx.msk $0xffff, v0  }
0x229: {  	v2 =	vld [tilespmem:$0x5B0];
	_ =	sdelay $0x4  }
0x22a: {  	v2 =	vadd.s32 $0x5800, v2;
	_ =	sdelay $0x4  }
0x22b: {  	[tilespmem:v2+s8+$0x0] =	vst.idx.msk $0xffff, v0  }
0x22c: {  	v2 =	vld [tilespmem:$0x600];
	_ =	sdelay $0x4  }
0x22d: {  	v2 =	vadd.s32 $0x6000, v2;
	_ =	sdelay $0x4  }
0x22e: {  	[tilespmem:v2+s8+$0x0] =	vst.idx.msk $0xffff, v0  }
0x22f: {  	v2 =	vld [tilespmem:$0x610];
	_ =	sdelay $0x4  }
0x230: {  	v2 =	vadd.s32 $0x6000, v2;
	_ =	sdelay $0x4  }
0x231: {  	[tilespmem:v2+s8+$0x0] =	vst.idx.msk $0xffff, v0  }
0x232: {  	v2 =	vld [tilespmem:$0x620];
	_ =	sdelay $0x4  }
0x233: {  	v2 =	vadd.s32 $0x6000, v2;
	_ =	sdelay $0x4  }
0x234: {  	[tilespmem:v2+s8+$0x0] =	vst.idx.msk $0xffff, v0  }
0x235: {  	v2 =	vld [tilespmem:$0x630];
	_ =	sdelay $0x4  }
0x236: {  	v2 =	vadd.s32 $0x6000, v2;
	_ =	sdelay $0x4  }
0x237: {  	[tilespmem:v2+s8+$0x0] =	vst.idx.msk $0xffff, v0  }
0x238: {  	v2 =	vld [tilespmem:$0x680];
	_ =	sdelay $0x4  }
0x239: {  	v2 =	vadd.s32 $0x6800, v2;
	_ =	sdelay $0x4  }
0x23a: {  	[tilespmem:v2+s8+$0x0] =	vst.idx.msk $0xffff, v0  }
0x23b: {  	v2 =	vld [tilespmem:$0x690];
	_ =	sdelay $0x4  }
0x23c: {  	v2 =	vadd.s32 $0x6800, v2;
	_ =	sdelay $0x4  }
0x23d: {  	[tilespmem:v2+s8+$0x0] =	vst.idx.msk $0xffff, v0  }
0x23e: {  	v2 =	vld [tilespmem:$0x6A0];
	_ =	sdelay $0x4  }
0x23f: {  	v2 =	vadd.s32 $0x6800, v2;
	_ =	sdelay $0x4  }
0x240: {  	[tilespmem:v2+s8+$0x0] =	vst.idx.msk $0xffff, v0  }
0x241: {  	v2 =	vld [tilespmem:$0x6B0];
	_ =	sdelay $0x4  }
0x242: {  	v2 =	vadd.s32 $0x6800, v2;
	_ =	sdelay $0x4  }
0x243: {  	[tilespmem:v2+s8+$0x0] =	vst.idx.msk $0xffff, v0  }
0x244: {  	v2 =	vld [tilespmem:$0x700];
	_ =	sdelay $0x4  }
0x245: {  	v2 =	vadd.s32 $0x7000, v2;
	_ =	sdelay $0x4  }
0x246: {  	[tilespmem:v2+s8+$0x0] =	vst.idx.msk $0xffff, v0  }
0x247: {  	v2 =	vld [tilespmem:$0x710];
	_ =	sdelay $0x4  }
0x248: {  	v2 =	vadd.s32 $0x7000, v2;
	_ =	sdelay $0x4  }
0x249: {  	[tilespmem:v2+s8+$0x0] =	vst.idx.msk $0xffff, v0  }
0x24a: {  	v2 =	vld [tilespmem:$0x720];
	_ =	sdelay $0x4  }
0x24b: {  	v2 =	vadd.s32 $0x7000, v2;
	_ =	sdelay $0x4  }
0x24c: {  	[tilespmem:v2+s8+$0x0] =	vst.idx.msk $0xffff, v0  }
0x24d: {  	v2 =	vld [tilespmem:$0x730];
	_ =	sdelay $0x4  }
0x24e: {  	v2 =	vadd.s32 $0x7000, v2;
	_ =	sdelay $0x4  }
0x24f: {  	[tilespmem:v2+s8+$0x0] =	vst.idx.msk $0xffff, v0  }
0x250: {  	v2 =	vld [tilespmem:$0x780];
	_ =	sdelay $0x4  }
0x251: {  	v2 =	vadd.s32 $0x7800, v2;
	_ =	sdelay $0x4  }
0x252: {  	[tilespmem:v2+s8+$0x0] =	vst.idx.msk $0xffff, v0  }
0x253: {  	v2 =	vld [tilespmem:$0x790];
	_ =	sdelay $0x4  }
0x254: {  	v2 =	vadd.s32 $0x7800, v2;
	_ =	sdelay $0x4  }
0x255: {  	[tilespmem:v2+s8+$0x0] =	vst.idx.msk $0xffff, v0  }
0x256: {  	v2 =	vld [tilespmem:$0x7A0];
	_ =	sdelay $0x4  }
0x257: {  	v2 =	vadd.s32 $0x7800, v2;
	_ =	sdelay $0x4  }
0x258: {  	[tilespmem:v2+s8+$0x0] =	vst.idx.msk $0xffff, v0  }
0x259: {  	v2 =	vld [tilespmem:$0x7B0];
	_ =	sdelay $0x4  }
0x25a: {  	v2 =	vadd.s32 $0x7800, v2;
	_ =	sdelay $0x4  }
0x25b: {  	[tilespmem:v2+s8+$0x0] =	vst.idx.msk $0xffff, v0  }
0x25c: {  	v2 =	vld [tilespmem:$0x800];
	_ =	sdelay $0x4  }
0x25d: {  	v2 =	vadd.s32 $0x8000, v2;
	_ =	sdelay $0x4  }
0x25e: {  	[tilespmem:v2+s8+$0x0] =	vst.idx.msk $0xffff, v0  }
0x25f: {  	v2 =	vld [tilespmem:$0x810];
	_ =	sdelay $0x4  }
0x260: {  	v2 =	vadd.s32 $0x8000, v2;
	_ =	sdelay $0x4  }
0x261: {  	[tilespmem:v2+s8+$0x0] =	vst.idx.msk $0xffff, v0  }
0x262: {  	v2 =	vld [tilespmem:$0x820];
	_ =	sdelay $0x4  }
0x263: {  	v2 =	vadd.s32 $0x8000, v2;
	_ =	sdelay $0x4  }
0x264: {  	[tilespmem:v2+s8+$0x0] =	vst.idx.msk $0xffff, v0  }
0x265: {  	v2 =	vld [tilespmem:$0x830];
	_ =	sdelay $0x4  }
0x266: {  	v2 =	vadd.s32 $0x8000, v2;
	_ =	sdelay $0x4  }
0x267: {  	[tilespmem:v2+s8+$0x0] =	vst.idx.msk $0xffff, v0  }
0x268: {  	v2 =	vld [tilespmem:$0x880];
	_ =	sdelay $0x4  }
0x269: {  	v2 =	vadd.s32 $0x8800, v2;
	_ =	sdelay $0x4  }
0x26a: {  	[tilespmem:v2+s8+$0x0] =	vst.idx.msk $0xffff, v0  }
0x26b: {  	v2 =	vld [tilespmem:$0x890];
	_ =	sdelay $0x4  }
0x26c: {  	v2 =	vadd.s32 $0x8800, v2;
	_ =	sdelay $0x4  }
0x26d: {  	[tilespmem:v2+s8+$0x0] =	vst.idx.msk $0xffff, v0  }
0x26e: {  	v2 =	vld [tilespmem:$0x8A0];
	_ =	sdelay $0x4  }
0x26f: {  	v2 =	vadd.s32 $0x8800, v2;
	_ =	sdelay $0x4  }
0x270: {  	[tilespmem:v2+s8+$0x0] =	vst.idx.msk $0xffff, v0  }
0x271: {  	v2 =	vld [tilespmem:$0x8B0];
	_ =	sdelay $0x4  }
0x272: {  	v2 =	vadd.s32 $0x8800, v2;
	_ =	sdelay $0x4  }
0x273: {  	[tilespmem:v2+s8+$0x0] =	vst.idx.msk $0xffff, v0  }
0x274: {  	v2 =	vld [tilespmem:$0x900];
	_ =	sdelay $0x4  }
0x275: {  	v2 =	vadd.s32 $0x9000, v2;
	_ =	sdelay $0x4  }
0x276: {  	[tilespmem:v2+s8+$0x0] =	vst.idx.msk $0xffff, v0  }
0x277: {  	v2 =	vld [tilespmem:$0x910];
	_ =	sdelay $0x4  }
0x278: {  	v2 =	vadd.s32 $0x9000, v2;
	_ =	sdelay $0x4  }
0x279: {  	[tilespmem:v2+s8+$0x0] =	vst.idx.msk $0xffff, v0  }
0x27a: {  	v2 =	vld [tilespmem:$0x920];
	_ =	sdelay $0x4  }
0x27b: {  	v2 =	vadd.s32 $0x9000, v2;
	_ =	sdelay $0x4  }
0x27c: {  	[tilespmem:v2+s8+$0x0] =	vst.idx.msk $0xffff, v0  }
0x27d: {  	v2 =	vld [tilespmem:$0x930];
	_ =	sdelay $0x4  }
0x27e: {  	v2 =	vadd.s32 $0x9000, v2;
	_ =	sdelay $0x4  }
0x27f: {  	[tilespmem:v2+s8+$0x0] =	vst.idx.msk $0xffff, v0  }
0x280: {  	v2 =	vld [tilespmem:$0x980];
	_ =	sdelay $0x4  }
0x281: {  	v2 =	vadd.s32 $0x9800, v2;
	_ =	sdelay $0x4  }
0x282: {  	[tilespmem:v2+s8+$0x0] =	vst.idx.msk $0xffff, v0  }
0x283: {  	v2 =	vld [tilespmem:$0x990];
	_ =	sdelay $0x4  }
0x284: {  	v2 =	vadd.s32 $0x9800, v2;
	_ =	sdelay $0x4  }
0x285: {  	[tilespmem:v2+s8+$0x0] =	vst.idx.msk $0xffff, v0  }
0x286: {  	v2 =	vld [tilespmem:$0x9A0];
	_ =	sdelay $0x4  }
0x287: {  	v2 =	vadd.s32 $0x9800, v2;
	_ =	sdelay $0x4  }
0x288: {  	[tilespmem:v2+s8+$0x0] =	vst.idx.msk $0xffff, v0  }
0x289: {  	v2 =	vld [tilespmem:$0x9B0];
	_ =	sdelay $0x4  }
0x28a: {  	v2 =	vadd.s32 $0x9800, v2;
	_ =	sdelay $0x4  }
0x28b: {  	[tilespmem:v2+s8+$0x0] =	vst.idx.msk $0xffff, v0  }
0x28c: {  	v2 =	vld [tilespmem:$0xA00];
	_ =	sdelay $0x4  }
0x28d: {  	v2 =	vadd.s32 $0xA000, v2;
	_ =	sdelay $0x4  }
0x28e: {  	[tilespmem:v2+s8+$0x0] =	vst.idx.msk $0xffff, v0  }
0x28f: {  	v2 =	vld [tilespmem:$0xA10];
	_ =	sdelay $0x4  }
0x290: {  	v2 =	vadd.s32 $0xA000, v2;
	_ =	sdelay $0x4  }
0x291: {  	[tilespmem:v2+s8+$0x0] =	vst.idx.msk $0xffff, v0  }
0x292: {  	v2 =	vld [tilespmem:$0xA20];
	_ =	sdelay $0x4  }
0x293: {  	v2 =	vadd.s32 $0xA000, v2;
	_ =	sdelay $0x4  }
0x294: {  	[tilespmem:v2+s8+$0x0] =	vst.idx.msk $0xffff, v0  }
0x295: {  	v2 =	vld [tilespmem:$0xA30];
	_ =	sdelay $0x4  }
0x296: {  	v2 =	vadd.s32 $0xA000, v2;
	_ =	sdelay $0x4  }
0x297: {  	[tilespmem:v2+s8+$0x0] =	vst.idx.msk $0xffff, v0  }
0x298: {  	v2 =	vld [tilespmem:$0xA80];
	_ =	sdelay $0x4  }
0x299: {  	v2 =	vadd.s32 $0xA800, v2;
	_ =	sdelay $0x4  }
0x29a: {  	[tilespmem:v2+s8+$0x0] =	vst.idx.msk $0xffff, v0  }
0x29b: {  	v2 =	vld [tilespmem:$0xA90];
	_ =	sdelay $0x4  }
0x29c: {  	v2 =	vadd.s32 $0xA800, v2;
	_ =	sdelay $0x4  }
0x29d: {  	[tilespmem:v2+s8+$0x0] =	vst.idx.msk $0xffff, v0  }
0x29e: {  	v2 =	vld [tilespmem:$0xAA0];
	_ =	sdelay $0x4  }
0x29f: {  	v2 =	vadd.s32 $0xA800, v2;
	_ =	sdelay $0x4  }
0x2a0: {  	[tilespmem:v2+s8+$0x0] =	vst.idx.msk $0xffff, v0  }
0x2a1: {  	v2 =	vld [tilespmem:$0xAB0];
	_ =	sdelay $0x4  }
0x2a2: {  	v2 =	vadd.s32 $0xA800, v2;
	_ =	sdelay $0x4  }
0x2a3: {  	[tilespmem:v2+s8+$0x0] =	vst.idx.msk $0xffff, v0  }
0x2a4: {  	v2 =	vld [tilespmem:$0xB00];
	_ =	sdelay $0x4  }
0x2a5: {  	v2 =	vadd.s32 $0xB000, v2;
	_ =	sdelay $0x4  }
0x2a6: {  	[tilespmem:v2+s8+$0x0] =	vst.idx.msk $0xffff, v0  }
0x2a7: {  	v2 =	vld [tilespmem:$0xB10];
	_ =	sdelay $0x4  }
0x2a8: {  	v2 =	vadd.s32 $0xB000, v2;
	_ =	sdelay $0x4  }
0x2a9: {  	[tilespmem:v2+s8+$0x0] =	vst.idx.msk $0xffff, v0  }
0x2aa: {  	v2 =	vld [tilespmem:$0xB20];
	_ =	sdelay $0x4  }
0x2ab: {  	v2 =	vadd.s32 $0xB000, v2;
	_ =	sdelay $0x4  }
0x2ac: {  	[tilespmem:v2+s8+$0x0] =	vst.idx.msk $0xffff, v0  }
0x2ad: {  	v2 =	vld [tilespmem:$0xB30];
	_ =	sdelay $0x4  }
0x2ae: {  	v2 =	vadd.s32 $0xB000, v2;
	_ =	sdelay $0x4  }
0x2af: {  	[tilespmem:v2+s8+$0x0] =	vst.idx.msk $0xffff, v0  }
0x2b0: {  	v2 =	vld [tilespmem:$0xB80];
	_ =	sdelay $0x4  }
0x2b1: {  	v2 =	vadd.s32 $0xB800, v2;
	_ =	sdelay $0x4  }
0x2b2: {  	[tilespmem:v2+s8+$0x0] =	vst.idx.msk $0xffff, v0  }
0x2b3: {  	v2 =	vld [tilespmem:$0xB90];
	_ =	sdelay $0x4  }
0x2b4: {  	v2 =	vadd.s32 $0xB800, v2;
	_ =	sdelay $0x4  }
0x2b5: {  	[tilespmem:v2+s8+$0x0] =	vst.idx.msk $0xffff, v0  }
0x2b6: {  	v2 =	vld [tilespmem:$0xBA0];
	_ =	sdelay $0x4  }
0x2b7: {  	v2 =	vadd.s32 $0xB800, v2;
	_ =	sdelay $0x4  }
0x2b8: {  	[tilespmem:v2+s8+$0x0] =	vst.idx.msk $0xffff, v0  }
0x2b9: {  	v2 =	vld [tilespmem:$0xBB0];
	_ =	sdelay $0x4  }
0x2ba: {  	v2 =	vadd.s32 $0xB800, v2;
	_ =	sdelay $0x4  }
0x2bb: {  	[tilespmem:v2+s8+$0x0] =	vst.idx.msk $0xffff, v0  }
0x2bc: {  	v2 =	vld [tilespmem:$0xC00];
	_ =	sdelay $0x4  }
0x2bd: {  	v2 =	vadd.s32 $0xC000, v2;
	_ =	sdelay $0x4  }
0x2be: {  	[tilespmem:v2+s8+$0x0] =	vst.idx.msk $0xffff, v0  }
0x2bf: {  	v2 =	vld [tilespmem:$0xC10];
	_ =	sdelay $0x4  }
0x2c0: {  	v2 =	vadd.s32 $0xC000, v2;
	_ =	sdelay $0x4  }
0x2c1: {  	[tilespmem:v2+s8+$0x0] =	vst.idx.msk $0xffff, v0  }
0x2c2: {  	v2 =	vld [tilespmem:$0xC20];
	_ =	sdelay $0x4  }
0x2c3: {  	v2 =	vadd.s32 $0xC000, v2;
	_ =	sdelay $0x4  }
0x2c4: {  	[tilespmem:v2+s8+$0x0] =	vst.idx.msk $0xffff, v0  }
0x2c5: {  	v2 =	vld [tilespmem:$0xC30];
	_ =	sdelay $0x4  }
0x2c6: {  	v2 =	vadd.s32 $0xC000, v2;
	_ =	sdelay $0x4  }
0x2c7: {  	[tilespmem:v2+s8+$0x0] =	vst.idx.msk $0xffff, v0  }
0x2c8: {  	v2 =	vld [tilespmem:$0xC80];
	_ =	sdelay $0x4  }
0x2c9: {  	v2 =	vadd.s32 $0xC800, v2;
	_ =	sdelay $0x4  }
0x2ca: {  	[tilespmem:v2+s8+$0x0] =	vst.idx.msk $0xffff, v0  }
0x2cb: {  	v2 =	vld [tilespmem:$0xC90];
	_ =	sdelay $0x4  }
0x2cc: {  	v2 =	vadd.s32 $0xC800, v2;
	_ =	sdelay $0x4  }
0x2cd: {  	[tilespmem:v2+s8+$0x0] =	vst.idx.msk $0xffff, v0  }
0x2ce: {  	v2 =	vld [tilespmem:$0xCA0];
	_ =	sdelay $0x4  }
0x2cf: {  	v2 =	vadd.s32 $0xC800, v2;
	_ =	sdelay $0x4  }
0x2d0: {  	[tilespmem:v2+s8+$0x0] =	vst.idx.msk $0xffff, v0  }
0x2d1: {  	v2 =	vld [tilespmem:$0xCB0];
	_ =	sdelay $0x4  }
0x2d2: {  	v2 =	vadd.s32 $0xC800, v2;
	_ =	sdelay $0x4  }
0x2d3: {  	[tilespmem:v2+s8+$0x0] =	vst.idx.msk $0xffff, v0  }
0x2d4: {  	v2 =	vld [tilespmem:$0xD00];
	_ =	sdelay $0x4  }
0x2d5: {  	v2 =	vadd.s32 $0xD000, v2;
	_ =	sdelay $0x4  }
0x2d6: {  	[tilespmem:v2+s8+$0x0] =	vst.idx.msk $0xffff, v0  }
0x2d7: {  	v2 =	vld [tilespmem:$0xD10];
	_ =	sdelay $0x4  }
0x2d8: {  	v2 =	vadd.s32 $0xD000, v2;
	_ =	sdelay $0x4  }
0x2d9: {  	[tilespmem:v2+s8+$0x0] =	vst.idx.msk $0xffff, v0  }
0x2da: {  	v2 =	vld [tilespmem:$0xD20];
	_ =	sdelay $0x4  }
0x2db: {  	v2 =	vadd.s32 $0xD000, v2;
	_ =	sdelay $0x4  }
0x2dc: {  	[tilespmem:v2+s8+$0x0] =	vst.idx.msk $0xffff, v0  }
0x2dd: {  	v2 =	vld [tilespmem:$0xD30];
	_ =	sdelay $0x4  }
0x2de: {  	v2 =	vadd.s32 $0xD000, v2;
	_ =	sdelay $0x4  }
0x2df: {  	[tilespmem:v2+s8+$0x0] =	vst.idx.msk $0xffff, v0  }
0x2e0: {  	v2 =	vld [tilespmem:$0xD80];
	_ =	sdelay $0x4  }
0x2e1: {  	v2 =	vadd.s32 $0xD800, v2;
	_ =	sdelay $0x4  }
0x2e2: {  	[tilespmem:v2+s8+$0x0] =	vst.idx.msk $0xffff, v0  }
0x2e3: {  	v2 =	vld [tilespmem:$0xD90];
	_ =	sdelay $0x4  }
0x2e4: {  	v2 =	vadd.s32 $0xD800, v2;
	_ =	sdelay $0x4  }
0x2e5: {  	[tilespmem:v2+s8+$0x0] =	vst.idx.msk $0xffff, v0  }
0x2e6: {  	v2 =	vld [tilespmem:$0xDA0];
	_ =	sdelay $0x4  }
0x2e7: {  	v2 =	vadd.s32 $0xD800, v2;
	_ =	sdelay $0x4  }
0x2e8: {  	[tilespmem:v2+s8+$0x0] =	vst.idx.msk $0xffff, v0  }
0x2e9: {  	v2 =	vld [tilespmem:$0xDB0];
	_ =	sdelay $0x4  }
0x2ea: {  	v2 =	vadd.s32 $0xD800, v2;
	_ =	sdelay $0x4  }
0x2eb: {  	[tilespmem:v2+s8+$0x0] =	vst.idx.msk $0xffff, v0  }
0x2ec: {  	v2 =	vld [tilespmem:$0xE00];
	_ =	sdelay $0x4  }
0x2ed: {  	v2 =	vadd.s32 $0xE000, v2;
	_ =	sdelay $0x4  }
0x2ee: {  	[tilespmem:v2+s8+$0x0] =	vst.idx.msk $0xffff, v0  }
0x2ef: {  	v2 =	vld [tilespmem:$0xE10];
	_ =	sdelay $0x4  }
0x2f0: {  	v2 =	vadd.s32 $0xE000, v2;
	_ =	sdelay $0x4  }
0x2f1: {  	[tilespmem:v2+s8+$0x0] =	vst.idx.msk $0xffff, v0  }
0x2f2: {  	v2 =	vld [tilespmem:$0xE20];
	_ =	sdelay $0x4  }
0x2f3: {  	v2 =	vadd.s32 $0xE000, v2;
	_ =	sdelay $0x4  }
0x2f4: {  	[tilespmem:v2+s8+$0x0] =	vst.idx.msk $0xffff, v0  }
0x2f5: {  	v2 =	vld [tilespmem:$0xE30];
	_ =	sdelay $0x4  }
0x2f6: {  	v2 =	vadd.s32 $0xE000, v2;
	_ =	sdelay $0x4  }
0x2f7: {  	[tilespmem:v2+s8+$0x0] =	vst.idx.msk $0xffff, v0  }
0x2f8: {  	v2 =	vld [tilespmem:$0xE80];
	_ =	sdelay $0x4  }
0x2f9: {  	v2 =	vadd.s32 $0xE800, v2;
	_ =	sdelay $0x4  }
0x2fa: {  	[tilespmem:v2+s8+$0x0] =	vst.idx.msk $0xffff, v0  }
0x2fb: {  	v2 =	vld [tilespmem:$0xE90];
	_ =	sdelay $0x4  }
0x2fc: {  	v2 =	vadd.s32 $0xE800, v2;
	_ =	sdelay $0x4  }
0x2fd: {  	[tilespmem:v2+s8+$0x0] =	vst.idx.msk $0xffff, v0  }
0x2fe: {  	v2 =	vld [tilespmem:$0xEA0];
	_ =	sdelay $0x4  }
0x2ff: {  	v2 =	vadd.s32 $0xE800, v2;
	_ =	sdelay $0x4  }
0x300: {  	[tilespmem:v2+s8+$0x0] =	vst.idx.msk $0xffff, v0  }
0x301: {  	v2 =	vld [tilespmem:$0xEB0];
	_ =	sdelay $0x4  }
0x302: {  	v2 =	vadd.s32 $0xE800, v2;
	_ =	sdelay $0x4  }
0x303: {  	[tilespmem:v2+s8+$0x0] =	vst.idx.msk $0xffff, v0  }
0x304: {  	v2 =	vld [tilespmem:$0xF00];
	_ =	sdelay $0x4  }
0x305: {  	v2 =	vadd.s32 $0xF000, v2;
	_ =	sdelay $0x4  }
0x306: {  	[tilespmem:v2+s8+$0x0] =	vst.idx.msk $0xffff, v0  }
0x307: {  	v2 =	vld [tilespmem:$0xF10];
	_ =	sdelay $0x4  }
0x308: {  	v2 =	vadd.s32 $0xF000, v2;
	_ =	sdelay $0x4  }
0x309: {  	[tilespmem:v2+s8+$0x0] =	vst.idx.msk $0xffff, v0  }
0x30a: {  	v2 =	vld [tilespmem:$0xF20];
	_ =	sdelay $0x4  }
0x30b: {  	v2 =	vadd.s32 $0xF000, v2;
	_ =	sdelay $0x4  }
0x30c: {  	[tilespmem:v2+s8+$0x0] =	vst.idx.msk $0xffff, v0  }
0x30d: {  	v2 =	vld [tilespmem:$0xF30];
	_ =	sdelay $0x4  }
0x30e: {  	v2 =	vadd.s32 $0xF000, v2;
	_ =	sdelay $0x4  }
0x30f: {  	[tilespmem:v2+s8+$0x0] =	vst.idx.msk $0xffff, v0  }
0x310: {  	v2 =	vld [tilespmem:$0xF80];
	_ =	sdelay $0x4  }
0x311: {  	v2 =	vadd.s32 $0xF800, v2;
	_ =	sdelay $0x4  }
0x312: {  	[tilespmem:v2+s8+$0x0] =	vst.idx.msk $0xffff, v0  }
0x313: {  	v2 =	vld [tilespmem:$0xF90];
	_ =	sdelay $0x4  }
0x314: {  	v2 =	vadd.s32 $0xF800, v2;
	_ =	sdelay $0x4  }
0x315: {  	[tilespmem:v2+s8+$0x0] =	vst.idx.msk $0xffff, v0  }
0x316: {  	v2 =	vld [tilespmem:$0xFA0];
	_ =	sdelay $0x4  }
0x317: {  	v2 =	vadd.s32 $0xF800, v2;
	_ =	sdelay $0x4  }
0x318: {  	[tilespmem:v2+s8+$0x0] =	vst.idx.msk $0xffff, v0  }
0x319: {  	v2 =	vld [tilespmem:$0xFB0];
	_ =	sdelay $0x4  }
0x31a: {  	v2 =	vadd.s32 $0xF800, v2;
	_ =	sdelay $0x4  }
0x31b: {  	[tilespmem:v2+s8+$0x0] =	vst.idx.msk $0xffff, v0  }
0x31c: {  	v2 =	vld [tilespmem:$0x1000];
	_ =	sdelay $0x7  }
0x31d: {  	[tilespmem:v2+s8+$0x0] =	vst.idx.add.f32.msk $0xffff, v1  }
0x31e: {  	v2 =	vld [tilespmem:$0x1010];
	_ =	sdelay $0x7  }
0x31f: {  	[tilespmem:v2+s8+$0x0] =	vst.idx.add.f32.msk $0xffff, v1  }
0x320: {  	v2 =	vld [tilespmem:$0x1020];
	_ =	sdelay $0x7  }
0x321: {  	[tilespmem:v2+s8+$0x0] =	vst.idx.add.f32.msk $0xffff, v1  }
0x322: {  	v2 =	vld [tilespmem:$0x1030];
	_ =	sdelay $0x7  }
0x323: {  	[tilespmem:v2+s8+$0x0] =	vst.idx.add.f32.msk $0xffff, v1  }
0x324: {  	v2 =	vld [tilespmem:$0x1080];
	_ =	sdelay $0x4  }
0x325: {  	v2 =	vadd.s32 $0x800, v2;
	_ =	sdelay $0x4  }
0x326: {  	[tilespmem:v2+s8+$0x0] =	vst.idx.add.f32.msk $0xffff, v1  }
0x327: {  	v2 =	vld [tilespmem:$0x1090];
	_ =	sdelay $0x4  }
0x328: {  	v2 =	vadd.s32 $0x800, v2;
	_ =	sdelay $0x4  }
0x329: {  	[tilespmem:v2+s8+$0x0] =	vst.idx.add.f32.msk $0xffff, v1  }
0x32a: {  	v2 =	vld [tilespmem:$0x10A0];
	_ =	sdelay $0x4  }
0x32b: {  	v2 =	vadd.s32 $0x800, v2;
	_ =	sdelay $0x4  }
0x32c: {  	[tilespmem:v2+s8+$0x0] =	vst.idx.add.f32.msk $0xffff, v1  }
0x32d: {  	v2 =	vld [tilespmem:$0x10B0];
	_ =	sdelay $0x4  }
0x32e: {  	v2 =	vadd.s32 $0x800, v2;
	_ =	sdelay $0x4  }
0x32f: {  	[tilespmem:v2+s8+$0x0] =	vst.idx.add.f32.msk $0xffff, v1  }
0x330: {  	v2 =	vld [tilespmem:$0x1100];
	_ =	sdelay $0x4  }
0x331: {  	v2 =	vadd.s32 $0x1000, v2;
	_ =	sdelay $0x4  }
0x332: {  	[tilespmem:v2+s8+$0x0] =	vst.idx.add.f32.msk $0xffff, v1  }
0x333: {  	v2 =	vld [tilespmem:$0x1110];
	_ =	sdelay $0x4  }
0x334: {  	v2 =	vadd.s32 $0x1000, v2;
	_ =	sdelay $0x4  }
0x335: {  	[tilespmem:v2+s8+$0x0] =	vst.idx.add.f32.msk $0xffff, v1  }
0x336: {  	v2 =	vld [tilespmem:$0x1120];
	_ =	sdelay $0x4  }
0x337: {  	v2 =	vadd.s32 $0x1000, v2;
	_ =	sdelay $0x4  }
0x338: {  	[tilespmem:v2+s8+$0x0] =	vst.idx.add.f32.msk $0xffff, v1  }
0x339: {  	v2 =	vld [tilespmem:$0x1130];
	_ =	sdelay $0x4  }
0x33a: {  	v2 =	vadd.s32 $0x1000, v2;
	_ =	sdelay $0x4  }
0x33b: {  	[tilespmem:v2+s8+$0x0] =	vst.idx.add.f32.msk $0xffff, v1  }
0x33c: {  	v2 =	vld [tilespmem:$0x1180];
	_ =	sdelay $0x4  }
0x33d: {  	v2 =	vadd.s32 $0x1800, v2;
	_ =	sdelay $0x4  }
0x33e: {  	[tilespmem:v2+s8+$0x0] =	vst.idx.add.f32.msk $0xffff, v1  }
0x33f: {  	v2 =	vld [tilespmem:$0x1190];
	_ =	sdelay $0x4  }
0x340: {  	v2 =	vadd.s32 $0x1800, v2;
	_ =	sdelay $0x4  }
0x341: {  	[tilespmem:v2+s8+$0x0] =	vst.idx.add.f32.msk $0xffff, v1  }
0x342: {  	v2 =	vld [tilespmem:$0x11A0];
	_ =	sdelay $0x4  }
0x343: {  	v2 =	vadd.s32 $0x1800, v2;
	_ =	sdelay $0x4  }
0x344: {  	[tilespmem:v2+s8+$0x0] =	vst.idx.add.f32.msk $0xffff, v1  }
0x345: {  	v2 =	vld [tilespmem:$0x11B0];
	_ =	sdelay $0x4  }
0x346: {  	v2 =	vadd.s32 $0x1800, v2;
	_ =	sdelay $0x4  }
0x347: {  	[tilespmem:v2+s8+$0x0] =	vst.idx.add.f32.msk $0xffff, v1  }
0x348: {  	v2 =	vld [tilespmem:$0x1200];
	_ =	sdelay $0x4  }
0x349: {  	v2 =	vadd.s32 $0x2000, v2;
	_ =	sdelay $0x4  }
0x34a: {  	[tilespmem:v2+s8+$0x0] =	vst.idx.add.f32.msk $0xffff, v1  }
0x34b: {  	v2 =	vld [tilespmem:$0x1210];
	_ =	sdelay $0x4  }
0x34c: {  	v2 =	vadd.s32 $0x2000, v2;
	_ =	sdelay $0x4  }
0x34d: {  	[tilespmem:v2+s8+$0x0] =	vst.idx.add.f32.msk $0xffff, v1  }
0x34e: {  	v2 =	vld [tilespmem:$0x1220];
	_ =	sdelay $0x4  }
0x34f: {  	v2 =	vadd.s32 $0x2000, v2;
	_ =	sdelay $0x4  }
0x350: {  	[tilespmem:v2+s8+$0x0] =	vst.idx.add.f32.msk $0xffff, v1  }
0x351: {  	v2 =	vld [tilespmem:$0x1230];
	_ =	sdelay $0x4  }
0x352: {  	v2 =	vadd.s32 $0x2000, v2;
	_ =	sdelay $0x4  }
0x353: {  	[tilespmem:v2+s8+$0x0] =	vst.idx.add.f32.msk $0xffff, v1  }
0x354: {  	v2 =	vld [tilespmem:$0x1280];
	_ =	sdelay $0x4  }
0x355: {  	v2 =	vadd.s32 $0x2800, v2;
	_ =	sdelay $0x4  }
0x356: {  	[tilespmem:v2+s8+$0x0] =	vst.idx.add.f32.msk $0xffff, v1  }
0x357: {  	v2 =	vld [tilespmem:$0x1290];
	_ =	sdelay $0x4  }
0x358: {  	v2 =	vadd.s32 $0x2800, v2;
	_ =	sdelay $0x4  }
0x359: {  	[tilespmem:v2+s8+$0x0] =	vst.idx.add.f32.msk $0xffff, v1  }
0x35a: {  	v2 =	vld [tilespmem:$0x12A0];
	_ =	sdelay $0x4  }
0x35b: {  	v2 =	vadd.s32 $0x2800, v2;
	_ =	sdelay $0x4  }
0x35c: {  	[tilespmem:v2+s8+$0x0] =	vst.idx.add.f32.msk $0xffff, v1  }
0x35d: {  	v2 =	vld [tilespmem:$0x12B0];
	_ =	sdelay $0x4  }
0x35e: {  	v2 =	vadd.s32 $0x2800, v2;
	_ =	sdelay $0x4  }
0x35f: {  	[tilespmem:v2+s8+$0x0] =	vst.idx.add.f32.msk $0xffff, v1  }
0x360: {  	v2 =	vld [tilespmem:$0x1300];
	_ =	sdelay $0x4  }
0x361: {  	v2 =	vadd.s32 $0x3000, v2;
	_ =	sdelay $0x4  }
0x362: {  	[tilespmem:v2+s8+$0x0] =	vst.idx.add.f32.msk $0xffff, v1  }
0x363: {  	v2 =	vld [tilespmem:$0x1310];
	_ =	sdelay $0x4  }
0x364: {  	v2 =	vadd.s32 $0x3000, v2;
	_ =	sdelay $0x4  }
0x365: {  	[tilespmem:v2+s8+$0x0] =	vst.idx.add.f32.msk $0xffff, v1  }
0x366: {  	v2 =	vld [tilespmem:$0x1320];
	_ =	sdelay $0x4  }
0x367: {  	v2 =	vadd.s32 $0x3000, v2;
	_ =	sdelay $0x4  }
0x368: {  	[tilespmem:v2+s8+$0x0] =	vst.idx.add.f32.msk $0xffff, v1  }
0x369: {  	v2 =	vld [tilespmem:$0x1330];
	_ =	sdelay $0x4  }
0x36a: {  	v2 =	vadd.s32 $0x3000, v2;
	_ =	sdelay $0x4  }
0x36b: {  	[tilespmem:v2+s8+$0x0] =	vst.idx.add.f32.msk $0xffff, v1  }
0x36c: {  	v2 =	vld [tilespmem:$0x1380];
	_ =	sdelay $0x4  }
0x36d: {  	v2 =	vadd.s32 $0x3800, v2;
	_ =	sdelay $0x4  }
0x36e: {  	[tilespmem:v2+s8+$0x0] =	vst.idx.add.f32.msk $0xffff, v1  }
0x36f: {  	v2 =	vld [tilespmem:$0x1390];
	_ =	sdelay $0x4  }
0x370: {  	v2 =	vadd.s32 $0x3800, v2;
	_ =	sdelay $0x4  }
0x371: {  	[tilespmem:v2+s8+$0x0] =	vst.idx.add.f32.msk $0xffff, v1  }
0x372: {  	v2 =	vld [tilespmem:$0x13A0];
	_ =	sdelay $0x4  }
0x373: {  	v2 =	vadd.s32 $0x3800, v2;
	_ =	sdelay $0x4  }
0x374: {  	[tilespmem:v2+s8+$0x0] =	vst.idx.add.f32.msk $0xffff, v1  }
0x375: {  	v2 =	vld [tilespmem:$0x13B0];
	_ =	sdelay $0x4  }
0x376: {  	v2 =	vadd.s32 $0x3800, v2;
	_ =	sdelay $0x4  }
0x377: {  	[tilespmem:v2+s8+$0x0] =	vst.idx.add.f32.msk $0xffff, v1  }
0x378: {  	v2 =	vld [tilespmem:$0x1400];
	_ =	sdelay $0x4  }
0x379: {  	v2 =	vadd.s32 $0x4000, v2;
	_ =	sdelay $0x4  }
0x37a: {  	[tilespmem:v2+s8+$0x0] =	vst.idx.add.f32.msk $0xffff, v1  }
0x37b: {  	v2 =	vld [tilespmem:$0x1410];
	_ =	sdelay $0x4  }
0x37c: {  	v2 =	vadd.s32 $0x4000, v2;
	_ =	sdelay $0x4  }
0x37d: {  	[tilespmem:v2+s8+$0x0] =	vst.idx.add.f32.msk $0xffff, v1  }
0x37e: {  	v2 =	vld [tilespmem:$0x1420];
	_ =	sdelay $0x4  }
0x37f: {  	v2 =	vadd.s32 $0x4000, v2;
	_ =	sdelay $0x4  }
0x380: {  	[tilespmem:v2+s8+$0x0] =	vst.idx.add.f32.msk $0xffff, v1  }
0x381: {  	v2 =	vld [tilespmem:$0x1430];
	_ =	sdelay $0x4  }
0x382: {  	v2 =	vadd.s32 $0x4000, v2;
	_ =	sdelay $0x4  }
0x383: {  	[tilespmem:v2+s8+$0x0] =	vst.idx.add.f32.msk $0xffff, v1  }
0x384: {  	v2 =	vld [tilespmem:$0x1480];
	_ =	sdelay $0x4  }
0x385: {  	v2 =	vadd.s32 $0x4800, v2;
	_ =	sdelay $0x4  }
0x386: {  	[tilespmem:v2+s8+$0x0] =	vst.idx.add.f32.msk $0xffff, v1  }
0x387: {  	v2 =	vld [tilespmem:$0x1490];
	_ =	sdelay $0x4  }
0x388: {  	v2 =	vadd.s32 $0x4800, v2;
	_ =	sdelay $0x4  }
0x389: {  	[tilespmem:v2+s8+$0x0] =	vst.idx.add.f32.msk $0xffff, v1  }
0x38a: {  	v2 =	vld [tilespmem:$0x14A0];
	_ =	sdelay $0x4  }
0x38b: {  	v2 =	vadd.s32 $0x4800, v2;
	_ =	sdelay $0x4  }
0x38c: {  	[tilespmem:v2+s8+$0x0] =	vst.idx.add.f32.msk $0xffff, v1  }
0x38d: {  	v2 =	vld [tilespmem:$0x14B0];
	_ =	sdelay $0x4  }
0x38e: {  	v2 =	vadd.s32 $0x4800, v2;
	_ =	sdelay $0x4  }
0x38f: {  	[tilespmem:v2+s8+$0x0] =	vst.idx.add.f32.msk $0xffff, v1  }
0x390: {  	v2 =	vld [tilespmem:$0x1500];
	_ =	sdelay $0x4  }
0x391: {  	v2 =	vadd.s32 $0x5000, v2;
	_ =	sdelay $0x4  }
0x392: {  	[tilespmem:v2+s8+$0x0] =	vst.idx.add.f32.msk $0xffff, v1  }
0x393: {  	v2 =	vld [tilespmem:$0x1510];
	_ =	sdelay $0x4  }
0x394: {  	v2 =	vadd.s32 $0x5000, v2;
	_ =	sdelay $0x4  }
0x395: {  	[tilespmem:v2+s8+$0x0] =	vst.idx.add.f32.msk $0xffff, v1  }
0x396: {  	v2 =	vld [tilespmem:$0x1520];
	_ =	sdelay $0x4  }
0x397: {  	v2 =	vadd.s32 $0x5000, v2;
	_ =	sdelay $0x4  }
0x398: {  	[tilespmem:v2+s8+$0x0] =	vst.idx.add.f32.msk $0xffff, v1  }
0x399: {  	v2 =	vld [tilespmem:$0x1530];
	_ =	sdelay $0x4  }
0x39a: {  	v2 =	vadd.s32 $0x5000, v2;
	_ =	sdelay $0x4  }
0x39b: {  	[tilespmem:v2+s8+$0x0] =	vst.idx.add.f32.msk $0xffff, v1  }
0x39c: {  	v2 =	vld [tilespmem:$0x1580];
	_ =	sdelay $0x4  }
0x39d: {  	v2 =	vadd.s32 $0x5800, v2;
	_ =	sdelay $0x4  }
0x39e: {  	[tilespmem:v2+s8+$0x0] =	vst.idx.add.f32.msk $0xffff, v1  }
0x39f: {  	v2 =	vld [tilespmem:$0x1590];
	_ =	sdelay $0x4  }
0x3a0: {  	v2 =	vadd.s32 $0x5800, v2;
	_ =	sdelay $0x4  }
0x3a1: {  	[tilespmem:v2+s8+$0x0] =	vst.idx.add.f32.msk $0xffff, v1  }
0x3a2: {  	v2 =	vld [tilespmem:$0x15A0];
	_ =	sdelay $0x4  }
0x3a3: {  	v2 =	vadd.s32 $0x5800, v2;
	_ =	sdelay $0x4  }
0x3a4: {  	[tilespmem:v2+s8+$0x0] =	vst.idx.add.f32.msk $0xffff, v1  }
0x3a5: {  	v2 =	vld [tilespmem:$0x15B0];
	_ =	sdelay $0x4  }
0x3a6: {  	v2 =	vadd.s32 $0x5800, v2;
	_ =	sdelay $0x4  }
0x3a7: {  	[tilespmem:v2+s8+$0x0] =	vst.idx.add.f32.msk $0xffff, v1  }
0x3a8: {  	v2 =	vld [tilespmem:$0x1600];
	_ =	sdelay $0x4  }
0x3a9: {  	v2 =	vadd.s32 $0x6000, v2;
	_ =	sdelay $0x4  }
0x3aa: {  	[tilespmem:v2+s8+$0x0] =	vst.idx.add.f32.msk $0xffff, v1  }
0x3ab: {  	v2 =	vld [tilespmem:$0x1610];
	_ =	sdelay $0x4  }
0x3ac: {  	v2 =	vadd.s32 $0x6000, v2;
	_ =	sdelay $0x4  }
0x3ad: {  	[tilespmem:v2+s8+$0x0] =	vst.idx.add.f32.msk $0xffff, v1  }
0x3ae: {  	v2 =	vld [tilespmem:$0x1620];
	_ =	sdelay $0x4  }
0x3af: {  	v2 =	vadd.s32 $0x6000, v2;
	_ =	sdelay $0x4  }
0x3b0: {  	[tilespmem:v2+s8+$0x0] =	vst.idx.add.f32.msk $0xffff, v1  }
0x3b1: {  	v2 =	vld [tilespmem:$0x1630];
	_ =	sdelay $0x4  }
0x3b2: {  	v2 =	vadd.s32 $0x6000, v2;
	_ =	sdelay $0x4  }
0x3b3: {  	[tilespmem:v2+s8+$0x0] =	vst.idx.add.f32.msk $0xffff, v1  }
0x3b4: {  	v2 =	vld [tilespmem:$0x1680];
	_ =	sdelay $0x4  }
0x3b5: {  	v2 =	vadd.s32 $0x6800, v2;
	_ =	sdelay $0x4  }
0x3b6: {  	[tilespmem:v2+s8+$0x0] =	vst.idx.add.f32.msk $0xffff, v1  }
0x3b7: {  	v2 =	vld [tilespmem:$0x1690];
	_ =	sdelay $0x4  }
0x3b8: {  	v2 =	vadd.s32 $0x6800, v2;
	_ =	sdelay $0x4  }
0x3b9: {  	[tilespmem:v2+s8+$0x0] =	vst.idx.add.f32.msk $0xffff, v1  }
0x3ba: {  	v2 =	vld [tilespmem:$0x16A0];
	_ =	sdelay $0x4  }
0x3bb: {  	v2 =	vadd.s32 $0x6800, v2;
	_ =	sdelay $0x4  }
0x3bc: {  	[tilespmem:v2+s8+$0x0] =	vst.idx.add.f32.msk $0xffff, v1  }
0x3bd: {  	v2 =	vld [tilespmem:$0x16B0];
	_ =	sdelay $0x4  }
0x3be: {  	v2 =	vadd.s32 $0x6800, v2;
	_ =	sdelay $0x4  }
0x3bf: {  	[tilespmem:v2+s8+$0x0] =	vst.idx.add.f32.msk $0xffff, v1  }
0x3c0: {  	v2 =	vld [tilespmem:$0x1700];
	_ =	sdelay $0x4  }
0x3c1: {  	v2 =	vadd.s32 $0x7000, v2;
	_ =	sdelay $0x4  }
0x3c2: {  	[tilespmem:v2+s8+$0x0] =	vst.idx.add.f32.msk $0xffff, v1  }
0x3c3: {  	v2 =	vld [tilespmem:$0x1710];
	_ =	sdelay $0x4  }
0x3c4: {  	v2 =	vadd.s32 $0x7000, v2;
	_ =	sdelay $0x4  }
0x3c5: {  	[tilespmem:v2+s8+$0x0] =	vst.idx.add.f32.msk $0xffff, v1  }
0x3c6: {  	v2 =	vld [tilespmem:$0x1720];
	_ =	sdelay $0x4  }
0x3c7: {  	v2 =	vadd.s32 $0x7000, v2;
	_ =	sdelay $0x4  }
0x3c8: {  	[tilespmem:v2+s8+$0x0] =	vst.idx.add.f32.msk $0xffff, v1  }
0x3c9: {  	v2 =	vld [tilespmem:$0x1730];
	_ =	sdelay $0x4  }
0x3ca: {  	v2 =	vadd.s32 $0x7000, v2;
	_ =	sdelay $0x4  }
0x3cb: {  	[tilespmem:v2+s8+$0x0] =	vst.idx.add.f32.msk $0xffff, v1  }
0x3cc: {  	v2 =	vld [tilespmem:$0x1780];
	_ =	sdelay $0x4  }
0x3cd: {  	v2 =	vadd.s32 $0x7800, v2;
	_ =	sdelay $0x4  }
0x3ce: {  	[tilespmem:v2+s8+$0x0] =	vst.idx.add.f32.msk $0xffff, v1  }
0x3cf: {  	v2 =	vld [tilespmem:$0x1790];
	_ =	sdelay $0x4  }
0x3d0: {  	v2 =	vadd.s32 $0x7800, v2;
	_ =	sdelay $0x4  }
0x3d1: {  	[tilespmem:v2+s8+$0x0] =	vst.idx.add.f32.msk $0xffff, v1  }
0x3d2: {  	v2 =	vld [tilespmem:$0x17A0];
	_ =	sdelay $0x4  }
0x3d3: {  	v2 =	vadd.s32 $0x7800, v2;
	_ =	sdelay $0x4  }
0x3d4: {  	[tilespmem:v2+s8+$0x0] =	vst.idx.add.f32.msk $0xffff, v1  }
0x3d5: {  	v2 =	vld [tilespmem:$0x17B0];
	_ =	sdelay $0x4  }
0x3d6: {  	v2 =	vadd.s32 $0x7800, v2;
	_ =	sdelay $0x4  }
0x3d7: {  	[tilespmem:v2+s8+$0x0] =	vst.idx.add.f32.msk $0xffff, v1  }
0x3d8: {  	v2 =	vld [tilespmem:$0x1800];
	_ =	sdelay $0x4  }
0x3d9: {  	v2 =	vadd.s32 $0x8000, v2;
	_ =	sdelay $0x4  }
0x3da: {  	[tilespmem:v2+s8+$0x0] =	vst.idx.add.f32.msk $0xffff, v1  }
0x3db: {  	v2 =	vld [tilespmem:$0x1810];
	_ =	sdelay $0x4  }
0x3dc: {  	v2 =	vadd.s32 $0x8000, v2;
	_ =	sdelay $0x4  }
0x3dd: {  	[tilespmem:v2+s8+$0x0] =	vst.idx.add.f32.msk $0xffff, v1  }
0x3de: {  	v2 =	vld [tilespmem:$0x1820];
	_ =	sdelay $0x4  }
0x3df: {  	v2 =	vadd.s32 $0x8000, v2;
	_ =	sdelay $0x4  }
0x3e0: {  	[tilespmem:v2+s8+$0x0] =	vst.idx.add.f32.msk $0xffff, v1  }
0x3e1: {  	v2 =	vld [tilespmem:$0x1830];
	_ =	sdelay $0x4  }
0x3e2: {  	v2 =	vadd.s32 $0x8000, v2;
	_ =	sdelay $0x4  }
0x3e3: {  	[tilespmem:v2+s8+$0x0] =	vst.idx.add.f32.msk $0xffff, v1  }
0x3e4: {  	v2 =	vld [tilespmem:$0x1880];
	_ =	sdelay $0x4  }
0x3e5: {  	v2 =	vadd.s32 $0x8800, v2;
	_ =	sdelay $0x4  }
0x3e6: {  	[tilespmem:v2+s8+$0x0] =	vst.idx.add.f32.msk $0xffff, v1  }
0x3e7: {  	v2 =	vld [tilespmem:$0x1890];
	_ =	sdelay $0x4  }
0x3e8: {  	v2 =	vadd.s32 $0x8800, v2;
	_ =	sdelay $0x4  }
0x3e9: {  	[tilespmem:v2+s8+$0x0] =	vst.idx.add.f32.msk $0xffff, v1  }
0x3ea: {  	v2 =	vld [tilespmem:$0x18A0];
	_ =	sdelay $0x4  }
0x3eb: {  	v2 =	vadd.s32 $0x8800, v2;
	_ =	sdelay $0x4  }
0x3ec: {  	[tilespmem:v2+s8+$0x0] =	vst.idx.add.f32.msk $0xffff, v1  }
0x3ed: {  	v2 =	vld [tilespmem:$0x18B0];
	_ =	sdelay $0x4  }
0x3ee: {  	v2 =	vadd.s32 $0x8800, v2;
	_ =	sdelay $0x4  }
0x3ef: {  	[tilespmem:v2+s8+$0x0] =	vst.idx.add.f32.msk $0xffff, v1  }
0x3f0: {  	v2 =	vld [tilespmem:$0x1900];
	_ =	sdelay $0x4  }
0x3f1: {  	v2 =	vadd.s32 $0x9000, v2;
	_ =	sdelay $0x4  }
0x3f2: {  	[tilespmem:v2+s8+$0x0] =	vst.idx.add.f32.msk $0xffff, v1  }
0x3f3: {  	v2 =	vld [tilespmem:$0x1910];
	_ =	sdelay $0x4  }
0x3f4: {  	v2 =	vadd.s32 $0x9000, v2;
	_ =	sdelay $0x4  }
0x3f5: {  	[tilespmem:v2+s8+$0x0] =	vst.idx.add.f32.msk $0xffff, v1  }
0x3f6: {  	v2 =	vld [tilespmem:$0x1920];
	_ =	sdelay $0x4  }
0x3f7: {  	v2 =	vadd.s32 $0x9000, v2;
	_ =	sdelay $0x4  }
0x3f8: {  	[tilespmem:v2+s8+$0x0] =	vst.idx.add.f32.msk $0xffff, v1  }
0x3f9: {  	v2 =	vld [tilespmem:$0x1930];
	_ =	sdelay $0x4  }
0x3fa: {  	v2 =	vadd.s32 $0x9000, v2;
	_ =	sdelay $0x4  }
0x3fb: {  	[tilespmem:v2+s8+$0x0] =	vst.idx.add.f32.msk $0xffff, v1  }
0x3fc: {  	v2 =	vld [tilespmem:$0x1980];
	_ =	sdelay $0x4  }
0x3fd: {  	v2 =	vadd.s32 $0x9800, v2;
	_ =	sdelay $0x4  }
0x3fe: {  	[tilespmem:v2+s8+$0x0] =	vst.idx.add.f32.msk $0xffff, v1  }
0x3ff: {  	v2 =	vld [tilespmem:$0x1990];
	_ =	sdelay $0x4  }
0x400: {  	v2 =	vadd.s32 $0x9800, v2;
	_ =	sdelay $0x4  }
0x401: {  	[tilespmem:v2+s8+$0x0] =	vst.idx.add.f32.msk $0xffff, v1  }
0x402: {  	v2 =	vld [tilespmem:$0x19A0];
	_ =	sdelay $0x4  }
0x403: {  	v2 =	vadd.s32 $0x9800, v2;
	_ =	sdelay $0x4  }
0x404: {  	[tilespmem:v2+s8+$0x0] =	vst.idx.add.f32.msk $0xffff, v1  }
0x405: {  	v2 =	vld [tilespmem:$0x19B0];
	_ =	sdelay $0x4  }
0x406: {  	v2 =	vadd.s32 $0x9800, v2;
	_ =	sdelay $0x4  }
0x407: {  	[tilespmem:v2+s8+$0x0] =	vst.idx.add.f32.msk $0xffff, v1  }
0x408: {  	v2 =	vld [tilespmem:$0x1A00];
	_ =	sdelay $0x4  }
0x409: {  	v2 =	vadd.s32 $0xA000, v2;
	_ =	sdelay $0x4  }
0x40a: {  	[tilespmem:v2+s8+$0x0] =	vst.idx.add.f32.msk $0xffff, v1  }
0x40b: {  	v2 =	vld [tilespmem:$0x1A10];
	_ =	sdelay $0x4  }
0x40c: {  	v2 =	vadd.s32 $0xA000, v2;
	_ =	sdelay $0x4  }
0x40d: {  	[tilespmem:v2+s8+$0x0] =	vst.idx.add.f32.msk $0xffff, v1  }
0x40e: {  	v2 =	vld [tilespmem:$0x1A20];
	_ =	sdelay $0x4  }
0x40f: {  	v2 =	vadd.s32 $0xA000, v2;
	_ =	sdelay $0x4  }
0x410: {  	[tilespmem:v2+s8+$0x0] =	vst.idx.add.f32.msk $0xffff, v1  }
0x411: {  	v2 =	vld [tilespmem:$0x1A30];
	_ =	sdelay $0x4  }
0x412: {  	v2 =	vadd.s32 $0xA000, v2;
	_ =	sdelay $0x4  }
0x413: {  	[tilespmem:v2+s8+$0x0] =	vst.idx.add.f32.msk $0xffff, v1  }
0x414: {  	v2 =	vld [tilespmem:$0x1A80];
	_ =	sdelay $0x4  }
0x415: {  	v2 =	vadd.s32 $0xA800, v2;
	_ =	sdelay $0x4  }
0x416: {  	[tilespmem:v2+s8+$0x0] =	vst.idx.add.f32.msk $0xffff, v1  }
0x417: {  	v2 =	vld [tilespmem:$0x1A90];
	_ =	sdelay $0x4  }
0x418: {  	v2 =	vadd.s32 $0xA800, v2;
	_ =	sdelay $0x4  }
0x419: {  	[tilespmem:v2+s8+$0x0] =	vst.idx.add.f32.msk $0xffff, v1  }
0x41a: {  	v2 =	vld [tilespmem:$0x1AA0];
	_ =	sdelay $0x4  }
0x41b: {  	v2 =	vadd.s32 $0xA800, v2;
	_ =	sdelay $0x4  }
0x41c: {  	[tilespmem:v2+s8+$0x0] =	vst.idx.add.f32.msk $0xffff, v1  }
0x41d: {  	v2 =	vld [tilespmem:$0x1AB0];
	_ =	sdelay $0x4  }
0x41e: {  	v2 =	vadd.s32 $0xA800, v2;
	_ =	sdelay $0x4  }
0x41f: {  	[tilespmem:v2+s8+$0x0] =	vst.idx.add.f32.msk $0xffff, v1  }
0x420: {  	v2 =	vld [tilespmem:$0x1B00];
	_ =	sdelay $0x4  }
0x421: {  	v2 =	vadd.s32 $0xB000, v2;
	_ =	sdelay $0x4  }
0x422: {  	[tilespmem:v2+s8+$0x0] =	vst.idx.add.f32.msk $0xffff, v1  }
0x423: {  	v2 =	vld [tilespmem:$0x1B10];
	_ =	sdelay $0x4  }
0x424: {  	v2 =	vadd.s32 $0xB000, v2;
	_ =	sdelay $0x4  }
0x425: {  	[tilespmem:v2+s8+$0x0] =	vst.idx.add.f32.msk $0xffff, v1  }
0x426: {  	v2 =	vld [tilespmem:$0x1B20];
	_ =	sdelay $0x4  }
0x427: {  	v2 =	vadd.s32 $0xB000, v2;
	_ =	sdelay $0x4  }
0x428: {  	[tilespmem:v2+s8+$0x0] =	vst.idx.add.f32.msk $0xffff, v1  }
0x429: {  	v2 =	vld [tilespmem:$0x1B30];
	_ =	sdelay $0x4  }
0x42a: {  	v2 =	vadd.s32 $0xB000, v2;
	_ =	sdelay $0x4  }
0x42b: {  	[tilespmem:v2+s8+$0x0] =	vst.idx.add.f32.msk $0xffff, v1  }
0x42c: {  	v2 =	vld [tilespmem:$0x1B80];
	_ =	sdelay $0x4  }
0x42d: {  	v2 =	vadd.s32 $0xB800, v2;
	_ =	sdelay $0x4  }
0x42e: {  	[tilespmem:v2+s8+$0x0] =	vst.idx.add.f32.msk $0xffff, v1  }
0x42f: {  	v2 =	vld [tilespmem:$0x1B90];
	_ =	sdelay $0x4  }
0x430: {  	v2 =	vadd.s32 $0xB800, v2;
	_ =	sdelay $0x4  }
0x431: {  	[tilespmem:v2+s8+$0x0] =	vst.idx.add.f32.msk $0xffff, v1  }
0x432: {  	v2 =	vld [tilespmem:$0x1BA0];
	_ =	sdelay $0x4  }
0x433: {  	v2 =	vadd.s32 $0xB800, v2;
	_ =	sdelay $0x4  }
0x434: {  	[tilespmem:v2+s8+$0x0] =	vst.idx.add.f32.msk $0xffff, v1  }
0x435: {  	v2 =	vld [tilespmem:$0x1BB0];
	_ =	sdelay $0x4  }
0x436: {  	v2 =	vadd.s32 $0xB800, v2;
	_ =	sdelay $0x4  }
0x437: {  	[tilespmem:v2+s8+$0x0] =	vst.idx.add.f32.msk $0xffff, v1  }
0x438: {  	v2 =	vld [tilespmem:$0x1C00];
	_ =	sdelay $0x4  }
0x439: {  	v2 =	vadd.s32 $0xC000, v2;
	_ =	sdelay $0x4  }
0x43a: {  	[tilespmem:v2+s8+$0x0] =	vst.idx.add.f32.msk $0xffff, v1  }
0x43b: {  	v2 =	vld [tilespmem:$0x1C10];
	_ =	sdelay $0x4  }
0x43c: {  	v2 =	vadd.s32 $0xC000, v2;
	_ =	sdelay $0x4  }
0x43d: {  	[tilespmem:v2+s8+$0x0] =	vst.idx.add.f32.msk $0xffff, v1  }
0x43e: {  	v2 =	vld [tilespmem:$0x1C20];
	_ =	sdelay $0x4  }
0x43f: {  	v2 =	vadd.s32 $0xC000, v2;
	_ =	sdelay $0x4  }
0x440: {  	[tilespmem:v2+s8+$0x0] =	vst.idx.add.f32.msk $0xffff, v1  }
0x441: {  	v2 =	vld [tilespmem:$0x1C30];
	_ =	sdelay $0x4  }
0x442: {  	v2 =	vadd.s32 $0xC000, v2;
	_ =	sdelay $0x4  }
0x443: {  	[tilespmem:v2+s8+$0x0] =	vst.idx.add.f32.msk $0xffff, v1  }
0x444: {  	v2 =	vld [tilespmem:$0x1C80];
	_ =	sdelay $0x4  }
0x445: {  	v2 =	vadd.s32 $0xC800, v2;
	_ =	sdelay $0x4  }
0x446: {  	[tilespmem:v2+s8+$0x0] =	vst.idx.add.f32.msk $0xffff, v1  }
0x447: {  	v2 =	vld [tilespmem:$0x1C90];
	_ =	sdelay $0x4  }
0x448: {  	v2 =	vadd.s32 $0xC800, v2;
	_ =	sdelay $0x4  }
0x449: {  	[tilespmem:v2+s8+$0x0] =	vst.idx.add.f32.msk $0xffff, v1  }
0x44a: {  	v2 =	vld [tilespmem:$0x1CA0];
	_ =	sdelay $0x4  }
0x44b: {  	v2 =	vadd.s32 $0xC800, v2;
	_ =	sdelay $0x4  }
0x44c: {  	[tilespmem:v2+s8+$0x0] =	vst.idx.add.f32.msk $0xffff, v1  }
0x44d: {  	v2 =	vld [tilespmem:$0x1CB0];
	_ =	sdelay $0x4  }
0x44e: {  	v2 =	vadd.s32 $0xC800, v2;
	_ =	sdelay $0x4  }
0x44f: {  	[tilespmem:v2+s8+$0x0] =	vst.idx.add.f32.msk $0xffff, v1  }
0x450: {  	v2 =	vld [tilespmem:$0x1D00];
	_ =	sdelay $0x4  }
0x451: {  	v2 =	vadd.s32 $0xD000, v2;
	_ =	sdelay $0x4  }
0x452: {  	[tilespmem:v2+s8+$0x0] =	vst.idx.add.f32.msk $0xffff, v1  }
0x453: {  	v2 =	vld [tilespmem:$0x1D10];
	_ =	sdelay $0x4  }
0x454: {  	v2 =	vadd.s32 $0xD000, v2;
	_ =	sdelay $0x4  }
0x455: {  	[tilespmem:v2+s8+$0x0] =	vst.idx.add.f32.msk $0xffff, v1  }
0x456: {  	v2 =	vld [tilespmem:$0x1D20];
	_ =	sdelay $0x4  }
0x457: {  	v2 =	vadd.s32 $0xD000, v2;
	_ =	sdelay $0x4  }
0x458: {  	[tilespmem:v2+s8+$0x0] =	vst.idx.add.f32.msk $0xffff, v1  }
0x459: {  	v2 =	vld [tilespmem:$0x1D30];
	_ =	sdelay $0x4  }
0x45a: {  	v2 =	vadd.s32 $0xD000, v2;
	_ =	sdelay $0x4  }
0x45b: {  	[tilespmem:v2+s8+$0x0] =	vst.idx.add.f32.msk $0xffff, v1  }
0x45c: {  	v2 =	vld [tilespmem:$0x1D80];
	_ =	sdelay $0x4  }
0x45d: {  	v2 =	vadd.s32 $0xD800, v2;
	_ =	sdelay $0x4  }
0x45e: {  	[tilespmem:v2+s8+$0x0] =	vst.idx.add.f32.msk $0xffff, v1  }
0x45f: {  	v2 =	vld [tilespmem:$0x1D90];
	_ =	sdelay $0x4  }
0x460: {  	v2 =	vadd.s32 $0xD800, v2;
	_ =	sdelay $0x4  }
0x461: {  	[tilespmem:v2+s8+$0x0] =	vst.idx.add.f32.msk $0xffff, v1  }
0x462: {  	v2 =	vld [tilespmem:$0x1DA0];
	_ =	sdelay $0x4  }
0x463: {  	v2 =	vadd.s32 $0xD800, v2;
	_ =	sdelay $0x4  }
0x464: {  	[tilespmem:v2+s8+$0x0] =	vst.idx.add.f32.msk $0xffff, v1  }
0x465: {  	v2 =	vld [tilespmem:$0x1DB0];
	_ =	sdelay $0x4  }
0x466: {  	v2 =	vadd.s32 $0xD800, v2;
	_ =	sdelay $0x4  }
0x467: {  	[tilespmem:v2+s8+$0x0] =	vst.idx.add.f32.msk $0xffff, v1  }
0x468: {  	v2 =	vld [tilespmem:$0x1E00];
	_ =	sdelay $0x4  }
0x469: {  	v2 =	vadd.s32 $0xE000, v2;
	_ =	sdelay $0x4  }
0x46a: {  	[tilespmem:v2+s8+$0x0] =	vst.idx.add.f32.msk $0xffff, v1  }
0x46b: {  	v2 =	vld [tilespmem:$0x1E10];
	_ =	sdelay $0x4  }
0x46c: {  	v2 =	vadd.s32 $0xE000, v2;
	_ =	sdelay $0x4  }
0x46d: {  	[tilespmem:v2+s8+$0x0] =	vst.idx.add.f32.msk $0xffff, v1  }
0x46e: {  	v2 =	vld [tilespmem:$0x1E20];
	_ =	sdelay $0x4  }
0x46f: {  	v2 =	vadd.s32 $0xE000, v2;
	_ =	sdelay $0x4  }
0x470: {  	[tilespmem:v2+s8+$0x0] =	vst.idx.add.f32.msk $0xffff, v1  }
0x471: {  	v2 =	vld [tilespmem:$0x1E30];
	_ =	sdelay $0x4  }
0x472: {  	v2 =	vadd.s32 $0xE000, v2;
	_ =	sdelay $0x4  }
0x473: {  	[tilespmem:v2+s8+$0x0] =	vst.idx.add.f32.msk $0xffff, v1  }
0x474: {  	v2 =	vld [tilespmem:$0x1E80];
	_ =	sdelay $0x4  }
0x475: {  	v2 =	vadd.s32 $0xE800, v2;
	_ =	sdelay $0x4  }
0x476: {  	[tilespmem:v2+s8+$0x0] =	vst.idx.add.f32.msk $0xffff, v1  }
0x477: {  	v2 =	vld [tilespmem:$0x1E90];
	_ =	sdelay $0x4  }
0x478: {  	v2 =	vadd.s32 $0xE800, v2;
	_ =	sdelay $0x4  }
0x479: {  	[tilespmem:v2+s8+$0x0] =	vst.idx.add.f32.msk $0xffff, v1  }
0x47a: {  	v2 =	vld [tilespmem:$0x1EA0];
	_ =	sdelay $0x4  }
0x47b: {  	v2 =	vadd.s32 $0xE800, v2;
	_ =	sdelay $0x4  }
0x47c: {  	[tilespmem:v2+s8+$0x0] =	vst.idx.add.f32.msk $0xffff, v1  }
0x47d: {  	v2 =	vld [tilespmem:$0x1EB0];
	_ =	sdelay $0x4  }
0x47e: {  	v2 =	vadd.s32 $0xE800, v2;
	_ =	sdelay $0x4  }
0x47f: {  	[tilespmem:v2+s8+$0x0] =	vst.idx.add.f32.msk $0xffff, v1  }
0x480: {  	v2 =	vld [tilespmem:$0x1F00];
	_ =	sdelay $0x4  }
0x481: {  	v2 =	vadd.s32 $0xF000, v2;
	_ =	sdelay $0x4  }
0x482: {  	[tilespmem:v2+s8+$0x0] =	vst.idx.add.f32.msk $0xffff, v1  }
0x483: {  	v2 =	vld [tilespmem:$0x1F10];
	_ =	sdelay $0x4  }
0x484: {  	v2 =	vadd.s32 $0xF000, v2;
	_ =	sdelay $0x4  }
0x485: {  	[tilespmem:v2+s8+$0x0] =	vst.idx.add.f32.msk $0xffff, v1  }
0x486: {  	v2 =	vld [tilespmem:$0x1F20];
	_ =	sdelay $0x4  }
0x487: {  	v2 =	vadd.s32 $0xF000, v2;
	_ =	sdelay $0x4  }
0x488: {  	[tilespmem:v2+s8+$0x0] =	vst.idx.add.f32.msk $0xffff, v1  }
0x489: {  	v2 =	vld [tilespmem:$0x1F30];
	_ =	sdelay $0x4  }
0x48a: {  	v2 =	vadd.s32 $0xF000, v2;
	_ =	sdelay $0x4  }
0x48b: {  	[tilespmem:v2+s8+$0x0] =	vst.idx.add.f32.msk $0xffff, v1  }
0x48c: {  	v2 =	vld [tilespmem:$0x1F80];
	_ =	sdelay $0x4  }
0x48d: {  	v2 =	vadd.s32 $0xF800, v2;
	_ =	sdelay $0x4  }
0x48e: {  	[tilespmem:v2+s8+$0x0] =	vst.idx.add.f32.msk $0xffff, v1  }
0x48f: {  	v2 =	vld [tilespmem:$0x1F90];
	_ =	sdelay $0x4  }
0x490: {  	v2 =	vadd.s32 $0xF800, v2;
	_ =	sdelay $0x4  }
0x491: {  	[tilespmem:v2+s8+$0x0] =	vst.idx.add.f32.msk $0xffff, v1  }
0x492: {  	v2 =	vld [tilespmem:$0x1FA0];
	_ =	sdelay $0x4  }
0x493: {  	v2 =	vadd.s32 $0xF800, v2;
	_ =	sdelay $0x4  }
0x494: {  	[tilespmem:v2+s8+$0x0] =	vst.idx.add.f32.msk $0xffff, v1  }
0x495: {  	v2 =	vld [tilespmem:$0x1FB0];
	_ =	sdelay $0x4  }
0x496: {  	v2 =	vadd.s32 $0xF800, v2;
	_ =	sdelay $0x2  }
0x497: {  	s10 =	sadd.s32 $0x1, s10  }
0x498: {  	p0 =	sne.s32 s10, s6  }
.Ltmp1:
0x499: {  	[tilespmem:v2+s8+$0x0] =	vst.idx.add.f32.msk $0xffff, v1;
	(pc) =	sbr.rel @p0 .LBB2_1-.Ltmp1, $4  }
0x49a: {  	[hbm4b:s5+s2] =	stream.linear.scatter [tilespmem:s8], [sflag:$0x2], $0x10000, $0x38;
	[tilespmem:$0x12000] =	vst v63  }
0x49b: {  	_ =	swait.ge [sflag:s9], $0x10000  }
0x49c: {  	[sflag:s9] =	ssyncset.done $0x0  }
0x49d: {  	[sflag:s9] =	ssyncadd.s32 $0xFFFF0000  }
0x49e: {  	_ =	sfence.sel $0x180000  }
0x49f: {  	[bflag:$0x0] =	sbarrier.arrive $0xFFFF  }
0x4a0: {  	p0 =	sne.s32 s1, $0x0;
	_ =	strace $0x90000047  }
0x4a1: {  	s0 =	sadd.s32 @!p0 $0x100000, s0;
	[bflag:$0x2] =	sbarrier.arrive $0xFFFF  }
0x4a2: {  	[sflag:s0] =	ssyncadd.tile.s32 @!p0 $0x1;
	_ =	shalt  }
.Lfunc_end2:
_tile_overlayer_lowered:
.L_overlay_start_2:
0x4a3: {  	(tag) =	ssettag $0x2  }
0x4a4: {  	s0 =	rddreg [dreg:$0x0];
	s2 =	stileid.u32  }
0x4a5: {  	s1 =	rddreg [dreg:$0x1];
	p0 =	sne.s32 s2, $0x0  }
0x4a6: {  	s3 =	rddreg [dreg:$0x2];
	[bflag:$0x3] =	sbarrier.arrive $0xFFFF;
	s2 =	simm.s32 @!p0 $0x1C02  }
0x4a7: {  	[timem:s3], [sflag:s2] =	dma.local @!p0 [hbm:s0], s1  }
0x4a8: {  	s0 =	simm.s32 @!p0 $0x2  }
0x4a9: {  	_ =	swait.ge @!p0 [sflag:s0], s1  }
0x4aa: {  	s1 =	ssub.s32 @!p0 $0x0, s1;
	[sflag:s0] =	ssyncset.done @!p0 $0x0  }
0x4ab: {  	[sflag:s0] =	ssyncadd.s32 @!p0 s1  }
0x4ac: {  	[bflag:$0x3] =	sbarrier.arrive $0xFFFF  }
0x4ad: {  	_ =	shalt  }

</sc_bundles>
